<compile_context>
chip_gen: v7x
topology: tpu7x:2x2x1
jax: 0.10.2.dev20260603
libtpu: 0.0.44.dev20260713+nightly
codegen_flags: <defaults>
</compile_context>

<pallas_src>
import jax
import jax.numpy as jnp
from jax import lax
from jax.experimental import pallas as pl
from jax.experimental.pallas import tpu as pltpu
from jax.experimental.pallas import tpu_sc as plsc

B, S, H = 4, 2048, 768
NC, NS = 2, 16
NW = NC * NS
SPW = S // NW
CH = 16
NCHUNK = SPW // CH
NCHUNKS = B * NCHUNK
HC = H // 16
SPAD = 24


def _rsqrt16(v):
    i = plsc.bitcast(v, jnp.int32)
    y = plsc.bitcast(jnp.int32(0x5F3759DF) - (i >> 1), jnp.float32)
    for _ in range(3):
        y = y * (1.5 - 0.5 * v * y * y)
    return y


def _body(ids, tts, word, pos, typ, gam, bet, out,
          wb0, wb1, gb0, gb1, ob0, ob1, idx_v, tt_v, g_v, b_v, t2_v, spad,
          sp0, sp1, sg0, sg1, so0, so1):
    wid = lax.axis_index("s") * NC + lax.axis_index("c")
    base_s = wid * SPW
    iota = lax.iota(jnp.int32, 16)

    pltpu.sync_copy(gam, g_v)
    pltpu.sync_copy(bet, b_v)
    pltpu.sync_copy(typ, t2_v)
    for b in range(B):
        pltpu.sync_copy(ids.at[b, pl.ds(base_s, SPW)], idx_v.at[b])
        pltpu.sync_copy(tts.at[b, pl.ds(base_s, SPW)], tt_v.at[b])

    def pos_fill(ci, wb, sem):
        tok = (ci % NCHUNK) * CH
        return pltpu.make_async_copy(pos.at[pl.ds(base_s + tok, CH)], wb, sem)

    def wgather(ci, gb, sem):
        b = ci // NCHUNK
        tok = (ci % NCHUNK) * CH
        return pltpu.make_async_copy(
            word.at[idx_v.at[b, pl.ds(tok, CH)]], gb, sem)

    def out_copy(ci, ob, sem):
        b = ci // NCHUNK
        tok = (ci % NCHUNK) * CH
        return pltpu.make_async_copy(
            ob, out.at[b, pl.ds(base_s + tok, CH)], sem)

    def compute(ci, wb, gb, ob):
        b = ci // NCHUNK
        tok = (ci % NCHUNK) * CH
        ttf = tt_v[b, pl.ds(tok, CH)].astype(jnp.float32)

        acc16 = []
        for half in range(2):
            ttb = [jnp.full((16,), ttf[half * 8 + t], jnp.float32)
                   for t in range(8)]

            def psum(hg, carry):
                sv = list(carry[:8])
                qv = list(carry[8:])
                sl = pl.ds(hg * 16, 16)
                t0 = t2_v[0, sl]
                d = t2_v[1, sl] - t0
                for t8 in range(8):
                    t16 = half * 8 + t8
                    x = gb[t16, sl] + wb[t16, sl] + (t0 + ttb[t8] * d)
                    gb[t16, sl] = x
                    sv[t8] = sv[t8] + x
                    qv[t8] = qv[t8] + x * x
                return tuple(sv) + tuple(qv)

            zero = jnp.zeros((16,), jnp.float32)
            acc16.append(lax.fori_loop(0, HC, psum, (zero,) * 16))

        for t in range(8):
            spad[t, pl.ds(0, 16)] = acc16[0][t]
            spad[8 + t, pl.ds(0, 16)] = acc16[1][t]
            spad[16 + t, pl.ds(0, 16)] = acc16[0][8 + t]
            spad[24 + t, pl.ds(0, 16)] = acc16[1][8 + t]
        S_ = plsc.load_gather(spad, [iota, jnp.full((16,), 0, jnp.int32)])
        Q_ = plsc.load_gather(spad, [iota + 16, jnp.full((16,), 0, jnp.int32)])
        for c in range(1, 16):
            cc = jnp.full((16,), c, jnp.int32)
            S_ = S_ + plsc.load_gather(spad, [iota, cc])
            Q_ = Q_ + plsc.load_gather(spad, [iota + 16, cc])

        M = S_ * (1.0 / H)
        V = Q_ * (1.0 / H) - M * M
        R = _rsqrt16(V + 1e-12)
        C = M * R
        rbb = [jnp.full((16,), R[t], jnp.float32) for t in range(CH)]
        cbb = [jnp.full((16,), C[t], jnp.float32) for t in range(CH)]

        def norm(hg, _):
            sl = pl.ds(hg * 16, 16)
            g = g_v[sl]
            bb = b_v[sl]
            for t in range(CH):
                ob[t, sl] = (gb[t, sl] * rbb[t] - cbb[t]) * g + bb
            return 0

        lax.fori_loop(0, HC, norm, 0)

    pos_fill(0, wb0, sp0).start()
    wgather(0, gb0, sg0).start()
    pos_fill(1, wb1, sp1).start()
    wgather(1, gb1, sg1).start()

    def pair(i, _):
        a = 2 * i
        bch = 2 * i + 1
        pos_fill(a, wb0, sp0).wait()
        wgather(a, gb0, sg0).wait()

        @pl.when(i > 0)
        def _():
            out_copy(a - 2, ob0, so0).wait()

        compute(a, wb0, gb0, ob0)
        out_copy(a, ob0, so0).start()

        @pl.when(i + 1 < NCHUNKS // 2)
        def _():
            pos_fill(a + 2, wb0, sp0).start()
            wgather(a + 2, gb0, sg0).start()

        pos_fill(bch, wb1, sp1).wait()
        wgather(bch, gb1, sg1).wait()

        @pl.when(i > 0)
        def _():
            out_copy(bch - 2, ob1, so1).wait()

        compute(bch, wb1, gb1, ob1)
        out_copy(bch, ob1, so1).start()

        @pl.when(i + 1 < NCHUNKS // 2)
        def _():
            pos_fill(bch + 2, wb1, sp1).start()
            wgather(bch + 2, gb1, sg1).start()

        return 0

    lax.fori_loop(0, NCHUNKS // 2, pair, 0)
    out_copy(NCHUNKS - 2, ob0, so0).wait()
    out_copy(NCHUNKS - 1, ob1, so1).wait()


_mesh = plsc.VectorSubcoreMesh(core_axis_name="c", subcore_axis_name="s")

_fwd = pl.kernel(
    _body,
    out_type=jax.ShapeDtypeStruct((B, S, H), jnp.float32),
    mesh=_mesh,
    compiler_params=pltpu.CompilerParams(needs_layout_passes=False),
    scratch_types=[
        pltpu.VMEM((CH, H), jnp.float32),
        pltpu.VMEM((CH, H), jnp.float32),
        pltpu.VMEM((CH, H), jnp.float32),
        pltpu.VMEM((CH, H), jnp.float32),
        pltpu.VMEM((CH, H), jnp.float32),
        pltpu.VMEM((CH, H), jnp.float32),
        pltpu.VMEM((B, SPW), jnp.int32),
        pltpu.VMEM((B, SPW), jnp.int32),
        pltpu.VMEM((H,), jnp.float32),
        pltpu.VMEM((H,), jnp.float32),
        pltpu.VMEM((2, H), jnp.float32),
        pltpu.VMEM((2 * CH, SPAD), jnp.float32),
        pltpu.SemaphoreType.DMA,
        pltpu.SemaphoreType.DMA,
        pltpu.SemaphoreType.DMA,
        pltpu.SemaphoreType.DMA,
        pltpu.SemaphoreType.DMA,
        pltpu.SemaphoreType.DMA,
    ],
)


@jax.jit
def kernel(input_ids, token_type_ids, word_emb, pos_emb, type_emb,
           ln_gamma, ln_beta):
    return _fwd(input_ids, token_type_ids, word_emb, pos_emb, type_emb,
                ln_gamma, ln_beta)

# --- scband reference (transcript-rebuilt; emitter-appended) ---
"""Pipeline reference for scband-bert-embeddings-with-visual-embedding-68315749810718 (READ-ONLY COPY).

The authoritative reference and input builder live on the scoring server;
editing this copy changes nothing except your own understanding.
"""

import jax, jax.numpy as jnp
import numpy as np

B, S, H = 4, 2048, 768
VOCAB, MAXPOS, NTYPE = 30522, 2048, 2


def layer_norm(x, gamma, beta, eps=1e-12):
    mean = jnp.mean(x, axis=-1, keepdims=True)
    var = jnp.var(x, axis=-1, keepdims=True)
    xhat = (x - mean) / jnp.sqrt(var + eps)
    return xhat * gamma + beta


def setup_inputs(seed: int = 0) -> dict:
    key = jax.random.key(seed)
    ks = jax.random.split(key, 7)
    input_ids = jax.random.randint(ks[0], (B, S), 0, VOCAB, dtype=jnp.int32)
    token_type_ids = jax.random.randint(ks[1], (B, S), 0, NTYPE, dtype=jnp.int32)
    word_emb = jax.random.normal(ks[2], (VOCAB, H), dtype=jnp.float32) * 0.02
    pos_emb = jax.random.normal(ks[3], (MAXPOS, H), dtype=jnp.float32) * 0.02
    type_emb = jax.random.normal(ks[4], (NTYPE, H), dtype=jnp.float32) * 0.02
    ln_gamma = jnp.ones((H,), dtype=jnp.float32)
    ln_beta = jnp.zeros((H,), dtype=jnp.float32)
    return {
        "input_ids": input_ids,
        "token_type_ids": token_type_ids,
        "word_emb": word_emb,
        "pos_emb": pos_emb,
        "type_emb": type_emb,
        "ln_gamma": ln_gamma,
        "ln_beta": ln_beta,
    }


def reference(input_ids, token_type_ids, word_emb, pos_emb, type_emb, ln_gamma, ln_beta):
    # Text-only path of BertEmbeddingsWithVisualEmbedding.forward
    # (visual_embeddings=None, visual_tags=None; joint_layer_norm=False)
    seq_length = input_ids.shape[1]
    position_ids = jnp.broadcast_to(jnp.arange(seq_length, dtype=jnp.int32)[None, :], input_ids.shape)
    words_embeddings = jnp.take(word_emb, input_ids, axis=0)
    position_embeddings = jnp.take(pos_emb, position_ids, axis=0)
    token_type_embeddings = jnp.take(type_emb, token_type_ids, axis=0)
    text_embeddings = words_embeddings + position_embeddings + token_type_embeddings
    text_embeddings = layer_norm(text_embeddings, ln_gamma, ln_beta)
    # dropout is identity in eval mode
    return text_embeddings

if __name__ == "__main__":
    import jax
    _d = setup_inputs()
    print(jax.jit(kernel)(*tuple(_d.values())))

</pallas_src>

<mosaic_0001>
#map = affine_map<(d0, d1) -> (0, 0)>
#map1 = affine_map<(d0, d1) -> (0)>
#map2 = affine_map<(d0, d1) -> (0, 0, 0)>
module attributes {stable_mosaic.version = 14 : i64} {
  func.func @_body(%arg0: i32, %arg1: i32, %arg2: memref<4x2048xi32, #tpu.memory_space<hbm>>, %arg3: memref<4x2048xi32, #tpu.memory_space<hbm>>, %arg4: memref<30522x768xf32, #tpu.memory_space<hbm>>, %arg5: memref<2048x768xf32, #tpu.memory_space<hbm>>, %arg6: memref<2x768xf32, #tpu.memory_space<hbm>>, %arg7: memref<768xf32, #tpu.memory_space<hbm>>, %arg8: memref<768xf32, #tpu.memory_space<hbm>>, %arg9: memref<4x2048x768xf32, #tpu.memory_space<hbm>>, %arg10: memref<16x768xf32, #tpu.memory_space<vmem>>, %arg11: memref<16x768xf32, #tpu.memory_space<vmem>>, %arg12: memref<16x768xf32, #tpu.memory_space<vmem>>, %arg13: memref<16x768xf32, #tpu.memory_space<vmem>>, %arg14: memref<16x768xf32, #tpu.memory_space<vmem>>, %arg15: memref<16x768xf32, #tpu.memory_space<vmem>>, %arg16: memref<4x64xi32, #tpu.memory_space<vmem>>, %arg17: memref<4x64xi32, #tpu.memory_space<vmem>>, %arg18: memref<768xf32, #tpu.memory_space<vmem>>, %arg19: memref<768xf32, #tpu.memory_space<vmem>>, %arg20: memref<2x768xf32, #tpu.memory_space<vmem>>, %arg21: memref<32x24xf32, #tpu.memory_space<vmem>>, %arg22: memref<!tpu.dma_semaphore, #tpu.memory_space<semaphore_mem>>, %arg23: memref<!tpu.dma_semaphore, #tpu.memory_space<semaphore_mem>>, %arg24: memref<!tpu.dma_semaphore, #tpu.memory_space<semaphore_mem>>, %arg25: memref<!tpu.dma_semaphore, #tpu.memory_space<semaphore_mem>>, %arg26: memref<!tpu.dma_semaphore, #tpu.memory_space<semaphore_mem>>, %arg27: memref<!tpu.dma_semaphore, #tpu.memory_space<semaphore_mem>>) attributes {dimension_semantics = [#tpu.dimension_semantics<core_parallel>, #tpu.dimension_semantics<subcore_parallel>], iteration_bounds = array<i64: 2, 16>, scalar_prefetch = 0 : i64, scratch_operands = 18 : i64, tpu.core_type = #tpu.core_type<sc_vector_subcore>, window_params = [{transform_indices = #map}, {transform_indices = #map}, {transform_indices = #map}, {transform_indices = #map}, {transform_indices = #map}, {transform_indices = #map1}, {transform_indices = #map1}, {transform_indices = #map2}]} {
    %mul3A = arith.constant 2 : i32
    %mul3A_0 = arith.muli %arg1, %mul3A : i32
    %add3A = arith.addi %mul3A_0, %arg0 : i32
    %mul3A_1 = arith.constant 64 : i32
    %mul3A_2 = arith.muli %add3A, %mul3A_1 : i32
    %iota3A = tpu.iota {dimensions = array<i32: 0>} : vector<16xi32>
    "tpu.region"() ({
      %run_scoped3A_66 = tpu.sem_alloc : memref<!tpu.dma_semaphore, #tpu.memory_space<semaphore_mem>>
      tpu.enqueue_dma source(%arg7 : memref<768xf32, #tpu.memory_space<hbm>>) target(%arg18 : memref<768xf32, #tpu.memory_space<vmem>>) target_semaphore(%run_scoped3A_66 : memref<!tpu.dma_semaphore, #tpu.memory_space<semaphore_mem>>)
      tpu.wait_dma2 semaphore(%run_scoped3A_66 : memref<!tpu.dma_semaphore, #tpu.memory_space<semaphore_mem>>) src(%arg7 : memref<768xf32, #tpu.memory_space<hbm>>) dst(%arg18 : memref<768xf32, #tpu.memory_space<vmem>>)
      tpu.yield
    }) : () -> ()
    "tpu.region"() ({
      %run_scoped3A_66 = tpu.sem_alloc : memref<!tpu.dma_semaphore, #tpu.memory_space<semaphore_mem>>
      tpu.enqueue_dma source(%arg8 : memref<768xf32, #tpu.memory_space<hbm>>) target(%arg19 : memref<768xf32, #tpu.memory_space<vmem>>) target_semaphore(%run_scoped3A_66 : memref<!tpu.dma_semaphore, #tpu.memory_space<semaphore_mem>>)
      tpu.wait_dma2 semaphore(%run_scoped3A_66 : memref<!tpu.dma_semaphore, #tpu.memory_space<semaphore_mem>>) src(%arg8 : memref<768xf32, #tpu.memory_space<hbm>>) dst(%arg19 : memref<768xf32, #tpu.memory_space<vmem>>)
      tpu.yield
    }) : () -> ()
    "tpu.region"() ({
      %run_scoped3A_66 = tpu.sem_alloc : memref<!tpu.dma_semaphore, #tpu.memory_space<semaphore_mem>>
      tpu.enqueue_dma source(%arg6 : memref<2x768xf32, #tpu.memory_space<hbm>>) target(%arg20 : memref<2x768xf32, #tpu.memory_space<vmem>>) target_semaphore(%run_scoped3A_66 : memref<!tpu.dma_semaphore, #tpu.memory_space<semaphore_mem>>)
      tpu.wait_dma2 semaphore(%run_scoped3A_66 : memref<!tpu.dma_semaphore, #tpu.memory_space<semaphore_mem>>) src(%arg6 : memref<2x768xf32, #tpu.memory_space<hbm>>) dst(%arg20 : memref<2x768xf32, #tpu.memory_space<vmem>>)
      tpu.yield
    }) : () -> ()
    %run_scoped3A = arith.constant 0 : i32
    %run_scoped3A_3 = arith.constant 0 : i32
    "tpu.region"() ({
      %run_scoped3A_66 = tpu.sem_alloc : memref<!tpu.dma_semaphore, #tpu.memory_space<semaphore_mem>>
      %dma_start3A_67 = arith.constant 0 : i32
      %dma_start3A_68 = tpu.memref_slice %arg16[%run_scoped3A_3, %dma_start3A_67] : memref<4x64xi32, #tpu.memory_space<vmem>> -> memref<1x64xi32, #tpu.memory_space<vmem>>
      %dma_start3A_69 = tpu.memref_squeeze %dma_start3A_68 : memref<1x64xi32, #tpu.memory_space<vmem>> -> memref<64xi32, #tpu.memory_space<vmem>>
      %dma_start3A_70 = tpu.memref_slice %arg2[%run_scoped3A, %mul3A_2] : memref<4x2048xi32, #tpu.memory_space<hbm>> -> memref<1x64xi32, #tpu.memory_space<hbm>>
      %dma_start3A_71 = tpu.memref_squeeze %dma_start3A_70 : memref<1x64xi32, #tpu.memory_space<hbm>> -> memref<64xi32, #tpu.memory_space<hbm>>
      %dma_start3A_72 = arith.constant 0 : i32
      %dma_start3A_73 = tpu.memref_slice %arg16[%run_scoped3A_3, %dma_start3A_72] : memref<4x64xi32, #tpu.memory_space<vmem>> -> memref<1x64xi32, #tpu.memory_space<vmem>>
      %dma_start3A_74 = tpu.memref_squeeze %dma_start3A_73 : memref<1x64xi32, #tpu.memory_space<vmem>> -> memref<64xi32, #tpu.memory_space<vmem>>
      %dma_start3A_75 = tpu.memref_slice %arg2[%run_scoped3A, %mul3A_2] : memref<4x2048xi32, #tpu.memory_space<hbm>> -> memref<1x64xi32, #tpu.memory_space<hbm>>
      %dma_start3A_76 = tpu.memref_squeeze %dma_start3A_75 : memref<1x64xi32, #tpu.memory_space<hbm>> -> memref<64xi32, #tpu.memory_space<hbm>>
      tpu.enqueue_dma source(%dma_start3A_76 : memref<64xi32, #tpu.memory_space<hbm>>) target(%dma_start3A_74 : memref<64xi32, #tpu.memory_space<vmem>>) target_semaphore(%run_scoped3A_66 : memref<!tpu.dma_semaphore, #tpu.memory_space<semaphore_mem>>)
      %dma_wait3A_77 = arith.constant 0 : i32
      %dma_wait3A_78 = tpu.memref_slice %arg16[%run_scoped3A_3, %dma_wait3A_77] : memref<4x64xi32, #tpu.memory_space<vmem>> -> memref<1x64xi32, #tpu.memory_space<vmem>>
      %dma_wait3A_79 = tpu.memref_squeeze %dma_wait3A_78 : memref<1x64xi32, #tpu.memory_space<vmem>> -> memref<64xi32, #tpu.memory_space<vmem>>
      %dma_wait3A_80 = tpu.memref_slice %arg2[%run_scoped3A, %mul3A_2] : memref<4x2048xi32, #tpu.memory_space<hbm>> -> memref<1x64xi32, #tpu.memory_space<hbm>>
      %dma_wait3A_81 = tpu.memref_squeeze %dma_wait3A_80 : memref<1x64xi32, #tpu.memory_space<hbm>> -> memref<64xi32, #tpu.memory_space<hbm>>
      %dma_wait3A_82 = arith.constant 0 : i32
      %dma_wait3A_83 = tpu.memref_slice %arg16[%run_scoped3A_3, %dma_wait3A_82] : memref<4x64xi32, #tpu.memory_space<vmem>> -> memref<1x64xi32, #tpu.memory_space<vmem>>
      %dma_wait3A_84 = tpu.memref_squeeze %dma_wait3A_83 : memref<1x64xi32, #tpu.memory_space<vmem>> -> memref<64xi32, #tpu.memory_space<vmem>>
      %dma_wait3A_85 = tpu.memref_slice %arg2[%run_scoped3A, %mul3A_2] : memref<4x2048xi32, #tpu.memory_space<hbm>> -> memref<1x64xi32, #tpu.memory_space<hbm>>
      %dma_wait3A_86 = tpu.memref_squeeze %dma_wait3A_85 : memref<1x64xi32, #tpu.memory_space<hbm>> -> memref<64xi32, #tpu.memory_space<hbm>>
      tpu.wait_dma2 semaphore(%run_scoped3A_66 : memref<!tpu.dma_semaphore, #tpu.memory_space<semaphore_mem>>) src(%dma_wait3A_86 : memref<64xi32, #tpu.memory_space<hbm>>) dst(%dma_wait3A_84 : memref<64xi32, #tpu.memory_space<vmem>>)
      tpu.yield
    }) : () -> ()
    %run_scoped3A_4 = arith.constant 0 : i32
    %run_scoped3A_5 = arith.constant 0 : i32
    "tpu.region"() ({
      %run_scoped3A_66 = tpu.sem_alloc : memref<!tpu.dma_semaphore, #tpu.memory_space<semaphore_mem>>
      %dma_start3A_67 = arith.constant 0 : i32
      %dma_start3A_68 = tpu.memref_slice %arg17[%run_scoped3A_5, %dma_start3A_67] : memref<4x64xi32, #tpu.memory_space<vmem>> -> memref<1x64xi32, #tpu.memory_space<vmem>>
      %dma_start3A_69 = tpu.memref_squeeze %dma_start3A_68 : memref<1x64xi32, #tpu.memory_space<vmem>> -> memref<64xi32, #tpu.memory_space<vmem>>
      %dma_start3A_70 = tpu.memref_slice %arg3[%run_scoped3A_4, %mul3A_2] : memref<4x2048xi32, #tpu.memory_space<hbm>> -> memref<1x64xi32, #tpu.memory_space<hbm>>
      %dma_start3A_71 = tpu.memref_squeeze %dma_start3A_70 : memref<1x64xi32, #tpu.memory_space<hbm>> -> memref<64xi32, #tpu.memory_space<hbm>>
      %dma_start3A_72 = arith.constant 0 : i32
      %dma_start3A_73 = tpu.memref_slice %arg17[%run_scoped3A_5, %dma_start3A_72] : memref<4x64xi32, #tpu.memory_space<vmem>> -> memref<1x64xi32, #tpu.memory_space<vmem>>
      %dma_start3A_74 = tpu.memref_squeeze %dma_start3A_73 : memref<1x64xi32, #tpu.memory_space<vmem>> -> memref<64xi32, #tpu.memory_space<vmem>>
      %dma_start3A_75 = tpu.memref_slice %arg3[%run_scoped3A_4, %mul3A_2] : memref<4x2048xi32, #tpu.memory_space<hbm>> -> memref<1x64xi32, #tpu.memory_space<hbm>>
      %dma_start3A_76 = tpu.memref_squeeze %dma_start3A_75 : memref<1x64xi32, #tpu.memory_space<hbm>> -> memref<64xi32, #tpu.memory_space<hbm>>
      tpu.enqueue_dma source(%dma_start3A_76 : memref<64xi32, #tpu.memory_space<hbm>>) target(%dma_start3A_74 : memref<64xi32, #tpu.memory_space<vmem>>) target_semaphore(%run_scoped3A_66 : memref<!tpu.dma_semaphore, #tpu.memory_space<semaphore_mem>>)
      %dma_wait3A_77 = arith.constant 0 : i32
      %dma_wait3A_78 = tpu.memref_slice %arg17[%run_scoped3A_5, %dma_wait3A_77] : memref<4x64xi32, #tpu.memory_space<vmem>> -> memref<1x64xi32, #tpu.memory_space<vmem>>
      %dma_wait3A_79 = tpu.memref_squeeze %dma_wait3A_78 : memref<1x64xi32, #tpu.memory_space<vmem>> -> memref<64xi32, #tpu.memory_space<vmem>>
      %dma_wait3A_80 = tpu.memref_slice %arg3[%run_scoped3A_4, %mul3A_2] : memref<4x2048xi32, #tpu.memory_space<hbm>> -> memref<1x64xi32, #tpu.memory_space<hbm>>
      %dma_wait3A_81 = tpu.memref_squeeze %dma_wait3A_80 : memref<1x64xi32, #tpu.memory_space<hbm>> -> memref<64xi32, #tpu.memory_space<hbm>>
      %dma_wait3A_82 = arith.constant 0 : i32
      %dma_wait3A_83 = tpu.memref_slice %arg17[%run_scoped3A_5, %dma_wait3A_82] : memref<4x64xi32, #tpu.memory_space<vmem>> -> memref<1x64xi32, #tpu.memory_space<vmem>>
      %dma_wait3A_84 = tpu.memref_squeeze %dma_wait3A_83 : memref<1x64xi32, #tpu.memory_space<vmem>> -> memref<64xi32, #tpu.memory_space<vmem>>
      %dma_wait3A_85 = tpu.memref_slice %arg3[%run_scoped3A_4, %mul3A_2] : memref<4x2048xi32, #tpu.memory_space<hbm>> -> memref<1x64xi32, #tpu.memory_space<hbm>>
      %dma_wait3A_86 = tpu.memref_squeeze %dma_wait3A_85 : memref<1x64xi32, #tpu.memory_space<hbm>> -> memref<64xi32, #tpu.memory_space<hbm>>
      tpu.wait_dma2 semaphore(%run_scoped3A_66 : memref<!tpu.dma_semaphore, #tpu.memory_space<semaphore_mem>>) src(%dma_wait3A_86 : memref<64xi32, #tpu.memory_space<hbm>>) dst(%dma_wait3A_84 : memref<64xi32, #tpu.memory_space<vmem>>)
      tpu.yield
    }) : () -> ()
    %run_scoped3A_6 = arith.constant 1 : i32
    %run_scoped3A_7 = arith.constant 1 : i32
    "tpu.region"() ({
      %run_scoped3A_66 = tpu.sem_alloc : memref<!tpu.dma_semaphore, #tpu.memory_space<semaphore_mem>>
      %dma_start3A_67 = arith.constant 0 : i32
      %dma_start3A_68 = tpu.memref_slice %arg16[%run_scoped3A_7, %dma_start3A_67] : memref<4x64xi32, #tpu.memory_space<vmem>> -> memref<1x64xi32, #tpu.memory_space<vmem>>
      %dma_start3A_69 = tpu.memref_squeeze %dma_start3A_68 : memref<1x64xi32, #tpu.memory_space<vmem>> -> memref<64xi32, #tpu.memory_space<vmem>>
      %dma_start3A_70 = tpu.memref_slice %arg2[%run_scoped3A_6, %mul3A_2] : memref<4x2048xi32, #tpu.memory_space<hbm>> -> memref<1x64xi32, #tpu.memory_space<hbm>>
      %dma_start3A_71 = tpu.memref_squeeze %dma_start3A_70 : memref<1x64xi32, #tpu.memory_space<hbm>> -> memref<64xi32, #tpu.memory_space<hbm>>
      %dma_start3A_72 = arith.constant 0 : i32
      %dma_start3A_73 = tpu.memref_slice %arg16[%run_scoped3A_7, %dma_start3A_72] : memref<4x64xi32, #tpu.memory_space<vmem>> -> memref<1x64xi32, #tpu.memory_space<vmem>>
      %dma_start3A_74 = tpu.memref_squeeze %dma_start3A_73 : memref<1x64xi32, #tpu.memory_space<vmem>> -> memref<64xi32, #tpu.memory_space<vmem>>
      %dma_start3A_75 = tpu.memref_slice %arg2[%run_scoped3A_6, %mul3A_2] : memref<4x2048xi32, #tpu.memory_space<hbm>> -> memref<1x64xi32, #tpu.memory_space<hbm>>
      %dma_start3A_76 = tpu.memref_squeeze %dma_start3A_75 : memref<1x64xi32, #tpu.memory_space<hbm>> -> memref<64xi32, #tpu.memory_space<hbm>>
      tpu.enqueue_dma source(%dma_start3A_76 : memref<64xi32, #tpu.memory_space<hbm>>) target(%dma_start3A_74 : memref<64xi32, #tpu.memory_space<vmem>>) target_semaphore(%run_scoped3A_66 : memref<!tpu.dma_semaphore, #tpu.memory_space<semaphore_mem>>)
      %dma_wait3A_77 = arith.constant 0 : i32
      %dma_wait3A_78 = tpu.memref_slice %arg16[%run_scoped3A_7, %dma_wait3A_77] : memref<4x64xi32, #tpu.memory_space<vmem>> -> memref<1x64xi32, #tpu.memory_space<vmem>>
      %dma_wait3A_79 = tpu.memref_squeeze %dma_wait3A_78 : memref<1x64xi32, #tpu.memory_space<vmem>> -> memref<64xi32, #tpu.memory_space<vmem>>
      %dma_wait3A_80 = tpu.memref_slice %arg2[%run_scoped3A_6, %mul3A_2] : memref<4x2048xi32, #tpu.memory_space<hbm>> -> memref<1x64xi32, #tpu.memory_space<hbm>>
      %dma_wait3A_81 = tpu.memref_squeeze %dma_wait3A_80 : memref<1x64xi32, #tpu.memory_space<hbm>> -> memref<64xi32, #tpu.memory_space<hbm>>
      %dma_wait3A_82 = arith.constant 0 : i32
      %dma_wait3A_83 = tpu.memref_slice %arg16[%run_scoped3A_7, %dma_wait3A_82] : memref<4x64xi32, #tpu.memory_space<vmem>> -> memref<1x64xi32, #tpu.memory_space<vmem>>
      %dma_wait3A_84 = tpu.memref_squeeze %dma_wait3A_83 : memref<1x64xi32, #tpu.memory_space<vmem>> -> memref<64xi32, #tpu.memory_space<vmem>>
      %dma_wait3A_85 = tpu.memref_slice %arg2[%run_scoped3A_6, %mul3A_2] : memref<4x2048xi32, #tpu.memory_space<hbm>> -> memref<1x64xi32, #tpu.memory_space<hbm>>
      %dma_wait3A_86 = tpu.memref_squeeze %dma_wait3A_85 : memref<1x64xi32, #tpu.memory_space<hbm>> -> memref<64xi32, #tpu.memory_space<hbm>>
      tpu.wait_dma2 semaphore(%run_scoped3A_66 : memref<!tpu.dma_semaphore, #tpu.memory_space<semaphore_mem>>) src(%dma_wait3A_86 : memref<64xi32, #tpu.memory_space<hbm>>) dst(%dma_wait3A_84 : memref<64xi32, #tpu.memory_space<vmem>>)
      tpu.yield
    }) : () -> ()
    %run_scoped3A_8 = arith.constant 1 : i32
    %run_scoped3A_9 = arith.constant 1 : i32
    "tpu.region"() ({
      %run_scoped3A_66 = tpu.sem_alloc : memref<!tpu.dma_semaphore, #tpu.memory_space<semaphore_mem>>
      %dma_start3A_67 = arith.constant 0 : i32
      %dma_start3A_68 = tpu.memref_slice %arg17[%run_scoped3A_9, %dma_start3A_67] : memref<4x64xi32, #tpu.memory_space<vmem>> -> memref<1x64xi32, #tpu.memory_space<vmem>>
      %dma_start3A_69 = tpu.memref_squeeze %dma_start3A_68 : memref<1x64xi32, #tpu.memory_space<vmem>> -> memref<64xi32, #tpu.memory_space<vmem>>
      %dma_start3A_70 = tpu.memref_slice %arg3[%run_scoped3A_8, %mul3A_2] : memref<4x2048xi32, #tpu.memory_space<hbm>> -> memref<1x64xi32, #tpu.memory_space<hbm>>
      %dma_start3A_71 = tpu.memref_squeeze %dma_start3A_70 : memref<1x64xi32, #tpu.memory_space<hbm>> -> memref<64xi32, #tpu.memory_space<hbm>>
      %dma_start3A_72 = arith.constant 0 : i32
      %dma_start3A_73 = tpu.memref_slice %arg17[%run_scoped3A_9, %dma_start3A_72] : memref<4x64xi32, #tpu.memory_space<vmem>> -> memref<1x64xi32, #tpu.memory_space<vmem>>
      %dma_start3A_74 = tpu.memref_squeeze %dma_start3A_73 : memref<1x64xi32, #tpu.memory_space<vmem>> -> memref<64xi32, #tpu.memory_space<vmem>>
      %dma_start3A_75 = tpu.memref_slice %arg3[%run_scoped3A_8, %mul3A_2] : memref<4x2048xi32, #tpu.memory_space<hbm>> -> memref<1x64xi32, #tpu.memory_space<hbm>>
      %dma_start3A_76 = tpu.memref_squeeze %dma_start3A_75 : memref<1x64xi32, #tpu.memory_space<hbm>> -> memref<64xi32, #tpu.memory_space<hbm>>
      tpu.enqueue_dma source(%dma_start3A_76 : memref<64xi32, #tpu.memory_space<hbm>>) target(%dma_start3A_74 : memref<64xi32, #tpu.memory_space<vmem>>) target_semaphore(%run_scoped3A_66 : memref<!tpu.dma_semaphore, #tpu.memory_space<semaphore_mem>>)
      %dma_wait3A_77 = arith.constant 0 : i32
      %dma_wait3A_78 = tpu.memref_slice %arg17[%run_scoped3A_9, %dma_wait3A_77] : memref<4x64xi32, #tpu.memory_space<vmem>> -> memref<1x64xi32, #tpu.memory_space<vmem>>
      %dma_wait3A_79 = tpu.memref_squeeze %dma_wait3A_78 : memref<1x64xi32, #tpu.memory_space<vmem>> -> memref<64xi32, #tpu.memory_space<vmem>>
      %dma_wait3A_80 = tpu.memref_slice %arg3[%run_scoped3A_8, %mul3A_2] : memref<4x2048xi32, #tpu.memory_space<hbm>> -> memref<1x64xi32, #tpu.memory_space<hbm>>
      %dma_wait3A_81 = tpu.memref_squeeze %dma_wait3A_80 : memref<1x64xi32, #tpu.memory_space<hbm>> -> memref<64xi32, #tpu.memory_space<hbm>>
      %dma_wait3A_82 = arith.constant 0 : i32
      %dma_wait3A_83 = tpu.memref_slice %arg17[%run_scoped3A_9, %dma_wait3A_82] : memref<4x64xi32, #tpu.memory_space<vmem>> -> memref<1x64xi32, #tpu.memory_space<vmem>>
      %dma_wait3A_84 = tpu.memref_squeeze %dma_wait3A_83 : memref<1x64xi32, #tpu.memory_space<vmem>> -> memref<64xi32, #tpu.memory_space<vmem>>
      %dma_wait3A_85 = tpu.memref_slice %arg3[%run_scoped3A_8, %mul3A_2] : memref<4x2048xi32, #tpu.memory_space<hbm>> -> memref<1x64xi32, #tpu.memory_space<hbm>>
      %dma_wait3A_86 = tpu.memref_squeeze %dma_wait3A_85 : memref<1x64xi32, #tpu.memory_space<hbm>> -> memref<64xi32, #tpu.memory_space<hbm>>
      tpu.wait_dma2 semaphore(%run_scoped3A_66 : memref<!tpu.dma_semaphore, #tpu.memory_space<semaphore_mem>>) src(%dma_wait3A_86 : memref<64xi32, #tpu.memory_space<hbm>>) dst(%dma_wait3A_84 : memref<64xi32, #tpu.memory_space<vmem>>)
      tpu.yield
    }) : () -> ()
    %run_scoped3A_10 = arith.constant 2 : i32
    %run_scoped3A_11 = arith.constant 2 : i32
    "tpu.region"() ({
      %run_scoped3A_66 = tpu.sem_alloc : memref<!tpu.dma_semaphore, #tpu.memory_space<semaphore_mem>>
      %dma_start3A_67 = arith.constant 0 : i32
      %dma_start3A_68 = tpu.memref_slice %arg16[%run_scoped3A_11, %dma_start3A_67] : memref<4x64xi32, #tpu.memory_space<vmem>> -> memref<1x64xi32, #tpu.memory_space<vmem>>
      %dma_start3A_69 = tpu.memref_squeeze %dma_start3A_68 : memref<1x64xi32, #tpu.memory_space<vmem>> -> memref<64xi32, #tpu.memory_space<vmem>>
      %dma_start3A_70 = tpu.memref_slice %arg2[%run_scoped3A_10, %mul3A_2] : memref<4x2048xi32, #tpu.memory_space<hbm>> -> memref<1x64xi32, #tpu.memory_space<hbm>>
      %dma_start3A_71 = tpu.memref_squeeze %dma_start3A_70 : memref<1x64xi32, #tpu.memory_space<hbm>> -> memref<64xi32, #tpu.memory_space<hbm>>
      %dma_start3A_72 = arith.constant 0 : i32
      %dma_start3A_73 = tpu.memref_slice %arg16[%run_scoped3A_11, %dma_start3A_72] : memref<4x64xi32, #tpu.memory_space<vmem>> -> memref<1x64xi32, #tpu.memory_space<vmem>>
      %dma_start3A_74 = tpu.memref_squeeze %dma_start3A_73 : memref<1x64xi32, #tpu.memory_space<vmem>> -> memref<64xi32, #tpu.memory_space<vmem>>
      %dma_start3A_75 = tpu.memref_slice %arg2[%run_scoped3A_10, %mul3A_2] : memref<4x2048xi32, #tpu.memory_space<hbm>> -> memref<1x64xi32, #tpu.memory_space<hbm>>
      %dma_start3A_76 = tpu.memref_squeeze %dma_start3A_75 : memref<1x64xi32, #tpu.memory_space<hbm>> -> memref<64xi32, #tpu.memory_space<hbm>>
      tpu.enqueue_dma source(%dma_start3A_76 : memref<64xi32, #tpu.memory_space<hbm>>) target(%dma_start3A_74 : memref<64xi32, #tpu.memory_space<vmem>>) target_semaphore(%run_scoped3A_66 : memref<!tpu.dma_semaphore, #tpu.memory_space<semaphore_mem>>)
      %dma_wait3A_77 = arith.constant 0 : i32
      %dma_wait3A_78 = tpu.memref_slice %arg16[%run_scoped3A_11, %dma_wait3A_77] : memref<4x64xi32, #tpu.memory_space<vmem>> -> memref<1x64xi32, #tpu.memory_space<vmem>>
      %dma_wait3A_79 = tpu.memref_squeeze %dma_wait3A_78 : memref<1x64xi32, #tpu.memory_space<vmem>> -> memref<64xi32, #tpu.memory_space<vmem>>
      %dma_wait3A_80 = tpu.memref_slice %arg2[%run_scoped3A_10, %mul3A_2] : memref<4x2048xi32, #tpu.memory_space<hbm>> -> memref<1x64xi32, #tpu.memory_space<hbm>>
      %dma_wait3A_81 = tpu.memref_squeeze %dma_wait3A_80 : memref<1x64xi32, #tpu.memory_space<hbm>> -> memref<64xi32, #tpu.memory_space<hbm>>
      %dma_wait3A_82 = arith.constant 0 : i32
      %dma_wait3A_83 = tpu.memref_slice %arg16[%run_scoped3A_11, %dma_wait3A_82] : memref<4x64xi32, #tpu.memory_space<vmem>> -> memref<1x64xi32, #tpu.memory_space<vmem>>
      %dma_wait3A_84 = tpu.memref_squeeze %dma_wait3A_83 : memref<1x64xi32, #tpu.memory_space<vmem>> -> memref<64xi32, #tpu.memory_space<vmem>>
      %dma_wait3A_85 = tpu.memref_slice %arg2[%run_scoped3A_10, %mul3A_2] : memref<4x2048xi32, #tpu.memory_space<hbm>> -> memref<1x64xi32, #tpu.memory_space<hbm>>
      %dma_wait3A_86 = tpu.memref_squeeze %dma_wait3A_85 : memref<1x64xi32, #tpu.memory_space<hbm>> -> memref<64xi32, #tpu.memory_space<hbm>>
      tpu.wait_dma2 semaphore(%run_scoped3A_66 : memref<!tpu.dma_semaphore, #tpu.memory_space<semaphore_mem>>) src(%dma_wait3A_86 : memref<64xi32, #tpu.memory_space<hbm>>) dst(%dma_wait3A_84 : memref<64xi32, #tpu.memory_space<vmem>>)
      tpu.yield
    }) : () -> ()
    %run_scoped3A_12 = arith.constant 2 : i32
    %run_scoped3A_13 = arith.constant 2 : i32
    "tpu.region"() ({
      %run_scoped3A_66 = tpu.sem_alloc : memref<!tpu.dma_semaphore, #tpu.memory_space<semaphore_mem>>
      %dma_start3A_67 = arith.constant 0 : i32
      %dma_start3A_68 = tpu.memref_slice %arg17[%run_scoped3A_13, %dma_start3A_67] : memref<4x64xi32, #tpu.memory_space<vmem>> -> memref<1x64xi32, #tpu.memory_space<vmem>>
      %dma_start3A_69 = tpu.memref_squeeze %dma_start3A_68 : memref<1x64xi32, #tpu.memory_space<vmem>> -> memref<64xi32, #tpu.memory_space<vmem>>
      %dma_start3A_70 = tpu.memref_slice %arg3[%run_scoped3A_12, %mul3A_2] : memref<4x2048xi32, #tpu.memory_space<hbm>> -> memref<1x64xi32, #tpu.memory_space<hbm>>
      %dma_start3A_71 = tpu.memref_squeeze %dma_start3A_70 : memref<1x64xi32, #tpu.memory_space<hbm>> -> memref<64xi32, #tpu.memory_space<hbm>>
      %dma_start3A_72 = arith.constant 0 : i32
      %dma_start3A_73 = tpu.memref_slice %arg17[%run_scoped3A_13, %dma_start3A_72] : memref<4x64xi32, #tpu.memory_space<vmem>> -> memref<1x64xi32, #tpu.memory_space<vmem>>
      %dma_start3A_74 = tpu.memref_squeeze %dma_start3A_73 : memref<1x64xi32, #tpu.memory_space<vmem>> -> memref<64xi32, #tpu.memory_space<vmem>>
      %dma_start3A_75 = tpu.memref_slice %arg3[%run_scoped3A_12, %mul3A_2] : memref<4x2048xi32, #tpu.memory_space<hbm>> -> memref<1x64xi32, #tpu.memory_space<hbm>>
      %dma_start3A_76 = tpu.memref_squeeze %dma_start3A_75 : memref<1x64xi32, #tpu.memory_space<hbm>> -> memref<64xi32, #tpu.memory_space<hbm>>
      tpu.enqueue_dma source(%dma_start3A_76 : memref<64xi32, #tpu.memory_space<hbm>>) target(%dma_start3A_74 : memref<64xi32, #tpu.memory_space<vmem>>) target_semaphore(%run_scoped3A_66 : memref<!tpu.dma_semaphore, #tpu.memory_space<semaphore_mem>>)
      %dma_wait3A_77 = arith.constant 0 : i32
      %dma_wait3A_78 = tpu.memref_slice %arg17[%run_scoped3A_13, %dma_wait3A_77] : memref<4x64xi32, #tpu.memory_space<vmem>> -> memref<1x64xi32, #tpu.memory_space<vmem>>
      %dma_wait3A_79 = tpu.memref_squeeze %dma_wait3A_78 : memref<1x64xi32, #tpu.memory_space<vmem>> -> memref<64xi32, #tpu.memory_space<vmem>>
      %dma_wait3A_80 = tpu.memref_slice %arg3[%run_scoped3A_12, %mul3A_2] : memref<4x2048xi32, #tpu.memory_space<hbm>> -> memref<1x64xi32, #tpu.memory_space<hbm>>
      %dma_wait3A_81 = tpu.memref_squeeze %dma_wait3A_80 : memref<1x64xi32, #tpu.memory_space<hbm>> -> memref<64xi32, #tpu.memory_space<hbm>>
      %dma_wait3A_82 = arith.constant 0 : i32
      %dma_wait3A_83 = tpu.memref_slice %arg17[%run_scoped3A_13, %dma_wait3A_82] : memref<4x64xi32, #tpu.memory_space<vmem>> -> memref<1x64xi32, #tpu.memory_space<vmem>>
      %dma_wait3A_84 = tpu.memref_squeeze %dma_wait3A_83 : memref<1x64xi32, #tpu.memory_space<vmem>> -> memref<64xi32, #tpu.memory_space<vmem>>
      %dma_wait3A_85 = tpu.memref_slice %arg3[%run_scoped3A_12, %mul3A_2] : memref<4x2048xi32, #tpu.memory_space<hbm>> -> memref<1x64xi32, #tpu.memory_space<hbm>>
      %dma_wait3A_86 = tpu.memref_squeeze %dma_wait3A_85 : memref<1x64xi32, #tpu.memory_space<hbm>> -> memref<64xi32, #tpu.memory_space<hbm>>
      tpu.wait_dma2 semaphore(%run_scoped3A_66 : memref<!tpu.dma_semaphore, #tpu.memory_space<semaphore_mem>>) src(%dma_wait3A_86 : memref<64xi32, #tpu.memory_space<hbm>>) dst(%dma_wait3A_84 : memref<64xi32, #tpu.memory_space<vmem>>)
      tpu.yield
    }) : () -> ()
    %run_scoped3A_14 = arith.constant 3 : i32
    %run_scoped3A_15 = arith.constant 3 : i32
    "tpu.region"() ({
      %run_scoped3A_66 = tpu.sem_alloc : memref<!tpu.dma_semaphore, #tpu.memory_space<semaphore_mem>>
      %dma_start3A_67 = arith.constant 0 : i32
      %dma_start3A_68 = tpu.memref_slice %arg16[%run_scoped3A_15, %dma_start3A_67] : memref<4x64xi32, #tpu.memory_space<vmem>> -> memref<1x64xi32, #tpu.memory_space<vmem>>
      %dma_start3A_69 = tpu.memref_squeeze %dma_start3A_68 : memref<1x64xi32, #tpu.memory_space<vmem>> -> memref<64xi32, #tpu.memory_space<vmem>>
      %dma_start3A_70 = tpu.memref_slice %arg2[%run_scoped3A_14, %mul3A_2] : memref<4x2048xi32, #tpu.memory_space<hbm>> -> memref<1x64xi32, #tpu.memory_space<hbm>>
      %dma_start3A_71 = tpu.memref_squeeze %dma_start3A_70 : memref<1x64xi32, #tpu.memory_space<hbm>> -> memref<64xi32, #tpu.memory_space<hbm>>
      %dma_start3A_72 = arith.constant 0 : i32
      %dma_start3A_73 = tpu.memref_slice %arg16[%run_scoped3A_15, %dma_start3A_72] : memref<4x64xi32, #tpu.memory_space<vmem>> -> memref<1x64xi32, #tpu.memory_space<vmem>>
      %dma_start3A_74 = tpu.memref_squeeze %dma_start3A_73 : memref<1x64xi32, #tpu.memory_space<vmem>> -> memref<64xi32, #tpu.memory_space<vmem>>
      %dma_start3A_75 = tpu.memref_slice %arg2[%run_scoped3A_14, %mul3A_2] : memref<4x2048xi32, #tpu.memory_space<hbm>> -> memref<1x64xi32, #tpu.memory_space<hbm>>
      %dma_start3A_76 = tpu.memref_squeeze %dma_start3A_75 : memref<1x64xi32, #tpu.memory_space<hbm>> -> memref<64xi32, #tpu.memory_space<hbm>>
      tpu.enqueue_dma source(%dma_start3A_76 : memref<64xi32, #tpu.memory_space<hbm>>) target(%dma_start3A_74 : memref<64xi32, #tpu.memory_space<vmem>>) target_semaphore(%run_scoped3A_66 : memref<!tpu.dma_semaphore, #tpu.memory_space<semaphore_mem>>)
      %dma_wait3A_77 = arith.constant 0 : i32
      %dma_wait3A_78 = tpu.memref_slice %arg16[%run_scoped3A_15, %dma_wait3A_77] : memref<4x64xi32, #tpu.memory_space<vmem>> -> memref<1x64xi32, #tpu.memory_space<vmem>>
      %dma_wait3A_79 = tpu.memref_squeeze %dma_wait3A_78 : memref<1x64xi32, #tpu.memory_space<vmem>> -> memref<64xi32, #tpu.memory_space<vmem>>
      %dma_wait3A_80 = tpu.memref_slice %arg2[%run_scoped3A_14, %mul3A_2] : memref<4x2048xi32, #tpu.memory_space<hbm>> -> memref<1x64xi32, #tpu.memory_space<hbm>>
      %dma_wait3A_81 = tpu.memref_squeeze %dma_wait3A_80 : memref<1x64xi32, #tpu.memory_space<hbm>> -> memref<64xi32, #tpu.memory_space<hbm>>
      %dma_wait3A_82 = arith.constant 0 : i32
      %dma_wait3A_83 = tpu.memref_slice %arg16[%run_scoped3A_15, %dma_wait3A_82] : memref<4x64xi32, #tpu.memory_space<vmem>> -> memref<1x64xi32, #tpu.memory_space<vmem>>
      %dma_wait3A_84 = tpu.memref_squeeze %dma_wait3A_83 : memref<1x64xi32, #tpu.memory_space<vmem>> -> memref<64xi32, #tpu.memory_space<vmem>>
      %dma_wait3A_85 = tpu.memref_slice %arg2[%run_scoped3A_14, %mul3A_2] : memref<4x2048xi32, #tpu.memory_space<hbm>> -> memref<1x64xi32, #tpu.memory_space<hbm>>
      %dma_wait3A_86 = tpu.memref_squeeze %dma_wait3A_85 : memref<1x64xi32, #tpu.memory_space<hbm>> -> memref<64xi32, #tpu.memory_space<hbm>>
      tpu.wait_dma2 semaphore(%run_scoped3A_66 : memref<!tpu.dma_semaphore, #tpu.memory_space<semaphore_mem>>) src(%dma_wait3A_86 : memref<64xi32, #tpu.memory_space<hbm>>) dst(%dma_wait3A_84 : memref<64xi32, #tpu.memory_space<vmem>>)
      tpu.yield
    }) : () -> ()
    %run_scoped3A_16 = arith.constant 3 : i32
    %run_scoped3A_17 = arith.constant 3 : i32
    "tpu.region"() ({
      %run_scoped3A_66 = tpu.sem_alloc : memref<!tpu.dma_semaphore, #tpu.memory_space<semaphore_mem>>
      %dma_start3A_67 = arith.constant 0 : i32
      %dma_start3A_68 = tpu.memref_slice %arg17[%run_scoped3A_17, %dma_start3A_67] : memref<4x64xi32, #tpu.memory_space<vmem>> -> memref<1x64xi32, #tpu.memory_space<vmem>>
      %dma_start3A_69 = tpu.memref_squeeze %dma_start3A_68 : memref<1x64xi32, #tpu.memory_space<vmem>> -> memref<64xi32, #tpu.memory_space<vmem>>
      %dma_start3A_70 = tpu.memref_slice %arg3[%run_scoped3A_16, %mul3A_2] : memref<4x2048xi32, #tpu.memory_space<hbm>> -> memref<1x64xi32, #tpu.memory_space<hbm>>
      %dma_start3A_71 = tpu.memref_squeeze %dma_start3A_70 : memref<1x64xi32, #tpu.memory_space<hbm>> -> memref<64xi32, #tpu.memory_space<hbm>>
      %dma_start3A_72 = arith.constant 0 : i32
      %dma_start3A_73 = tpu.memref_slice %arg17[%run_scoped3A_17, %dma_start3A_72] : memref<4x64xi32, #tpu.memory_space<vmem>> -> memref<1x64xi32, #tpu.memory_space<vmem>>
      %dma_start3A_74 = tpu.memref_squeeze %dma_start3A_73 : memref<1x64xi32, #tpu.memory_space<vmem>> -> memref<64xi32, #tpu.memory_space<vmem>>
      %dma_start3A_75 = tpu.memref_slice %arg3[%run_scoped3A_16, %mul3A_2] : memref<4x2048xi32, #tpu.memory_space<hbm>> -> memref<1x64xi32, #tpu.memory_space<hbm>>
      %dma_start3A_76 = tpu.memref_squeeze %dma_start3A_75 : memref<1x64xi32, #tpu.memory_space<hbm>> -> memref<64xi32, #tpu.memory_space<hbm>>
      tpu.enqueue_dma source(%dma_start3A_76 : memref<64xi32, #tpu.memory_space<hbm>>) target(%dma_start3A_74 : memref<64xi32, #tpu.memory_space<vmem>>) target_semaphore(%run_scoped3A_66 : memref<!tpu.dma_semaphore, #tpu.memory_space<semaphore_mem>>)
      %dma_wait3A_77 = arith.constant 0 : i32
      %dma_wait3A_78 = tpu.memref_slice %arg17[%run_scoped3A_17, %dma_wait3A_77] : memref<4x64xi32, #tpu.memory_space<vmem>> -> memref<1x64xi32, #tpu.memory_space<vmem>>
      %dma_wait3A_79 = tpu.memref_squeeze %dma_wait3A_78 : memref<1x64xi32, #tpu.memory_space<vmem>> -> memref<64xi32, #tpu.memory_space<vmem>>
      %dma_wait3A_80 = tpu.memref_slice %arg3[%run_scoped3A_16, %mul3A_2] : memref<4x2048xi32, #tpu.memory_space<hbm>> -> memref<1x64xi32, #tpu.memory_space<hbm>>
      %dma_wait3A_81 = tpu.memref_squeeze %dma_wait3A_80 : memref<1x64xi32, #tpu.memory_space<hbm>> -> memref<64xi32, #tpu.memory_space<hbm>>
      %dma_wait3A_82 = arith.constant 0 : i32
      %dma_wait3A_83 = tpu.memref_slice %arg17[%run_scoped3A_17, %dma_wait3A_82] : memref<4x64xi32, #tpu.memory_space<vmem>> -> memref<1x64xi32, #tpu.memory_space<vmem>>
      %dma_wait3A_84 = tpu.memref_squeeze %dma_wait3A_83 : memref<1x64xi32, #tpu.memory_space<vmem>> -> memref<64xi32, #tpu.memory_space<vmem>>
      %dma_wait3A_85 = tpu.memref_slice %arg3[%run_scoped3A_16, %mul3A_2] : memref<4x2048xi32, #tpu.memory_space<hbm>> -> memref<1x64xi32, #tpu.memory_space<hbm>>
      %dma_wait3A_86 = tpu.memref_squeeze %dma_wait3A_85 : memref<1x64xi32, #tpu.memory_space<hbm>> -> memref<64xi32, #tpu.memory_space<hbm>>
      tpu.wait_dma2 semaphore(%run_scoped3A_66 : memref<!tpu.dma_semaphore, #tpu.memory_space<semaphore_mem>>) src(%dma_wait3A_86 : memref<64xi32, #tpu.memory_space<hbm>>) dst(%dma_wait3A_84 : memref<64xi32, #tpu.memory_space<vmem>>)
      tpu.yield
    }) : () -> ()
    %add3A_18 = arith.constant 0 : i32
    %add3A_19 = arith.addi %mul3A_2, %add3A_18 : i32
    %dma_start3A = arith.constant 0 : i32
    %dma_start3A_20 = tpu.memref_slice %arg5[%add3A_19, %dma_start3A] : memref<2048x768xf32, #tpu.memory_space<hbm>> -> memref<16x768xf32, #tpu.memory_space<hbm>>
    %dma_start3A_21 = arith.constant 0 : i32
    %dma_start3A_22 = tpu.memref_slice %arg5[%add3A_19, %dma_start3A_21] : memref<2048x768xf32, #tpu.memory_space<hbm>> -> memref<16x768xf32, #tpu.memory_space<hbm>>
    tpu.enqueue_dma source(%dma_start3A_22 : memref<16x768xf32, #tpu.memory_space<hbm>>) target(%arg10 : memref<16x768xf32, #tpu.memory_space<vmem>>) target_semaphore(%arg22 : memref<!tpu.dma_semaphore, #tpu.memory_space<semaphore_mem>>)
    %dma_start3A_23 = arith.constant 0 : i32
    %dma_start3A_24 = arith.constant 0 : i32
    %dma_start3A_25 = tpu.memref_slice %arg16[%dma_start3A_23, %dma_start3A_24] : memref<4x64xi32, #tpu.memory_space<vmem>> -> memref<1x16xi32, #tpu.memory_space<vmem>>
    %dma_start3A_26 = tpu.memref_squeeze %dma_start3A_25 : memref<1x16xi32, #tpu.memory_space<vmem>> -> memref<16xi32, #tpu.memory_space<vmem>>
    %dma_start3A_27 = arith.constant 0 : i32
    %dma_start3A_28 = arith.constant 0 : i32
    %dma_start3A_29 = tpu.memref_slice %arg4[%dma_start3A_27, %dma_start3A_28] : memref<30522x768xf32, #tpu.memory_space<hbm>> -> memref<30522x768xf32, #tpu.memory_space<hbm>>
    tpu.enqueue_indirect_dma source(%dma_start3A_29 : memref<30522x768xf32, #tpu.memory_space<hbm>>) target(%arg12 : memref<16x768xf32, #tpu.memory_space<vmem>>) offsets(%dma_start3A_26 : memref<16xi32, #tpu.memory_space<vmem>>) semaphore(%arg24 : memref<!tpu.dma_semaphore, #tpu.memory_space<semaphore_mem>>)
    %add3A_30 = arith.constant 16 : i32
    %add3A_31 = arith.addi %mul3A_2, %add3A_30 : i32
    %dma_start3A_32 = arith.constant 0 : i32
    %dma_start3A_33 = tpu.memref_slice %arg5[%add3A_31, %dma_start3A_32] : memref<2048x768xf32, #tpu.memory_space<hbm>> -> memref<16x768xf32, #tpu.memory_space<hbm>>
    %dma_start3A_34 = arith.constant 0 : i32
    %dma_start3A_35 = tpu.memref_slice %arg5[%add3A_31, %dma_start3A_34] : memref<2048x768xf32, #tpu.memory_space<hbm>> -> memref<16x768xf32, #tpu.memory_space<hbm>>
    tpu.enqueue_dma source(%dma_start3A_35 : memref<16x768xf32, #tpu.memory_space<hbm>>) target(%arg11 : memref<16x768xf32, #tpu.memory_space<vmem>>) target_semaphore(%arg23 : memref<!tpu.dma_semaphore, #tpu.memory_space<semaphore_mem>>)
    %dma_start3A_36 = arith.constant 0 : i32
    %dma_start3A_37 = arith.constant 16 : i32
    %dma_start3A_38 = tpu.memref_slice %arg16[%dma_start3A_36, %dma_start3A_37] : memref<4x64xi32, #tpu.memory_space<vmem>> -> memref<1x16xi32, #tpu.memory_space<vmem>>
    %dma_start3A_39 = tpu.memref_squeeze %dma_start3A_38 : memref<1x16xi32, #tpu.memory_space<vmem>> -> memref<16xi32, #tpu.memory_space<vmem>>
    %dma_start3A_40 = arith.constant 0 : i32
    %dma_start3A_41 = arith.constant 0 : i32
    %dma_start3A_42 = tpu.memref_slice %arg4[%dma_start3A_40, %dma_start3A_41] : memref<30522x768xf32, #tpu.memory_space<hbm>> -> memref<30522x768xf32, #tpu.memory_space<hbm>>
    tpu.enqueue_indirect_dma source(%dma_start3A_42 : memref<30522x768xf32, #tpu.memory_space<hbm>>) target(%arg13 : memref<16x768xf32, #tpu.memory_space<vmem>>) offsets(%dma_start3A_39 : memref<16xi32, #tpu.memory_space<vmem>>) semaphore(%arg25 : memref<!tpu.dma_semaphore, #tpu.memory_space<semaphore_mem>>)
    %scan3A = arith.constant 0 : i32
    %scan3A_43 = arith.constant 0 : i32
    %scan3A_44 = arith.constant 8 : i32
    %scan3A_45 = arith.addi %scan3A_43, %scan3A_44 : i32
    %scan3A_46 = arith.constant 1 : i32
    %scan3A_47 = scf.for %scan3A_66 = %scan3A_43 to %scan3A_45 step %scan3A_46 iter_args(%scan3A_67 = %scan3A) -> (i32)  : i32 {
      %mul3A_68 = arith.constant 2 : i32
      %mul3A_69 = arith.muli %mul3A_68, %scan3A_66 : i32
      %mul3A_70 = arith.constant 2 : i32
      %mul3A_71 = arith.muli %mul3A_70, %scan3A_66 : i32
      %add3A_72 = arith.constant 1 : i32
      %add3A_73 = arith.addi %mul3A_71, %add3A_72 : i32
      %jit3A = arith.constant 4 : i32
      %eq3A = arith.constant 0 : i32
      %eq3A_74 = arith.cmpi eq, %jit3A, %eq3A : i32
      %jit3A_75 = arith.constant 1 : i32
      %select_n3A = arith.select %eq3A_74, %jit3A_75, %jit3A : i32
      %rem3A = arith.remsi %mul3A_69, %select_n3A : i32
      %ne3A = arith.constant 0 : i32
      %ne3A_76 = arith.cmpi ne, %rem3A, %ne3A : i32
      %lt3A = arith.constant 0 : i32
      %lt3A_77 = arith.cmpi slt, %rem3A, %lt3A : i32
      %lt3A_78 = arith.constant 0 : i32
      %lt3A_79 = arith.cmpi slt, %select_n3A, %lt3A_78 : i32
      %ne3A_80 = arith.xori %lt3A_77, %lt3A_79 : i1
      %and3A = arith.andi %ne3A_80, %ne3A_76 : i1
      %add3A_81 = arith.addi %rem3A, %select_n3A : i32
      %select_n3A_82 = arith.select %and3A, %add3A_81, %rem3A : i32
      %mul3A_83 = arith.constant 16 : i32
      %mul3A_84 = arith.muli %select_n3A_82, %mul3A_83 : i32
      %add3A_85 = arith.addi %mul3A_2, %mul3A_84 : i32
      %dma_wait3A_86 = arith.constant 0 : i32
      %dma_wait3A_87 = tpu.memref_slice %arg5[%add3A_85, %dma_wait3A_86] : memref<2048x768xf32, #tpu.memory_space<hbm>> -> memref<16x768xf32, #tpu.memory_space<hbm>>
      %dma_wait3A_88 = arith.constant 0 : i32
      %dma_wait3A_89 = tpu.memref_slice %arg5[%add3A_85, %dma_wait3A_88] : memref<2048x768xf32, #tpu.memory_space<hbm>> -> memref<16x768xf32, #tpu.memory_space<hbm>>
      tpu.wait_dma2 semaphore(%arg22 : memref<!tpu.dma_semaphore, #tpu.memory_space<semaphore_mem>>) src(%dma_wait3A_89 : memref<16x768xf32, #tpu.memory_space<hbm>>) dst(%arg10 : memref<16x768xf32, #tpu.memory_space<vmem>>)
      %jit3A_90 = arith.constant 4 : i32
      %div3A = arith.divsi %mul3A_69, %jit3A_90 : i32
      %sign3A = arith.constant 0 : i32
      %sign3A_91 = arith.cmpi sgt, %mul3A_69, %sign3A : i32
      %sign3A_92 = arith.extui %sign3A_91 : i1 to i32
      %sign3A_93 = arith.constant 0 : i32
      %sign3A_94 = arith.cmpi slt, %mul3A_69, %sign3A_93 : i32
      %sign3A_95 = arith.extui %sign3A_94 : i1 to i32
      %sign3A_96 = arith.subi %sign3A_92, %sign3A_95 : i32
      %sign3A_97 = arith.constant 0 : i32
      %sign3A_98 = arith.cmpi sgt, %jit3A_90, %sign3A_97 : i32
      %sign3A_99 = arith.extui %sign3A_98 : i1 to i32
      %sign3A_100 = arith.constant 0 : i32
      %sign3A_101 = arith.cmpi slt, %jit3A_90, %sign3A_100 : i32
      %sign3A_102 = arith.extui %sign3A_101 : i1 to i32
      %sign3A_103 = arith.subi %sign3A_99, %sign3A_102 : i32
      %ne3A_104 = arith.cmpi ne, %sign3A_96, %sign3A_103 : i32
      %rem3A_105 = arith.remsi %mul3A_69, %jit3A_90 : i32
      %ne3A_106 = arith.constant 0 : i32
      %ne3A_107 = arith.cmpi ne, %rem3A_105, %ne3A_106 : i32
      %and3A_108 = arith.andi %ne3A_104, %ne3A_107 : i1
      %sub3A = arith.constant 1 : i32
      %sub3A_109 = arith.subi %div3A, %sub3A : i32
      %select_n3A_110 = arith.select %and3A_108, %sub3A_109, %div3A : i32
      %jit3A_111 = arith.constant 4 : i32
      %eq3A_112 = arith.constant 0 : i32
      %eq3A_113 = arith.cmpi eq, %jit3A_111, %eq3A_112 : i32
      %jit3A_114 = arith.constant 1 : i32
      %select_n3A_115 = arith.select %eq3A_113, %jit3A_114, %jit3A_111 : i32
      %rem3A_116 = arith.remsi %mul3A_69, %select_n3A_115 : i32
      %ne3A_117 = arith.constant 0 : i32
      %ne3A_118 = arith.cmpi ne, %rem3A_116, %ne3A_117 : i32
      %lt3A_119 = arith.constant 0 : i32
      %lt3A_120 = arith.cmpi slt, %rem3A_116, %lt3A_119 : i32
      %lt3A_121 = arith.constant 0 : i32
      %lt3A_122 = arith.cmpi slt, %select_n3A_115, %lt3A_121 : i32
      %ne3A_123 = arith.xori %lt3A_120, %lt3A_122 : i1
      %and3A_124 = arith.andi %ne3A_123, %ne3A_118 : i1
      %add3A_125 = arith.addi %rem3A_116, %select_n3A_115 : i32
      %select_n3A_126 = arith.select %and3A_124, %add3A_125, %rem3A_116 : i32
      %mul3A_127 = arith.constant 16 : i32
      %mul3A_128 = arith.muli %select_n3A_126, %mul3A_127 : i32
      %dma_wait3A_129 = tpu.memref_slice %arg16[%select_n3A_110, %mul3A_128] : memref<4x64xi32, #tpu.memory_space<vmem>> -> memref<1x16xi32, #tpu.memory_space<vmem>>
      %dma_wait3A_130 = tpu.memref_squeeze %dma_wait3A_129 : memref<1x16xi32, #tpu.memory_space<vmem>> -> memref<16xi32, #tpu.memory_space<vmem>>
      %dma_wait3A_131 = arith.constant 0 : i32
      %dma_wait3A_132 = arith.constant 0 : i32
      %dma_wait3A_133 = tpu.memref_slice %arg4[%dma_wait3A_131, %dma_wait3A_132] : memref<30522x768xf32, #tpu.memory_space<hbm>> -> memref<30522x768xf32, #tpu.memory_space<hbm>>
      tpu.wait_indirect_dma semaphore(%arg24 : memref<!tpu.dma_semaphore, #tpu.memory_space<semaphore_mem>>) src(%dma_wait3A_133 : memref<30522x768xf32, #tpu.memory_space<hbm>>) dst(%arg12 : memref<16x768xf32, #tpu.memory_space<vmem>>)
      %gt3A = arith.constant 0 : i32
      %gt3A_134 = arith.cmpi sgt, %scan3A_66, %gt3A : i32
      %convert_element_type3A = arith.extui %gt3A_134 : i1 to i32
      %cond3A = arith.constant 0 : i32
      %cond3A_135 = arith.cmpi ne, %convert_element_type3A, %cond3A : i32
      scf.if %cond3A_135 {
        %sub3A_1380 = arith.constant 2 : i32
        %sub3A_1381 = arith.subi %mul3A_69, %sub3A_1380 : i32
        %jit3A_1382 = arith.constant 4 : i32
        %div3A_1383 = arith.divsi %sub3A_1381, %jit3A_1382 : i32
        %sign3A_1384 = arith.constant 0 : i32
        %sign3A_1385 = arith.cmpi sgt, %sub3A_1381, %sign3A_1384 : i32
        %sign3A_1386 = arith.extui %sign3A_1385 : i1 to i32
        %sign3A_1387 = arith.constant 0 : i32
        %sign3A_1388 = arith.cmpi slt, %sub3A_1381, %sign3A_1387 : i32
        %sign3A_1389 = arith.extui %sign3A_1388 : i1 to i32
        %sign3A_1390 = arith.subi %sign3A_1386, %sign3A_1389 : i32
        %sign3A_1391 = arith.constant 0 : i32
        %sign3A_1392 = arith.cmpi sgt, %jit3A_1382, %sign3A_1391 : i32
        %sign3A_1393 = arith.extui %sign3A_1392 : i1 to i32
        %sign3A_1394 = arith.constant 0 : i32
        %sign3A_1395 = arith.cmpi slt, %jit3A_1382, %sign3A_1394 : i32
        %sign3A_1396 = arith.extui %sign3A_1395 : i1 to i32
        %sign3A_1397 = arith.subi %sign3A_1393, %sign3A_1396 : i32
        %ne3A_1398 = arith.cmpi ne, %sign3A_1390, %sign3A_1397 : i32
        %rem3A_1399 = arith.remsi %sub3A_1381, %jit3A_1382 : i32
        %ne3A_1400 = arith.constant 0 : i32
        %ne3A_1401 = arith.cmpi ne, %rem3A_1399, %ne3A_1400 : i32
        %and3A_1402 = arith.andi %ne3A_1398, %ne3A_1401 : i1
        %sub3A_1403 = arith.constant 1 : i32
        %sub3A_1404 = arith.subi %div3A_1383, %sub3A_1403 : i32
        %select_n3A_1405 = arith.select %and3A_1402, %sub3A_1404, %div3A_1383 : i32
        %jit3A_1406 = arith.constant 4 : i32
        %eq3A_1407 = arith.constant 0 : i32
        %eq3A_1408 = arith.cmpi eq, %jit3A_1406, %eq3A_1407 : i32
        %jit3A_1409 = arith.constant 1 : i32
        %select_n3A_1410 = arith.select %eq3A_1408, %jit3A_1409, %jit3A_1406 : i32
        %rem3A_1411 = arith.remsi %sub3A_1381, %select_n3A_1410 : i32
        %ne3A_1412 = arith.constant 0 : i32
        %ne3A_1413 = arith.cmpi ne, %rem3A_1411, %ne3A_1412 : i32
        %lt3A_1414 = arith.constant 0 : i32
        %lt3A_1415 = arith.cmpi slt, %rem3A_1411, %lt3A_1414 : i32
        %lt3A_1416 = arith.constant 0 : i32
        %lt3A_1417 = arith.cmpi slt, %select_n3A_1410, %lt3A_1416 : i32
        %ne3A_1418 = arith.xori %lt3A_1415, %lt3A_1417 : i1
        %and3A_1419 = arith.andi %ne3A_1418, %ne3A_1413 : i1
        %add3A_1420 = arith.addi %rem3A_1411, %select_n3A_1410 : i32
        %select_n3A_1421 = arith.select %and3A_1419, %add3A_1420, %rem3A_1411 : i32
        %mul3A_1422 = arith.constant 16 : i32
        %mul3A_1423 = arith.muli %select_n3A_1421, %mul3A_1422 : i32
        %add3A_1424 = arith.addi %mul3A_2, %mul3A_1423 : i32
        %dma_wait3A_1425 = arith.constant 0 : i32
        %dma_wait3A_1426 = tpu.memref_slice %arg9[%select_n3A_1405, %add3A_1424, %dma_wait3A_1425] : memref<4x2048x768xf32, #tpu.memory_space<hbm>> -> memref<1x16x768xf32, #tpu.memory_space<hbm>>
        %dma_wait3A_1427 = tpu.memref_squeeze %dma_wait3A_1426 : memref<1x16x768xf32, #tpu.memory_space<hbm>> -> memref<16x768xf32, #tpu.memory_space<hbm>>
        %dma_wait3A_1428 = arith.constant 0 : i32
        %dma_wait3A_1429 = tpu.memref_slice %arg9[%select_n3A_1405, %add3A_1424, %dma_wait3A_1428] : memref<4x2048x768xf32, #tpu.memory_space<hbm>> -> memref<1x16x768xf32, #tpu.memory_space<hbm>>
        %dma_wait3A_1430 = tpu.memref_squeeze %dma_wait3A_1429 : memref<1x16x768xf32, #tpu.memory_space<hbm>> -> memref<16x768xf32, #tpu.memory_space<hbm>>
        tpu.wait_dma2 semaphore(%arg26 : memref<!tpu.dma_semaphore, #tpu.memory_space<semaphore_mem>>) src(%arg14 : memref<16x768xf32, #tpu.memory_space<vmem>>) dst(%dma_wait3A_1430 : memref<16x768xf32, #tpu.memory_space<hbm>>)
      } else {
      }
      %jit3A_136 = arith.constant 4 : i32
      %div3A_137 = arith.divsi %mul3A_69, %jit3A_136 : i32
      %sign3A_138 = arith.constant 0 : i32
      %sign3A_139 = arith.cmpi sgt, %mul3A_69, %sign3A_138 : i32
      %sign3A_140 = arith.extui %sign3A_139 : i1 to i32
      %sign3A_141 = arith.constant 0 : i32
      %sign3A_142 = arith.cmpi slt, %mul3A_69, %sign3A_141 : i32
      %sign3A_143 = arith.extui %sign3A_142 : i1 to i32
      %sign3A_144 = arith.subi %sign3A_140, %sign3A_143 : i32
      %sign3A_145 = arith.constant 0 : i32
      %sign3A_146 = arith.cmpi sgt, %jit3A_136, %sign3A_145 : i32
      %sign3A_147 = arith.extui %sign3A_146 : i1 to i32
      %sign3A_148 = arith.constant 0 : i32
      %sign3A_149 = arith.cmpi slt, %jit3A_136, %sign3A_148 : i32
      %sign3A_150 = arith.extui %sign3A_149 : i1 to i32
      %sign3A_151 = arith.subi %sign3A_147, %sign3A_150 : i32
      %ne3A_152 = arith.cmpi ne, %sign3A_144, %sign3A_151 : i32
      %rem3A_153 = arith.remsi %mul3A_69, %jit3A_136 : i32
      %ne3A_154 = arith.constant 0 : i32
      %ne3A_155 = arith.cmpi ne, %rem3A_153, %ne3A_154 : i32
      %and3A_156 = arith.andi %ne3A_152, %ne3A_155 : i1
      %sub3A_157 = arith.constant 1 : i32
      %sub3A_158 = arith.subi %div3A_137, %sub3A_157 : i32
      %select_n3A_159 = arith.select %and3A_156, %sub3A_158, %div3A_137 : i32
      %jit3A_160 = arith.constant 4 : i32
      %eq3A_161 = arith.constant 0 : i32
      %eq3A_162 = arith.cmpi eq, %jit3A_160, %eq3A_161 : i32
      %jit3A_163 = arith.constant 1 : i32
      %select_n3A_164 = arith.select %eq3A_162, %jit3A_163, %jit3A_160 : i32
      %rem3A_165 = arith.remsi %mul3A_69, %select_n3A_164 : i32
      %ne3A_166 = arith.constant 0 : i32
      %ne3A_167 = arith.cmpi ne, %rem3A_165, %ne3A_166 : i32
      %lt3A_168 = arith.constant 0 : i32
      %lt3A_169 = arith.cmpi slt, %rem3A_165, %lt3A_168 : i32
      %lt3A_170 = arith.constant 0 : i32
      %lt3A_171 = arith.cmpi slt, %select_n3A_164, %lt3A_170 : i32
      %ne3A_172 = arith.xori %lt3A_169, %lt3A_171 : i1
      %and3A_173 = arith.andi %ne3A_172, %ne3A_167 : i1
      %add3A_174 = arith.addi %rem3A_165, %select_n3A_164 : i32
      %select_n3A_175 = arith.select %and3A_173, %add3A_174, %rem3A_165 : i32
      %mul3A_176 = arith.constant 16 : i32
      %mul3A_177 = arith.muli %select_n3A_175, %mul3A_176 : i32
      %get3A = arith.index_cast %select_n3A_159 : i32 to index
      %get3A_178 = arith.index_cast %mul3A_177 : i32 to index
      %get3A_179 = tpu.vector_load %arg17[%get3A, %get3A_178] {strides = array<i32>} : memref<4x64xi32, #tpu.memory_space<vmem>>, vector<16xi32>,
      %convert_element_type3A_180 = arith.sitofp %get3A_179 : vector<16xi32> to vector<16xf32>
      %slice3A = vector.extract_strided_slice %convert_element_type3A_180 {offsets = [0], sizes = [1], strides = [1]} : vector<16xf32> to vector<1xf32>
      %squeeze3A = vector.extract %slice3A[0] : f32 from vector<1xf32>
      %broadcast_in_dim3A = vector.broadcast %squeeze3A : f32 to vector<16xf32>
      %slice3A_181 = vector.extract_strided_slice %convert_element_type3A_180 {offsets = [1], sizes = [1], strides = [1]} : vector<16xf32> to vector<1xf32>
      %squeeze3A_182 = vector.extract %slice3A_181[0] : f32 from vector<1xf32>
      %broadcast_in_dim3A_183 = vector.broadcast %squeeze3A_182 : f32 to vector<16xf32>
      %slice3A_184 = vector.extract_strided_slice %convert_element_type3A_180 {offsets = [2], sizes = [1], strides = [1]} : vector<16xf32> to vector<1xf32>
      %squeeze3A_185 = vector.extract %slice3A_184[0] : f32 from vector<1xf32>
      %broadcast_in_dim3A_186 = vector.broadcast %squeeze3A_185 : f32 to vector<16xf32>
      %slice3A_187 = vector.extract_strided_slice %convert_element_type3A_180 {offsets = [3], sizes = [1], strides = [1]} : vector<16xf32> to vector<1xf32>
      %squeeze3A_188 = vector.extract %slice3A_187[0] : f32 from vector<1xf32>
      %broadcast_in_dim3A_189 = vector.broadcast %squeeze3A_188 : f32 to vector<16xf32>
      %slice3A_190 = vector.extract_strided_slice %convert_element_type3A_180 {offsets = [4], sizes = [1], strides = [1]} : vector<16xf32> to vector<1xf32>
      %squeeze3A_191 = vector.extract %slice3A_190[0] : f32 from vector<1xf32>
      %broadcast_in_dim3A_192 = vector.broadcast %squeeze3A_191 : f32 to vector<16xf32>
      %slice3A_193 = vector.extract_strided_slice %convert_element_type3A_180 {offsets = [5], sizes = [1], strides = [1]} : vector<16xf32> to vector<1xf32>
      %squeeze3A_194 = vector.extract %slice3A_193[0] : f32 from vector<1xf32>
      %broadcast_in_dim3A_195 = vector.broadcast %squeeze3A_194 : f32 to vector<16xf32>
      %slice3A_196 = vector.extract_strided_slice %convert_element_type3A_180 {offsets = [6], sizes = [1], strides = [1]} : vector<16xf32> to vector<1xf32>
      %squeeze3A_197 = vector.extract %slice3A_196[0] : f32 from vector<1xf32>
      %broadcast_in_dim3A_198 = vector.broadcast %squeeze3A_197 : f32 to vector<16xf32>
      %slice3A_199 = vector.extract_strided_slice %convert_element_type3A_180 {offsets = [7], sizes = [1], strides = [1]} : vector<16xf32> to vector<1xf32>
      %squeeze3A_200 = vector.extract %slice3A_199[0] : f32 from vector<1xf32>
      %broadcast_in_dim3A_201 = vector.broadcast %squeeze3A_200 : f32 to vector<16xf32>
      %broadcast_in_dim3A_202 = arith.constant 0.000000e+00 : f32
      %broadcast_in_dim3A_203 = vector.broadcast %broadcast_in_dim3A_202 : f32 to vector<16xf32>
      %scan3A_204 = arith.constant 0 : i32
      %scan3A_205 = arith.constant 48 : i32
      %scan3A_206 = arith.addi %scan3A_204, %scan3A_205 : i32
      %scan3A_207 = arith.constant 1 : i32
      %scan3A_208:16 = scf.for %scan3A_1380 = %scan3A_204 to %scan3A_206 step %scan3A_207 iter_args(%scan3A_1381 = %broadcast_in_dim3A_203, %scan3A_1382 = %broadcast_in_dim3A_203, %scan3A_1383 = %broadcast_in_dim3A_203, %scan3A_1384 = %broadcast_in_dim3A_203, %scan3A_1385 = %broadcast_in_dim3A_203, %scan3A_1386 = %broadcast_in_dim3A_203, %scan3A_1387 = %broadcast_in_dim3A_203, %scan3A_1388 = %broadcast_in_dim3A_203, %scan3A_1389 = %broadcast_in_dim3A_203, %scan3A_1390 = %broadcast_in_dim3A_203, %scan3A_1391 = %broadcast_in_dim3A_203, %scan3A_1392 = %broadcast_in_dim3A_203, %scan3A_1393 = %broadcast_in_dim3A_203, %scan3A_1394 = %broadcast_in_dim3A_203, %scan3A_1395 = %broadcast_in_dim3A_203, %scan3A_1396 = %broadcast_in_dim3A_203) -> (vector<16xf32>, vector<16xf32>, vector<16xf32>, vector<16xf32>, vector<16xf32>, vector<16xf32>, vector<16xf32>, vector<16xf32>, vector<16xf32>, vector<16xf32>, vector<16xf32>, vector<16xf32>, vector<16xf32>, vector<16xf32>, vector<16xf32>, vector<16xf32>)  : i32 {
        %mul3A_1397 = arith.constant 16 : i32
        %mul3A_1398 = arith.muli %scan3A_1380, %mul3A_1397 : i32
        %get3A_1399 = arith.constant 0 : i32
        %get3A_1400 = arith.index_cast %get3A_1399 : i32 to index
        %get3A_1401 = arith.index_cast %mul3A_1398 : i32 to index
        %get3A_1402 = tpu.vector_load %arg20[%get3A_1400, %get3A_1401] {strides = array<i32>} : memref<2x768xf32, #tpu.memory_space<vmem>>, vector<16xf32>,
        %get3A_1403 = arith.constant 1 : i32
        %get3A_1404 = arith.index_cast %get3A_1403 : i32 to index
        %get3A_1405 = arith.index_cast %mul3A_1398 : i32 to index
        %get3A_1406 = tpu.vector_load %arg20[%get3A_1404, %get3A_1405] {strides = array<i32>} : memref<2x768xf32, #tpu.memory_space<vmem>>, vector<16xf32>,
        %sub3A_1407 = arith.subf %get3A_1406, %get3A_1402 : vector<16xf32>
        %get3A_1408 = arith.constant 0 : i32
        %get3A_1409 = arith.index_cast %get3A_1408 : i32 to index
        %get3A_1410 = arith.index_cast %mul3A_1398 : i32 to index
        %get3A_1411 = tpu.vector_load %arg12[%get3A_1409, %get3A_1410] {strides = array<i32>} : memref<16x768xf32, #tpu.memory_space<vmem>>, vector<16xf32>,
        %get3A_1412 = arith.constant 0 : i32
        %get3A_1413 = arith.index_cast %get3A_1412 : i32 to index
        %get3A_1414 = arith.index_cast %mul3A_1398 : i32 to index
        %get3A_1415 = tpu.vector_load %arg10[%get3A_1413, %get3A_1414] {strides = array<i32>} : memref<16x768xf32, #tpu.memory_space<vmem>>, vector<16xf32>,
        %add3A_1416 = arith.addf %get3A_1411, %get3A_1415 : vector<16xf32>
        %mul3A_1417 = arith.mulf %broadcast_in_dim3A, %sub3A_1407 : vector<16xf32>
        %add3A_1418 = arith.addf %get3A_1402, %mul3A_1417 : vector<16xf32>
        %add3A_1419 = arith.addf %add3A_1416, %add3A_1418 : vector<16xf32>
        %swap3A_1420 = arith.constant 0 : i32
        %swap3A_1421 = arith.index_cast %swap3A_1420 : i32 to index
        %swap3A_1422 = arith.index_cast %mul3A_1398 : i32 to index
        %swap3A_1423 = tpu.vector_load %arg12[%swap3A_1421, %swap3A_1422] {strides = array<i32>} : memref<16x768xf32, #tpu.memory_space<vmem>>, vector<16xf32>,
        tpu.vector_store %arg12[%swap3A_1421, %swap3A_1422], %add3A_1419 {strides = array<i32>} : memref<16x768xf32, #tpu.memory_space<vmem>>, vector<16xf32>,
        %add3A_1424 = arith.addf %scan3A_1381, %add3A_1419 : vector<16xf32>
        %mul3A_1425 = arith.mulf %add3A_1419, %add3A_1419 : vector<16xf32>
        %add3A_1426 = arith.addf %scan3A_1389, %mul3A_1425 : vector<16xf32>
        %get3A_1427 = arith.constant 1 : i32
        %get3A_1428 = arith.index_cast %get3A_1427 : i32 to index
        %get3A_1429 = arith.index_cast %mul3A_1398 : i32 to index
        %get3A_1430 = tpu.vector_load %arg12[%get3A_1428, %get3A_1429] {strides = array<i32>} : memref<16x768xf32, #tpu.memory_space<vmem>>, vector<16xf32>,
        %get3A_1431 = arith.constant 1 : i32
        %get3A_1432 = arith.index_cast %get3A_1431 : i32 to index
        %get3A_1433 = arith.index_cast %mul3A_1398 : i32 to index
        %get3A_1434 = tpu.vector_load %arg10[%get3A_1432, %get3A_1433] {strides = array<i32>} : memref<16x768xf32, #tpu.memory_space<vmem>>, vector<16xf32>,
        %add3A_1435 = arith.addf %get3A_1430, %get3A_1434 : vector<16xf32>
        %mul3A_1436 = arith.mulf %broadcast_in_dim3A_183, %sub3A_1407 : vector<16xf32>
        %add3A_1437 = arith.addf %get3A_1402, %mul3A_1436 : vector<16xf32>
        %add3A_1438 = arith.addf %add3A_1435, %add3A_1437 : vector<16xf32>
        %swap3A_1439 = arith.constant 1 : i32
        %swap3A_1440 = arith.index_cast %swap3A_1439 : i32 to index
        %swap3A_1441 = arith.index_cast %mul3A_1398 : i32 to index
        %swap3A_1442 = tpu.vector_load %arg12[%swap3A_1440, %swap3A_1441] {strides = array<i32>} : memref<16x768xf32, #tpu.memory_space<vmem>>, vector<16xf32>,
        tpu.vector_store %arg12[%swap3A_1440, %swap3A_1441], %add3A_1438 {strides = array<i32>} : memref<16x768xf32, #tpu.memory_space<vmem>>, vector<16xf32>,
        %add3A_1443 = arith.addf %scan3A_1382, %add3A_1438 : vector<16xf32>
        %mul3A_1444 = arith.mulf %add3A_1438, %add3A_1438 : vector<16xf32>
        %add3A_1445 = arith.addf %scan3A_1390, %mul3A_1444 : vector<16xf32>
        %get3A_1446 = arith.constant 2 : i32
        %get3A_1447 = arith.index_cast %get3A_1446 : i32 to index
        %get3A_1448 = arith.index_cast %mul3A_1398 : i32 to index
        %get3A_1449 = tpu.vector_load %arg12[%get3A_1447, %get3A_1448] {strides = array<i32>} : memref<16x768xf32, #tpu.memory_space<vmem>>, vector<16xf32>,
        %get3A_1450 = arith.constant 2 : i32
        %get3A_1451 = arith.index_cast %get3A_1450 : i32 to index
        %get3A_1452 = arith.index_cast %mul3A_1398 : i32 to index
        %get3A_1453 = tpu.vector_load %arg10[%get3A_1451, %get3A_1452] {strides = array<i32>} : memref<16x768xf32, #tpu.memory_space<vmem>>, vector<16xf32>,
        %add3A_1454 = arith.addf %get3A_1449, %get3A_1453 : vector<16xf32>
        %mul3A_1455 = arith.mulf %broadcast_in_dim3A_186, %sub3A_1407 : vector<16xf32>
        %add3A_1456 = arith.addf %get3A_1402, %mul3A_1455 : vector<16xf32>
        %add3A_1457 = arith.addf %add3A_1454, %add3A_1456 : vector<16xf32>
        %swap3A_1458 = arith.constant 2 : i32
        %swap3A_1459 = arith.index_cast %swap3A_1458 : i32 to index
        %swap3A_1460 = arith.index_cast %mul3A_1398 : i32 to index
        %swap3A_1461 = tpu.vector_load %arg12[%swap3A_1459, %swap3A_1460] {strides = array<i32>} : memref<16x768xf32, #tpu.memory_space<vmem>>, vector<16xf32>,
        tpu.vector_store %arg12[%swap3A_1459, %swap3A_1460], %add3A_1457 {strides = array<i32>} : memref<16x768xf32, #tpu.memory_space<vmem>>, vector<16xf32>,
        %add3A_1462 = arith.addf %scan3A_1383, %add3A_1457 : vector<16xf32>
        %mul3A_1463 = arith.mulf %add3A_1457, %add3A_1457 : vector<16xf32>
        %add3A_1464 = arith.addf %scan3A_1391, %mul3A_1463 : vector<16xf32>
        %get3A_1465 = arith.constant 3 : i32
        %get3A_1466 = arith.index_cast %get3A_1465 : i32 to index
        %get3A_1467 = arith.index_cast %mul3A_1398 : i32 to index
        %get3A_1468 = tpu.vector_load %arg12[%get3A_1466, %get3A_1467] {strides = array<i32>} : memref<16x768xf32, #tpu.memory_space<vmem>>, vector<16xf32>,
        %get3A_1469 = arith.constant 3 : i32
        %get3A_1470 = arith.index_cast %get3A_1469 : i32 to index
        %get3A_1471 = arith.index_cast %mul3A_1398 : i32 to index
        %get3A_1472 = tpu.vector_load %arg10[%get3A_1470, %get3A_1471] {strides = array<i32>} : memref<16x768xf32, #tpu.memory_space<vmem>>, vector<16xf32>,
        %add3A_1473 = arith.addf %get3A_1468, %get3A_1472 : vector<16xf32>
        %mul3A_1474 = arith.mulf %broadcast_in_dim3A_189, %sub3A_1407 : vector<16xf32>
        %add3A_1475 = arith.addf %get3A_1402, %mul3A_1474 : vector<16xf32>
        %add3A_1476 = arith.addf %add3A_1473, %add3A_1475 : vector<16xf32>
        %swap3A_1477 = arith.constant 3 : i32
        %swap3A_1478 = arith.index_cast %swap3A_1477 : i32 to index
        %swap3A_1479 = arith.index_cast %mul3A_1398 : i32 to index
        %swap3A_1480 = tpu.vector_load %arg12[%swap3A_1478, %swap3A_1479] {strides = array<i32>} : memref<16x768xf32, #tpu.memory_space<vmem>>, vector<16xf32>,
        tpu.vector_store %arg12[%swap3A_1478, %swap3A_1479], %add3A_1476 {strides = array<i32>} : memref<16x768xf32, #tpu.memory_space<vmem>>, vector<16xf32>,
        %add3A_1481 = arith.addf %scan3A_1384, %add3A_1476 : vector<16xf32>
        %mul3A_1482 = arith.mulf %add3A_1476, %add3A_1476 : vector<16xf32>
        %add3A_1483 = arith.addf %scan3A_1392, %mul3A_1482 : vector<16xf32>
        %get3A_1484 = arith.constant 4 : i32
        %get3A_1485 = arith.index_cast %get3A_1484 : i32 to index
        %get3A_1486 = arith.index_cast %mul3A_1398 : i32 to index
        %get3A_1487 = tpu.vector_load %arg12[%get3A_1485, %get3A_1486] {strides = array<i32>} : memref<16x768xf32, #tpu.memory_space<vmem>>, vector<16xf32>,
        %get3A_1488 = arith.constant 4 : i32
        %get3A_1489 = arith.index_cast %get3A_1488 : i32 to index
        %get3A_1490 = arith.index_cast %mul3A_1398 : i32 to index
        %get3A_1491 = tpu.vector_load %arg10[%get3A_1489, %get3A_1490] {strides = array<i32>} : memref<16x768xf32, #tpu.memory_space<vmem>>, vector<16xf32>,
        %add3A_1492 = arith.addf %get3A_1487, %get3A_1491 : vector<16xf32>
        %mul3A_1493 = arith.mulf %broadcast_in_dim3A_192, %sub3A_1407 : vector<16xf32>
        %add3A_1494 = arith.addf %get3A_1402, %mul3A_1493 : vector<16xf32>
        %add3A_1495 = arith.addf %add3A_1492, %add3A_1494 : vector<16xf32>
        %swap3A_1496 = arith.constant 4 : i32
        %swap3A_1497 = arith.index_cast %swap3A_1496 : i32 to index
        %swap3A_1498 = arith.index_cast %mul3A_1398 : i32 to index
        %swap3A_1499 = tpu.vector_load %arg12[%swap3A_1497, %swap3A_1498] {strides = array<i32>} : memref<16x768xf32, #tpu.memory_space<vmem>>, vector<16xf32>,
        tpu.vector_store %arg12[%swap3A_1497, %swap3A_1498], %add3A_1495 {strides = array<i32>} : memref<16x768xf32, #tpu.memory_space<vmem>>, vector<16xf32>,
        %add3A_1500 = arith.addf %scan3A_1385, %add3A_1495 : vector<16xf32>
        %mul3A_1501 = arith.mulf %add3A_1495, %add3A_1495 : vector<16xf32>
        %add3A_1502 = arith.addf %scan3A_1393, %mul3A_1501 : vector<16xf32>
        %get3A_1503 = arith.constant 5 : i32
        %get3A_1504 = arith.index_cast %get3A_1503 : i32 to index
        %get3A_1505 = arith.index_cast %mul3A_1398 : i32 to index
        %get3A_1506 = tpu.vector_load %arg12[%get3A_1504, %get3A_1505] {strides = array<i32>} : memref<16x768xf32, #tpu.memory_space<vmem>>, vector<16xf32>,
        %get3A_1507 = arith.constant 5 : i32
        %get3A_1508 = arith.index_cast %get3A_1507 : i32 to index
        %get3A_1509 = arith.index_cast %mul3A_1398 : i32 to index
        %get3A_1510 = tpu.vector_load %arg10[%get3A_1508, %get3A_1509] {strides = array<i32>} : memref<16x768xf32, #tpu.memory_space<vmem>>, vector<16xf32>,
        %add3A_1511 = arith.addf %get3A_1506, %get3A_1510 : vector<16xf32>
        %mul3A_1512 = arith.mulf %broadcast_in_dim3A_195, %sub3A_1407 : vector<16xf32>
        %add3A_1513 = arith.addf %get3A_1402, %mul3A_1512 : vector<16xf32>
        %add3A_1514 = arith.addf %add3A_1511, %add3A_1513 : vector<16xf32>
        %swap3A_1515 = arith.constant 5 : i32
        %swap3A_1516 = arith.index_cast %swap3A_1515 : i32 to index
        %swap3A_1517 = arith.index_cast %mul3A_1398 : i32 to index
        %swap3A_1518 = tpu.vector_load %arg12[%swap3A_1516, %swap3A_1517] {strides = array<i32>} : memref<16x768xf32, #tpu.memory_space<vmem>>, vector<16xf32>,
        tpu.vector_store %arg12[%swap3A_1516, %swap3A_1517], %add3A_1514 {strides = array<i32>} : memref<16x768xf32, #tpu.memory_space<vmem>>, vector<16xf32>,
        %add3A_1519 = arith.addf %scan3A_1386, %add3A_1514 : vector<16xf32>
        %mul3A_1520 = arith.mulf %add3A_1514, %add3A_1514 : vector<16xf32>
        %add3A_1521 = arith.addf %scan3A_1394, %mul3A_1520 : vector<16xf32>
        %get3A_1522 = arith.constant 6 : i32
        %get3A_1523 = arith.index_cast %get3A_1522 : i32 to index
        %get3A_1524 = arith.index_cast %mul3A_1398 : i32 to index
        %get3A_1525 = tpu.vector_load %arg12[%get3A_1523, %get3A_1524] {strides = array<i32>} : memref<16x768xf32, #tpu.memory_space<vmem>>, vector<16xf32>,
        %get3A_1526 = arith.constant 6 : i32
        %get3A_1527 = arith.index_cast %get3A_1526 : i32 to index
        %get3A_1528 = arith.index_cast %mul3A_1398 : i32 to index
        %get3A_1529 = tpu.vector_load %arg10[%get3A_1527, %get3A_1528] {strides = array<i32>} : memref<16x768xf32, #tpu.memory_space<vmem>>, vector<16xf32>,
        %add3A_1530 = arith.addf %get3A_1525, %get3A_1529 : vector<16xf32>
        %mul3A_1531 = arith.mulf %broadcast_in_dim3A_198, %sub3A_1407 : vector<16xf32>
        %add3A_1532 = arith.addf %get3A_1402, %mul3A_1531 : vector<16xf32>
        %add3A_1533 = arith.addf %add3A_1530, %add3A_1532 : vector<16xf32>
        %swap3A_1534 = arith.constant 6 : i32
        %swap3A_1535 = arith.index_cast %swap3A_1534 : i32 to index
        %swap3A_1536 = arith.index_cast %mul3A_1398 : i32 to index
        %swap3A_1537 = tpu.vector_load %arg12[%swap3A_1535, %swap3A_1536] {strides = array<i32>} : memref<16x768xf32, #tpu.memory_space<vmem>>, vector<16xf32>,
        tpu.vector_store %arg12[%swap3A_1535, %swap3A_1536], %add3A_1533 {strides = array<i32>} : memref<16x768xf32, #tpu.memory_space<vmem>>, vector<16xf32>,
        %add3A_1538 = arith.addf %scan3A_1387, %add3A_1533 : vector<16xf32>
        %mul3A_1539 = arith.mulf %add3A_1533, %add3A_1533 : vector<16xf32>
        %add3A_1540 = arith.addf %scan3A_1395, %mul3A_1539 : vector<16xf32>
        %get3A_1541 = arith.constant 7 : i32
        %get3A_1542 = arith.index_cast %get3A_1541 : i32 to index
        %get3A_1543 = arith.index_cast %mul3A_1398 : i32 to index
        %get3A_1544 = tpu.vector_load %arg12[%get3A_1542, %get3A_1543] {strides = array<i32>} : memref<16x768xf32, #tpu.memory_space<vmem>>, vector<16xf32>,
        %get3A_1545 = arith.constant 7 : i32
        %get3A_1546 = arith.index_cast %get3A_1545 : i32 to index
        %get3A_1547 = arith.index_cast %mul3A_1398 : i32 to index
        %get3A_1548 = tpu.vector_load %arg10[%get3A_1546, %get3A_1547] {strides = array<i32>} : memref<16x768xf32, #tpu.memory_space<vmem>>, vector<16xf32>,
        %add3A_1549 = arith.addf %get3A_1544, %get3A_1548 : vector<16xf32>
        %mul3A_1550 = arith.mulf %broadcast_in_dim3A_201, %sub3A_1407 : vector<16xf32>
        %add3A_1551 = arith.addf %get3A_1402, %mul3A_1550 : vector<16xf32>
        %add3A_1552 = arith.addf %add3A_1549, %add3A_1551 : vector<16xf32>
        %swap3A_1553 = arith.constant 7 : i32
        %swap3A_1554 = arith.index_cast %swap3A_1553 : i32 to index
        %swap3A_1555 = arith.index_cast %mul3A_1398 : i32 to index
        %swap3A_1556 = tpu.vector_load %arg12[%swap3A_1554, %swap3A_1555] {strides = array<i32>} : memref<16x768xf32, #tpu.memory_space<vmem>>, vector<16xf32>,
        tpu.vector_store %arg12[%swap3A_1554, %swap3A_1555], %add3A_1552 {strides = array<i32>} : memref<16x768xf32, #tpu.memory_space<vmem>>, vector<16xf32>,
        %add3A_1557 = arith.addf %scan3A_1388, %add3A_1552 : vector<16xf32>
        %mul3A_1558 = arith.mulf %add3A_1552, %add3A_1552 : vector<16xf32>
        %add3A_1559 = arith.addf %scan3A_1396, %mul3A_1558 : vector<16xf32>
        scf.yield %add3A_1424, %add3A_1443, %add3A_1462, %add3A_1481, %add3A_1500, %add3A_1519, %add3A_1538, %add3A_1557, %add3A_1426, %add3A_1445, %add3A_1464, %add3A_1483, %add3A_1502, %add3A_1521, %add3A_1540, %add3A_1559 : vector<16xf32>, vector<16xf32>, vector<16xf32>, vector<16xf32>, vector<16xf32>, vector<16xf32>, vector<16xf32>, vector<16xf32>, vector<16xf32>, vector<16xf32>, vector<16xf32>, vector<16xf32>, vector<16xf32>, vector<16xf32>, vector<16xf32>, vector<16xf32>
      }
      %scan3A_209 = arith.constant 48 : i32
      %slice3A_210 = vector.extract_strided_slice %convert_element_type3A_180 {offsets = [8], sizes = [1], strides = [1]} : vector<16xf32> to vector<1xf32>
      %squeeze3A_211 = vector.extract %slice3A_210[0] : f32 from vector<1xf32>
      %broadcast_in_dim3A_212 = vector.broadcast %squeeze3A_211 : f32 to vector<16xf32>
      %slice3A_213 = vector.extract_strided_slice %convert_element_type3A_180 {offsets = [9], sizes = [1], strides = [1]} : vector<16xf32> to vector<1xf32>
      %squeeze3A_214 = vector.extract %slice3A_213[0] : f32 from vector<1xf32>
      %broadcast_in_dim3A_215 = vector.broadcast %squeeze3A_214 : f32 to vector<16xf32>
      %slice3A_216 = vector.extract_strided_slice %convert_element_type3A_180 {offsets = [10], sizes = [1], strides = [1]} : vector<16xf32> to vector<1xf32>
      %squeeze3A_217 = vector.extract %slice3A_216[0] : f32 from vector<1xf32>
      %broadcast_in_dim3A_218 = vector.broadcast %squeeze3A_217 : f32 to vector<16xf32>
      %slice3A_219 = vector.extract_strided_slice %convert_element_type3A_180 {offsets = [11], sizes = [1], strides = [1]} : vector<16xf32> to vector<1xf32>
      %squeeze3A_220 = vector.extract %slice3A_219[0] : f32 from vector<1xf32>
      %broadcast_in_dim3A_221 = vector.broadcast %squeeze3A_220 : f32 to vector<16xf32>
      %slice3A_222 = vector.extract_strided_slice %convert_element_type3A_180 {offsets = [12], sizes = [1], strides = [1]} : vector<16xf32> to vector<1xf32>
      %squeeze3A_223 = vector.extract %slice3A_222[0] : f32 from vector<1xf32>
      %broadcast_in_dim3A_224 = vector.broadcast %squeeze3A_223 : f32 to vector<16xf32>
      %slice3A_225 = vector.extract_strided_slice %convert_element_type3A_180 {offsets = [13], sizes = [1], strides = [1]} : vector<16xf32> to vector<1xf32>
      %squeeze3A_226 = vector.extract %slice3A_225[0] : f32 from vector<1xf32>
      %broadcast_in_dim3A_227 = vector.broadcast %squeeze3A_226 : f32 to vector<16xf32>
      %slice3A_228 = vector.extract_strided_slice %convert_element_type3A_180 {offsets = [14], sizes = [1], strides = [1]} : vector<16xf32> to vector<1xf32>
      %squeeze3A_229 = vector.extract %slice3A_228[0] : f32 from vector<1xf32>
      %broadcast_in_dim3A_230 = vector.broadcast %squeeze3A_229 : f32 to vector<16xf32>
      %slice3A_231 = vector.extract_strided_slice %convert_element_type3A_180 {offsets = [15], sizes = [1], strides = [1]} : vector<16xf32> to vector<1xf32>
      %squeeze3A_232 = vector.extract %slice3A_231[0] : f32 from vector<1xf32>
      %broadcast_in_dim3A_233 = vector.broadcast %squeeze3A_232 : f32 to vector<16xf32>
      %broadcast_in_dim3A_234 = arith.constant 0.000000e+00 : f32
      %broadcast_in_dim3A_235 = vector.broadcast %broadcast_in_dim3A_234 : f32 to vector<16xf32>
      %scan3A_236 = arith.constant 0 : i32
      %scan3A_237 = arith.constant 48 : i32
      %scan3A_238 = arith.addi %scan3A_236, %scan3A_237 : i32
      %scan3A_239 = arith.constant 1 : i32
      %scan3A_240:16 = scf.for %scan3A_1380 = %scan3A_236 to %scan3A_238 step %scan3A_239 iter_args(%scan3A_1381 = %broadcast_in_dim3A_235, %scan3A_1382 = %broadcast_in_dim3A_235, %scan3A_1383 = %broadcast_in_dim3A_235, %scan3A_1384 = %broadcast_in_dim3A_235, %scan3A_1385 = %broadcast_in_dim3A_235, %scan3A_1386 = %broadcast_in_dim3A_235, %scan3A_1387 = %broadcast_in_dim3A_235, %scan3A_1388 = %broadcast_in_dim3A_235, %scan3A_1389 = %broadcast_in_dim3A_235, %scan3A_1390 = %broadcast_in_dim3A_235, %scan3A_1391 = %broadcast_in_dim3A_235, %scan3A_1392 = %broadcast_in_dim3A_235, %scan3A_1393 = %broadcast_in_dim3A_235, %scan3A_1394 = %broadcast_in_dim3A_235, %scan3A_1395 = %broadcast_in_dim3A_235, %scan3A_1396 = %broadcast_in_dim3A_235) -> (vector<16xf32>, vector<16xf32>, vector<16xf32>, vector<16xf32>, vector<16xf32>, vector<16xf32>, vector<16xf32>, vector<16xf32>, vector<16xf32>, vector<16xf32>, vector<16xf32>, vector<16xf32>, vector<16xf32>, vector<16xf32>, vector<16xf32>, vector<16xf32>)  : i32 {
        %mul3A_1397 = arith.constant 16 : i32
        %mul3A_1398 = arith.muli %scan3A_1380, %mul3A_1397 : i32
        %get3A_1399 = arith.constant 0 : i32
        %get3A_1400 = arith.index_cast %get3A_1399 : i32 to index
        %get3A_1401 = arith.index_cast %mul3A_1398 : i32 to index
        %get3A_1402 = tpu.vector_load %arg20[%get3A_1400, %get3A_1401] {strides = array<i32>} : memref<2x768xf32, #tpu.memory_space<vmem>>, vector<16xf32>,
        %get3A_1403 = arith.constant 1 : i32
        %get3A_1404 = arith.index_cast %get3A_1403 : i32 to index
        %get3A_1405 = arith.index_cast %mul3A_1398 : i32 to index
        %get3A_1406 = tpu.vector_load %arg20[%get3A_1404, %get3A_1405] {strides = array<i32>} : memref<2x768xf32, #tpu.memory_space<vmem>>, vector<16xf32>,
        %sub3A_1407 = arith.subf %get3A_1406, %get3A_1402 : vector<16xf32>
        %get3A_1408 = arith.constant 8 : i32
        %get3A_1409 = arith.index_cast %get3A_1408 : i32 to index
        %get3A_1410 = arith.index_cast %mul3A_1398 : i32 to index
        %get3A_1411 = tpu.vector_load %arg12[%get3A_1409, %get3A_1410] {strides = array<i32>} : memref<16x768xf32, #tpu.memory_space<vmem>>, vector<16xf32>,
        %get3A_1412 = arith.constant 8 : i32
        %get3A_1413 = arith.index_cast %get3A_1412 : i32 to index
        %get3A_1414 = arith.index_cast %mul3A_1398 : i32 to index
        %get3A_1415 = tpu.vector_load %arg10[%get3A_1413, %get3A_1414] {strides = array<i32>} : memref<16x768xf32, #tpu.memory_space<vmem>>, vector<16xf32>,
        %add3A_1416 = arith.addf %get3A_1411, %get3A_1415 : vector<16xf32>
        %mul3A_1417 = arith.mulf %broadcast_in_dim3A_212, %sub3A_1407 : vector<16xf32>
        %add3A_1418 = arith.addf %get3A_1402, %mul3A_1417 : vector<16xf32>
        %add3A_1419 = arith.addf %add3A_1416, %add3A_1418 : vector<16xf32>
        %swap3A_1420 = arith.constant 8 : i32
        %swap3A_1421 = arith.index_cast %swap3A_1420 : i32 to index
        %swap3A_1422 = arith.index_cast %mul3A_1398 : i32 to index
        %swap3A_1423 = tpu.vector_load %arg12[%swap3A_1421, %swap3A_1422] {strides = array<i32>} : memref<16x768xf32, #tpu.memory_space<vmem>>, vector<16xf32>,
        tpu.vector_store %arg12[%swap3A_1421, %swap3A_1422], %add3A_1419 {strides = array<i32>} : memref<16x768xf32, #tpu.memory_space<vmem>>, vector<16xf32>,
        %add3A_1424 = arith.addf %scan3A_1381, %add3A_1419 : vector<16xf32>
        %mul3A_1425 = arith.mulf %add3A_1419, %add3A_1419 : vector<16xf32>
        %add3A_1426 = arith.addf %scan3A_1389, %mul3A_1425 : vector<16xf32>
        %get3A_1427 = arith.constant 9 : i32
        %get3A_1428 = arith.index_cast %get3A_1427 : i32 to index
        %get3A_1429 = arith.index_cast %mul3A_1398 : i32 to index
        %get3A_1430 = tpu.vector_load %arg12[%get3A_1428, %get3A_1429] {strides = array<i32>} : memref<16x768xf32, #tpu.memory_space<vmem>>, vector<16xf32>,
        %get3A_1431 = arith.constant 9 : i32
        %get3A_1432 = arith.index_cast %get3A_1431 : i32 to index
        %get3A_1433 = arith.index_cast %mul3A_1398 : i32 to index
        %get3A_1434 = tpu.vector_load %arg10[%get3A_1432, %get3A_1433] {strides = array<i32>} : memref<16x768xf32, #tpu.memory_space<vmem>>, vector<16xf32>,
        %add3A_1435 = arith.addf %get3A_1430, %get3A_1434 : vector<16xf32>
        %mul3A_1436 = arith.mulf %broadcast_in_dim3A_215, %sub3A_1407 : vector<16xf32>
        %add3A_1437 = arith.addf %get3A_1402, %mul3A_1436 : vector<16xf32>
        %add3A_1438 = arith.addf %add3A_1435, %add3A_1437 : vector<16xf32>
        %swap3A_1439 = arith.constant 9 : i32
        %swap3A_1440 = arith.index_cast %swap3A_1439 : i32 to index
        %swap3A_1441 = arith.index_cast %mul3A_1398 : i32 to index
        %swap3A_1442 = tpu.vector_load %arg12[%swap3A_1440, %swap3A_1441] {strides = array<i32>} : memref<16x768xf32, #tpu.memory_space<vmem>>, vector<16xf32>,
        tpu.vector_store %arg12[%swap3A_1440, %swap3A_1441], %add3A_1438 {strides = array<i32>} : memref<16x768xf32, #tpu.memory_space<vmem>>, vector<16xf32>,
        %add3A_1443 = arith.addf %scan3A_1382, %add3A_1438 : vector<16xf32>
        %mul3A_1444 = arith.mulf %add3A_1438, %add3A_1438 : vector<16xf32>
        %add3A_1445 = arith.addf %scan3A_1390, %mul3A_1444 : vector<16xf32>
        %get3A_1446 = arith.constant 10 : i32
        %get3A_1447 = arith.index_cast %get3A_1446 : i32 to index
        %get3A_1448 = arith.index_cast %mul3A_1398 : i32 to index
        %get3A_1449 = tpu.vector_load %arg12[%get3A_1447, %get3A_1448] {strides = array<i32>} : memref<16x768xf32, #tpu.memory_space<vmem>>, vector<16xf32>,
        %get3A_1450 = arith.constant 10 : i32
        %get3A_1451 = arith.index_cast %get3A_1450 : i32 to index
        %get3A_1452 = arith.index_cast %mul3A_1398 : i32 to index
        %get3A_1453 = tpu.vector_load %arg10[%get3A_1451, %get3A_1452] {strides = array<i32>} : memref<16x768xf32, #tpu.memory_space<vmem>>, vector<16xf32>,
        %add3A_1454 = arith.addf %get3A_1449, %get3A_1453 : vector<16xf32>
        %mul3A_1455 = arith.mulf %broadcast_in_dim3A_218, %sub3A_1407 : vector<16xf32>
        %add3A_1456 = arith.addf %get3A_1402, %mul3A_1455 : vector<16xf32>
        %add3A_1457 = arith.addf %add3A_1454, %add3A_1456 : vector<16xf32>
        %swap3A_1458 = arith.constant 10 : i32
        %swap3A_1459 = arith.index_cast %swap3A_1458 : i32 to index
        %swap3A_1460 = arith.index_cast %mul3A_1398 : i32 to index
        %swap3A_1461 = tpu.vector_load %arg12[%swap3A_1459, %swap3A_1460] {strides = array<i32>} : memref<16x768xf32, #tpu.memory_space<vmem>>, vector<16xf32>,
        tpu.vector_store %arg12[%swap3A_1459, %swap3A_1460], %add3A_1457 {strides = array<i32>} : memref<16x768xf32, #tpu.memory_space<vmem>>, vector<16xf32>,
        %add3A_1462 = arith.addf %scan3A_1383, %add3A_1457 : vector<16xf32>
        %mul3A_1463 = arith.mulf %add3A_1457, %add3A_1457 : vector<16xf32>
        %add3A_1464 = arith.addf %scan3A_1391, %mul3A_1463 : vector<16xf32>
        %get3A_1465 = arith.constant 11 : i32
        %get3A_1466 = arith.index_cast %get3A_1465 : i32 to index
        %get3A_1467 = arith.index_cast %mul3A_1398 : i32 to index
        %get3A_1468 = tpu.vector_load %arg12[%get3A_1466, %get3A_1467] {strides = array<i32>} : memref<16x768xf32, #tpu.memory_space<vmem>>, vector<16xf32>,
        %get3A_1469 = arith.constant 11 : i32
        %get3A_1470 = arith.index_cast %get3A_1469 : i32 to index
        %get3A_1471 = arith.index_cast %mul3A_1398 : i32 to index
        %get3A_1472 = tpu.vector_load %arg10[%get3A_1470, %get3A_1471] {strides = array<i32>} : memref<16x768xf32, #tpu.memory_space<vmem>>, vector<16xf32>,
        %add3A_1473 = arith.addf %get3A_1468, %get3A_1472 : vector<16xf32>
        %mul3A_1474 = arith.mulf %broadcast_in_dim3A_221, %sub3A_1407 : vector<16xf32>
        %add3A_1475 = arith.addf %get3A_1402, %mul3A_1474 : vector<16xf32>
        %add3A_1476 = arith.addf %add3A_1473, %add3A_1475 : vector<16xf32>
        %swap3A_1477 = arith.constant 11 : i32
        %swap3A_1478 = arith.index_cast %swap3A_1477 : i32 to index
        %swap3A_1479 = arith.index_cast %mul3A_1398 : i32 to index
        %swap3A_1480 = tpu.vector_load %arg12[%swap3A_1478, %swap3A_1479] {strides = array<i32>} : memref<16x768xf32, #tpu.memory_space<vmem>>, vector<16xf32>,
        tpu.vector_store %arg12[%swap3A_1478, %swap3A_1479], %add3A_1476 {strides = array<i32>} : memref<16x768xf32, #tpu.memory_space<vmem>>, vector<16xf32>,
        %add3A_1481 = arith.addf %scan3A_1384, %add3A_1476 : vector<16xf32>
        %mul3A_1482 = arith.mulf %add3A_1476, %add3A_1476 : vector<16xf32>
        %add3A_1483 = arith.addf %scan3A_1392, %mul3A_1482 : vector<16xf32>
        %get3A_1484 = arith.constant 12 : i32
        %get3A_1485 = arith.index_cast %get3A_1484 : i32 to index
        %get3A_1486 = arith.index_cast %mul3A_1398 : i32 to index
        %get3A_1487 = tpu.vector_load %arg12[%get3A_1485, %get3A_1486] {strides = array<i32>} : memref<16x768xf32, #tpu.memory_space<vmem>>, vector<16xf32>,
        %get3A_1488 = arith.constant 12 : i32
        %get3A_1489 = arith.index_cast %get3A_1488 : i32 to index
        %get3A_1490 = arith.index_cast %mul3A_1398 : i32 to index
        %get3A_1491 = tpu.vector_load %arg10[%get3A_1489, %get3A_1490] {strides = array<i32>} : memref<16x768xf32, #tpu.memory_space<vmem>>, vector<16xf32>,
        %add3A_1492 = arith.addf %get3A_1487, %get3A_1491 : vector<16xf32>
        %mul3A_1493 = arith.mulf %broadcast_in_dim3A_224, %sub3A_1407 : vector<16xf32>
        %add3A_1494 = arith.addf %get3A_1402, %mul3A_1493 : vector<16xf32>
        %add3A_1495 = arith.addf %add3A_1492, %add3A_1494 : vector<16xf32>
        %swap3A_1496 = arith.constant 12 : i32
        %swap3A_1497 = arith.index_cast %swap3A_1496 : i32 to index
        %swap3A_1498 = arith.index_cast %mul3A_1398 : i32 to index
        %swap3A_1499 = tpu.vector_load %arg12[%swap3A_1497, %swap3A_1498] {strides = array<i32>} : memref<16x768xf32, #tpu.memory_space<vmem>>, vector<16xf32>,
        tpu.vector_store %arg12[%swap3A_1497, %swap3A_1498], %add3A_1495 {strides = array<i32>} : memref<16x768xf32, #tpu.memory_space<vmem>>, vector<16xf32>,
        %add3A_1500 = arith.addf %scan3A_1385, %add3A_1495 : vector<16xf32>
        %mul3A_1501 = arith.mulf %add3A_1495, %add3A_1495 : vector<16xf32>
        %add3A_1502 = arith.addf %scan3A_1393, %mul3A_1501 : vector<16xf32>
        %get3A_1503 = arith.constant 13 : i32
        %get3A_1504 = arith.index_cast %get3A_1503 : i32 to index
        %get3A_1505 = arith.index_cast %mul3A_1398 : i32 to index
        %get3A_1506 = tpu.vector_load %arg12[%get3A_1504, %get3A_1505] {strides = array<i32>} : memref<16x768xf32, #tpu.memory_space<vmem>>, vector<16xf32>,
        %get3A_1507 = arith.constant 13 : i32
        %get3A_1508 = arith.index_cast %get3A_1507 : i32 to index
        %get3A_1509 = arith.index_cast %mul3A_1398 : i32 to index
        %get3A_1510 = tpu.vector_load %arg10[%get3A_1508, %get3A_1509] {strides = array<i32>} : memref<16x768xf32, #tpu.memory_space<vmem>>, vector<16xf32>,
        %add3A_1511 = arith.addf %get3A_1506, %get3A_1510 : vector<16xf32>
        %mul3A_1512 = arith.mulf %broadcast_in_dim3A_227, %sub3A_1407 : vector<16xf32>
        %add3A_1513 = arith.addf %get3A_1402, %mul3A_1512 : vector<16xf32>
        %add3A_1514 = arith.addf %add3A_1511, %add3A_1513 : vector<16xf32>
        %swap3A_1515 = arith.constant 13 : i32
        %swap3A_1516 = arith.index_cast %swap3A_1515 : i32 to index
        %swap3A_1517 = arith.index_cast %mul3A_1398 : i32 to index
        %swap3A_1518 = tpu.vector_load %arg12[%swap3A_1516, %swap3A_1517] {strides = array<i32>} : memref<16x768xf32, #tpu.memory_space<vmem>>, vector<16xf32>,
        tpu.vector_store %arg12[%swap3A_1516, %swap3A_1517], %add3A_1514 {strides = array<i32>} : memref<16x768xf32, #tpu.memory_space<vmem>>, vector<16xf32>,
        %add3A_1519 = arith.addf %scan3A_1386, %add3A_1514 : vector<16xf32>
        %mul3A_1520 = arith.mulf %add3A_1514, %add3A_1514 : vector<16xf32>
        %add3A_1521 = arith.addf %scan3A_1394, %mul3A_1520 : vector<16xf32>
        %get3A_1522 = arith.constant 14 : i32
        %get3A_1523 = arith.index_cast %get3A_1522 : i32 to index
        %get3A_1524 = arith.index_cast %mul3A_1398 : i32 to index
        %get3A_1525 = tpu.vector_load %arg12[%get3A_1523, %get3A_1524] {strides = array<i32>} : memref<16x768xf32, #tpu.memory_space<vmem>>, vector<16xf32>,
        %get3A_1526 = arith.constant 14 : i32
        %get3A_1527 = arith.index_cast %get3A_1526 : i32 to index
        %get3A_1528 = arith.index_cast %mul3A_1398 : i32 to index
        %get3A_1529 = tpu.vector_load %arg10[%get3A_1527, %get3A_1528] {strides = array<i32>} : memref<16x768xf32, #tpu.memory_space<vmem>>, vector<16xf32>,
        %add3A_1530 = arith.addf %get3A_1525, %get3A_1529 : vector<16xf32>
        %mul3A_1531 = arith.mulf %broadcast_in_dim3A_230, %sub3A_1407 : vector<16xf32>
        %add3A_1532 = arith.addf %get3A_1402, %mul3A_1531 : vector<16xf32>
        %add3A_1533 = arith.addf %add3A_1530, %add3A_1532 : vector<16xf32>
        %swap3A_1534 = arith.constant 14 : i32
        %swap3A_1535 = arith.index_cast %swap3A_1534 : i32 to index
        %swap3A_1536 = arith.index_cast %mul3A_1398 : i32 to index
        %swap3A_1537 = tpu.vector_load %arg12[%swap3A_1535, %swap3A_1536] {strides = array<i32>} : memref<16x768xf32, #tpu.memory_space<vmem>>, vector<16xf32>,
        tpu.vector_store %arg12[%swap3A_1535, %swap3A_1536], %add3A_1533 {strides = array<i32>} : memref<16x768xf32, #tpu.memory_space<vmem>>, vector<16xf32>,
        %add3A_1538 = arith.addf %scan3A_1387, %add3A_1533 : vector<16xf32>
        %mul3A_1539 = arith.mulf %add3A_1533, %add3A_1533 : vector<16xf32>
        %add3A_1540 = arith.addf %scan3A_1395, %mul3A_1539 : vector<16xf32>
        %get3A_1541 = arith.constant 15 : i32
        %get3A_1542 = arith.index_cast %get3A_1541 : i32 to index
        %get3A_1543 = arith.index_cast %mul3A_1398 : i32 to index
        %get3A_1544 = tpu.vector_load %arg12[%get3A_1542, %get3A_1543] {strides = array<i32>} : memref<16x768xf32, #tpu.memory_space<vmem>>, vector<16xf32>,
        %get3A_1545 = arith.constant 15 : i32
        %get3A_1546 = arith.index_cast %get3A_1545 : i32 to index
        %get3A_1547 = arith.index_cast %mul3A_1398 : i32 to index
        %get3A_1548 = tpu.vector_load %arg10[%get3A_1546, %get3A_1547] {strides = array<i32>} : memref<16x768xf32, #tpu.memory_space<vmem>>, vector<16xf32>,
        %add3A_1549 = arith.addf %get3A_1544, %get3A_1548 : vector<16xf32>
        %mul3A_1550 = arith.mulf %broadcast_in_dim3A_233, %sub3A_1407 : vector<16xf32>
        %add3A_1551 = arith.addf %get3A_1402, %mul3A_1550 : vector<16xf32>
        %add3A_1552 = arith.addf %add3A_1549, %add3A_1551 : vector<16xf32>
        %swap3A_1553 = arith.constant 15 : i32
        %swap3A_1554 = arith.index_cast %swap3A_1553 : i32 to index
        %swap3A_1555 = arith.index_cast %mul3A_1398 : i32 to index
        %swap3A_1556 = tpu.vector_load %arg12[%swap3A_1554, %swap3A_1555] {strides = array<i32>} : memref<16x768xf32, #tpu.memory_space<vmem>>, vector<16xf32>,
        tpu.vector_store %arg12[%swap3A_1554, %swap3A_1555], %add3A_1552 {strides = array<i32>} : memref<16x768xf32, #tpu.memory_space<vmem>>, vector<16xf32>,
        %add3A_1557 = arith.addf %scan3A_1388, %add3A_1552 : vector<16xf32>
        %mul3A_1558 = arith.mulf %add3A_1552, %add3A_1552 : vector<16xf32>
        %add3A_1559 = arith.addf %scan3A_1396, %mul3A_1558 : vector<16xf32>
        scf.yield %add3A_1424, %add3A_1443, %add3A_1462, %add3A_1481, %add3A_1500, %add3A_1519, %add3A_1538, %add3A_1557, %add3A_1426, %add3A_1445, %add3A_1464, %add3A_1483, %add3A_1502, %add3A_1521, %add3A_1540, %add3A_1559 : vector<16xf32>, vector<16xf32>, vector<16xf32>, vector<16xf32>, vector<16xf32>, vector<16xf32>, vector<16xf32>, vector<16xf32>, vector<16xf32>, vector<16xf32>, vector<16xf32>, vector<16xf32>, vector<16xf32>, vector<16xf32>, vector<16xf32>, vector<16xf32>
      }
      %scan3A_241 = arith.constant 48 : i32
      %swap3A = arith.constant 0 : i32
      %swap3A_242 = arith.index_cast %swap3A : i32 to index
      %swap3A_243 = arith.constant 0 : index
      %swap3A_244 = tpu.vector_load %arg21[%swap3A_242, %swap3A_243] {strides = array<i32>} : memref<32x24xf32, #tpu.memory_space<vmem>>, vector<16xf32>,
      tpu.vector_store %arg21[%swap3A_242, %swap3A_243], %scan3A_208#0 {strides = array<i32>} : memref<32x24xf32, #tpu.memory_space<vmem>>, vector<16xf32>,
      %swap3A_245 = arith.constant 8 : i32
      %swap3A_246 = arith.index_cast %swap3A_245 : i32 to index
      %swap3A_247 = arith.constant 0 : index
      %swap3A_248 = tpu.vector_load %arg21[%swap3A_246, %swap3A_247] {strides = array<i32>} : memref<32x24xf32, #tpu.memory_space<vmem>>, vector<16xf32>,
      tpu.vector_store %arg21[%swap3A_246, %swap3A_247], %scan3A_240#0 {strides = array<i32>} : memref<32x24xf32, #tpu.memory_space<vmem>>, vector<16xf32>,
      %swap3A_249 = arith.constant 16 : i32
      %swap3A_250 = arith.index_cast %swap3A_249 : i32 to index
      %swap3A_251 = arith.constant 0 : index
      %swap3A_252 = tpu.vector_load %arg21[%swap3A_250, %swap3A_251] {strides = array<i32>} : memref<32x24xf32, #tpu.memory_space<vmem>>, vector<16xf32>,
      tpu.vector_store %arg21[%swap3A_250, %swap3A_251], %scan3A_208#8 {strides = array<i32>} : memref<32x24xf32, #tpu.memory_space<vmem>>, vector<16xf32>,
      %swap3A_253 = arith.constant 24 : i32
      %swap3A_254 = arith.index_cast %swap3A_253 : i32 to index
      %swap3A_255 = arith.constant 0 : index
      %swap3A_256 = tpu.vector_load %arg21[%swap3A_254, %swap3A_255] {strides = array<i32>} : memref<32x24xf32, #tpu.memory_space<vmem>>, vector<16xf32>,
      tpu.vector_store %arg21[%swap3A_254, %swap3A_255], %scan3A_240#8 {strides = array<i32>} : memref<32x24xf32, #tpu.memory_space<vmem>>, vector<16xf32>,
      %swap3A_257 = arith.constant 1 : i32
      %swap3A_258 = arith.index_cast %swap3A_257 : i32 to index
      %swap3A_259 = arith.constant 0 : index
      %swap3A_260 = tpu.vector_load %arg21[%swap3A_258, %swap3A_259] {strides = array<i32>} : memref<32x24xf32, #tpu.memory_space<vmem>>, vector<16xf32>,
      tpu.vector_store %arg21[%swap3A_258, %swap3A_259], %scan3A_208#1 {strides = array<i32>} : memref<32x24xf32, #tpu.memory_space<vmem>>, vector<16xf32>,
      %swap3A_261 = arith.constant 9 : i32
      %swap3A_262 = arith.index_cast %swap3A_261 : i32 to index
      %swap3A_263 = arith.constant 0 : index
      %swap3A_264 = tpu.vector_load %arg21[%swap3A_262, %swap3A_263] {strides = array<i32>} : memref<32x24xf32, #tpu.memory_space<vmem>>, vector<16xf32>,
      tpu.vector_store %arg21[%swap3A_262, %swap3A_263], %scan3A_240#1 {strides = array<i32>} : memref<32x24xf32, #tpu.memory_space<vmem>>, vector<16xf32>,
      %swap3A_265 = arith.constant 17 : i32
      %swap3A_266 = arith.index_cast %swap3A_265 : i32 to index
      %swap3A_267 = arith.constant 0 : index
      %swap3A_268 = tpu.vector_load %arg21[%swap3A_266, %swap3A_267] {strides = array<i32>} : memref<32x24xf32, #tpu.memory_space<vmem>>, vector<16xf32>,
      tpu.vector_store %arg21[%swap3A_266, %swap3A_267], %scan3A_208#9 {strides = array<i32>} : memref<32x24xf32, #tpu.memory_space<vmem>>, vector<16xf32>,
      %swap3A_269 = arith.constant 25 : i32
      %swap3A_270 = arith.index_cast %swap3A_269 : i32 to index
      %swap3A_271 = arith.constant 0 : index
      %swap3A_272 = tpu.vector_load %arg21[%swap3A_270, %swap3A_271] {strides = array<i32>} : memref<32x24xf32, #tpu.memory_space<vmem>>, vector<16xf32>,
      tpu.vector_store %arg21[%swap3A_270, %swap3A_271], %scan3A_240#9 {strides = array<i32>} : memref<32x24xf32, #tpu.memory_space<vmem>>, vector<16xf32>,
      %swap3A_273 = arith.constant 2 : i32
      %swap3A_274 = arith.index_cast %swap3A_273 : i32 to index
      %swap3A_275 = arith.constant 0 : index
      %swap3A_276 = tpu.vector_load %arg21[%swap3A_274, %swap3A_275] {strides = array<i32>} : memref<32x24xf32, #tpu.memory_space<vmem>>, vector<16xf32>,
      tpu.vector_store %arg21[%swap3A_274, %swap3A_275], %scan3A_208#2 {strides = array<i32>} : memref<32x24xf32, #tpu.memory_space<vmem>>, vector<16xf32>,
      %swap3A_277 = arith.constant 10 : i32
      %swap3A_278 = arith.index_cast %swap3A_277 : i32 to index
      %swap3A_279 = arith.constant 0 : index
      %swap3A_280 = tpu.vector_load %arg21[%swap3A_278, %swap3A_279] {strides = array<i32>} : memref<32x24xf32, #tpu.memory_space<vmem>>, vector<16xf32>,
      tpu.vector_store %arg21[%swap3A_278, %swap3A_279], %scan3A_240#2 {strides = array<i32>} : memref<32x24xf32, #tpu.memory_space<vmem>>, vector<16xf32>,
      %swap3A_281 = arith.constant 18 : i32
      %swap3A_282 = arith.index_cast %swap3A_281 : i32 to index
      %swap3A_283 = arith.constant 0 : index
      %swap3A_284 = tpu.vector_load %arg21[%swap3A_282, %swap3A_283] {strides = array<i32>} : memref<32x24xf32, #tpu.memory_space<vmem>>, vector<16xf32>,
      tpu.vector_store %arg21[%swap3A_282, %swap3A_283], %scan3A_208#10 {strides = array<i32>} : memref<32x24xf32, #tpu.memory_space<vmem>>, vector<16xf32>,
      %swap3A_285 = arith.constant 26 : i32
      %swap3A_286 = arith.index_cast %swap3A_285 : i32 to index
      %swap3A_287 = arith.constant 0 : index
      %swap3A_288 = tpu.vector_load %arg21[%swap3A_286, %swap3A_287] {strides = array<i32>} : memref<32x24xf32, #tpu.memory_space<vmem>>, vector<16xf32>,
      tpu.vector_store %arg21[%swap3A_286, %swap3A_287], %scan3A_240#10 {strides = array<i32>} : memref<32x24xf32, #tpu.memory_space<vmem>>, vector<16xf32>,
      %swap3A_289 = arith.constant 3 : i32
      %swap3A_290 = arith.index_cast %swap3A_289 : i32 to index
      %swap3A_291 = arith.constant 0 : index
      %swap3A_292 = tpu.vector_load %arg21[%swap3A_290, %swap3A_291] {strides = array<i32>} : memref<32x24xf32, #tpu.memory_space<vmem>>, vector<16xf32>,
      tpu.vector_store %arg21[%swap3A_290, %swap3A_291], %scan3A_208#3 {strides = array<i32>} : memref<32x24xf32, #tpu.memory_space<vmem>>, vector<16xf32>,
      %swap3A_293 = arith.constant 11 : i32
      %swap3A_294 = arith.index_cast %swap3A_293 : i32 to index
      %swap3A_295 = arith.constant 0 : index
      %swap3A_296 = tpu.vector_load %arg21[%swap3A_294, %swap3A_295] {strides = array<i32>} : memref<32x24xf32, #tpu.memory_space<vmem>>, vector<16xf32>,
      tpu.vector_store %arg21[%swap3A_294, %swap3A_295], %scan3A_240#3 {strides = array<i32>} : memref<32x24xf32, #tpu.memory_space<vmem>>, vector<16xf32>,
      %swap3A_297 = arith.constant 19 : i32
      %swap3A_298 = arith.index_cast %swap3A_297 : i32 to index
      %swap3A_299 = arith.constant 0 : index
      %swap3A_300 = tpu.vector_load %arg21[%swap3A_298, %swap3A_299] {strides = array<i32>} : memref<32x24xf32, #tpu.memory_space<vmem>>, vector<16xf32>,
      tpu.vector_store %arg21[%swap3A_298, %swap3A_299], %scan3A_208#11 {strides = array<i32>} : memref<32x24xf32, #tpu.memory_space<vmem>>, vector<16xf32>,
      %swap3A_301 = arith.constant 27 : i32
      %swap3A_302 = arith.index_cast %swap3A_301 : i32 to index
      %swap3A_303 = arith.constant 0 : index
      %swap3A_304 = tpu.vector_load %arg21[%swap3A_302, %swap3A_303] {strides = array<i32>} : memref<32x24xf32, #tpu.memory_space<vmem>>, vector<16xf32>,
      tpu.vector_store %arg21[%swap3A_302, %swap3A_303], %scan3A_240#11 {strides = array<i32>} : memref<32x24xf32, #tpu.memory_space<vmem>>, vector<16xf32>,
      %swap3A_305 = arith.constant 4 : i32
      %swap3A_306 = arith.index_cast %swap3A_305 : i32 to index
      %swap3A_307 = arith.constant 0 : index
      %swap3A_308 = tpu.vector_load %arg21[%swap3A_306, %swap3A_307] {strides = array<i32>} : memref<32x24xf32, #tpu.memory_space<vmem>>, vector<16xf32>,
      tpu.vector_store %arg21[%swap3A_306, %swap3A_307], %scan3A_208#4 {strides = array<i32>} : memref<32x24xf32, #tpu.memory_space<vmem>>, vector<16xf32>,
      %swap3A_309 = arith.constant 12 : i32
      %swap3A_310 = arith.index_cast %swap3A_309 : i32 to index
      %swap3A_311 = arith.constant 0 : index
      %swap3A_312 = tpu.vector_load %arg21[%swap3A_310, %swap3A_311] {strides = array<i32>} : memref<32x24xf32, #tpu.memory_space<vmem>>, vector<16xf32>,
      tpu.vector_store %arg21[%swap3A_310, %swap3A_311], %scan3A_240#4 {strides = array<i32>} : memref<32x24xf32, #tpu.memory_space<vmem>>, vector<16xf32>,
      %swap3A_313 = arith.constant 20 : i32
      %swap3A_314 = arith.index_cast %swap3A_313 : i32 to index
      %swap3A_315 = arith.constant 0 : index
      %swap3A_316 = tpu.vector_load %arg21[%swap3A_314, %swap3A_315] {strides = array<i32>} : memref<32x24xf32, #tpu.memory_space<vmem>>, vector<16xf32>,
      tpu.vector_store %arg21[%swap3A_314, %swap3A_315], %scan3A_208#12 {strides = array<i32>} : memref<32x24xf32, #tpu.memory_space<vmem>>, vector<16xf32>,
      %swap3A_317 = arith.constant 28 : i32
      %swap3A_318 = arith.index_cast %swap3A_317 : i32 to index
      %swap3A_319 = arith.constant 0 : index
      %swap3A_320 = tpu.vector_load %arg21[%swap3A_318, %swap3A_319] {strides = array<i32>} : memref<32x24xf32, #tpu.memory_space<vmem>>, vector<16xf32>,
      tpu.vector_store %arg21[%swap3A_318, %swap3A_319], %scan3A_240#12 {strides = array<i32>} : memref<32x24xf32, #tpu.memory_space<vmem>>, vector<16xf32>,
      %swap3A_321 = arith.constant 5 : i32
      %swap3A_322 = arith.index_cast %swap3A_321 : i32 to index
      %swap3A_323 = arith.constant 0 : index
      %swap3A_324 = tpu.vector_load %arg21[%swap3A_322, %swap3A_323] {strides = array<i32>} : memref<32x24xf32, #tpu.memory_space<vmem>>, vector<16xf32>,
      tpu.vector_store %arg21[%swap3A_322, %swap3A_323], %scan3A_208#5 {strides = array<i32>} : memref<32x24xf32, #tpu.memory_space<vmem>>, vector<16xf32>,
      %swap3A_325 = arith.constant 13 : i32
      %swap3A_326 = arith.index_cast %swap3A_325 : i32 to index
      %swap3A_327 = arith.constant 0 : index
      %swap3A_328 = tpu.vector_load %arg21[%swap3A_326, %swap3A_327] {strides = array<i32>} : memref<32x24xf32, #tpu.memory_space<vmem>>, vector<16xf32>,
      tpu.vector_store %arg21[%swap3A_326, %swap3A_327], %scan3A_240#5 {strides = array<i32>} : memref<32x24xf32, #tpu.memory_space<vmem>>, vector<16xf32>,
      %swap3A_329 = arith.constant 21 : i32
      %swap3A_330 = arith.index_cast %swap3A_329 : i32 to index
      %swap3A_331 = arith.constant 0 : index
      %swap3A_332 = tpu.vector_load %arg21[%swap3A_330, %swap3A_331] {strides = array<i32>} : memref<32x24xf32, #tpu.memory_space<vmem>>, vector<16xf32>,
      tpu.vector_store %arg21[%swap3A_330, %swap3A_331], %scan3A_208#13 {strides = array<i32>} : memref<32x24xf32, #tpu.memory_space<vmem>>, vector<16xf32>,
      %swap3A_333 = arith.constant 29 : i32
      %swap3A_334 = arith.index_cast %swap3A_333 : i32 to index
      %swap3A_335 = arith.constant 0 : index
      %swap3A_336 = tpu.vector_load %arg21[%swap3A_334, %swap3A_335] {strides = array<i32>} : memref<32x24xf32, #tpu.memory_space<vmem>>, vector<16xf32>,
      tpu.vector_store %arg21[%swap3A_334, %swap3A_335], %scan3A_240#13 {strides = array<i32>} : memref<32x24xf32, #tpu.memory_space<vmem>>, vector<16xf32>,
      %swap3A_337 = arith.constant 6 : i32
      %swap3A_338 = arith.index_cast %swap3A_337 : i32 to index
      %swap3A_339 = arith.constant 0 : index
      %swap3A_340 = tpu.vector_load %arg21[%swap3A_338, %swap3A_339] {strides = array<i32>} : memref<32x24xf32, #tpu.memory_space<vmem>>, vector<16xf32>,
      tpu.vector_store %arg21[%swap3A_338, %swap3A_339], %scan3A_208#6 {strides = array<i32>} : memref<32x24xf32, #tpu.memory_space<vmem>>, vector<16xf32>,
      %swap3A_341 = arith.constant 14 : i32
      %swap3A_342 = arith.index_cast %swap3A_341 : i32 to index
      %swap3A_343 = arith.constant 0 : index
      %swap3A_344 = tpu.vector_load %arg21[%swap3A_342, %swap3A_343] {strides = array<i32>} : memref<32x24xf32, #tpu.memory_space<vmem>>, vector<16xf32>,
      tpu.vector_store %arg21[%swap3A_342, %swap3A_343], %scan3A_240#6 {strides = array<i32>} : memref<32x24xf32, #tpu.memory_space<vmem>>, vector<16xf32>,
      %swap3A_345 = arith.constant 22 : i32
      %swap3A_346 = arith.index_cast %swap3A_345 : i32 to index
      %swap3A_347 = arith.constant 0 : index
      %swap3A_348 = tpu.vector_load %arg21[%swap3A_346, %swap3A_347] {strides = array<i32>} : memref<32x24xf32, #tpu.memory_space<vmem>>, vector<16xf32>,
      tpu.vector_store %arg21[%swap3A_346, %swap3A_347], %scan3A_208#14 {strides = array<i32>} : memref<32x24xf32, #tpu.memory_space<vmem>>, vector<16xf32>,
      %swap3A_349 = arith.constant 30 : i32
      %swap3A_350 = arith.index_cast %swap3A_349 : i32 to index
      %swap3A_351 = arith.constant 0 : index
      %swap3A_352 = tpu.vector_load %arg21[%swap3A_350, %swap3A_351] {strides = array<i32>} : memref<32x24xf32, #tpu.memory_space<vmem>>, vector<16xf32>,
      tpu.vector_store %arg21[%swap3A_350, %swap3A_351], %scan3A_240#14 {strides = array<i32>} : memref<32x24xf32, #tpu.memory_space<vmem>>, vector<16xf32>,
      %swap3A_353 = arith.constant 7 : i32
      %swap3A_354 = arith.index_cast %swap3A_353 : i32 to index
      %swap3A_355 = arith.constant 0 : index
      %swap3A_356 = tpu.vector_load %arg21[%swap3A_354, %swap3A_355] {strides = array<i32>} : memref<32x24xf32, #tpu.memory_space<vmem>>, vector<16xf32>,
      tpu.vector_store %arg21[%swap3A_354, %swap3A_355], %scan3A_208#7 {strides = array<i32>} : memref<32x24xf32, #tpu.memory_space<vmem>>, vector<16xf32>,
      %swap3A_357 = arith.constant 15 : i32
      %swap3A_358 = arith.index_cast %swap3A_357 : i32 to index
      %swap3A_359 = arith.constant 0 : index
      %swap3A_360 = tpu.vector_load %arg21[%swap3A_358, %swap3A_359] {strides = array<i32>} : memref<32x24xf32, #tpu.memory_space<vmem>>, vector<16xf32>,
      tpu.vector_store %arg21[%swap3A_358, %swap3A_359], %scan3A_240#7 {strides = array<i32>} : memref<32x24xf32, #tpu.memory_space<vmem>>, vector<16xf32>,
      %swap3A_361 = arith.constant 23 : i32
      %swap3A_362 = arith.index_cast %swap3A_361 : i32 to index
      %swap3A_363 = arith.constant 0 : index
      %swap3A_364 = tpu.vector_load %arg21[%swap3A_362, %swap3A_363] {strides = array<i32>} : memref<32x24xf32, #tpu.memory_space<vmem>>, vector<16xf32>,
      tpu.vector_store %arg21[%swap3A_362, %swap3A_363], %scan3A_208#15 {strides = array<i32>} : memref<32x24xf32, #tpu.memory_space<vmem>>, vector<16xf32>,
      %swap3A_365 = arith.constant 31 : i32
      %swap3A_366 = arith.index_cast %swap3A_365 : i32 to index
      %swap3A_367 = arith.constant 0 : index
      %swap3A_368 = tpu.vector_load %arg21[%swap3A_366, %swap3A_367] {strides = array<i32>} : memref<32x24xf32, #tpu.memory_space<vmem>>, vector<16xf32>,
      tpu.vector_store %arg21[%swap3A_366, %swap3A_367], %scan3A_240#15 {strides = array<i32>} : memref<32x24xf32, #tpu.memory_space<vmem>>, vector<16xf32>,
      %broadcast_in_dim3A_369 = arith.constant 0 : i32
      %broadcast_in_dim3A_370 = vector.broadcast %broadcast_in_dim3A_369 : i32 to vector<16xi32>
      %gather3A = tpu.vector_load_idx %arg21[%iota3A, %broadcast_in_dim3A_370] : memref<32x24xf32, #tpu.memory_space<vmem>>[vector<16xi32>, vector<16xi32>], vector<16xf32>,
      %add3A_371 = arith.constant 16 : i32
      %add3A_372 = vector.broadcast %add3A_371 : i32 to vector<16xi32>
      %add3A_373 = arith.addi %iota3A, %add3A_372 : vector<16xi32>
      %broadcast_in_dim3A_374 = arith.constant 0 : i32
      %broadcast_in_dim3A_375 = vector.broadcast %broadcast_in_dim3A_374 : i32 to vector<16xi32>
      %gather3A_376 = tpu.vector_load_idx %arg21[%add3A_373, %broadcast_in_dim3A_375] : memref<32x24xf32, #tpu.memory_space<vmem>>[vector<16xi32>, vector<16xi32>], vector<16xf32>,
      %broadcast_in_dim3A_377 = arith.constant 1 : i32
      %broadcast_in_dim3A_378 = vector.broadcast %broadcast_in_dim3A_377 : i32 to vector<16xi32>
      %gather3A_379 = tpu.vector_load_idx %arg21[%iota3A, %broadcast_in_dim3A_378] : memref<32x24xf32, #tpu.memory_space<vmem>>[vector<16xi32>, vector<16xi32>], vector<16xf32>,
      %add3A_380 = arith.addf %gather3A, %gather3A_379 : vector<16xf32>
      %add3A_381 = arith.constant 16 : i32
      %add3A_382 = vector.broadcast %add3A_381 : i32 to vector<16xi32>
      %add3A_383 = arith.addi %iota3A, %add3A_382 : vector<16xi32>
      %gather3A_384 = tpu.vector_load_idx %arg21[%add3A_383, %broadcast_in_dim3A_378] : memref<32x24xf32, #tpu.memory_space<vmem>>[vector<16xi32>, vector<16xi32>], vector<16xf32>,
      %add3A_385 = arith.addf %gather3A_376, %gather3A_384 : vector<16xf32>
      %broadcast_in_dim3A_386 = arith.constant 2 : i32
      %broadcast_in_dim3A_387 = vector.broadcast %broadcast_in_dim3A_386 : i32 to vector<16xi32>
      %gather3A_388 = tpu.vector_load_idx %arg21[%iota3A, %broadcast_in_dim3A_387] : memref<32x24xf32, #tpu.memory_space<vmem>>[vector<16xi32>, vector<16xi32>], vector<16xf32>,
      %add3A_389 = arith.addf %add3A_380, %gather3A_388 : vector<16xf32>
      %add3A_390 = arith.constant 16 : i32
      %add3A_391 = vector.broadcast %add3A_390 : i32 to vector<16xi32>
      %add3A_392 = arith.addi %iota3A, %add3A_391 : vector<16xi32>
      %gather3A_393 = tpu.vector_load_idx %arg21[%add3A_392, %broadcast_in_dim3A_387] : memref<32x24xf32, #tpu.memory_space<vmem>>[vector<16xi32>, vector<16xi32>], vector<16xf32>,
      %add3A_394 = arith.addf %add3A_385, %gather3A_393 : vector<16xf32>
      %broadcast_in_dim3A_395 = arith.constant 3 : i32
      %broadcast_in_dim3A_396 = vector.broadcast %broadcast_in_dim3A_395 : i32 to vector<16xi32>
      %gather3A_397 = tpu.vector_load_idx %arg21[%iota3A, %broadcast_in_dim3A_396] : memref<32x24xf32, #tpu.memory_space<vmem>>[vector<16xi32>, vector<16xi32>], vector<16xf32>,
      %add3A_398 = arith.addf %add3A_389, %gather3A_397 : vector<16xf32>
      %add3A_399 = arith.constant 16 : i32
      %add3A_400 = vector.broadcast %add3A_399 : i32 to vector<16xi32>
      %add3A_401 = arith.addi %iota3A, %add3A_400 : vector<16xi32>
      %gather3A_402 = tpu.vector_load_idx %arg21[%add3A_401, %broadcast_in_dim3A_396] : memref<32x24xf32, #tpu.memory_space<vmem>>[vector<16xi32>, vector<16xi32>], vector<16xf32>,
      %add3A_403 = arith.addf %add3A_394, %gather3A_402 : vector<16xf32>
      %broadcast_in_dim3A_404 = arith.constant 4 : i32
      %broadcast_in_dim3A_405 = vector.broadcast %broadcast_in_dim3A_404 : i32 to vector<16xi32>
      %gather3A_406 = tpu.vector_load_idx %arg21[%iota3A, %broadcast_in_dim3A_405] : memref<32x24xf32, #tpu.memory_space<vmem>>[vector<16xi32>, vector<16xi32>], vector<16xf32>,
      %add3A_407 = arith.addf %add3A_398, %gather3A_406 : vector<16xf32>
      %add3A_408 = arith.constant 16 : i32
      %add3A_409 = vector.broadcast %add3A_408 : i32 to vector<16xi32>
      %add3A_410 = arith.addi %iota3A, %add3A_409 : vector<16xi32>
      %gather3A_411 = tpu.vector_load_idx %arg21[%add3A_410, %broadcast_in_dim3A_405] : memref<32x24xf32, #tpu.memory_space<vmem>>[vector<16xi32>, vector<16xi32>], vector<16xf32>,
      %add3A_412 = arith.addf %add3A_403, %gather3A_411 : vector<16xf32>
      %broadcast_in_dim3A_413 = arith.constant 5 : i32
      %broadcast_in_dim3A_414 = vector.broadcast %broadcast_in_dim3A_413 : i32 to vector<16xi32>
      %gather3A_415 = tpu.vector_load_idx %arg21[%iota3A, %broadcast_in_dim3A_414] : memref<32x24xf32, #tpu.memory_space<vmem>>[vector<16xi32>, vector<16xi32>], vector<16xf32>,
      %add3A_416 = arith.addf %add3A_407, %gather3A_415 : vector<16xf32>
      %add3A_417 = arith.constant 16 : i32
      %add3A_418 = vector.broadcast %add3A_417 : i32 to vector<16xi32>
      %add3A_419 = arith.addi %iota3A, %add3A_418 : vector<16xi32>
      %gather3A_420 = tpu.vector_load_idx %arg21[%add3A_419, %broadcast_in_dim3A_414] : memref<32x24xf32, #tpu.memory_space<vmem>>[vector<16xi32>, vector<16xi32>], vector<16xf32>,
      %add3A_421 = arith.addf %add3A_412, %gather3A_420 : vector<16xf32>
      %broadcast_in_dim3A_422 = arith.constant 6 : i32
      %broadcast_in_dim3A_423 = vector.broadcast %broadcast_in_dim3A_422 : i32 to vector<16xi32>
      %gather3A_424 = tpu.vector_load_idx %arg21[%iota3A, %broadcast_in_dim3A_423] : memref<32x24xf32, #tpu.memory_space<vmem>>[vector<16xi32>, vector<16xi32>], vector<16xf32>,
      %add3A_425 = arith.addf %add3A_416, %gather3A_424 : vector<16xf32>
      %add3A_426 = arith.constant 16 : i32
      %add3A_427 = vector.broadcast %add3A_426 : i32 to vector<16xi32>
      %add3A_428 = arith.addi %iota3A, %add3A_427 : vector<16xi32>
      %gather3A_429 = tpu.vector_load_idx %arg21[%add3A_428, %broadcast_in_dim3A_423] : memref<32x24xf32, #tpu.memory_space<vmem>>[vector<16xi32>, vector<16xi32>], vector<16xf32>,
      %add3A_430 = arith.addf %add3A_421, %gather3A_429 : vector<16xf32>
      %broadcast_in_dim3A_431 = arith.constant 7 : i32
      %broadcast_in_dim3A_432 = vector.broadcast %broadcast_in_dim3A_431 : i32 to vector<16xi32>
      %gather3A_433 = tpu.vector_load_idx %arg21[%iota3A, %broadcast_in_dim3A_432] : memref<32x24xf32, #tpu.memory_space<vmem>>[vector<16xi32>, vector<16xi32>], vector<16xf32>,
      %add3A_434 = arith.addf %add3A_425, %gather3A_433 : vector<16xf32>
      %add3A_435 = arith.constant 16 : i32
      %add3A_436 = vector.broadcast %add3A_435 : i32 to vector<16xi32>
      %add3A_437 = arith.addi %iota3A, %add3A_436 : vector<16xi32>
      %gather3A_438 = tpu.vector_load_idx %arg21[%add3A_437, %broadcast_in_dim3A_432] : memref<32x24xf32, #tpu.memory_space<vmem>>[vector<16xi32>, vector<16xi32>], vector<16xf32>,
      %add3A_439 = arith.addf %add3A_430, %gather3A_438 : vector<16xf32>
      %broadcast_in_dim3A_440 = arith.constant 8 : i32
      %broadcast_in_dim3A_441 = vector.broadcast %broadcast_in_dim3A_440 : i32 to vector<16xi32>
      %gather3A_442 = tpu.vector_load_idx %arg21[%iota3A, %broadcast_in_dim3A_441] : memref<32x24xf32, #tpu.memory_space<vmem>>[vector<16xi32>, vector<16xi32>], vector<16xf32>,
      %add3A_443 = arith.addf %add3A_434, %gather3A_442 : vector<16xf32>
      %add3A_444 = arith.constant 16 : i32
      %add3A_445 = vector.broadcast %add3A_444 : i32 to vector<16xi32>
      %add3A_446 = arith.addi %iota3A, %add3A_445 : vector<16xi32>
      %gather3A_447 = tpu.vector_load_idx %arg21[%add3A_446, %broadcast_in_dim3A_441] : memref<32x24xf32, #tpu.memory_space<vmem>>[vector<16xi32>, vector<16xi32>], vector<16xf32>,
      %add3A_448 = arith.addf %add3A_439, %gather3A_447 : vector<16xf32>
      %broadcast_in_dim3A_449 = arith.constant 9 : i32
      %broadcast_in_dim3A_450 = vector.broadcast %broadcast_in_dim3A_449 : i32 to vector<16xi32>
      %gather3A_451 = tpu.vector_load_idx %arg21[%iota3A, %broadcast_in_dim3A_450] : memref<32x24xf32, #tpu.memory_space<vmem>>[vector<16xi32>, vector<16xi32>], vector<16xf32>,
      %add3A_452 = arith.addf %add3A_443, %gather3A_451 : vector<16xf32>
      %add3A_453 = arith.constant 16 : i32
      %add3A_454 = vector.broadcast %add3A_453 : i32 to vector<16xi32>
      %add3A_455 = arith.addi %iota3A, %add3A_454 : vector<16xi32>
      %gather3A_456 = tpu.vector_load_idx %arg21[%add3A_455, %broadcast_in_dim3A_450] : memref<32x24xf32, #tpu.memory_space<vmem>>[vector<16xi32>, vector<16xi32>], vector<16xf32>,
      %add3A_457 = arith.addf %add3A_448, %gather3A_456 : vector<16xf32>
      %broadcast_in_dim3A_458 = arith.constant 10 : i32
      %broadcast_in_dim3A_459 = vector.broadcast %broadcast_in_dim3A_458 : i32 to vector<16xi32>
      %gather3A_460 = tpu.vector_load_idx %arg21[%iota3A, %broadcast_in_dim3A_459] : memref<32x24xf32, #tpu.memory_space<vmem>>[vector<16xi32>, vector<16xi32>], vector<16xf32>,
      %add3A_461 = arith.addf %add3A_452, %gather3A_460 : vector<16xf32>
      %add3A_462 = arith.constant 16 : i32
      %add3A_463 = vector.broadcast %add3A_462 : i32 to vector<16xi32>
      %add3A_464 = arith.addi %iota3A, %add3A_463 : vector<16xi32>
      %gather3A_465 = tpu.vector_load_idx %arg21[%add3A_464, %broadcast_in_dim3A_459] : memref<32x24xf32, #tpu.memory_space<vmem>>[vector<16xi32>, vector<16xi32>], vector<16xf32>,
      %add3A_466 = arith.addf %add3A_457, %gather3A_465 : vector<16xf32>
      %broadcast_in_dim3A_467 = arith.constant 11 : i32
      %broadcast_in_dim3A_468 = vector.broadcast %broadcast_in_dim3A_467 : i32 to vector<16xi32>
      %gather3A_469 = tpu.vector_load_idx %arg21[%iota3A, %broadcast_in_dim3A_468] : memref<32x24xf32, #tpu.memory_space<vmem>>[vector<16xi32>, vector<16xi32>], vector<16xf32>,
      %add3A_470 = arith.addf %add3A_461, %gather3A_469 : vector<16xf32>
      %add3A_471 = arith.constant 16 : i32
      %add3A_472 = vector.broadcast %add3A_471 : i32 to vector<16xi32>
      %add3A_473 = arith.addi %iota3A, %add3A_472 : vector<16xi32>
      %gather3A_474 = tpu.vector_load_idx %arg21[%add3A_473, %broadcast_in_dim3A_468] : memref<32x24xf32, #tpu.memory_space<vmem>>[vector<16xi32>, vector<16xi32>], vector<16xf32>,
      %add3A_475 = arith.addf %add3A_466, %gather3A_474 : vector<16xf32>
      %broadcast_in_dim3A_476 = arith.constant 12 : i32
      %broadcast_in_dim3A_477 = vector.broadcast %broadcast_in_dim3A_476 : i32 to vector<16xi32>
      %gather3A_478 = tpu.vector_load_idx %arg21[%iota3A, %broadcast_in_dim3A_477] : memref<32x24xf32, #tpu.memory_space<vmem>>[vector<16xi32>, vector<16xi32>], vector<16xf32>,
      %add3A_479 = arith.addf %add3A_470, %gather3A_478 : vector<16xf32>
      %add3A_480 = arith.constant 16 : i32
      %add3A_481 = vector.broadcast %add3A_480 : i32 to vector<16xi32>
      %add3A_482 = arith.addi %iota3A, %add3A_481 : vector<16xi32>
      %gather3A_483 = tpu.vector_load_idx %arg21[%add3A_482, %broadcast_in_dim3A_477] : memref<32x24xf32, #tpu.memory_space<vmem>>[vector<16xi32>, vector<16xi32>], vector<16xf32>,
      %add3A_484 = arith.addf %add3A_475, %gather3A_483 : vector<16xf32>
      %broadcast_in_dim3A_485 = arith.constant 13 : i32
      %broadcast_in_dim3A_486 = vector.broadcast %broadcast_in_dim3A_485 : i32 to vector<16xi32>
      %gather3A_487 = tpu.vector_load_idx %arg21[%iota3A, %broadcast_in_dim3A_486] : memref<32x24xf32, #tpu.memory_space<vmem>>[vector<16xi32>, vector<16xi32>], vector<16xf32>,
      %add3A_488 = arith.addf %add3A_479, %gather3A_487 : vector<16xf32>
      %add3A_489 = arith.constant 16 : i32
      %add3A_490 = vector.broadcast %add3A_489 : i32 to vector<16xi32>
      %add3A_491 = arith.addi %iota3A, %add3A_490 : vector<16xi32>
      %gather3A_492 = tpu.vector_load_idx %arg21[%add3A_491, %broadcast_in_dim3A_486] : memref<32x24xf32, #tpu.memory_space<vmem>>[vector<16xi32>, vector<16xi32>], vector<16xf32>,
      %add3A_493 = arith.addf %add3A_484, %gather3A_492 : vector<16xf32>
      %broadcast_in_dim3A_494 = arith.constant 14 : i32
      %broadcast_in_dim3A_495 = vector.broadcast %broadcast_in_dim3A_494 : i32 to vector<16xi32>
      %gather3A_496 = tpu.vector_load_idx %arg21[%iota3A, %broadcast_in_dim3A_495] : memref<32x24xf32, #tpu.memory_space<vmem>>[vector<16xi32>, vector<16xi32>], vector<16xf32>,
      %add3A_497 = arith.addf %add3A_488, %gather3A_496 : vector<16xf32>
      %add3A_498 = arith.constant 16 : i32
      %add3A_499 = vector.broadcast %add3A_498 : i32 to vector<16xi32>
      %add3A_500 = arith.addi %iota3A, %add3A_499 : vector<16xi32>
      %gather3A_501 = tpu.vector_load_idx %arg21[%add3A_500, %broadcast_in_dim3A_495] : memref<32x24xf32, #tpu.memory_space<vmem>>[vector<16xi32>, vector<16xi32>], vector<16xf32>,
      %add3A_502 = arith.addf %add3A_493, %gather3A_501 : vector<16xf32>
      %broadcast_in_dim3A_503 = arith.constant 15 : i32
      %broadcast_in_dim3A_504 = vector.broadcast %broadcast_in_dim3A_503 : i32 to vector<16xi32>
      %gather3A_505 = tpu.vector_load_idx %arg21[%iota3A, %broadcast_in_dim3A_504] : memref<32x24xf32, #tpu.memory_space<vmem>>[vector<16xi32>, vector<16xi32>], vector<16xf32>,
      %add3A_506 = arith.addf %add3A_497, %gather3A_505 : vector<16xf32>
      %add3A_507 = arith.constant 16 : i32
      %add3A_508 = vector.broadcast %add3A_507 : i32 to vector<16xi32>
      %add3A_509 = arith.addi %iota3A, %add3A_508 : vector<16xi32>
      %gather3A_510 = tpu.vector_load_idx %arg21[%add3A_509, %broadcast_in_dim3A_504] : memref<32x24xf32, #tpu.memory_space<vmem>>[vector<16xi32>, vector<16xi32>], vector<16xf32>,
      %add3A_511 = arith.addf %add3A_502, %gather3A_510 : vector<16xf32>
      %mul3A_512 = arith.constant 0.00130208337 : f32
      %mul3A_513 = vector.broadcast %mul3A_512 : f32 to vector<16xf32>
      %mul3A_514 = arith.mulf %add3A_506, %mul3A_513 : vector<16xf32>
      %mul3A_515 = arith.constant 0.00130208337 : f32
      %mul3A_516 = vector.broadcast %mul3A_515 : f32 to vector<16xf32>
      %mul3A_517 = arith.mulf %add3A_511, %mul3A_516 : vector<16xf32>
      %mul3A_518 = arith.mulf %mul3A_514, %mul3A_514 : vector<16xf32>
      %sub3A_519 = arith.subf %mul3A_517, %mul3A_518 : vector<16xf32>
      %add3A_520 = arith.constant 9.99999996E-13 : f32
      %add3A_521 = vector.broadcast %add3A_520 : f32 to vector<16xf32>
      %add3A_522 = arith.addf %sub3A_519, %add3A_521 : vector<16xf32>
      %bitcast3A = vector.bitcast %add3A_522 : vector<16xf32> to vector<16xi32>
      %shift_right_arithmetic3A = arith.constant 1 : i32
      %shift_right_arithmetic3A_523 = vector.broadcast %shift_right_arithmetic3A : i32 to vector<16xi32>
      %shift_right_arithmetic3A_524 = arith.shrsi %bitcast3A, %shift_right_arithmetic3A_523 : vector<16xi32>
      %sub3A_525 = arith.constant 1597463007 : i32
      %sub3A_526 = vector.broadcast %sub3A_525 : i32 to vector<16xi32>
      %sub3A_527 = arith.subi %sub3A_526, %shift_right_arithmetic3A_524 : vector<16xi32>
      %bitcast3A_528 = vector.bitcast %sub3A_527 : vector<16xi32> to vector<16xf32>
      %mul3A_529 = arith.constant 5.000000e-01 : f32
      %mul3A_530 = vector.broadcast %mul3A_529 : f32 to vector<16xf32>
      %mul3A_531 = arith.mulf %mul3A_530, %add3A_522 : vector<16xf32>
      %mul3A_532 = arith.mulf %mul3A_531, %bitcast3A_528 : vector<16xf32>
      %mul3A_533 = arith.mulf %mul3A_532, %bitcast3A_528 : vector<16xf32>
      %sub3A_534 = arith.constant 1.500000e+00 : f32
      %sub3A_535 = vector.broadcast %sub3A_534 : f32 to vector<16xf32>
      %sub3A_536 = arith.subf %sub3A_535, %mul3A_533 : vector<16xf32>
      %mul3A_537 = arith.mulf %bitcast3A_528, %sub3A_536 : vector<16xf32>
      %mul3A_538 = arith.constant 5.000000e-01 : f32
      %mul3A_539 = vector.broadcast %mul3A_538 : f32 to vector<16xf32>
      %mul3A_540 = arith.mulf %mul3A_539, %add3A_522 : vector<16xf32>
      %mul3A_541 = arith.mulf %mul3A_540, %mul3A_537 : vector<16xf32>
      %mul3A_542 = arith.mulf %mul3A_541, %mul3A_537 : vector<16xf32>
      %sub3A_543 = arith.constant 1.500000e+00 : f32
      %sub3A_544 = vector.broadcast %sub3A_543 : f32 to vector<16xf32>
      %sub3A_545 = arith.subf %sub3A_544, %mul3A_542 : vector<16xf32>
      %mul3A_546 = arith.mulf %mul3A_537, %sub3A_545 : vector<16xf32>
      %mul3A_547 = arith.constant 5.000000e-01 : f32
      %mul3A_548 = vector.broadcast %mul3A_547 : f32 to vector<16xf32>
      %mul3A_549 = arith.mulf %mul3A_548, %add3A_522 : vector<16xf32>
      %mul3A_550 = arith.mulf %mul3A_549, %mul3A_546 : vector<16xf32>
      %mul3A_551 = arith.mulf %mul3A_550, %mul3A_546 : vector<16xf32>
      %sub3A_552 = arith.constant 1.500000e+00 : f32
      %sub3A_553 = vector.broadcast %sub3A_552 : f32 to vector<16xf32>
      %sub3A_554 = arith.subf %sub3A_553, %mul3A_551 : vector<16xf32>
      %mul3A_555 = arith.mulf %mul3A_546, %sub3A_554 : vector<16xf32>
      %mul3A_556 = arith.mulf %mul3A_514, %mul3A_555 : vector<16xf32>
      %slice3A_557 = vector.extract_strided_slice %mul3A_555 {offsets = [0], sizes = [1], strides = [1]} : vector<16xf32> to vector<1xf32>
      %squeeze3A_558 = vector.extract %slice3A_557[0] : f32 from vector<1xf32>
      %broadcast_in_dim3A_559 = vector.broadcast %squeeze3A_558 : f32 to vector<16xf32>
      %slice3A_560 = vector.extract_strided_slice %mul3A_555 {offsets = [1], sizes = [1], strides = [1]} : vector<16xf32> to vector<1xf32>
      %squeeze3A_561 = vector.extract %slice3A_560[0] : f32 from vector<1xf32>
      %broadcast_in_dim3A_562 = vector.broadcast %squeeze3A_561 : f32 to vector<16xf32>
      %slice3A_563 = vector.extract_strided_slice %mul3A_555 {offsets = [2], sizes = [1], strides = [1]} : vector<16xf32> to vector<1xf32>
      %squeeze3A_564 = vector.extract %slice3A_563[0] : f32 from vector<1xf32>
      %broadcast_in_dim3A_565 = vector.broadcast %squeeze3A_564 : f32 to vector<16xf32>
      %slice3A_566 = vector.extract_strided_slice %mul3A_555 {offsets = [3], sizes = [1], strides = [1]} : vector<16xf32> to vector<1xf32>
      %squeeze3A_567 = vector.extract %slice3A_566[0] : f32 from vector<1xf32>
      %broadcast_in_dim3A_568 = vector.broadcast %squeeze3A_567 : f32 to vector<16xf32>
      %slice3A_569 = vector.extract_strided_slice %mul3A_555 {offsets = [4], sizes = [1], strides = [1]} : vector<16xf32> to vector<1xf32>
      %squeeze3A_570 = vector.extract %slice3A_569[0] : f32 from vector<1xf32>
      %broadcast_in_dim3A_571 = vector.broadcast %squeeze3A_570 : f32 to vector<16xf32>
      %slice3A_572 = vector.extract_strided_slice %mul3A_555 {offsets = [5], sizes = [1], strides = [1]} : vector<16xf32> to vector<1xf32>
      %squeeze3A_573 = vector.extract %slice3A_572[0] : f32 from vector<1xf32>
      %broadcast_in_dim3A_574 = vector.broadcast %squeeze3A_573 : f32 to vector<16xf32>
      %slice3A_575 = vector.extract_strided_slice %mul3A_555 {offsets = [6], sizes = [1], strides = [1]} : vector<16xf32> to vector<1xf32>
      %squeeze3A_576 = vector.extract %slice3A_575[0] : f32 from vector<1xf32>
      %broadcast_in_dim3A_577 = vector.broadcast %squeeze3A_576 : f32 to vector<16xf32>
      %slice3A_578 = vector.extract_strided_slice %mul3A_555 {offsets = [7], sizes = [1], strides = [1]} : vector<16xf32> to vector<1xf32>
      %squeeze3A_579 = vector.extract %slice3A_578[0] : f32 from vector<1xf32>
      %broadcast_in_dim3A_580 = vector.broadcast %squeeze3A_579 : f32 to vector<16xf32>
      %slice3A_581 = vector.extract_strided_slice %mul3A_555 {offsets = [8], sizes = [1], strides = [1]} : vector<16xf32> to vector<1xf32>
      %squeeze3A_582 = vector.extract %slice3A_581[0] : f32 from vector<1xf32>
      %broadcast_in_dim3A_583 = vector.broadcast %squeeze3A_582 : f32 to vector<16xf32>
      %slice3A_584 = vector.extract_strided_slice %mul3A_555 {offsets = [9], sizes = [1], strides = [1]} : vector<16xf32> to vector<1xf32>
      %squeeze3A_585 = vector.extract %slice3A_584[0] : f32 from vector<1xf32>
      %broadcast_in_dim3A_586 = vector.broadcast %squeeze3A_585 : f32 to vector<16xf32>
      %slice3A_587 = vector.extract_strided_slice %mul3A_555 {offsets = [10], sizes = [1], strides = [1]} : vector<16xf32> to vector<1xf32>
      %squeeze3A_588 = vector.extract %slice3A_587[0] : f32 from vector<1xf32>
      %broadcast_in_dim3A_589 = vector.broadcast %squeeze3A_588 : f32 to vector<16xf32>
      %slice3A_590 = vector.extract_strided_slice %mul3A_555 {offsets = [11], sizes = [1], strides = [1]} : vector<16xf32> to vector<1xf32>
      %squeeze3A_591 = vector.extract %slice3A_590[0] : f32 from vector<1xf32>
      %broadcast_in_dim3A_592 = vector.broadcast %squeeze3A_591 : f32 to vector<16xf32>
      %slice3A_593 = vector.extract_strided_slice %mul3A_555 {offsets = [12], sizes = [1], strides = [1]} : vector<16xf32> to vector<1xf32>
      %squeeze3A_594 = vector.extract %slice3A_593[0] : f32 from vector<1xf32>
      %broadcast_in_dim3A_595 = vector.broadcast %squeeze3A_594 : f32 to vector<16xf32>
      %slice3A_596 = vector.extract_strided_slice %mul3A_555 {offsets = [13], sizes = [1], strides = [1]} : vector<16xf32> to vector<1xf32>
      %squeeze3A_597 = vector.extract %slice3A_596[0] : f32 from vector<1xf32>
      %broadcast_in_dim3A_598 = vector.broadcast %squeeze3A_597 : f32 to vector<16xf32>
      %slice3A_599 = vector.extract_strided_slice %mul3A_555 {offsets = [14], sizes = [1], strides = [1]} : vector<16xf32> to vector<1xf32>
      %squeeze3A_600 = vector.extract %slice3A_599[0] : f32 from vector<1xf32>
      %broadcast_in_dim3A_601 = vector.broadcast %squeeze3A_600 : f32 to vector<16xf32>
      %slice3A_602 = vector.extract_strided_slice %mul3A_555 {offsets = [15], sizes = [1], strides = [1]} : vector<16xf32> to vector<1xf32>
      %squeeze3A_603 = vector.extract %slice3A_602[0] : f32 from vector<1xf32>
      %broadcast_in_dim3A_604 = vector.broadcast %squeeze3A_603 : f32 to vector<16xf32>
      %slice3A_605 = vector.extract_strided_slice %mul3A_556 {offsets = [0], sizes = [1], strides = [1]} : vector<16xf32> to vector<1xf32>
      %squeeze3A_606 = vector.extract %slice3A_605[0] : f32 from vector<1xf32>
      %broadcast_in_dim3A_607 = vector.broadcast %squeeze3A_606 : f32 to vector<16xf32>
      %slice3A_608 = vector.extract_strided_slice %mul3A_556 {offsets = [1], sizes = [1], strides = [1]} : vector<16xf32> to vector<1xf32>
      %squeeze3A_609 = vector.extract %slice3A_608[0] : f32 from vector<1xf32>
      %broadcast_in_dim3A_610 = vector.broadcast %squeeze3A_609 : f32 to vector<16xf32>
      %slice3A_611 = vector.extract_strided_slice %mul3A_556 {offsets = [2], sizes = [1], strides = [1]} : vector<16xf32> to vector<1xf32>
      %squeeze3A_612 = vector.extract %slice3A_611[0] : f32 from vector<1xf32>
      %broadcast_in_dim3A_613 = vector.broadcast %squeeze3A_612 : f32 to vector<16xf32>
      %slice3A_614 = vector.extract_strided_slice %mul3A_556 {offsets = [3], sizes = [1], strides = [1]} : vector<16xf32> to vector<1xf32>
      %squeeze3A_615 = vector.extract %slice3A_614[0] : f32 from vector<1xf32>
      %broadcast_in_dim3A_616 = vector.broadcast %squeeze3A_615 : f32 to vector<16xf32>
      %slice3A_617 = vector.extract_strided_slice %mul3A_556 {offsets = [4], sizes = [1], strides = [1]} : vector<16xf32> to vector<1xf32>
      %squeeze3A_618 = vector.extract %slice3A_617[0] : f32 from vector<1xf32>
      %broadcast_in_dim3A_619 = vector.broadcast %squeeze3A_618 : f32 to vector<16xf32>
      %slice3A_620 = vector.extract_strided_slice %mul3A_556 {offsets = [5], sizes = [1], strides = [1]} : vector<16xf32> to vector<1xf32>
      %squeeze3A_621 = vector.extract %slice3A_620[0] : f32 from vector<1xf32>
      %broadcast_in_dim3A_622 = vector.broadcast %squeeze3A_621 : f32 to vector<16xf32>
      %slice3A_623 = vector.extract_strided_slice %mul3A_556 {offsets = [6], sizes = [1], strides = [1]} : vector<16xf32> to vector<1xf32>
      %squeeze3A_624 = vector.extract %slice3A_623[0] : f32 from vector<1xf32>
      %broadcast_in_dim3A_625 = vector.broadcast %squeeze3A_624 : f32 to vector<16xf32>
      %slice3A_626 = vector.extract_strided_slice %mul3A_556 {offsets = [7], sizes = [1], strides = [1]} : vector<16xf32> to vector<1xf32>
      %squeeze3A_627 = vector.extract %slice3A_626[0] : f32 from vector<1xf32>
      %broadcast_in_dim3A_628 = vector.broadcast %squeeze3A_627 : f32 to vector<16xf32>
      %slice3A_629 = vector.extract_strided_slice %mul3A_556 {offsets = [8], sizes = [1], strides = [1]} : vector<16xf32> to vector<1xf32>
      %squeeze3A_630 = vector.extract %slice3A_629[0] : f32 from vector<1xf32>
      %broadcast_in_dim3A_631 = vector.broadcast %squeeze3A_630 : f32 to vector<16xf32>
      %slice3A_632 = vector.extract_strided_slice %mul3A_556 {offsets = [9], sizes = [1], strides = [1]} : vector<16xf32> to vector<1xf32>
      %squeeze3A_633 = vector.extract %slice3A_632[0] : f32 from vector<1xf32>
      %broadcast_in_dim3A_634 = vector.broadcast %squeeze3A_633 : f32 to vector<16xf32>
      %slice3A_635 = vector.extract_strided_slice %mul3A_556 {offsets = [10], sizes = [1], strides = [1]} : vector<16xf32> to vector<1xf32>
      %squeeze3A_636 = vector.extract %slice3A_635[0] : f32 from vector<1xf32>
      %broadcast_in_dim3A_637 = vector.broadcast %squeeze3A_636 : f32 to vector<16xf32>
      %slice3A_638 = vector.extract_strided_slice %mul3A_556 {offsets = [11], sizes = [1], strides = [1]} : vector<16xf32> to vector<1xf32>
      %squeeze3A_639 = vector.extract %slice3A_638[0] : f32 from vector<1xf32>
      %broadcast_in_dim3A_640 = vector.broadcast %squeeze3A_639 : f32 to vector<16xf32>
      %slice3A_641 = vector.extract_strided_slice %mul3A_556 {offsets = [12], sizes = [1], strides = [1]} : vector<16xf32> to vector<1xf32>
      %squeeze3A_642 = vector.extract %slice3A_641[0] : f32 from vector<1xf32>
      %broadcast_in_dim3A_643 = vector.broadcast %squeeze3A_642 : f32 to vector<16xf32>
      %slice3A_644 = vector.extract_strided_slice %mul3A_556 {offsets = [13], sizes = [1], strides = [1]} : vector<16xf32> to vector<1xf32>
      %squeeze3A_645 = vector.extract %slice3A_644[0] : f32 from vector<1xf32>
      %broadcast_in_dim3A_646 = vector.broadcast %squeeze3A_645 : f32 to vector<16xf32>
      %slice3A_647 = vector.extract_strided_slice %mul3A_556 {offsets = [14], sizes = [1], strides = [1]} : vector<16xf32> to vector<1xf32>
      %squeeze3A_648 = vector.extract %slice3A_647[0] : f32 from vector<1xf32>
      %broadcast_in_dim3A_649 = vector.broadcast %squeeze3A_648 : f32 to vector<16xf32>
      %slice3A_650 = vector.extract_strided_slice %mul3A_556 {offsets = [15], sizes = [1], strides = [1]} : vector<16xf32> to vector<1xf32>
      %squeeze3A_651 = vector.extract %slice3A_650[0] : f32 from vector<1xf32>
      %broadcast_in_dim3A_652 = vector.broadcast %squeeze3A_651 : f32 to vector<16xf32>
      %scan3A_653 = arith.constant 0 : i32
      %scan3A_654 = arith.constant 0 : i32
      %scan3A_655 = arith.constant 48 : i32
      %scan3A_656 = arith.addi %scan3A_654, %scan3A_655 : i32
      %scan3A_657 = arith.constant 1 : i32
      %scan3A_658 = scf.for %scan3A_1380 = %scan3A_654 to %scan3A_656 step %scan3A_657 iter_args(%scan3A_1381 = %scan3A_653) -> (i32)  : i32 {
        %mul3A_1382 = arith.constant 16 : i32
        %mul3A_1383 = arith.muli %scan3A_1380, %mul3A_1382 : i32
        %get3A_1384 = arith.index_cast %mul3A_1383 : i32 to index
        %get3A_1385 = tpu.vector_load %arg18[%get3A_1384] {strides = array<i32>} : memref<768xf32, #tpu.memory_space<vmem>>, vector<16xf32>,
        %get3A_1386 = arith.index_cast %mul3A_1383 : i32 to index
        %get3A_1387 = tpu.vector_load %arg19[%get3A_1386] {strides = array<i32>} : memref<768xf32, #tpu.memory_space<vmem>>, vector<16xf32>,
        %get3A_1388 = arith.constant 0 : i32
        %get3A_1389 = arith.index_cast %get3A_1388 : i32 to index
        %get3A_1390 = arith.index_cast %mul3A_1383 : i32 to index
        %get3A_1391 = tpu.vector_load %arg12[%get3A_1389, %get3A_1390] {strides = array<i32>} : memref<16x768xf32, #tpu.memory_space<vmem>>, vector<16xf32>,
        %mul3A_1392 = arith.mulf %get3A_1391, %broadcast_in_dim3A_559 : vector<16xf32>
        %sub3A_1393 = arith.subf %mul3A_1392, %broadcast_in_dim3A_607 : vector<16xf32>
        %mul3A_1394 = arith.mulf %sub3A_1393, %get3A_1385 : vector<16xf32>
        %add3A_1395 = arith.addf %mul3A_1394, %get3A_1387 : vector<16xf32>
        %swap3A_1396 = arith.constant 0 : i32
        %swap3A_1397 = arith.index_cast %swap3A_1396 : i32 to index
        %swap3A_1398 = arith.index_cast %mul3A_1383 : i32 to index
        %swap3A_1399 = tpu.vector_load %arg14[%swap3A_1397, %swap3A_1398] {strides = array<i32>} : memref<16x768xf32, #tpu.memory_space<vmem>>, vector<16xf32>,
        tpu.vector_store %arg14[%swap3A_1397, %swap3A_1398], %add3A_1395 {strides = array<i32>} : memref<16x768xf32, #tpu.memory_space<vmem>>, vector<16xf32>,
        %get3A_1400 = arith.constant 1 : i32
        %get3A_1401 = arith.index_cast %get3A_1400 : i32 to index
        %get3A_1402 = arith.index_cast %mul3A_1383 : i32 to index
        %get3A_1403 = tpu.vector_load %arg12[%get3A_1401, %get3A_1402] {strides = array<i32>} : memref<16x768xf32, #tpu.memory_space<vmem>>, vector<16xf32>,
        %mul3A_1404 = arith.mulf %get3A_1403, %broadcast_in_dim3A_562 : vector<16xf32>
        %sub3A_1405 = arith.subf %mul3A_1404, %broadcast_in_dim3A_610 : vector<16xf32>
        %mul3A_1406 = arith.mulf %sub3A_1405, %get3A_1385 : vector<16xf32>
        %add3A_1407 = arith.addf %mul3A_1406, %get3A_1387 : vector<16xf32>
        %swap3A_1408 = arith.constant 1 : i32
        %swap3A_1409 = arith.index_cast %swap3A_1408 : i32 to index
        %swap3A_1410 = arith.index_cast %mul3A_1383 : i32 to index
        %swap3A_1411 = tpu.vector_load %arg14[%swap3A_1409, %swap3A_1410] {strides = array<i32>} : memref<16x768xf32, #tpu.memory_space<vmem>>, vector<16xf32>,
        tpu.vector_store %arg14[%swap3A_1409, %swap3A_1410], %add3A_1407 {strides = array<i32>} : memref<16x768xf32, #tpu.memory_space<vmem>>, vector<16xf32>,
        %get3A_1412 = arith.constant 2 : i32
        %get3A_1413 = arith.index_cast %get3A_1412 : i32 to index
        %get3A_1414 = arith.index_cast %mul3A_1383 : i32 to index
        %get3A_1415 = tpu.vector_load %arg12[%get3A_1413, %get3A_1414] {strides = array<i32>} : memref<16x768xf32, #tpu.memory_space<vmem>>, vector<16xf32>,
        %mul3A_1416 = arith.mulf %get3A_1415, %broadcast_in_dim3A_565 : vector<16xf32>
        %sub3A_1417 = arith.subf %mul3A_1416, %broadcast_in_dim3A_613 : vector<16xf32>
        %mul3A_1418 = arith.mulf %sub3A_1417, %get3A_1385 : vector<16xf32>
        %add3A_1419 = arith.addf %mul3A_1418, %get3A_1387 : vector<16xf32>
        %swap3A_1420 = arith.constant 2 : i32
        %swap3A_1421 = arith.index_cast %swap3A_1420 : i32 to index
        %swap3A_1422 = arith.index_cast %mul3A_1383 : i32 to index
        %swap3A_1423 = tpu.vector_load %arg14[%swap3A_1421, %swap3A_1422] {strides = array<i32>} : memref<16x768xf32, #tpu.memory_space<vmem>>, vector<16xf32>,
        tpu.vector_store %arg14[%swap3A_1421, %swap3A_1422], %add3A_1419 {strides = array<i32>} : memref<16x768xf32, #tpu.memory_space<vmem>>, vector<16xf32>,
        %get3A_1424 = arith.constant 3 : i32
        %get3A_1425 = arith.index_cast %get3A_1424 : i32 to index
        %get3A_1426 = arith.index_cast %mul3A_1383 : i32 to index
        %get3A_1427 = tpu.vector_load %arg12[%get3A_1425, %get3A_1426] {strides = array<i32>} : memref<16x768xf32, #tpu.memory_space<vmem>>, vector<16xf32>,
        %mul3A_1428 = arith.mulf %get3A_1427, %broadcast_in_dim3A_568 : vector<16xf32>
        %sub3A_1429 = arith.subf %mul3A_1428, %broadcast_in_dim3A_616 : vector<16xf32>
        %mul3A_1430 = arith.mulf %sub3A_1429, %get3A_1385 : vector<16xf32>
        %add3A_1431 = arith.addf %mul3A_1430, %get3A_1387 : vector<16xf32>
        %swap3A_1432 = arith.constant 3 : i32
        %swap3A_1433 = arith.index_cast %swap3A_1432 : i32 to index
        %swap3A_1434 = arith.index_cast %mul3A_1383 : i32 to index
        %swap3A_1435 = tpu.vector_load %arg14[%swap3A_1433, %swap3A_1434] {strides = array<i32>} : memref<16x768xf32, #tpu.memory_space<vmem>>, vector<16xf32>,
        tpu.vector_store %arg14[%swap3A_1433, %swap3A_1434], %add3A_1431 {strides = array<i32>} : memref<16x768xf32, #tpu.memory_space<vmem>>, vector<16xf32>,
        %get3A_1436 = arith.constant 4 : i32
        %get3A_1437 = arith.index_cast %get3A_1436 : i32 to index
        %get3A_1438 = arith.index_cast %mul3A_1383 : i32 to index
        %get3A_1439 = tpu.vector_load %arg12[%get3A_1437, %get3A_1438] {strides = array<i32>} : memref<16x768xf32, #tpu.memory_space<vmem>>, vector<16xf32>,
        %mul3A_1440 = arith.mulf %get3A_1439, %broadcast_in_dim3A_571 : vector<16xf32>
        %sub3A_1441 = arith.subf %mul3A_1440, %broadcast_in_dim3A_619 : vector<16xf32>
        %mul3A_1442 = arith.mulf %sub3A_1441, %get3A_1385 : vector<16xf32>
        %add3A_1443 = arith.addf %mul3A_1442, %get3A_1387 : vector<16xf32>
        %swap3A_1444 = arith.constant 4 : i32
        %swap3A_1445 = arith.index_cast %swap3A_1444 : i32 to index
        %swap3A_1446 = arith.index_cast %mul3A_1383 : i32 to index
        %swap3A_1447 = tpu.vector_load %arg14[%swap3A_1445, %swap3A_1446] {strides = array<i32>} : memref<16x768xf32, #tpu.memory_space<vmem>>, vector<16xf32>,
        tpu.vector_store %arg14[%swap3A_1445, %swap3A_1446], %add3A_1443 {strides = array<i32>} : memref<16x768xf32, #tpu.memory_space<vmem>>, vector<16xf32>,
        %get3A_1448 = arith.constant 5 : i32
        %get3A_1449 = arith.index_cast %get3A_1448 : i32 to index
        %get3A_1450 = arith.index_cast %mul3A_1383 : i32 to index
        %get3A_1451 = tpu.vector_load %arg12[%get3A_1449, %get3A_1450] {strides = array<i32>} : memref<16x768xf32, #tpu.memory_space<vmem>>, vector<16xf32>,
        %mul3A_1452 = arith.mulf %get3A_1451, %broadcast_in_dim3A_574 : vector<16xf32>
        %sub3A_1453 = arith.subf %mul3A_1452, %broadcast_in_dim3A_622 : vector<16xf32>
        %mul3A_1454 = arith.mulf %sub3A_1453, %get3A_1385 : vector<16xf32>
        %add3A_1455 = arith.addf %mul3A_1454, %get3A_1387 : vector<16xf32>
        %swap3A_1456 = arith.constant 5 : i32
        %swap3A_1457 = arith.index_cast %swap3A_1456 : i32 to index
        %swap3A_1458 = arith.index_cast %mul3A_1383 : i32 to index
        %swap3A_1459 = tpu.vector_load %arg14[%swap3A_1457, %swap3A_1458] {strides = array<i32>} : memref<16x768xf32, #tpu.memory_space<vmem>>, vector<16xf32>,
        tpu.vector_store %arg14[%swap3A_1457, %swap3A_1458], %add3A_1455 {strides = array<i32>} : memref<16x768xf32, #tpu.memory_space<vmem>>, vector<16xf32>,
        %get3A_1460 = arith.constant 6 : i32
        %get3A_1461 = arith.index_cast %get3A_1460 : i32 to index
        %get3A_1462 = arith.index_cast %mul3A_1383 : i32 to index
        %get3A_1463 = tpu.vector_load %arg12[%get3A_1461, %get3A_1462] {strides = array<i32>} : memref<16x768xf32, #tpu.memory_space<vmem>>, vector<16xf32>,
        %mul3A_1464 = arith.mulf %get3A_1463, %broadcast_in_dim3A_577 : vector<16xf32>
        %sub3A_1465 = arith.subf %mul3A_1464, %broadcast_in_dim3A_625 : vector<16xf32>
        %mul3A_1466 = arith.mulf %sub3A_1465, %get3A_1385 : vector<16xf32>
        %add3A_1467 = arith.addf %mul3A_1466, %get3A_1387 : vector<16xf32>
        %swap3A_1468 = arith.constant 6 : i32
        %swap3A_1469 = arith.index_cast %swap3A_1468 : i32 to index
        %swap3A_1470 = arith.index_cast %mul3A_1383 : i32 to index
        %swap3A_1471 = tpu.vector_load %arg14[%swap3A_1469, %swap3A_1470] {strides = array<i32>} : memref<16x768xf32, #tpu.memory_space<vmem>>, vector<16xf32>,
        tpu.vector_store %arg14[%swap3A_1469, %swap3A_1470], %add3A_1467 {strides = array<i32>} : memref<16x768xf32, #tpu.memory_space<vmem>>, vector<16xf32>,
        %get3A_1472 = arith.constant 7 : i32
        %get3A_1473 = arith.index_cast %get3A_1472 : i32 to index
        %get3A_1474 = arith.index_cast %mul3A_1383 : i32 to index
        %get3A_1475 = tpu.vector_load %arg12[%get3A_1473, %get3A_1474] {strides = array<i32>} : memref<16x768xf32, #tpu.memory_space<vmem>>, vector<16xf32>,
        %mul3A_1476 = arith.mulf %get3A_1475, %broadcast_in_dim3A_580 : vector<16xf32>
        %sub3A_1477 = arith.subf %mul3A_1476, %broadcast_in_dim3A_628 : vector<16xf32>
        %mul3A_1478 = arith.mulf %sub3A_1477, %get3A_1385 : vector<16xf32>
        %add3A_1479 = arith.addf %mul3A_1478, %get3A_1387 : vector<16xf32>
        %swap3A_1480 = arith.constant 7 : i32
        %swap3A_1481 = arith.index_cast %swap3A_1480 : i32 to index
        %swap3A_1482 = arith.index_cast %mul3A_1383 : i32 to index
        %swap3A_1483 = tpu.vector_load %arg14[%swap3A_1481, %swap3A_1482] {strides = array<i32>} : memref<16x768xf32, #tpu.memory_space<vmem>>, vector<16xf32>,
        tpu.vector_store %arg14[%swap3A_1481, %swap3A_1482], %add3A_1479 {strides = array<i32>} : memref<16x768xf32, #tpu.memory_space<vmem>>, vector<16xf32>,
        %get3A_1484 = arith.constant 8 : i32
        %get3A_1485 = arith.index_cast %get3A_1484 : i32 to index
        %get3A_1486 = arith.index_cast %mul3A_1383 : i32 to index
        %get3A_1487 = tpu.vector_load %arg12[%get3A_1485, %get3A_1486] {strides = array<i32>} : memref<16x768xf32, #tpu.memory_space<vmem>>, vector<16xf32>,
        %mul3A_1488 = arith.mulf %get3A_1487, %broadcast_in_dim3A_583 : vector<16xf32>
        %sub3A_1489 = arith.subf %mul3A_1488, %broadcast_in_dim3A_631 : vector<16xf32>
        %mul3A_1490 = arith.mulf %sub3A_1489, %get3A_1385 : vector<16xf32>
        %add3A_1491 = arith.addf %mul3A_1490, %get3A_1387 : vector<16xf32>
        %swap3A_1492 = arith.constant 8 : i32
        %swap3A_1493 = arith.index_cast %swap3A_1492 : i32 to index
        %swap3A_1494 = arith.index_cast %mul3A_1383 : i32 to index
        %swap3A_1495 = tpu.vector_load %arg14[%swap3A_1493, %swap3A_1494] {strides = array<i32>} : memref<16x768xf32, #tpu.memory_space<vmem>>, vector<16xf32>,
        tpu.vector_store %arg14[%swap3A_1493, %swap3A_1494], %add3A_1491 {strides = array<i32>} : memref<16x768xf32, #tpu.memory_space<vmem>>, vector<16xf32>,
        %get3A_1496 = arith.constant 9 : i32
        %get3A_1497 = arith.index_cast %get3A_1496 : i32 to index
        %get3A_1498 = arith.index_cast %mul3A_1383 : i32 to index
        %get3A_1499 = tpu.vector_load %arg12[%get3A_1497, %get3A_1498] {strides = array<i32>} : memref<16x768xf32, #tpu.memory_space<vmem>>, vector<16xf32>,
        %mul3A_1500 = arith.mulf %get3A_1499, %broadcast_in_dim3A_586 : vector<16xf32>
        %sub3A_1501 = arith.subf %mul3A_1500, %broadcast_in_dim3A_634 : vector<16xf32>
        %mul3A_1502 = arith.mulf %sub3A_1501, %get3A_1385 : vector<16xf32>
        %add3A_1503 = arith.addf %mul3A_1502, %get3A_1387 : vector<16xf32>
        %swap3A_1504 = arith.constant 9 : i32
        %swap3A_1505 = arith.index_cast %swap3A_1504 : i32 to index
        %swap3A_1506 = arith.index_cast %mul3A_1383 : i32 to index
        %swap3A_1507 = tpu.vector_load %arg14[%swap3A_1505, %swap3A_1506] {strides = array<i32>} : memref<16x768xf32, #tpu.memory_space<vmem>>, vector<16xf32>,
        tpu.vector_store %arg14[%swap3A_1505, %swap3A_1506], %add3A_1503 {strides = array<i32>} : memref<16x768xf32, #tpu.memory_space<vmem>>, vector<16xf32>,
        %get3A_1508 = arith.constant 10 : i32
        %get3A_1509 = arith.index_cast %get3A_1508 : i32 to index
        %get3A_1510 = arith.index_cast %mul3A_1383 : i32 to index
        %get3A_1511 = tpu.vector_load %arg12[%get3A_1509, %get3A_1510] {strides = array<i32>} : memref<16x768xf32, #tpu.memory_space<vmem>>, vector<16xf32>,
        %mul3A_1512 = arith.mulf %get3A_1511, %broadcast_in_dim3A_589 : vector<16xf32>
        %sub3A_1513 = arith.subf %mul3A_1512, %broadcast_in_dim3A_637 : vector<16xf32>
        %mul3A_1514 = arith.mulf %sub3A_1513, %get3A_1385 : vector<16xf32>
        %add3A_1515 = arith.addf %mul3A_1514, %get3A_1387 : vector<16xf32>
        %swap3A_1516 = arith.constant 10 : i32
        %swap3A_1517 = arith.index_cast %swap3A_1516 : i32 to index
        %swap3A_1518 = arith.index_cast %mul3A_1383 : i32 to index
        %swap3A_1519 = tpu.vector_load %arg14[%swap3A_1517, %swap3A_1518] {strides = array<i32>} : memref<16x768xf32, #tpu.memory_space<vmem>>, vector<16xf32>,
        tpu.vector_store %arg14[%swap3A_1517, %swap3A_1518], %add3A_1515 {strides = array<i32>} : memref<16x768xf32, #tpu.memory_space<vmem>>, vector<16xf32>,
        %get3A_1520 = arith.constant 11 : i32
        %get3A_1521 = arith.index_cast %get3A_1520 : i32 to index
        %get3A_1522 = arith.index_cast %mul3A_1383 : i32 to index
        %get3A_1523 = tpu.vector_load %arg12[%get3A_1521, %get3A_1522] {strides = array<i32>} : memref<16x768xf32, #tpu.memory_space<vmem>>, vector<16xf32>,
        %mul3A_1524 = arith.mulf %get3A_1523, %broadcast_in_dim3A_592 : vector<16xf32>
        %sub3A_1525 = arith.subf %mul3A_1524, %broadcast_in_dim3A_640 : vector<16xf32>
        %mul3A_1526 = arith.mulf %sub3A_1525, %get3A_1385 : vector<16xf32>
        %add3A_1527 = arith.addf %mul3A_1526, %get3A_1387 : vector<16xf32>
        %swap3A_1528 = arith.constant 11 : i32
        %swap3A_1529 = arith.index_cast %swap3A_1528 : i32 to index
        %swap3A_1530 = arith.index_cast %mul3A_1383 : i32 to index
        %swap3A_1531 = tpu.vector_load %arg14[%swap3A_1529, %swap3A_1530] {strides = array<i32>} : memref<16x768xf32, #tpu.memory_space<vmem>>, vector<16xf32>,
        tpu.vector_store %arg14[%swap3A_1529, %swap3A_1530], %add3A_1527 {strides = array<i32>} : memref<16x768xf32, #tpu.memory_space<vmem>>, vector<16xf32>,
        %get3A_1532 = arith.constant 12 : i32
        %get3A_1533 = arith.index_cast %get3A_1532 : i32 to index
        %get3A_1534 = arith.index_cast %mul3A_1383 : i32 to index
        %get3A_1535 = tpu.vector_load %arg12[%get3A_1533, %get3A_1534] {strides = array<i32>} : memref<16x768xf32, #tpu.memory_space<vmem>>, vector<16xf32>,
        %mul3A_1536 = arith.mulf %get3A_1535, %broadcast_in_dim3A_595 : vector<16xf32>
        %sub3A_1537 = arith.subf %mul3A_1536, %broadcast_in_dim3A_643 : vector<16xf32>
        %mul3A_1538 = arith.mulf %sub3A_1537, %get3A_1385 : vector<16xf32>
        %add3A_1539 = arith.addf %mul3A_1538, %get3A_1387 : vector<16xf32>
        %swap3A_1540 = arith.constant 12 : i32
        %swap3A_1541 = arith.index_cast %swap3A_1540 : i32 to index
        %swap3A_1542 = arith.index_cast %mul3A_1383 : i32 to index
        %swap3A_1543 = tpu.vector_load %arg14[%swap3A_1541, %swap3A_1542] {strides = array<i32>} : memref<16x768xf32, #tpu.memory_space<vmem>>, vector<16xf32>,
        tpu.vector_store %arg14[%swap3A_1541, %swap3A_1542], %add3A_1539 {strides = array<i32>} : memref<16x768xf32, #tpu.memory_space<vmem>>, vector<16xf32>,
        %get3A_1544 = arith.constant 13 : i32
        %get3A_1545 = arith.index_cast %get3A_1544 : i32 to index
        %get3A_1546 = arith.index_cast %mul3A_1383 : i32 to index
        %get3A_1547 = tpu.vector_load %arg12[%get3A_1545, %get3A_1546] {strides = array<i32>} : memref<16x768xf32, #tpu.memory_space<vmem>>, vector<16xf32>,
        %mul3A_1548 = arith.mulf %get3A_1547, %broadcast_in_dim3A_598 : vector<16xf32>
        %sub3A_1549 = arith.subf %mul3A_1548, %broadcast_in_dim3A_646 : vector<16xf32>
        %mul3A_1550 = arith.mulf %sub3A_1549, %get3A_1385 : vector<16xf32>
        %add3A_1551 = arith.addf %mul3A_1550, %get3A_1387 : vector<16xf32>
        %swap3A_1552 = arith.constant 13 : i32
        %swap3A_1553 = arith.index_cast %swap3A_1552 : i32 to index
        %swap3A_1554 = arith.index_cast %mul3A_1383 : i32 to index
        %swap3A_1555 = tpu.vector_load %arg14[%swap3A_1553, %swap3A_1554] {strides = array<i32>} : memref<16x768xf32, #tpu.memory_space<vmem>>, vector<16xf32>,
        tpu.vector_store %arg14[%swap3A_1553, %swap3A_1554], %add3A_1551 {strides = array<i32>} : memref<16x768xf32, #tpu.memory_space<vmem>>, vector<16xf32>,
        %get3A_1556 = arith.constant 14 : i32
        %get3A_1557 = arith.index_cast %get3A_1556 : i32 to index
        %get3A_1558 = arith.index_cast %mul3A_1383 : i32 to index
        %get3A_1559 = tpu.vector_load %arg12[%get3A_1557, %get3A_1558] {strides = array<i32>} : memref<16x768xf32, #tpu.memory_space<vmem>>, vector<16xf32>,
        %mul3A_1560 = arith.mulf %get3A_1559, %broadcast_in_dim3A_601 : vector<16xf32>
        %sub3A_1561 = arith.subf %mul3A_1560, %broadcast_in_dim3A_649 : vector<16xf32>
        %mul3A_1562 = arith.mulf %sub3A_1561, %get3A_1385 : vector<16xf32>
        %add3A_1563 = arith.addf %mul3A_1562, %get3A_1387 : vector<16xf32>
        %swap3A_1564 = arith.constant 14 : i32
        %swap3A_1565 = arith.index_cast %swap3A_1564 : i32 to index
        %swap3A_1566 = arith.index_cast %mul3A_1383 : i32 to index
        %swap3A_1567 = tpu.vector_load %arg14[%swap3A_1565, %swap3A_1566] {strides = array<i32>} : memref<16x768xf32, #tpu.memory_space<vmem>>, vector<16xf32>,
        tpu.vector_store %arg14[%swap3A_1565, %swap3A_1566], %add3A_1563 {strides = array<i32>} : memref<16x768xf32, #tpu.memory_space<vmem>>, vector<16xf32>,
        %get3A_1568 = arith.constant 15 : i32
        %get3A_1569 = arith.index_cast %get3A_1568 : i32 to index
        %get3A_1570 = arith.index_cast %mul3A_1383 : i32 to index
        %get3A_1571 = tpu.vector_load %arg12[%get3A_1569, %get3A_1570] {strides = array<i32>} : memref<16x768xf32, #tpu.memory_space<vmem>>, vector<16xf32>,
        %mul3A_1572 = arith.mulf %get3A_1571, %broadcast_in_dim3A_604 : vector<16xf32>
        %sub3A_1573 = arith.subf %mul3A_1572, %broadcast_in_dim3A_652 : vector<16xf32>
        %mul3A_1574 = arith.mulf %sub3A_1573, %get3A_1385 : vector<16xf32>
        %add3A_1575 = arith.addf %mul3A_1574, %get3A_1387 : vector<16xf32>
        %swap3A_1576 = arith.constant 15 : i32
        %swap3A_1577 = arith.index_cast %swap3A_1576 : i32 to index
        %swap3A_1578 = arith.index_cast %mul3A_1383 : i32 to index
        %swap3A_1579 = tpu.vector_load %arg14[%swap3A_1577, %swap3A_1578] {strides = array<i32>} : memref<16x768xf32, #tpu.memory_space<vmem>>, vector<16xf32>,
        tpu.vector_store %arg14[%swap3A_1577, %swap3A_1578], %add3A_1575 {strides = array<i32>} : memref<16x768xf32, #tpu.memory_space<vmem>>, vector<16xf32>,
        %scan3A_1580 = arith.constant 0 : i32
        scf.yield %scan3A_1580 : i32
      }
      %scan3A_659 = arith.constant 48 : i32
      %jit3A_660 = arith.constant 4 : i32
      %div3A_661 = arith.divsi %mul3A_69, %jit3A_660 : i32
      %sign3A_662 = arith.constant 0 : i32
      %sign3A_663 = arith.cmpi sgt, %mul3A_69, %sign3A_662 : i32
      %sign3A_664 = arith.extui %sign3A_663 : i1 to i32
      %sign3A_665 = arith.constant 0 : i32
      %sign3A_666 = arith.cmpi slt, %mul3A_69, %sign3A_665 : i32
      %sign3A_667 = arith.extui %sign3A_666 : i1 to i32
      %sign3A_668 = arith.subi %sign3A_664, %sign3A_667 : i32
      %sign3A_669 = arith.constant 0 : i32
      %sign3A_670 = arith.cmpi sgt, %jit3A_660, %sign3A_669 : i32
      %sign3A_671 = arith.extui %sign3A_670 : i1 to i32
      %sign3A_672 = arith.constant 0 : i32
      %sign3A_673 = arith.cmpi slt, %jit3A_660, %sign3A_672 : i32
      %sign3A_674 = arith.extui %sign3A_673 : i1 to i32
      %sign3A_675 = arith.subi %sign3A_671, %sign3A_674 : i32
      %ne3A_676 = arith.cmpi ne, %sign3A_668, %sign3A_675 : i32
      %rem3A_677 = arith.remsi %mul3A_69, %jit3A_660 : i32
      %ne3A_678 = arith.constant 0 : i32
      %ne3A_679 = arith.cmpi ne, %rem3A_677, %ne3A_678 : i32
      %and3A_680 = arith.andi %ne3A_676, %ne3A_679 : i1
      %sub3A_681 = arith.constant 1 : i32
      %sub3A_682 = arith.subi %div3A_661, %sub3A_681 : i32
      %select_n3A_683 = arith.select %and3A_680, %sub3A_682, %div3A_661 : i32
      %jit3A_684 = arith.constant 4 : i32
      %eq3A_685 = arith.constant 0 : i32
      %eq3A_686 = arith.cmpi eq, %jit3A_684, %eq3A_685 : i32
      %jit3A_687 = arith.constant 1 : i32
      %select_n3A_688 = arith.select %eq3A_686, %jit3A_687, %jit3A_684 : i32
      %rem3A_689 = arith.remsi %mul3A_69, %select_n3A_688 : i32
      %ne3A_690 = arith.constant 0 : i32
      %ne3A_691 = arith.cmpi ne, %rem3A_689, %ne3A_690 : i32
      %lt3A_692 = arith.constant 0 : i32
      %lt3A_693 = arith.cmpi slt, %rem3A_689, %lt3A_692 : i32
      %lt3A_694 = arith.constant 0 : i32
      %lt3A_695 = arith.cmpi slt, %select_n3A_688, %lt3A_694 : i32
      %ne3A_696 = arith.xori %lt3A_693, %lt3A_695 : i1
      %and3A_697 = arith.andi %ne3A_696, %ne3A_691 : i1
      %add3A_698 = arith.addi %rem3A_689, %select_n3A_688 : i32
      %select_n3A_699 = arith.select %and3A_697, %add3A_698, %rem3A_689 : i32
      %mul3A_700 = arith.constant 16 : i32
      %mul3A_701 = arith.muli %select_n3A_699, %mul3A_700 : i32
      %add3A_702 = arith.addi %mul3A_2, %mul3A_701 : i32
      %dma_start3A_703 = arith.constant 0 : i32
      %dma_start3A_704 = tpu.memref_slice %arg9[%select_n3A_683, %add3A_702, %dma_start3A_703] : memref<4x2048x768xf32, #tpu.memory_space<hbm>> -> memref<1x16x768xf32, #tpu.memory_space<hbm>>
      %dma_start3A_705 = tpu.memref_squeeze %dma_start3A_704 : memref<1x16x768xf32, #tpu.memory_space<hbm>> -> memref<16x768xf32, #tpu.memory_space<hbm>>
      %dma_start3A_706 = arith.constant 0 : i32
      %dma_start3A_707 = tpu.memref_slice %arg9[%select_n3A_683, %add3A_702, %dma_start3A_706] : memref<4x2048x768xf32, #tpu.memory_space<hbm>> -> memref<1x16x768xf32, #tpu.memory_space<hbm>>
      %dma_start3A_708 = tpu.memref_squeeze %dma_start3A_707 : memref<1x16x768xf32, #tpu.memory_space<hbm>> -> memref<16x768xf32, #tpu.memory_space<hbm>>
      tpu.enqueue_dma source(%arg14 : memref<16x768xf32, #tpu.memory_space<vmem>>) target(%dma_start3A_708 : memref<16x768xf32, #tpu.memory_space<hbm>>) target_semaphore(%arg26 : memref<!tpu.dma_semaphore, #tpu.memory_space<semaphore_mem>>)
      %add3A_709 = arith.constant 1 : i32
      %add3A_710 = arith.addi %scan3A_66, %add3A_709 : i32
      %lt3A_711 = arith.constant 8 : i32
      %lt3A_712 = arith.cmpi slt, %add3A_710, %lt3A_711 : i32
      %convert_element_type3A_713 = arith.extui %lt3A_712 : i1 to i32
      %cond3A_714 = arith.constant 0 : i32
      %cond3A_715 = arith.cmpi ne, %convert_element_type3A_713, %cond3A_714 : i32
      scf.if %cond3A_715 {
        %add3A_1380 = arith.constant 2 : i32
        %add3A_1381 = arith.addi %mul3A_69, %add3A_1380 : i32
        %jit3A_1382 = arith.constant 4 : i32
        %eq3A_1383 = arith.constant 0 : i32
        %eq3A_1384 = arith.cmpi eq, %jit3A_1382, %eq3A_1383 : i32
        %jit3A_1385 = arith.constant 1 : i32
        %select_n3A_1386 = arith.select %eq3A_1384, %jit3A_1385, %jit3A_1382 : i32
        %rem3A_1387 = arith.remsi %add3A_1381, %select_n3A_1386 : i32
        %ne3A_1388 = arith.constant 0 : i32
        %ne3A_1389 = arith.cmpi ne, %rem3A_1387, %ne3A_1388 : i32
        %lt3A_1390 = arith.constant 0 : i32
        %lt3A_1391 = arith.cmpi slt, %rem3A_1387, %lt3A_1390 : i32
        %lt3A_1392 = arith.constant 0 : i32
        %lt3A_1393 = arith.cmpi slt, %select_n3A_1386, %lt3A_1392 : i32
        %ne3A_1394 = arith.xori %lt3A_1391, %lt3A_1393 : i1
        %and3A_1395 = arith.andi %ne3A_1394, %ne3A_1389 : i1
        %add3A_1396 = arith.addi %rem3A_1387, %select_n3A_1386 : i32
        %select_n3A_1397 = arith.select %and3A_1395, %add3A_1396, %rem3A_1387 : i32
        %mul3A_1398 = arith.constant 16 : i32
        %mul3A_1399 = arith.muli %select_n3A_1397, %mul3A_1398 : i32
        %add3A_1400 = arith.addi %mul3A_2, %mul3A_1399 : i32
        %dma_start3A_1401 = arith.constant 0 : i32
        %dma_start3A_1402 = tpu.memref_slice %arg5[%add3A_1400, %dma_start3A_1401] : memref<2048x768xf32, #tpu.memory_space<hbm>> -> memref<16x768xf32, #tpu.memory_space<hbm>>
        %dma_start3A_1403 = arith.constant 0 : i32
        %dma_start3A_1404 = tpu.memref_slice %arg5[%add3A_1400, %dma_start3A_1403] : memref<2048x768xf32, #tpu.memory_space<hbm>> -> memref<16x768xf32, #tpu.memory_space<hbm>>
        tpu.enqueue_dma source(%dma_start3A_1404 : memref<16x768xf32, #tpu.memory_space<hbm>>) target(%arg10 : memref<16x768xf32, #tpu.memory_space<vmem>>) target_semaphore(%arg22 : memref<!tpu.dma_semaphore, #tpu.memory_space<semaphore_mem>>)
        %add3A_1405 = arith.constant 2 : i32
        %add3A_1406 = arith.addi %mul3A_69, %add3A_1405 : i32
        %jit3A_1407 = arith.constant 4 : i32
        %div3A_1408 = arith.divsi %add3A_1406, %jit3A_1407 : i32
        %sign3A_1409 = arith.constant 0 : i32
        %sign3A_1410 = arith.cmpi sgt, %add3A_1406, %sign3A_1409 : i32
        %sign3A_1411 = arith.extui %sign3A_1410 : i1 to i32
        %sign3A_1412 = arith.constant 0 : i32
        %sign3A_1413 = arith.cmpi slt, %add3A_1406, %sign3A_1412 : i32
        %sign3A_1414 = arith.extui %sign3A_1413 : i1 to i32
        %sign3A_1415 = arith.subi %sign3A_1411, %sign3A_1414 : i32
        %sign3A_1416 = arith.constant 0 : i32
        %sign3A_1417 = arith.cmpi sgt, %jit3A_1407, %sign3A_1416 : i32
        %sign3A_1418 = arith.extui %sign3A_1417 : i1 to i32
        %sign3A_1419 = arith.constant 0 : i32
        %sign3A_1420 = arith.cmpi slt, %jit3A_1407, %sign3A_1419 : i32
        %sign3A_1421 = arith.extui %sign3A_1420 : i1 to i32
        %sign3A_1422 = arith.subi %sign3A_1418, %sign3A_1421 : i32
        %ne3A_1423 = arith.cmpi ne, %sign3A_1415, %sign3A_1422 : i32
        %rem3A_1424 = arith.remsi %add3A_1406, %jit3A_1407 : i32
        %ne3A_1425 = arith.constant 0 : i32
        %ne3A_1426 = arith.cmpi ne, %rem3A_1424, %ne3A_1425 : i32
        %and3A_1427 = arith.andi %ne3A_1423, %ne3A_1426 : i1
        %sub3A_1428 = arith.constant 1 : i32
        %sub3A_1429 = arith.subi %div3A_1408, %sub3A_1428 : i32
        %select_n3A_1430 = arith.select %and3A_1427, %sub3A_1429, %div3A_1408 : i32
        %jit3A_1431 = arith.constant 4 : i32
        %eq3A_1432 = arith.constant 0 : i32
        %eq3A_1433 = arith.cmpi eq, %jit3A_1431, %eq3A_1432 : i32
        %jit3A_1434 = arith.constant 1 : i32
        %select_n3A_1435 = arith.select %eq3A_1433, %jit3A_1434, %jit3A_1431 : i32
        %rem3A_1436 = arith.remsi %add3A_1406, %select_n3A_1435 : i32
        %ne3A_1437 = arith.constant 0 : i32
        %ne3A_1438 = arith.cmpi ne, %rem3A_1436, %ne3A_1437 : i32
        %lt3A_1439 = arith.constant 0 : i32
        %lt3A_1440 = arith.cmpi slt, %rem3A_1436, %lt3A_1439 : i32
        %lt3A_1441 = arith.constant 0 : i32
        %lt3A_1442 = arith.cmpi slt, %select_n3A_1435, %lt3A_1441 : i32
        %ne3A_1443 = arith.xori %lt3A_1440, %lt3A_1442 : i1
        %and3A_1444 = arith.andi %ne3A_1443, %ne3A_1438 : i1
        %add3A_1445 = arith.addi %rem3A_1436, %select_n3A_1435 : i32
        %select_n3A_1446 = arith.select %and3A_1444, %add3A_1445, %rem3A_1436 : i32
        %mul3A_1447 = arith.constant 16 : i32
        %mul3A_1448 = arith.muli %select_n3A_1446, %mul3A_1447 : i32
        %dma_start3A_1449 = tpu.memref_slice %arg16[%select_n3A_1430, %mul3A_1448] : memref<4x64xi32, #tpu.memory_space<vmem>> -> memref<1x16xi32, #tpu.memory_space<vmem>>
        %dma_start3A_1450 = tpu.memref_squeeze %dma_start3A_1449 : memref<1x16xi32, #tpu.memory_space<vmem>> -> memref<16xi32, #tpu.memory_space<vmem>>
        %dma_start3A_1451 = arith.constant 0 : i32
        %dma_start3A_1452 = arith.constant 0 : i32
        %dma_start3A_1453 = tpu.memref_slice %arg4[%dma_start3A_1451, %dma_start3A_1452] : memref<30522x768xf32, #tpu.memory_space<hbm>> -> memref<30522x768xf32, #tpu.memory_space<hbm>>
        tpu.enqueue_indirect_dma source(%dma_start3A_1453 : memref<30522x768xf32, #tpu.memory_space<hbm>>) target(%arg12 : memref<16x768xf32, #tpu.memory_space<vmem>>) offsets(%dma_start3A_1450 : memref<16xi32, #tpu.memory_space<vmem>>) semaphore(%arg24 : memref<!tpu.dma_semaphore, #tpu.memory_space<semaphore_mem>>)
      } else {
      }
      %jit3A_716 = arith.constant 4 : i32
      %eq3A_717 = arith.constant 0 : i32
      %eq3A_718 = arith.cmpi eq, %jit3A_716, %eq3A_717 : i32
      %jit3A_719 = arith.constant 1 : i32
      %select_n3A_720 = arith.select %eq3A_718, %jit3A_719, %jit3A_716 : i32
      %rem3A_721 = arith.remsi %add3A_73, %select_n3A_720 : i32
      %ne3A_722 = arith.constant 0 : i32
      %ne3A_723 = arith.cmpi ne, %rem3A_721, %ne3A_722 : i32
      %lt3A_724 = arith.constant 0 : i32
      %lt3A_725 = arith.cmpi slt, %rem3A_721, %lt3A_724 : i32
      %lt3A_726 = arith.constant 0 : i32
      %lt3A_727 = arith.cmpi slt, %select_n3A_720, %lt3A_726 : i32
      %ne3A_728 = arith.xori %lt3A_725, %lt3A_727 : i1
      %and3A_729 = arith.andi %ne3A_728, %ne3A_723 : i1
      %add3A_730 = arith.addi %rem3A_721, %select_n3A_720 : i32
      %select_n3A_731 = arith.select %and3A_729, %add3A_730, %rem3A_721 : i32
      %mul3A_732 = arith.constant 16 : i32
      %mul3A_733 = arith.muli %select_n3A_731, %mul3A_732 : i32
      %add3A_734 = arith.addi %mul3A_2, %mul3A_733 : i32
      %dma_wait3A_735 = arith.constant 0 : i32
      %dma_wait3A_736 = tpu.memref_slice %arg5[%add3A_734, %dma_wait3A_735] : memref<2048x768xf32, #tpu.memory_space<hbm>> -> memref<16x768xf32, #tpu.memory_space<hbm>>
      %dma_wait3A_737 = arith.constant 0 : i32
      %dma_wait3A_738 = tpu.memref_slice %arg5[%add3A_734, %dma_wait3A_737] : memref<2048x768xf32, #tpu.memory_space<hbm>> -> memref<16x768xf32, #tpu.memory_space<hbm>>
      tpu.wait_dma2 semaphore(%arg23 : memref<!tpu.dma_semaphore, #tpu.memory_space<semaphore_mem>>) src(%dma_wait3A_738 : memref<16x768xf32, #tpu.memory_space<hbm>>) dst(%arg11 : memref<16x768xf32, #tpu.memory_space<vmem>>)
      %jit3A_739 = arith.constant 4 : i32
      %div3A_740 = arith.divsi %add3A_73, %jit3A_739 : i32
      %sign3A_741 = arith.constant 0 : i32
      %sign3A_742 = arith.cmpi sgt, %add3A_73, %sign3A_741 : i32
      %sign3A_743 = arith.extui %sign3A_742 : i1 to i32
      %sign3A_744 = arith.constant 0 : i32
      %sign3A_745 = arith.cmpi slt, %add3A_73, %sign3A_744 : i32
      %sign3A_746 = arith.extui %sign3A_745 : i1 to i32
      %sign3A_747 = arith.subi %sign3A_743, %sign3A_746 : i32
      %sign3A_748 = arith.constant 0 : i32
      %sign3A_749 = arith.cmpi sgt, %jit3A_739, %sign3A_748 : i32
      %sign3A_750 = arith.extui %sign3A_749 : i1 to i32
      %sign3A_751 = arith.constant 0 : i32
      %sign3A_752 = arith.cmpi slt, %jit3A_739, %sign3A_751 : i32
      %sign3A_753 = arith.extui %sign3A_752 : i1 to i32
      %sign3A_754 = arith.subi %sign3A_750, %sign3A_753 : i32
      %ne3A_755 = arith.cmpi ne, %sign3A_747, %sign3A_754 : i32
      %rem3A_756 = arith.remsi %add3A_73, %jit3A_739 : i32
      %ne3A_757 = arith.constant 0 : i32
      %ne3A_758 = arith.cmpi ne, %rem3A_756, %ne3A_757 : i32
      %and3A_759 = arith.andi %ne3A_755, %ne3A_758 : i1
      %sub3A_760 = arith.constant 1 : i32
      %sub3A_761 = arith.subi %div3A_740, %sub3A_760 : i32
      %select_n3A_762 = arith.select %and3A_759, %sub3A_761, %div3A_740 : i32
      %jit3A_763 = arith.constant 4 : i32
      %eq3A_764 = arith.constant 0 : i32
      %eq3A_765 = arith.cmpi eq, %jit3A_763, %eq3A_764 : i32
      %jit3A_766 = arith.constant 1 : i32
      %select_n3A_767 = arith.select %eq3A_765, %jit3A_766, %jit3A_763 : i32
      %rem3A_768 = arith.remsi %add3A_73, %select_n3A_767 : i32
      %ne3A_769 = arith.constant 0 : i32
      %ne3A_770 = arith.cmpi ne, %rem3A_768, %ne3A_769 : i32
      %lt3A_771 = arith.constant 0 : i32
      %lt3A_772 = arith.cmpi slt, %rem3A_768, %lt3A_771 : i32
      %lt3A_773 = arith.constant 0 : i32
      %lt3A_774 = arith.cmpi slt, %select_n3A_767, %lt3A_773 : i32
      %ne3A_775 = arith.xori %lt3A_772, %lt3A_774 : i1
      %and3A_776 = arith.andi %ne3A_775, %ne3A_770 : i1
      %add3A_777 = arith.addi %rem3A_768, %select_n3A_767 : i32
      %select_n3A_778 = arith.select %and3A_776, %add3A_777, %rem3A_768 : i32
      %mul3A_779 = arith.constant 16 : i32
      %mul3A_780 = arith.muli %select_n3A_778, %mul3A_779 : i32
      %dma_wait3A_781 = tpu.memref_slice %arg16[%select_n3A_762, %mul3A_780] : memref<4x64xi32, #tpu.memory_space<vmem>> -> memref<1x16xi32, #tpu.memory_space<vmem>>
      %dma_wait3A_782 = tpu.memref_squeeze %dma_wait3A_781 : memref<1x16xi32, #tpu.memory_space<vmem>> -> memref<16xi32, #tpu.memory_space<vmem>>
      %dma_wait3A_783 = arith.constant 0 : i32
      %dma_wait3A_784 = arith.constant 0 : i32
      %dma_wait3A_785 = tpu.memref_slice %arg4[%dma_wait3A_783, %dma_wait3A_784] : memref<30522x768xf32, #tpu.memory_space<hbm>> -> memref<30522x768xf32, #tpu.memory_space<hbm>>
      tpu.wait_indirect_dma semaphore(%arg25 : memref<!tpu.dma_semaphore, #tpu.memory_space<semaphore_mem>>) src(%dma_wait3A_785 : memref<30522x768xf32, #tpu.memory_space<hbm>>) dst(%arg13 : memref<16x768xf32, #tpu.memory_space<vmem>>)
      %gt3A_786 = arith.constant 0 : i32
      %gt3A_787 = arith.cmpi sgt, %scan3A_66, %gt3A_786 : i32
      %convert_element_type3A_788 = arith.extui %gt3A_787 : i1 to i32
      %cond3A_789 = arith.constant 0 : i32
      %cond3A_790 = arith.cmpi ne, %convert_element_type3A_788, %cond3A_789 : i32
      scf.if %cond3A_790 {
        %sub3A_1380 = arith.constant 2 : i32
        %sub3A_1381 = arith.subi %add3A_73, %sub3A_1380 : i32
        %jit3A_1382 = arith.constant 4 : i32
        %div3A_1383 = arith.divsi %sub3A_1381, %jit3A_1382 : i32
        %sign3A_1384 = arith.constant 0 : i32
        %sign3A_1385 = arith.cmpi sgt, %sub3A_1381, %sign3A_1384 : i32
        %sign3A_1386 = arith.extui %sign3A_1385 : i1 to i32
        %sign3A_1387 = arith.constant 0 : i32
        %sign3A_1388 = arith.cmpi slt, %sub3A_1381, %sign3A_1387 : i32
        %sign3A_1389 = arith.extui %sign3A_1388 : i1 to i32
        %sign3A_1390 = arith.subi %sign3A_1386, %sign3A_1389 : i32
        %sign3A_1391 = arith.constant 0 : i32
        %sign3A_1392 = arith.cmpi sgt, %jit3A_1382, %sign3A_1391 : i32
        %sign3A_1393 = arith.extui %sign3A_1392 : i1 to i32
        %sign3A_1394 = arith.constant 0 : i32
        %sign3A_1395 = arith.cmpi slt, %jit3A_1382, %sign3A_1394 : i32
        %sign3A_1396 = arith.extui %sign3A_1395 : i1 to i32
        %sign3A_1397 = arith.subi %sign3A_1393, %sign3A_1396 : i32
        %ne3A_1398 = arith.cmpi ne, %sign3A_1390, %sign3A_1397 : i32
        %rem3A_1399 = arith.remsi %sub3A_1381, %jit3A_1382 : i32
        %ne3A_1400 = arith.constant 0 : i32
        %ne3A_1401 = arith.cmpi ne, %rem3A_1399, %ne3A_1400 : i32
        %and3A_1402 = arith.andi %ne3A_1398, %ne3A_1401 : i1
        %sub3A_1403 = arith.constant 1 : i32
        %sub3A_1404 = arith.subi %div3A_1383, %sub3A_1403 : i32
        %select_n3A_1405 = arith.select %and3A_1402, %sub3A_1404, %div3A_1383 : i32
        %jit3A_1406 = arith.constant 4 : i32
        %eq3A_1407 = arith.constant 0 : i32
        %eq3A_1408 = arith.cmpi eq, %jit3A_1406, %eq3A_1407 : i32
        %jit3A_1409 = arith.constant 1 : i32
        %select_n3A_1410 = arith.select %eq3A_1408, %jit3A_1409, %jit3A_1406 : i32
        %rem3A_1411 = arith.remsi %sub3A_1381, %select_n3A_1410 : i32
        %ne3A_1412 = arith.constant 0 : i32
        %ne3A_1413 = arith.cmpi ne, %rem3A_1411, %ne3A_1412 : i32
        %lt3A_1414 = arith.constant 0 : i32
        %lt3A_1415 = arith.cmpi slt, %rem3A_1411, %lt3A_1414 : i32
        %lt3A_1416 = arith.constant 0 : i32
        %lt3A_1417 = arith.cmpi slt, %select_n3A_1410, %lt3A_1416 : i32
        %ne3A_1418 = arith.xori %lt3A_1415, %lt3A_1417 : i1
        %and3A_1419 = arith.andi %ne3A_1418, %ne3A_1413 : i1
        %add3A_1420 = arith.addi %rem3A_1411, %select_n3A_1410 : i32
        %select_n3A_1421 = arith.select %and3A_1419, %add3A_1420, %rem3A_1411 : i32
        %mul3A_1422 = arith.constant 16 : i32
        %mul3A_1423 = arith.muli %select_n3A_1421, %mul3A_1422 : i32
        %add3A_1424 = arith.addi %mul3A_2, %mul3A_1423 : i32
        %dma_wait3A_1425 = arith.constant 0 : i32
        %dma_wait3A_1426 = tpu.memref_slice %arg9[%select_n3A_1405, %add3A_1424, %dma_wait3A_1425] : memref<4x2048x768xf32, #tpu.memory_space<hbm>> -> memref<1x16x768xf32, #tpu.memory_space<hbm>>
        %dma_wait3A_1427 = tpu.memref_squeeze %dma_wait3A_1426 : memref<1x16x768xf32, #tpu.memory_space<hbm>> -> memref<16x768xf32, #tpu.memory_space<hbm>>
        %dma_wait3A_1428 = arith.constant 0 : i32
        %dma_wait3A_1429 = tpu.memref_slice %arg9[%select_n3A_1405, %add3A_1424, %dma_wait3A_1428] : memref<4x2048x768xf32, #tpu.memory_space<hbm>> -> memref<1x16x768xf32, #tpu.memory_space<hbm>>
        %dma_wait3A_1430 = tpu.memref_squeeze %dma_wait3A_1429 : memref<1x16x768xf32, #tpu.memory_space<hbm>> -> memref<16x768xf32, #tpu.memory_space<hbm>>
        tpu.wait_dma2 semaphore(%arg27 : memref<!tpu.dma_semaphore, #tpu.memory_space<semaphore_mem>>) src(%arg15 : memref<16x768xf32, #tpu.memory_space<vmem>>) dst(%dma_wait3A_1430 : memref<16x768xf32, #tpu.memory_space<hbm>>)
      } else {
      }
      %jit3A_791 = arith.constant 4 : i32
      %div3A_792 = arith.divsi %add3A_73, %jit3A_791 : i32
      %sign3A_793 = arith.constant 0 : i32
      %sign3A_794 = arith.cmpi sgt, %add3A_73, %sign3A_793 : i32
      %sign3A_795 = arith.extui %sign3A_794 : i1 to i32
      %sign3A_796 = arith.constant 0 : i32
      %sign3A_797 = arith.cmpi slt, %add3A_73, %sign3A_796 : i32
      %sign3A_798 = arith.extui %sign3A_797 : i1 to i32
      %sign3A_799 = arith.subi %sign3A_795, %sign3A_798 : i32
      %sign3A_800 = arith.constant 0 : i32
      %sign3A_801 = arith.cmpi sgt, %jit3A_791, %sign3A_800 : i32
      %sign3A_802 = arith.extui %sign3A_801 : i1 to i32
      %sign3A_803 = arith.constant 0 : i32
      %sign3A_804 = arith.cmpi slt, %jit3A_791, %sign3A_803 : i32
      %sign3A_805 = arith.extui %sign3A_804 : i1 to i32
      %sign3A_806 = arith.subi %sign3A_802, %sign3A_805 : i32
      %ne3A_807 = arith.cmpi ne, %sign3A_799, %sign3A_806 : i32
      %rem3A_808 = arith.remsi %add3A_73, %jit3A_791 : i32
      %ne3A_809 = arith.constant 0 : i32
      %ne3A_810 = arith.cmpi ne, %rem3A_808, %ne3A_809 : i32
      %and3A_811 = arith.andi %ne3A_807, %ne3A_810 : i1
      %sub3A_812 = arith.constant 1 : i32
      %sub3A_813 = arith.subi %div3A_792, %sub3A_812 : i32
      %select_n3A_814 = arith.select %and3A_811, %sub3A_813, %div3A_792 : i32
      %jit3A_815 = arith.constant 4 : i32
      %eq3A_816 = arith.constant 0 : i32
      %eq3A_817 = arith.cmpi eq, %jit3A_815, %eq3A_816 : i32
      %jit3A_818 = arith.constant 1 : i32
      %select_n3A_819 = arith.select %eq3A_817, %jit3A_818, %jit3A_815 : i32
      %rem3A_820 = arith.remsi %add3A_73, %select_n3A_819 : i32
      %ne3A_821 = arith.constant 0 : i32
      %ne3A_822 = arith.cmpi ne, %rem3A_820, %ne3A_821 : i32
      %lt3A_823 = arith.constant 0 : i32
      %lt3A_824 = arith.cmpi slt, %rem3A_820, %lt3A_823 : i32
      %lt3A_825 = arith.constant 0 : i32
      %lt3A_826 = arith.cmpi slt, %select_n3A_819, %lt3A_825 : i32
      %ne3A_827 = arith.xori %lt3A_824, %lt3A_826 : i1
      %and3A_828 = arith.andi %ne3A_827, %ne3A_822 : i1
      %add3A_829 = arith.addi %rem3A_820, %select_n3A_819 : i32
      %select_n3A_830 = arith.select %and3A_828, %add3A_829, %rem3A_820 : i32
      %mul3A_831 = arith.constant 16 : i32
      %mul3A_832 = arith.muli %select_n3A_830, %mul3A_831 : i32
      %get3A_833 = arith.index_cast %select_n3A_814 : i32 to index
      %get3A_834 = arith.index_cast %mul3A_832 : i32 to index
      %get3A_835 = tpu.vector_load %arg17[%get3A_833, %get3A_834] {strides = array<i32>} : memref<4x64xi32, #tpu.memory_space<vmem>>, vector<16xi32>,
      %convert_element_type3A_836 = arith.sitofp %get3A_835 : vector<16xi32> to vector<16xf32>
      %slice3A_837 = vector.extract_strided_slice %convert_element_type3A_836 {offsets = [0], sizes = [1], strides = [1]} : vector<16xf32> to vector<1xf32>
      %squeeze3A_838 = vector.extract %slice3A_837[0] : f32 from vector<1xf32>
      %broadcast_in_dim3A_839 = vector.broadcast %squeeze3A_838 : f32 to vector<16xf32>
      %slice3A_840 = vector.extract_strided_slice %convert_element_type3A_836 {offsets = [1], sizes = [1], strides = [1]} : vector<16xf32> to vector<1xf32>
      %squeeze3A_841 = vector.extract %slice3A_840[0] : f32 from vector<1xf32>
      %broadcast_in_dim3A_842 = vector.broadcast %squeeze3A_841 : f32 to vector<16xf32>
      %slice3A_843 = vector.extract_strided_slice %convert_element_type3A_836 {offsets = [2], sizes = [1], strides = [1]} : vector<16xf32> to vector<1xf32>
      %squeeze3A_844 = vector.extract %slice3A_843[0] : f32 from vector<1xf32>
      %broadcast_in_dim3A_845 = vector.broadcast %squeeze3A_844 : f32 to vector<16xf32>
      %slice3A_846 = vector.extract_strided_slice %convert_element_type3A_836 {offsets = [3], sizes = [1], strides = [1]} : vector<16xf32> to vector<1xf32>
      %squeeze3A_847 = vector.extract %slice3A_846[0] : f32 from vector<1xf32>
      %broadcast_in_dim3A_848 = vector.broadcast %squeeze3A_847 : f32 to vector<16xf32>
      %slice3A_849 = vector.extract_strided_slice %convert_element_type3A_836 {offsets = [4], sizes = [1], strides = [1]} : vector<16xf32> to vector<1xf32>
      %squeeze3A_850 = vector.extract %slice3A_849[0] : f32 from vector<1xf32>
      %broadcast_in_dim3A_851 = vector.broadcast %squeeze3A_850 : f32 to vector<16xf32>
      %slice3A_852 = vector.extract_strided_slice %convert_element_type3A_836 {offsets = [5], sizes = [1], strides = [1]} : vector<16xf32> to vector<1xf32>
      %squeeze3A_853 = vector.extract %slice3A_852[0] : f32 from vector<1xf32>
      %broadcast_in_dim3A_854 = vector.broadcast %squeeze3A_853 : f32 to vector<16xf32>
      %slice3A_855 = vector.extract_strided_slice %convert_element_type3A_836 {offsets = [6], sizes = [1], strides = [1]} : vector<16xf32> to vector<1xf32>
      %squeeze3A_856 = vector.extract %slice3A_855[0] : f32 from vector<1xf32>
      %broadcast_in_dim3A_857 = vector.broadcast %squeeze3A_856 : f32 to vector<16xf32>
      %slice3A_858 = vector.extract_strided_slice %convert_element_type3A_836 {offsets = [7], sizes = [1], strides = [1]} : vector<16xf32> to vector<1xf32>
      %squeeze3A_859 = vector.extract %slice3A_858[0] : f32 from vector<1xf32>
      %broadcast_in_dim3A_860 = vector.broadcast %squeeze3A_859 : f32 to vector<16xf32>
      %broadcast_in_dim3A_861 = arith.constant 0.000000e+00 : f32
      %broadcast_in_dim3A_862 = vector.broadcast %broadcast_in_dim3A_861 : f32 to vector<16xf32>
      %scan3A_863 = arith.constant 0 : i32
      %scan3A_864 = arith.constant 48 : i32
      %scan3A_865 = arith.addi %scan3A_863, %scan3A_864 : i32
      %scan3A_866 = arith.constant 1 : i32
      %scan3A_867:16 = scf.for %scan3A_1380 = %scan3A_863 to %scan3A_865 step %scan3A_866 iter_args(%scan3A_1381 = %broadcast_in_dim3A_862, %scan3A_1382 = %broadcast_in_dim3A_862, %scan3A_1383 = %broadcast_in_dim3A_862, %scan3A_1384 = %broadcast_in_dim3A_862, %scan3A_1385 = %broadcast_in_dim3A_862, %scan3A_1386 = %broadcast_in_dim3A_862, %scan3A_1387 = %broadcast_in_dim3A_862, %scan3A_1388 = %broadcast_in_dim3A_862, %scan3A_1389 = %broadcast_in_dim3A_862, %scan3A_1390 = %broadcast_in_dim3A_862, %scan3A_1391 = %broadcast_in_dim3A_862, %scan3A_1392 = %broadcast_in_dim3A_862, %scan3A_1393 = %broadcast_in_dim3A_862, %scan3A_1394 = %broadcast_in_dim3A_862, %scan3A_1395 = %broadcast_in_dim3A_862, %scan3A_1396 = %broadcast_in_dim3A_862) -> (vector<16xf32>, vector<16xf32>, vector<16xf32>, vector<16xf32>, vector<16xf32>, vector<16xf32>, vector<16xf32>, vector<16xf32>, vector<16xf32>, vector<16xf32>, vector<16xf32>, vector<16xf32>, vector<16xf32>, vector<16xf32>, vector<16xf32>, vector<16xf32>)  : i32 {
        %mul3A_1397 = arith.constant 16 : i32
        %mul3A_1398 = arith.muli %scan3A_1380, %mul3A_1397 : i32
        %get3A_1399 = arith.constant 0 : i32
        %get3A_1400 = arith.index_cast %get3A_1399 : i32 to index
        %get3A_1401 = arith.index_cast %mul3A_1398 : i32 to index
        %get3A_1402 = tpu.vector_load %arg20[%get3A_1400, %get3A_1401] {strides = array<i32>} : memref<2x768xf32, #tpu.memory_space<vmem>>, vector<16xf32>,
        %get3A_1403 = arith.constant 1 : i32
        %get3A_1404 = arith.index_cast %get3A_1403 : i32 to index
        %get3A_1405 = arith.index_cast %mul3A_1398 : i32 to index
        %get3A_1406 = tpu.vector_load %arg20[%get3A_1404, %get3A_1405] {strides = array<i32>} : memref<2x768xf32, #tpu.memory_space<vmem>>, vector<16xf32>,
        %sub3A_1407 = arith.subf %get3A_1406, %get3A_1402 : vector<16xf32>
        %get3A_1408 = arith.constant 0 : i32
        %get3A_1409 = arith.index_cast %get3A_1408 : i32 to index
        %get3A_1410 = arith.index_cast %mul3A_1398 : i32 to index
        %get3A_1411 = tpu.vector_load %arg13[%get3A_1409, %get3A_1410] {strides = array<i32>} : memref<16x768xf32, #tpu.memory_space<vmem>>, vector<16xf32>,
        %get3A_1412 = arith.constant 0 : i32
        %get3A_1413 = arith.index_cast %get3A_1412 : i32 to index
        %get3A_1414 = arith.index_cast %mul3A_1398 : i32 to index
        %get3A_1415 = tpu.vector_load %arg11[%get3A_1413, %get3A_1414] {strides = array<i32>} : memref<16x768xf32, #tpu.memory_space<vmem>>, vector<16xf32>,
        %add3A_1416 = arith.addf %get3A_1411, %get3A_1415 : vector<16xf32>
        %mul3A_1417 = arith.mulf %broadcast_in_dim3A_839, %sub3A_1407 : vector<16xf32>
        %add3A_1418 = arith.addf %get3A_1402, %mul3A_1417 : vector<16xf32>
        %add3A_1419 = arith.addf %add3A_1416, %add3A_1418 : vector<16xf32>
        %swap3A_1420 = arith.constant 0 : i32
        %swap3A_1421 = arith.index_cast %swap3A_1420 : i32 to index
        %swap3A_1422 = arith.index_cast %mul3A_1398 : i32 to index
        %swap3A_1423 = tpu.vector_load %arg13[%swap3A_1421, %swap3A_1422] {strides = array<i32>} : memref<16x768xf32, #tpu.memory_space<vmem>>, vector<16xf32>,
        tpu.vector_store %arg13[%swap3A_1421, %swap3A_1422], %add3A_1419 {strides = array<i32>} : memref<16x768xf32, #tpu.memory_space<vmem>>, vector<16xf32>,
        %add3A_1424 = arith.addf %scan3A_1381, %add3A_1419 : vector<16xf32>
        %mul3A_1425 = arith.mulf %add3A_1419, %add3A_1419 : vector<16xf32>
        %add3A_1426 = arith.addf %scan3A_1389, %mul3A_1425 : vector<16xf32>
        %get3A_1427 = arith.constant 1 : i32
        %get3A_1428 = arith.index_cast %get3A_1427 : i32 to index
        %get3A_1429 = arith.index_cast %mul3A_1398 : i32 to index
        %get3A_1430 = tpu.vector_load %arg13[%get3A_1428, %get3A_1429] {strides = array<i32>} : memref<16x768xf32, #tpu.memory_space<vmem>>, vector<16xf32>,
        %get3A_1431 = arith.constant 1 : i32
        %get3A_1432 = arith.index_cast %get3A_1431 : i32 to index
        %get3A_1433 = arith.index_cast %mul3A_1398 : i32 to index
        %get3A_1434 = tpu.vector_load %arg11[%get3A_1432, %get3A_1433] {strides = array<i32>} : memref<16x768xf32, #tpu.memory_space<vmem>>, vector<16xf32>,
        %add3A_1435 = arith.addf %get3A_1430, %get3A_1434 : vector<16xf32>
        %mul3A_1436 = arith.mulf %broadcast_in_dim3A_842, %sub3A_1407 : vector<16xf32>
        %add3A_1437 = arith.addf %get3A_1402, %mul3A_1436 : vector<16xf32>
        %add3A_1438 = arith.addf %add3A_1435, %add3A_1437 : vector<16xf32>
        %swap3A_1439 = arith.constant 1 : i32
        %swap3A_1440 = arith.index_cast %swap3A_1439 : i32 to index
        %swap3A_1441 = arith.index_cast %mul3A_1398 : i32 to index
        %swap3A_1442 = tpu.vector_load %arg13[%swap3A_1440, %swap3A_1441] {strides = array<i32>} : memref<16x768xf32, #tpu.memory_space<vmem>>, vector<16xf32>,
        tpu.vector_store %arg13[%swap3A_1440, %swap3A_1441], %add3A_1438 {strides = array<i32>} : memref<16x768xf32, #tpu.memory_space<vmem>>, vector<16xf32>,
        %add3A_1443 = arith.addf %scan3A_1382, %add3A_1438 : vector<16xf32>
        %mul3A_1444 = arith.mulf %add3A_1438, %add3A_1438 : vector<16xf32>
        %add3A_1445 = arith.addf %scan3A_1390, %mul3A_1444 : vector<16xf32>
        %get3A_1446 = arith.constant 2 : i32
        %get3A_1447 = arith.index_cast %get3A_1446 : i32 to index
        %get3A_1448 = arith.index_cast %mul3A_1398 : i32 to index
        %get3A_1449 = tpu.vector_load %arg13[%get3A_1447, %get3A_1448] {strides = array<i32>} : memref<16x768xf32, #tpu.memory_space<vmem>>, vector<16xf32>,
        %get3A_1450 = arith.constant 2 : i32
        %get3A_1451 = arith.index_cast %get3A_1450 : i32 to index
        %get3A_1452 = arith.index_cast %mul3A_1398 : i32 to index
        %get3A_1453 = tpu.vector_load %arg11[%get3A_1451, %get3A_1452] {strides = array<i32>} : memref<16x768xf32, #tpu.memory_space<vmem>>, vector<16xf32>,
        %add3A_1454 = arith.addf %get3A_1449, %get3A_1453 : vector<16xf32>
        %mul3A_1455 = arith.mulf %broadcast_in_dim3A_845, %sub3A_1407 : vector<16xf32>
        %add3A_1456 = arith.addf %get3A_1402, %mul3A_1455 : vector<16xf32>
        %add3A_1457 = arith.addf %add3A_1454, %add3A_1456 : vector<16xf32>
        %swap3A_1458 = arith.constant 2 : i32
        %swap3A_1459 = arith.index_cast %swap3A_1458 : i32 to index
        %swap3A_1460 = arith.index_cast %mul3A_1398 : i32 to index
        %swap3A_1461 = tpu.vector_load %arg13[%swap3A_1459, %swap3A_1460] {strides = array<i32>} : memref<16x768xf32, #tpu.memory_space<vmem>>, vector<16xf32>,
        tpu.vector_store %arg13[%swap3A_1459, %swap3A_1460], %add3A_1457 {strides = array<i32>} : memref<16x768xf32, #tpu.memory_space<vmem>>, vector<16xf32>,
        %add3A_1462 = arith.addf %scan3A_1383, %add3A_1457 : vector<16xf32>
        %mul3A_1463 = arith.mulf %add3A_1457, %add3A_1457 : vector<16xf32>
        %add3A_1464 = arith.addf %scan3A_1391, %mul3A_1463 : vector<16xf32>
        %get3A_1465 = arith.constant 3 : i32
        %get3A_1466 = arith.index_cast %get3A_1465 : i32 to index
        %get3A_1467 = arith.index_cast %mul3A_1398 : i32 to index
        %get3A_1468 = tpu.vector_load %arg13[%get3A_1466, %get3A_1467] {strides = array<i32>} : memref<16x768xf32, #tpu.memory_space<vmem>>, vector<16xf32>,
        %get3A_1469 = arith.constant 3 : i32
        %get3A_1470 = arith.index_cast %get3A_1469 : i32 to index
        %get3A_1471 = arith.index_cast %mul3A_1398 : i32 to index
        %get3A_1472 = tpu.vector_load %arg11[%get3A_1470, %get3A_1471] {strides = array<i32>} : memref<16x768xf32, #tpu.memory_space<vmem>>, vector<16xf32>,
        %add3A_1473 = arith.addf %get3A_1468, %get3A_1472 : vector<16xf32>
        %mul3A_1474 = arith.mulf %broadcast_in_dim3A_848, %sub3A_1407 : vector<16xf32>
        %add3A_1475 = arith.addf %get3A_1402, %mul3A_1474 : vector<16xf32>
        %add3A_1476 = arith.addf %add3A_1473, %add3A_1475 : vector<16xf32>
        %swap3A_1477 = arith.constant 3 : i32
        %swap3A_1478 = arith.index_cast %swap3A_1477 : i32 to index
        %swap3A_1479 = arith.index_cast %mul3A_1398 : i32 to index
        %swap3A_1480 = tpu.vector_load %arg13[%swap3A_1478, %swap3A_1479] {strides = array<i32>} : memref<16x768xf32, #tpu.memory_space<vmem>>, vector<16xf32>,
        tpu.vector_store %arg13[%swap3A_1478, %swap3A_1479], %add3A_1476 {strides = array<i32>} : memref<16x768xf32, #tpu.memory_space<vmem>>, vector<16xf32>,
        %add3A_1481 = arith.addf %scan3A_1384, %add3A_1476 : vector<16xf32>
        %mul3A_1482 = arith.mulf %add3A_1476, %add3A_1476 : vector<16xf32>
        %add3A_1483 = arith.addf %scan3A_1392, %mul3A_1482 : vector<16xf32>
        %get3A_1484 = arith.constant 4 : i32
        %get3A_1485 = arith.index_cast %get3A_1484 : i32 to index
        %get3A_1486 = arith.index_cast %mul3A_1398 : i32 to index
        %get3A_1487 = tpu.vector_load %arg13[%get3A_1485, %get3A_1486] {strides = array<i32>} : memref<16x768xf32, #tpu.memory_space<vmem>>, vector<16xf32>,
        %get3A_1488 = arith.constant 4 : i32
        %get3A_1489 = arith.index_cast %get3A_1488 : i32 to index
        %get3A_1490 = arith.index_cast %mul3A_1398 : i32 to index
        %get3A_1491 = tpu.vector_load %arg11[%get3A_1489, %get3A_1490] {strides = array<i32>} : memref<16x768xf32, #tpu.memory_space<vmem>>, vector<16xf32>,
        %add3A_1492 = arith.addf %get3A_1487, %get3A_1491 : vector<16xf32>
        %mul3A_1493 = arith.mulf %broadcast_in_dim3A_851, %sub3A_1407 : vector<16xf32>
        %add3A_1494 = arith.addf %get3A_1402, %mul3A_1493 : vector<16xf32>
        %add3A_1495 = arith.addf %add3A_1492, %add3A_1494 : vector<16xf32>
        %swap3A_1496 = arith.constant 4 : i32
        %swap3A_1497 = arith.index_cast %swap3A_1496 : i32 to index
        %swap3A_1498 = arith.index_cast %mul3A_1398 : i32 to index
        %swap3A_1499 = tpu.vector_load %arg13[%swap3A_1497, %swap3A_1498] {strides = array<i32>} : memref<16x768xf32, #tpu.memory_space<vmem>>, vector<16xf32>,
        tpu.vector_store %arg13[%swap3A_1497, %swap3A_1498], %add3A_1495 {strides = array<i32>} : memref<16x768xf32, #tpu.memory_space<vmem>>, vector<16xf32>,
        %add3A_1500 = arith.addf %scan3A_1385, %add3A_1495 : vector<16xf32>
        %mul3A_1501 = arith.mulf %add3A_1495, %add3A_1495 : vector<16xf32>
        %add3A_1502 = arith.addf %scan3A_1393, %mul3A_1501 : vector<16xf32>
        %get3A_1503 = arith.constant 5 : i32
        %get3A_1504 = arith.index_cast %get3A_1503 : i32 to index
        %get3A_1505 = arith.index_cast %mul3A_1398 : i32 to index
        %get3A_1506 = tpu.vector_load %arg13[%get3A_1504, %get3A_1505] {strides = array<i32>} : memref<16x768xf32, #tpu.memory_space<vmem>>, vector<16xf32>,
        %get3A_1507 = arith.constant 5 : i32
        %get3A_1508 = arith.index_cast %get3A_1507 : i32 to index
        %get3A_1509 = arith.index_cast %mul3A_1398 : i32 to index
        %get3A_1510 = tpu.vector_load %arg11[%get3A_1508, %get3A_1509] {strides = array<i32>} : memref<16x768xf32, #tpu.memory_space<vmem>>, vector<16xf32>,
        %add3A_1511 = arith.addf %get3A_1506, %get3A_1510 : vector<16xf32>
        %mul3A_1512 = arith.mulf %broadcast_in_dim3A_854, %sub3A_1407 : vector<16xf32>
        %add3A_1513 = arith.addf %get3A_1402, %mul3A_1512 : vector<16xf32>
        %add3A_1514 = arith.addf %add3A_1511, %add3A_1513 : vector<16xf32>
        %swap3A_1515 = arith.constant 5 : i32
        %swap3A_1516 = arith.index_cast %swap3A_1515 : i32 to index
        %swap3A_1517 = arith.index_cast %mul3A_1398 : i32 to index
        %swap3A_1518 = tpu.vector_load %arg13[%swap3A_1516, %swap3A_1517] {strides = array<i32>} : memref<16x768xf32, #tpu.memory_space<vmem>>, vector<16xf32>,
        tpu.vector_store %arg13[%swap3A_1516, %swap3A_1517], %add3A_1514 {strides = array<i32>} : memref<16x768xf32, #tpu.memory_space<vmem>>, vector<16xf32>,
        %add3A_1519 = arith.addf %scan3A_1386, %add3A_1514 : vector<16xf32>
        %mul3A_1520 = arith.mulf %add3A_1514, %add3A_1514 : vector<16xf32>
        %add3A_1521 = arith.addf %scan3A_1394, %mul3A_1520 : vector<16xf32>
        %get3A_1522 = arith.constant 6 : i32
        %get3A_1523 = arith.index_cast %get3A_1522 : i32 to index
        %get3A_1524 = arith.index_cast %mul3A_1398 : i32 to index
        %get3A_1525 = tpu.vector_load %arg13[%get3A_1523, %get3A_1524] {strides = array<i32>} : memref<16x768xf32, #tpu.memory_space<vmem>>, vector<16xf32>,
        %get3A_1526 = arith.constant 6 : i32
        %get3A_1527 = arith.index_cast %get3A_1526 : i32 to index
        %get3A_1528 = arith.index_cast %mul3A_1398 : i32 to index
        %get3A_1529 = tpu.vector_load %arg11[%get3A_1527, %get3A_1528] {strides = array<i32>} : memref<16x768xf32, #tpu.memory_space<vmem>>, vector<16xf32>,
        %add3A_1530 = arith.addf %get3A_1525, %get3A_1529 : vector<16xf32>
        %mul3A_1531 = arith.mulf %broadcast_in_dim3A_857, %sub3A_1407 : vector<16xf32>
        %add3A_1532 = arith.addf %get3A_1402, %mul3A_1531 : vector<16xf32>
        %add3A_1533 = arith.addf %add3A_1530, %add3A_1532 : vector<16xf32>
        %swap3A_1534 = arith.constant 6 : i32
        %swap3A_1535 = arith.index_cast %swap3A_1534 : i32 to index
        %swap3A_1536 = arith.index_cast %mul3A_1398 : i32 to index
        %swap3A_1537 = tpu.vector_load %arg13[%swap3A_1535, %swap3A_1536] {strides = array<i32>} : memref<16x768xf32, #tpu.memory_space<vmem>>, vector<16xf32>,
        tpu.vector_store %arg13[%swap3A_1535, %swap3A_1536], %add3A_1533 {strides = array<i32>} : memref<16x768xf32, #tpu.memory_space<vmem>>, vector<16xf32>,
        %add3A_1538 = arith.addf %scan3A_1387, %add3A_1533 : vector<16xf32>
        %mul3A_1539 = arith.mulf %add3A_1533, %add3A_1533 : vector<16xf32>
        %add3A_1540 = arith.addf %scan3A_1395, %mul3A_1539 : vector<16xf32>
        %get3A_1541 = arith.constant 7 : i32
        %get3A_1542 = arith.index_cast %get3A_1541 : i32 to index
        %get3A_1543 = arith.index_cast %mul3A_1398 : i32 to index
        %get3A_1544 = tpu.vector_load %arg13[%get3A_1542, %get3A_1543] {strides = array<i32>} : memref<16x768xf32, #tpu.memory_space<vmem>>, vector<16xf32>,
        %get3A_1545 = arith.constant 7 : i32
        %get3A_1546 = arith.index_cast %get3A_1545 : i32 to index
        %get3A_1547 = arith.index_cast %mul3A_1398 : i32 to index
        %get3A_1548 = tpu.vector_load %arg11[%get3A_1546, %get3A_1547] {strides = array<i32>} : memref<16x768xf32, #tpu.memory_space<vmem>>, vector<16xf32>,
        %add3A_1549 = arith.addf %get3A_1544, %get3A_1548 : vector<16xf32>
        %mul3A_1550 = arith.mulf %broadcast_in_dim3A_860, %sub3A_1407 : vector<16xf32>
        %add3A_1551 = arith.addf %get3A_1402, %mul3A_1550 : vector<16xf32>
        %add3A_1552 = arith.addf %add3A_1549, %add3A_1551 : vector<16xf32>
        %swap3A_1553 = arith.constant 7 : i32
        %swap3A_1554 = arith.index_cast %swap3A_1553 : i32 to index
        %swap3A_1555 = arith.index_cast %mul3A_1398 : i32 to index
        %swap3A_1556 = tpu.vector_load %arg13[%swap3A_1554, %swap3A_1555] {strides = array<i32>} : memref<16x768xf32, #tpu.memory_space<vmem>>, vector<16xf32>,
        tpu.vector_store %arg13[%swap3A_1554, %swap3A_1555], %add3A_1552 {strides = array<i32>} : memref<16x768xf32, #tpu.memory_space<vmem>>, vector<16xf32>,
        %add3A_1557 = arith.addf %scan3A_1388, %add3A_1552 : vector<16xf32>
        %mul3A_1558 = arith.mulf %add3A_1552, %add3A_1552 : vector<16xf32>
        %add3A_1559 = arith.addf %scan3A_1396, %mul3A_1558 : vector<16xf32>
        scf.yield %add3A_1424, %add3A_1443, %add3A_1462, %add3A_1481, %add3A_1500, %add3A_1519, %add3A_1538, %add3A_1557, %add3A_1426, %add3A_1445, %add3A_1464, %add3A_1483, %add3A_1502, %add3A_1521, %add3A_1540, %add3A_1559 : vector<16xf32>, vector<16xf32>, vector<16xf32>, vector<16xf32>, vector<16xf32>, vector<16xf32>, vector<16xf32>, vector<16xf32>, vector<16xf32>, vector<16xf32>, vector<16xf32>, vector<16xf32>, vector<16xf32>, vector<16xf32>, vector<16xf32>, vector<16xf32>
      }
      %scan3A_868 = arith.constant 48 : i32
      %slice3A_869 = vector.extract_strided_slice %convert_element_type3A_836 {offsets = [8], sizes = [1], strides = [1]} : vector<16xf32> to vector<1xf32>
      %squeeze3A_870 = vector.extract %slice3A_869[0] : f32 from vector<1xf32>
      %broadcast_in_dim3A_871 = vector.broadcast %squeeze3A_870 : f32 to vector<16xf32>
      %slice3A_872 = vector.extract_strided_slice %convert_element_type3A_836 {offsets = [9], sizes = [1], strides = [1]} : vector<16xf32> to vector<1xf32>
      %squeeze3A_873 = vector.extract %slice3A_872[0] : f32 from vector<1xf32>
      %broadcast_in_dim3A_874 = vector.broadcast %squeeze3A_873 : f32 to vector<16xf32>
      %slice3A_875 = vector.extract_strided_slice %convert_element_type3A_836 {offsets = [10], sizes = [1], strides = [1]} : vector<16xf32> to vector<1xf32>
      %squeeze3A_876 = vector.extract %slice3A_875[0] : f32 from vector<1xf32>
      %broadcast_in_dim3A_877 = vector.broadcast %squeeze3A_876 : f32 to vector<16xf32>
      %slice3A_878 = vector.extract_strided_slice %convert_element_type3A_836 {offsets = [11], sizes = [1], strides = [1]} : vector<16xf32> to vector<1xf32>
      %squeeze3A_879 = vector.extract %slice3A_878[0] : f32 from vector<1xf32>
      %broadcast_in_dim3A_880 = vector.broadcast %squeeze3A_879 : f32 to vector<16xf32>
      %slice3A_881 = vector.extract_strided_slice %convert_element_type3A_836 {offsets = [12], sizes = [1], strides = [1]} : vector<16xf32> to vector<1xf32>
      %squeeze3A_882 = vector.extract %slice3A_881[0] : f32 from vector<1xf32>
      %broadcast_in_dim3A_883 = vector.broadcast %squeeze3A_882 : f32 to vector<16xf32>
      %slice3A_884 = vector.extract_strided_slice %convert_element_type3A_836 {offsets = [13], sizes = [1], strides = [1]} : vector<16xf32> to vector<1xf32>
      %squeeze3A_885 = vector.extract %slice3A_884[0] : f32 from vector<1xf32>
      %broadcast_in_dim3A_886 = vector.broadcast %squeeze3A_885 : f32 to vector<16xf32>
      %slice3A_887 = vector.extract_strided_slice %convert_element_type3A_836 {offsets = [14], sizes = [1], strides = [1]} : vector<16xf32> to vector<1xf32>
      %squeeze3A_888 = vector.extract %slice3A_887[0] : f32 from vector<1xf32>
      %broadcast_in_dim3A_889 = vector.broadcast %squeeze3A_888 : f32 to vector<16xf32>
      %slice3A_890 = vector.extract_strided_slice %convert_element_type3A_836 {offsets = [15], sizes = [1], strides = [1]} : vector<16xf32> to vector<1xf32>
      %squeeze3A_891 = vector.extract %slice3A_890[0] : f32 from vector<1xf32>
      %broadcast_in_dim3A_892 = vector.broadcast %squeeze3A_891 : f32 to vector<16xf32>
      %broadcast_in_dim3A_893 = arith.constant 0.000000e+00 : f32
      %broadcast_in_dim3A_894 = vector.broadcast %broadcast_in_dim3A_893 : f32 to vector<16xf32>
      %scan3A_895 = arith.constant 0 : i32
      %scan3A_896 = arith.constant 48 : i32
      %scan3A_897 = arith.addi %scan3A_895, %scan3A_896 : i32
      %scan3A_898 = arith.constant 1 : i32
      %scan3A_899:16 = scf.for %scan3A_1380 = %scan3A_895 to %scan3A_897 step %scan3A_898 iter_args(%scan3A_1381 = %broadcast_in_dim3A_894, %scan3A_1382 = %broadcast_in_dim3A_894, %scan3A_1383 = %broadcast_in_dim3A_894, %scan3A_1384 = %broadcast_in_dim3A_894, %scan3A_1385 = %broadcast_in_dim3A_894, %scan3A_1386 = %broadcast_in_dim3A_894, %scan3A_1387 = %broadcast_in_dim3A_894, %scan3A_1388 = %broadcast_in_dim3A_894, %scan3A_1389 = %broadcast_in_dim3A_894, %scan3A_1390 = %broadcast_in_dim3A_894, %scan3A_1391 = %broadcast_in_dim3A_894, %scan3A_1392 = %broadcast_in_dim3A_894, %scan3A_1393 = %broadcast_in_dim3A_894, %scan3A_1394 = %broadcast_in_dim3A_894, %scan3A_1395 = %broadcast_in_dim3A_894, %scan3A_1396 = %broadcast_in_dim3A_894) -> (vector<16xf32>, vector<16xf32>, vector<16xf32>, vector<16xf32>, vector<16xf32>, vector<16xf32>, vector<16xf32>, vector<16xf32>, vector<16xf32>, vector<16xf32>, vector<16xf32>, vector<16xf32>, vector<16xf32>, vector<16xf32>, vector<16xf32>, vector<16xf32>)  : i32 {
        %mul3A_1397 = arith.constant 16 : i32
        %mul3A_1398 = arith.muli %scan3A_1380, %mul3A_1397 : i32
        %get3A_1399 = arith.constant 0 : i32
        %get3A_1400 = arith.index_cast %get3A_1399 : i32 to index
        %get3A_1401 = arith.index_cast %mul3A_1398 : i32 to index
        %get3A_1402 = tpu.vector_load %arg20[%get3A_1400, %get3A_1401] {strides = array<i32>} : memref<2x768xf32, #tpu.memory_space<vmem>>, vector<16xf32>,
        %get3A_1403 = arith.constant 1 : i32
        %get3A_1404 = arith.index_cast %get3A_1403 : i32 to index
        %get3A_1405 = arith.index_cast %mul3A_1398 : i32 to index
        %get3A_1406 = tpu.vector_load %arg20[%get3A_1404, %get3A_1405] {strides = array<i32>} : memref<2x768xf32, #tpu.memory_space<vmem>>, vector<16xf32>,
        %sub3A_1407 = arith.subf %get3A_1406, %get3A_1402 : vector<16xf32>
        %get3A_1408 = arith.constant 8 : i32
        %get3A_1409 = arith.index_cast %get3A_1408 : i32 to index
        %get3A_1410 = arith.index_cast %mul3A_1398 : i32 to index
        %get3A_1411 = tpu.vector_load %arg13[%get3A_1409, %get3A_1410] {strides = array<i32>} : memref<16x768xf32, #tpu.memory_space<vmem>>, vector<16xf32>,
        %get3A_1412 = arith.constant 8 : i32
        %get3A_1413 = arith.index_cast %get3A_1412 : i32 to index
        %get3A_1414 = arith.index_cast %mul3A_1398 : i32 to index
        %get3A_1415 = tpu.vector_load %arg11[%get3A_1413, %get3A_1414] {strides = array<i32>} : memref<16x768xf32, #tpu.memory_space<vmem>>, vector<16xf32>,
        %add3A_1416 = arith.addf %get3A_1411, %get3A_1415 : vector<16xf32>
        %mul3A_1417 = arith.mulf %broadcast_in_dim3A_871, %sub3A_1407 : vector<16xf32>
        %add3A_1418 = arith.addf %get3A_1402, %mul3A_1417 : vector<16xf32>
        %add3A_1419 = arith.addf %add3A_1416, %add3A_1418 : vector<16xf32>
        %swap3A_1420 = arith.constant 8 : i32
        %swap3A_1421 = arith.index_cast %swap3A_1420 : i32 to index
        %swap3A_1422 = arith.index_cast %mul3A_1398 : i32 to index
        %swap3A_1423 = tpu.vector_load %arg13[%swap3A_1421, %swap3A_1422] {strides = array<i32>} : memref<16x768xf32, #tpu.memory_space<vmem>>, vector<16xf32>,
        tpu.vector_store %arg13[%swap3A_1421, %swap3A_1422], %add3A_1419 {strides = array<i32>} : memref<16x768xf32, #tpu.memory_space<vmem>>, vector<16xf32>,
        %add3A_1424 = arith.addf %scan3A_1381, %add3A_1419 : vector<16xf32>
        %mul3A_1425 = arith.mulf %add3A_1419, %add3A_1419 : vector<16xf32>
        %add3A_1426 = arith.addf %scan3A_1389, %mul3A_1425 : vector<16xf32>
        %get3A_1427 = arith.constant 9 : i32
        %get3A_1428 = arith.index_cast %get3A_1427 : i32 to index
        %get3A_1429 = arith.index_cast %mul3A_1398 : i32 to index
        %get3A_1430 = tpu.vector_load %arg13[%get3A_1428, %get3A_1429] {strides = array<i32>} : memref<16x768xf32, #tpu.memory_space<vmem>>, vector<16xf32>,
        %get3A_1431 = arith.constant 9 : i32
        %get3A_1432 = arith.index_cast %get3A_1431 : i32 to index
        %get3A_1433 = arith.index_cast %mul3A_1398 : i32 to index
        %get3A_1434 = tpu.vector_load %arg11[%get3A_1432, %get3A_1433] {strides = array<i32>} : memref<16x768xf32, #tpu.memory_space<vmem>>, vector<16xf32>,
        %add3A_1435 = arith.addf %get3A_1430, %get3A_1434 : vector<16xf32>
        %mul3A_1436 = arith.mulf %broadcast_in_dim3A_874, %sub3A_1407 : vector<16xf32>
        %add3A_1437 = arith.addf %get3A_1402, %mul3A_1436 : vector<16xf32>
        %add3A_1438 = arith.addf %add3A_1435, %add3A_1437 : vector<16xf32>
        %swap3A_1439 = arith.constant 9 : i32
        %swap3A_1440 = arith.index_cast %swap3A_1439 : i32 to index
        %swap3A_1441 = arith.index_cast %mul3A_1398 : i32 to index
        %swap3A_1442 = tpu.vector_load %arg13[%swap3A_1440, %swap3A_1441] {strides = array<i32>} : memref<16x768xf32, #tpu.memory_space<vmem>>, vector<16xf32>,
        tpu.vector_store %arg13[%swap3A_1440, %swap3A_1441], %add3A_1438 {strides = array<i32>} : memref<16x768xf32, #tpu.memory_space<vmem>>, vector<16xf32>,
        %add3A_1443 = arith.addf %scan3A_1382, %add3A_1438 : vector<16xf32>
        %mul3A_1444 = arith.mulf %add3A_1438, %add3A_1438 : vector<16xf32>
        %add3A_1445 = arith.addf %scan3A_1390, %mul3A_1444 : vector<16xf32>
        %get3A_1446 = arith.constant 10 : i32
        %get3A_1447 = arith.index_cast %get3A_1446 : i32 to index
        %get3A_1448 = arith.index_cast %mul3A_1398 : i32 to index
        %get3A_1449 = tpu.vector_load %arg13[%get3A_1447, %get3A_1448] {strides = array<i32>} : memref<16x768xf32, #tpu.memory_space<vmem>>, vector<16xf32>,
        %get3A_1450 = arith.constant 10 : i32
        %get3A_1451 = arith.index_cast %get3A_1450 : i32 to index
        %get3A_1452 = arith.index_cast %mul3A_1398 : i32 to index
        %get3A_1453 = tpu.vector_load %arg11[%get3A_1451, %get3A_1452] {strides = array<i32>} : memref<16x768xf32, #tpu.memory_space<vmem>>, vector<16xf32>,
        %add3A_1454 = arith.addf %get3A_1449, %get3A_1453 : vector<16xf32>
        %mul3A_1455 = arith.mulf %broadcast_in_dim3A_877, %sub3A_1407 : vector<16xf32>
        %add3A_1456 = arith.addf %get3A_1402, %mul3A_1455 : vector<16xf32>
        %add3A_1457 = arith.addf %add3A_1454, %add3A_1456 : vector<16xf32>
        %swap3A_1458 = arith.constant 10 : i32
        %swap3A_1459 = arith.index_cast %swap3A_1458 : i32 to index
        %swap3A_1460 = arith.index_cast %mul3A_1398 : i32 to index
        %swap3A_1461 = tpu.vector_load %arg13[%swap3A_1459, %swap3A_1460] {strides = array<i32>} : memref<16x768xf32, #tpu.memory_space<vmem>>, vector<16xf32>,
        tpu.vector_store %arg13[%swap3A_1459, %swap3A_1460], %add3A_1457 {strides = array<i32>} : memref<16x768xf32, #tpu.memory_space<vmem>>, vector<16xf32>,
        %add3A_1462 = arith.addf %scan3A_1383, %add3A_1457 : vector<16xf32>
        %mul3A_1463 = arith.mulf %add3A_1457, %add3A_1457 : vector<16xf32>
        %add3A_1464 = arith.addf %scan3A_1391, %mul3A_1463 : vector<16xf32>
        %get3A_1465 = arith.constant 11 : i32
        %get3A_1466 = arith.index_cast %get3A_1465 : i32 to index
        %get3A_1467 = arith.index_cast %mul3A_1398 : i32 to index
        %get3A_1468 = tpu.vector_load %arg13[%get3A_1466, %get3A_1467] {strides = array<i32>} : memref<16x768xf32, #tpu.memory_space<vmem>>, vector<16xf32>,
        %get3A_1469 = arith.constant 11 : i32
        %get3A_1470 = arith.index_cast %get3A_1469 : i32 to index
        %get3A_1471 = arith.index_cast %mul3A_1398 : i32 to index
        %get3A_1472 = tpu.vector_load %arg11[%get3A_1470, %get3A_1471] {strides = array<i32>} : memref<16x768xf32, #tpu.memory_space<vmem>>, vector<16xf32>,
        %add3A_1473 = arith.addf %get3A_1468, %get3A_1472 : vector<16xf32>
        %mul3A_1474 = arith.mulf %broadcast_in_dim3A_880, %sub3A_1407 : vector<16xf32>
        %add3A_1475 = arith.addf %get3A_1402, %mul3A_1474 : vector<16xf32>
        %add3A_1476 = arith.addf %add3A_1473, %add3A_1475 : vector<16xf32>
        %swap3A_1477 = arith.constant 11 : i32
        %swap3A_1478 = arith.index_cast %swap3A_1477 : i32 to index
        %swap3A_1479 = arith.index_cast %mul3A_1398 : i32 to index
        %swap3A_1480 = tpu.vector_load %arg13[%swap3A_1478, %swap3A_1479] {strides = array<i32>} : memref<16x768xf32, #tpu.memory_space<vmem>>, vector<16xf32>,
        tpu.vector_store %arg13[%swap3A_1478, %swap3A_1479], %add3A_1476 {strides = array<i32>} : memref<16x768xf32, #tpu.memory_space<vmem>>, vector<16xf32>,
        %add3A_1481 = arith.addf %scan3A_1384, %add3A_1476 : vector<16xf32>
        %mul3A_1482 = arith.mulf %add3A_1476, %add3A_1476 : vector<16xf32>
        %add3A_1483 = arith.addf %scan3A_1392, %mul3A_1482 : vector<16xf32>
        %get3A_1484 = arith.constant 12 : i32
        %get3A_1485 = arith.index_cast %get3A_1484 : i32 to index
        %get3A_1486 = arith.index_cast %mul3A_1398 : i32 to index
        %get3A_1487 = tpu.vector_load %arg13[%get3A_1485, %get3A_1486] {strides = array<i32>} : memref<16x768xf32, #tpu.memory_space<vmem>>, vector<16xf32>,
        %get3A_1488 = arith.constant 12 : i32
        %get3A_1489 = arith.index_cast %get3A_1488 : i32 to index
        %get3A_1490 = arith.index_cast %mul3A_1398 : i32 to index
        %get3A_1491 = tpu.vector_load %arg11[%get3A_1489, %get3A_1490] {strides = array<i32>} : memref<16x768xf32, #tpu.memory_space<vmem>>, vector<16xf32>,
        %add3A_1492 = arith.addf %get3A_1487, %get3A_1491 : vector<16xf32>
        %mul3A_1493 = arith.mulf %broadcast_in_dim3A_883, %sub3A_1407 : vector<16xf32>
        %add3A_1494 = arith.addf %get3A_1402, %mul3A_1493 : vector<16xf32>
        %add3A_1495 = arith.addf %add3A_1492, %add3A_1494 : vector<16xf32>
        %swap3A_1496 = arith.constant 12 : i32
        %swap3A_1497 = arith.index_cast %swap3A_1496 : i32 to index
        %swap3A_1498 = arith.index_cast %mul3A_1398 : i32 to index
        %swap3A_1499 = tpu.vector_load %arg13[%swap3A_1497, %swap3A_1498] {strides = array<i32>} : memref<16x768xf32, #tpu.memory_space<vmem>>, vector<16xf32>,
        tpu.vector_store %arg13[%swap3A_1497, %swap3A_1498], %add3A_1495 {strides = array<i32>} : memref<16x768xf32, #tpu.memory_space<vmem>>, vector<16xf32>,
        %add3A_1500 = arith.addf %scan3A_1385, %add3A_1495 : vector<16xf32>
        %mul3A_1501 = arith.mulf %add3A_1495, %add3A_1495 : vector<16xf32>
        %add3A_1502 = arith.addf %scan3A_1393, %mul3A_1501 : vector<16xf32>
        %get3A_1503 = arith.constant 13 : i32
        %get3A_1504 = arith.index_cast %get3A_1503 : i32 to index
        %get3A_1505 = arith.index_cast %mul3A_1398 : i32 to index
        %get3A_1506 = tpu.vector_load %arg13[%get3A_1504, %get3A_1505] {strides = array<i32>} : memref<16x768xf32, #tpu.memory_space<vmem>>, vector<16xf32>,
        %get3A_1507 = arith.constant 13 : i32
        %get3A_1508 = arith.index_cast %get3A_1507 : i32 to index
        %get3A_1509 = arith.index_cast %mul3A_1398 : i32 to index
        %get3A_1510 = tpu.vector_load %arg11[%get3A_1508, %get3A_1509] {strides = array<i32>} : memref<16x768xf32, #tpu.memory_space<vmem>>, vector<16xf32>,
        %add3A_1511 = arith.addf %get3A_1506, %get3A_1510 : vector<16xf32>
        %mul3A_1512 = arith.mulf %broadcast_in_dim3A_886, %sub3A_1407 : vector<16xf32>
        %add3A_1513 = arith.addf %get3A_1402, %mul3A_1512 : vector<16xf32>
        %add3A_1514 = arith.addf %add3A_1511, %add3A_1513 : vector<16xf32>
        %swap3A_1515 = arith.constant 13 : i32
        %swap3A_1516 = arith.index_cast %swap3A_1515 : i32 to index
        %swap3A_1517 = arith.index_cast %mul3A_1398 : i32 to index
        %swap3A_1518 = tpu.vector_load %arg13[%swap3A_1516, %swap3A_1517] {strides = array<i32>} : memref<16x768xf32, #tpu.memory_space<vmem>>, vector<16xf32>,
        tpu.vector_store %arg13[%swap3A_1516, %swap3A_1517], %add3A_1514 {strides = array<i32>} : memref<16x768xf32, #tpu.memory_space<vmem>>, vector<16xf32>,
        %add3A_1519 = arith.addf %scan3A_1386, %add3A_1514 : vector<16xf32>
        %mul3A_1520 = arith.mulf %add3A_1514, %add3A_1514 : vector<16xf32>
        %add3A_1521 = arith.addf %scan3A_1394, %mul3A_1520 : vector<16xf32>
        %get3A_1522 = arith.constant 14 : i32
        %get3A_1523 = arith.index_cast %get3A_1522 : i32 to index
        %get3A_1524 = arith.index_cast %mul3A_1398 : i32 to index
        %get3A_1525 = tpu.vector_load %arg13[%get3A_1523, %get3A_1524] {strides = array<i32>} : memref<16x768xf32, #tpu.memory_space<vmem>>, vector<16xf32>,
        %get3A_1526 = arith.constant 14 : i32
        %get3A_1527 = arith.index_cast %get3A_1526 : i32 to index
        %get3A_1528 = arith.index_cast %mul3A_1398 : i32 to index
        %get3A_1529 = tpu.vector_load %arg11[%get3A_1527, %get3A_1528] {strides = array<i32>} : memref<16x768xf32, #tpu.memory_space<vmem>>, vector<16xf32>,
        %add3A_1530 = arith.addf %get3A_1525, %get3A_1529 : vector<16xf32>
        %mul3A_1531 = arith.mulf %broadcast_in_dim3A_889, %sub3A_1407 : vector<16xf32>
        %add3A_1532 = arith.addf %get3A_1402, %mul3A_1531 : vector<16xf32>
        %add3A_1533 = arith.addf %add3A_1530, %add3A_1532 : vector<16xf32>
        %swap3A_1534 = arith.constant 14 : i32
        %swap3A_1535 = arith.index_cast %swap3A_1534 : i32 to index
        %swap3A_1536 = arith.index_cast %mul3A_1398 : i32 to index
        %swap3A_1537 = tpu.vector_load %arg13[%swap3A_1535, %swap3A_1536] {strides = array<i32>} : memref<16x768xf32, #tpu.memory_space<vmem>>, vector<16xf32>,
        tpu.vector_store %arg13[%swap3A_1535, %swap3A_1536], %add3A_1533 {strides = array<i32>} : memref<16x768xf32, #tpu.memory_space<vmem>>, vector<16xf32>,
        %add3A_1538 = arith.addf %scan3A_1387, %add3A_1533 : vector<16xf32>
        %mul3A_1539 = arith.mulf %add3A_1533, %add3A_1533 : vector<16xf32>
        %add3A_1540 = arith.addf %scan3A_1395, %mul3A_1539 : vector<16xf32>
        %get3A_1541 = arith.constant 15 : i32
        %get3A_1542 = arith.index_cast %get3A_1541 : i32 to index
        %get3A_1543 = arith.index_cast %mul3A_1398 : i32 to index
        %get3A_1544 = tpu.vector_load %arg13[%get3A_1542, %get3A_1543] {strides = array<i32>} : memref<16x768xf32, #tpu.memory_space<vmem>>, vector<16xf32>,
        %get3A_1545 = arith.constant 15 : i32
        %get3A_1546 = arith.index_cast %get3A_1545 : i32 to index
        %get3A_1547 = arith.index_cast %mul3A_1398 : i32 to index
        %get3A_1548 = tpu.vector_load %arg11[%get3A_1546, %get3A_1547] {strides = array<i32>} : memref<16x768xf32, #tpu.memory_space<vmem>>, vector<16xf32>,
        %add3A_1549 = arith.addf %get3A_1544, %get3A_1548 : vector<16xf32>
        %mul3A_1550 = arith.mulf %broadcast_in_dim3A_892, %sub3A_1407 : vector<16xf32>
        %add3A_1551 = arith.addf %get3A_1402, %mul3A_1550 : vector<16xf32>
        %add3A_1552 = arith.addf %add3A_1549, %add3A_1551 : vector<16xf32>
        %swap3A_1553 = arith.constant 15 : i32
        %swap3A_1554 = arith.index_cast %swap3A_1553 : i32 to index
        %swap3A_1555 = arith.index_cast %mul3A_1398 : i32 to index
        %swap3A_1556 = tpu.vector_load %arg13[%swap3A_1554, %swap3A_1555] {strides = array<i32>} : memref<16x768xf32, #tpu.memory_space<vmem>>, vector<16xf32>,
        tpu.vector_store %arg13[%swap3A_1554, %swap3A_1555], %add3A_1552 {strides = array<i32>} : memref<16x768xf32, #tpu.memory_space<vmem>>, vector<16xf32>,
        %add3A_1557 = arith.addf %scan3A_1388, %add3A_1552 : vector<16xf32>
        %mul3A_1558 = arith.mulf %add3A_1552, %add3A_1552 : vector<16xf32>
        %add3A_1559 = arith.addf %scan3A_1396, %mul3A_1558 : vector<16xf32>
        scf.yield %add3A_1424, %add3A_1443, %add3A_1462, %add3A_1481, %add3A_1500, %add3A_1519, %add3A_1538, %add3A_1557, %add3A_1426, %add3A_1445, %add3A_1464, %add3A_1483, %add3A_1502, %add3A_1521, %add3A_1540, %add3A_1559 : vector<16xf32>, vector<16xf32>, vector<16xf32>, vector<16xf32>, vector<16xf32>, vector<16xf32>, vector<16xf32>, vector<16xf32>, vector<16xf32>, vector<16xf32>, vector<16xf32>, vector<16xf32>, vector<16xf32>, vector<16xf32>, vector<16xf32>, vector<16xf32>
      }
      %scan3A_900 = arith.constant 48 : i32
      %swap3A_901 = arith.constant 0 : i32
      %swap3A_902 = arith.index_cast %swap3A_901 : i32 to index
      %swap3A_903 = arith.constant 0 : index
      %swap3A_904 = tpu.vector_load %arg21[%swap3A_902, %swap3A_903] {strides = array<i32>} : memref<32x24xf32, #tpu.memory_space<vmem>>, vector<16xf32>,
      tpu.vector_store %arg21[%swap3A_902, %swap3A_903], %scan3A_867#0 {strides = array<i32>} : memref<32x24xf32, #tpu.memory_space<vmem>>, vector<16xf32>,
      %swap3A_905 = arith.constant 8 : i32
      %swap3A_906 = arith.index_cast %swap3A_905 : i32 to index
      %swap3A_907 = arith.constant 0 : index
      %swap3A_908 = tpu.vector_load %arg21[%swap3A_906, %swap3A_907] {strides = array<i32>} : memref<32x24xf32, #tpu.memory_space<vmem>>, vector<16xf32>,
      tpu.vector_store %arg21[%swap3A_906, %swap3A_907], %scan3A_899#0 {strides = array<i32>} : memref<32x24xf32, #tpu.memory_space<vmem>>, vector<16xf32>,
      %swap3A_909 = arith.constant 16 : i32
      %swap3A_910 = arith.index_cast %swap3A_909 : i32 to index
      %swap3A_911 = arith.constant 0 : index
      %swap3A_912 = tpu.vector_load %arg21[%swap3A_910, %swap3A_911] {strides = array<i32>} : memref<32x24xf32, #tpu.memory_space<vmem>>, vector<16xf32>,
      tpu.vector_store %arg21[%swap3A_910, %swap3A_911], %scan3A_867#8 {strides = array<i32>} : memref<32x24xf32, #tpu.memory_space<vmem>>, vector<16xf32>,
      %swap3A_913 = arith.constant 24 : i32
      %swap3A_914 = arith.index_cast %swap3A_913 : i32 to index
      %swap3A_915 = arith.constant 0 : index
      %swap3A_916 = tpu.vector_load %arg21[%swap3A_914, %swap3A_915] {strides = array<i32>} : memref<32x24xf32, #tpu.memory_space<vmem>>, vector<16xf32>,
      tpu.vector_store %arg21[%swap3A_914, %swap3A_915], %scan3A_899#8 {strides = array<i32>} : memref<32x24xf32, #tpu.memory_space<vmem>>, vector<16xf32>,
      %swap3A_917 = arith.constant 1 : i32
      %swap3A_918 = arith.index_cast %swap3A_917 : i32 to index
      %swap3A_919 = arith.constant 0 : index
      %swap3A_920 = tpu.vector_load %arg21[%swap3A_918, %swap3A_919] {strides = array<i32>} : memref<32x24xf32, #tpu.memory_space<vmem>>, vector<16xf32>,
      tpu.vector_store %arg21[%swap3A_918, %swap3A_919], %scan3A_867#1 {strides = array<i32>} : memref<32x24xf32, #tpu.memory_space<vmem>>, vector<16xf32>,
      %swap3A_921 = arith.constant 9 : i32
      %swap3A_922 = arith.index_cast %swap3A_921 : i32 to index
      %swap3A_923 = arith.constant 0 : index
      %swap3A_924 = tpu.vector_load %arg21[%swap3A_922, %swap3A_923] {strides = array<i32>} : memref<32x24xf32, #tpu.memory_space<vmem>>, vector<16xf32>,
      tpu.vector_store %arg21[%swap3A_922, %swap3A_923], %scan3A_899#1 {strides = array<i32>} : memref<32x24xf32, #tpu.memory_space<vmem>>, vector<16xf32>,
      %swap3A_925 = arith.constant 17 : i32
      %swap3A_926 = arith.index_cast %swap3A_925 : i32 to index
      %swap3A_927 = arith.constant 0 : index
      %swap3A_928 = tpu.vector_load %arg21[%swap3A_926, %swap3A_927] {strides = array<i32>} : memref<32x24xf32, #tpu.memory_space<vmem>>, vector<16xf32>,
      tpu.vector_store %arg21[%swap3A_926, %swap3A_927], %scan3A_867#9 {strides = array<i32>} : memref<32x24xf32, #tpu.memory_space<vmem>>, vector<16xf32>,
      %swap3A_929 = arith.constant 25 : i32
      %swap3A_930 = arith.index_cast %swap3A_929 : i32 to index
      %swap3A_931 = arith.constant 0 : index
      %swap3A_932 = tpu.vector_load %arg21[%swap3A_930, %swap3A_931] {strides = array<i32>} : memref<32x24xf32, #tpu.memory_space<vmem>>, vector<16xf32>,
      tpu.vector_store %arg21[%swap3A_930, %swap3A_931], %scan3A_899#9 {strides = array<i32>} : memref<32x24xf32, #tpu.memory_space<vmem>>, vector<16xf32>,
      %swap3A_933 = arith.constant 2 : i32
      %swap3A_934 = arith.index_cast %swap3A_933 : i32 to index
      %swap3A_935 = arith.constant 0 : index
      %swap3A_936 = tpu.vector_load %arg21[%swap3A_934, %swap3A_935] {strides = array<i32>} : memref<32x24xf32, #tpu.memory_space<vmem>>, vector<16xf32>,
      tpu.vector_store %arg21[%swap3A_934, %swap3A_935], %scan3A_867#2 {strides = array<i32>} : memref<32x24xf32, #tpu.memory_space<vmem>>, vector<16xf32>,
      %swap3A_937 = arith.constant 10 : i32
      %swap3A_938 = arith.index_cast %swap3A_937 : i32 to index
      %swap3A_939 = arith.constant 0 : index
      %swap3A_940 = tpu.vector_load %arg21[%swap3A_938, %swap3A_939] {strides = array<i32>} : memref<32x24xf32, #tpu.memory_space<vmem>>, vector<16xf32>,
      tpu.vector_store %arg21[%swap3A_938, %swap3A_939], %scan3A_899#2 {strides = array<i32>} : memref<32x24xf32, #tpu.memory_space<vmem>>, vector<16xf32>,
      %swap3A_941 = arith.constant 18 : i32
      %swap3A_942 = arith.index_cast %swap3A_941 : i32 to index
      %swap3A_943 = arith.constant 0 : index
      %swap3A_944 = tpu.vector_load %arg21[%swap3A_942, %swap3A_943] {strides = array<i32>} : memref<32x24xf32, #tpu.memory_space<vmem>>, vector<16xf32>,
      tpu.vector_store %arg21[%swap3A_942, %swap3A_943], %scan3A_867#10 {strides = array<i32>} : memref<32x24xf32, #tpu.memory_space<vmem>>, vector<16xf32>,
      %swap3A_945 = arith.constant 26 : i32
      %swap3A_946 = arith.index_cast %swap3A_945 : i32 to index
      %swap3A_947 = arith.constant 0 : index
      %swap3A_948 = tpu.vector_load %arg21[%swap3A_946, %swap3A_947] {strides = array<i32>} : memref<32x24xf32, #tpu.memory_space<vmem>>, vector<16xf32>,
      tpu.vector_store %arg21[%swap3A_946, %swap3A_947], %scan3A_899#10 {strides = array<i32>} : memref<32x24xf32, #tpu.memory_space<vmem>>, vector<16xf32>,
      %swap3A_949 = arith.constant 3 : i32
      %swap3A_950 = arith.index_cast %swap3A_949 : i32 to index
      %swap3A_951 = arith.constant 0 : index
      %swap3A_952 = tpu.vector_load %arg21[%swap3A_950, %swap3A_951] {strides = array<i32>} : memref<32x24xf32, #tpu.memory_space<vmem>>, vector<16xf32>,
      tpu.vector_store %arg21[%swap3A_950, %swap3A_951], %scan3A_867#3 {strides = array<i32>} : memref<32x24xf32, #tpu.memory_space<vmem>>, vector<16xf32>,
      %swap3A_953 = arith.constant 11 : i32
      %swap3A_954 = arith.index_cast %swap3A_953 : i32 to index
      %swap3A_955 = arith.constant 0 : index
      %swap3A_956 = tpu.vector_load %arg21[%swap3A_954, %swap3A_955] {strides = array<i32>} : memref<32x24xf32, #tpu.memory_space<vmem>>, vector<16xf32>,
      tpu.vector_store %arg21[%swap3A_954, %swap3A_955], %scan3A_899#3 {strides = array<i32>} : memref<32x24xf32, #tpu.memory_space<vmem>>, vector<16xf32>,
      %swap3A_957 = arith.constant 19 : i32
      %swap3A_958 = arith.index_cast %swap3A_957 : i32 to index
      %swap3A_959 = arith.constant 0 : index
      %swap3A_960 = tpu.vector_load %arg21[%swap3A_958, %swap3A_959] {strides = array<i32>} : memref<32x24xf32, #tpu.memory_space<vmem>>, vector<16xf32>,
      tpu.vector_store %arg21[%swap3A_958, %swap3A_959], %scan3A_867#11 {strides = array<i32>} : memref<32x24xf32, #tpu.memory_space<vmem>>, vector<16xf32>,
      %swap3A_961 = arith.constant 27 : i32
      %swap3A_962 = arith.index_cast %swap3A_961 : i32 to index
      %swap3A_963 = arith.constant 0 : index
      %swap3A_964 = tpu.vector_load %arg21[%swap3A_962, %swap3A_963] {strides = array<i32>} : memref<32x24xf32, #tpu.memory_space<vmem>>, vector<16xf32>,
      tpu.vector_store %arg21[%swap3A_962, %swap3A_963], %scan3A_899#11 {strides = array<i32>} : memref<32x24xf32, #tpu.memory_space<vmem>>, vector<16xf32>,
      %swap3A_965 = arith.constant 4 : i32
      %swap3A_966 = arith.index_cast %swap3A_965 : i32 to index
      %swap3A_967 = arith.constant 0 : index
      %swap3A_968 = tpu.vector_load %arg21[%swap3A_966, %swap3A_967] {strides = array<i32>} : memref<32x24xf32, #tpu.memory_space<vmem>>, vector<16xf32>,
      tpu.vector_store %arg21[%swap3A_966, %swap3A_967], %scan3A_867#4 {strides = array<i32>} : memref<32x24xf32, #tpu.memory_space<vmem>>, vector<16xf32>,
      %swap3A_969 = arith.constant 12 : i32
      %swap3A_970 = arith.index_cast %swap3A_969 : i32 to index
      %swap3A_971 = arith.constant 0 : index
      %swap3A_972 = tpu.vector_load %arg21[%swap3A_970, %swap3A_971] {strides = array<i32>} : memref<32x24xf32, #tpu.memory_space<vmem>>, vector<16xf32>,
      tpu.vector_store %arg21[%swap3A_970, %swap3A_971], %scan3A_899#4 {strides = array<i32>} : memref<32x24xf32, #tpu.memory_space<vmem>>, vector<16xf32>,
      %swap3A_973 = arith.constant 20 : i32
      %swap3A_974 = arith.index_cast %swap3A_973 : i32 to index
      %swap3A_975 = arith.constant 0 : index
      %swap3A_976 = tpu.vector_load %arg21[%swap3A_974, %swap3A_975] {strides = array<i32>} : memref<32x24xf32, #tpu.memory_space<vmem>>, vector<16xf32>,
      tpu.vector_store %arg21[%swap3A_974, %swap3A_975], %scan3A_867#12 {strides = array<i32>} : memref<32x24xf32, #tpu.memory_space<vmem>>, vector<16xf32>,
      %swap3A_977 = arith.constant 28 : i32
      %swap3A_978 = arith.index_cast %swap3A_977 : i32 to index
      %swap3A_979 = arith.constant 0 : index
      %swap3A_980 = tpu.vector_load %arg21[%swap3A_978, %swap3A_979] {strides = array<i32>} : memref<32x24xf32, #tpu.memory_space<vmem>>, vector<16xf32>,
      tpu.vector_store %arg21[%swap3A_978, %swap3A_979], %scan3A_899#12 {strides = array<i32>} : memref<32x24xf32, #tpu.memory_space<vmem>>, vector<16xf32>,
      %swap3A_981 = arith.constant 5 : i32
      %swap3A_982 = arith.index_cast %swap3A_981 : i32 to index
      %swap3A_983 = arith.constant 0 : index
      %swap3A_984 = tpu.vector_load %arg21[%swap3A_982, %swap3A_983] {strides = array<i32>} : memref<32x24xf32, #tpu.memory_space<vmem>>, vector<16xf32>,
      tpu.vector_store %arg21[%swap3A_982, %swap3A_983], %scan3A_867#5 {strides = array<i32>} : memref<32x24xf32, #tpu.memory_space<vmem>>, vector<16xf32>,
      %swap3A_985 = arith.constant 13 : i32
      %swap3A_986 = arith.index_cast %swap3A_985 : i32 to index
      %swap3A_987 = arith.constant 0 : index
      %swap3A_988 = tpu.vector_load %arg21[%swap3A_986, %swap3A_987] {strides = array<i32>} : memref<32x24xf32, #tpu.memory_space<vmem>>, vector<16xf32>,
      tpu.vector_store %arg21[%swap3A_986, %swap3A_987], %scan3A_899#5 {strides = array<i32>} : memref<32x24xf32, #tpu.memory_space<vmem>>, vector<16xf32>,
      %swap3A_989 = arith.constant 21 : i32
      %swap3A_990 = arith.index_cast %swap3A_989 : i32 to index
      %swap3A_991 = arith.constant 0 : index
      %swap3A_992 = tpu.vector_load %arg21[%swap3A_990, %swap3A_991] {strides = array<i32>} : memref<32x24xf32, #tpu.memory_space<vmem>>, vector<16xf32>,
      tpu.vector_store %arg21[%swap3A_990, %swap3A_991], %scan3A_867#13 {strides = array<i32>} : memref<32x24xf32, #tpu.memory_space<vmem>>, vector<16xf32>,
      %swap3A_993 = arith.constant 29 : i32
      %swap3A_994 = arith.index_cast %swap3A_993 : i32 to index
      %swap3A_995 = arith.constant 0 : index
      %swap3A_996 = tpu.vector_load %arg21[%swap3A_994, %swap3A_995] {strides = array<i32>} : memref<32x24xf32, #tpu.memory_space<vmem>>, vector<16xf32>,
      tpu.vector_store %arg21[%swap3A_994, %swap3A_995], %scan3A_899#13 {strides = array<i32>} : memref<32x24xf32, #tpu.memory_space<vmem>>, vector<16xf32>,
      %swap3A_997 = arith.constant 6 : i32
      %swap3A_998 = arith.index_cast %swap3A_997 : i32 to index
      %swap3A_999 = arith.constant 0 : index
      %swap3A_1000 = tpu.vector_load %arg21[%swap3A_998, %swap3A_999] {strides = array<i32>} : memref<32x24xf32, #tpu.memory_space<vmem>>, vector<16xf32>,
      tpu.vector_store %arg21[%swap3A_998, %swap3A_999], %scan3A_867#6 {strides = array<i32>} : memref<32x24xf32, #tpu.memory_space<vmem>>, vector<16xf32>,
      %swap3A_1001 = arith.constant 14 : i32
      %swap3A_1002 = arith.index_cast %swap3A_1001 : i32 to index
      %swap3A_1003 = arith.constant 0 : index
      %swap3A_1004 = tpu.vector_load %arg21[%swap3A_1002, %swap3A_1003] {strides = array<i32>} : memref<32x24xf32, #tpu.memory_space<vmem>>, vector<16xf32>,
      tpu.vector_store %arg21[%swap3A_1002, %swap3A_1003], %scan3A_899#6 {strides = array<i32>} : memref<32x24xf32, #tpu.memory_space<vmem>>, vector<16xf32>,
      %swap3A_1005 = arith.constant 22 : i32
      %swap3A_1006 = arith.index_cast %swap3A_1005 : i32 to index
      %swap3A_1007 = arith.constant 0 : index
      %swap3A_1008 = tpu.vector_load %arg21[%swap3A_1006, %swap3A_1007] {strides = array<i32>} : memref<32x24xf32, #tpu.memory_space<vmem>>, vector<16xf32>,
      tpu.vector_store %arg21[%swap3A_1006, %swap3A_1007], %scan3A_867#14 {strides = array<i32>} : memref<32x24xf32, #tpu.memory_space<vmem>>, vector<16xf32>,
      %swap3A_1009 = arith.constant 30 : i32
      %swap3A_1010 = arith.index_cast %swap3A_1009 : i32 to index
      %swap3A_1011 = arith.constant 0 : index
      %swap3A_1012 = tpu.vector_load %arg21[%swap3A_1010, %swap3A_1011] {strides = array<i32>} : memref<32x24xf32, #tpu.memory_space<vmem>>, vector<16xf32>,
      tpu.vector_store %arg21[%swap3A_1010, %swap3A_1011], %scan3A_899#14 {strides = array<i32>} : memref<32x24xf32, #tpu.memory_space<vmem>>, vector<16xf32>,
      %swap3A_1013 = arith.constant 7 : i32
      %swap3A_1014 = arith.index_cast %swap3A_1013 : i32 to index
      %swap3A_1015 = arith.constant 0 : index
      %swap3A_1016 = tpu.vector_load %arg21[%swap3A_1014, %swap3A_1015] {strides = array<i32>} : memref<32x24xf32, #tpu.memory_space<vmem>>, vector<16xf32>,
      tpu.vector_store %arg21[%swap3A_1014, %swap3A_1015], %scan3A_867#7 {strides = array<i32>} : memref<32x24xf32, #tpu.memory_space<vmem>>, vector<16xf32>,
      %swap3A_1017 = arith.constant 15 : i32
      %swap3A_1018 = arith.index_cast %swap3A_1017 : i32 to index
      %swap3A_1019 = arith.constant 0 : index
      %swap3A_1020 = tpu.vector_load %arg21[%swap3A_1018, %swap3A_1019] {strides = array<i32>} : memref<32x24xf32, #tpu.memory_space<vmem>>, vector<16xf32>,
      tpu.vector_store %arg21[%swap3A_1018, %swap3A_1019], %scan3A_899#7 {strides = array<i32>} : memref<32x24xf32, #tpu.memory_space<vmem>>, vector<16xf32>,
      %swap3A_1021 = arith.constant 23 : i32
      %swap3A_1022 = arith.index_cast %swap3A_1021 : i32 to index
      %swap3A_1023 = arith.constant 0 : index
      %swap3A_1024 = tpu.vector_load %arg21[%swap3A_1022, %swap3A_1023] {strides = array<i32>} : memref<32x24xf32, #tpu.memory_space<vmem>>, vector<16xf32>,
      tpu.vector_store %arg21[%swap3A_1022, %swap3A_1023], %scan3A_867#15 {strides = array<i32>} : memref<32x24xf32, #tpu.memory_space<vmem>>, vector<16xf32>,
      %swap3A_1025 = arith.constant 31 : i32
      %swap3A_1026 = arith.index_cast %swap3A_1025 : i32 to index
      %swap3A_1027 = arith.constant 0 : index
      %swap3A_1028 = tpu.vector_load %arg21[%swap3A_1026, %swap3A_1027] {strides = array<i32>} : memref<32x24xf32, #tpu.memory_space<vmem>>, vector<16xf32>,
      tpu.vector_store %arg21[%swap3A_1026, %swap3A_1027], %scan3A_899#15 {strides = array<i32>} : memref<32x24xf32, #tpu.memory_space<vmem>>, vector<16xf32>,
      %broadcast_in_dim3A_1029 = arith.constant 0 : i32
      %broadcast_in_dim3A_1030 = vector.broadcast %broadcast_in_dim3A_1029 : i32 to vector<16xi32>
      %gather3A_1031 = tpu.vector_load_idx %arg21[%iota3A, %broadcast_in_dim3A_1030] : memref<32x24xf32, #tpu.memory_space<vmem>>[vector<16xi32>, vector<16xi32>], vector<16xf32>,
      %add3A_1032 = arith.constant 16 : i32
      %add3A_1033 = vector.broadcast %add3A_1032 : i32 to vector<16xi32>
      %add3A_1034 = arith.addi %iota3A, %add3A_1033 : vector<16xi32>
      %broadcast_in_dim3A_1035 = arith.constant 0 : i32
      %broadcast_in_dim3A_1036 = vector.broadcast %broadcast_in_dim3A_1035 : i32 to vector<16xi32>
      %gather3A_1037 = tpu.vector_load_idx %arg21[%add3A_1034, %broadcast_in_dim3A_1036] : memref<32x24xf32, #tpu.memory_space<vmem>>[vector<16xi32>, vector<16xi32>], vector<16xf32>,
      %broadcast_in_dim3A_1038 = arith.constant 1 : i32
      %broadcast_in_dim3A_1039 = vector.broadcast %broadcast_in_dim3A_1038 : i32 to vector<16xi32>
      %gather3A_1040 = tpu.vector_load_idx %arg21[%iota3A, %broadcast_in_dim3A_1039] : memref<32x24xf32, #tpu.memory_space<vmem>>[vector<16xi32>, vector<16xi32>], vector<16xf32>,
      %add3A_1041 = arith.addf %gather3A_1031, %gather3A_1040 : vector<16xf32>
      %add3A_1042 = arith.constant 16 : i32
      %add3A_1043 = vector.broadcast %add3A_1042 : i32 to vector<16xi32>
      %add3A_1044 = arith.addi %iota3A, %add3A_1043 : vector<16xi32>
      %gather3A_1045 = tpu.vector_load_idx %arg21[%add3A_1044, %broadcast_in_dim3A_1039] : memref<32x24xf32, #tpu.memory_space<vmem>>[vector<16xi32>, vector<16xi32>], vector<16xf32>,
      %add3A_1046 = arith.addf %gather3A_1037, %gather3A_1045 : vector<16xf32>
      %broadcast_in_dim3A_1047 = arith.constant 2 : i32
      %broadcast_in_dim3A_1048 = vector.broadcast %broadcast_in_dim3A_1047 : i32 to vector<16xi32>
      %gather3A_1049 = tpu.vector_load_idx %arg21[%iota3A, %broadcast_in_dim3A_1048] : memref<32x24xf32, #tpu.memory_space<vmem>>[vector<16xi32>, vector<16xi32>], vector<16xf32>,
      %add3A_1050 = arith.addf %add3A_1041, %gather3A_1049 : vector<16xf32>
      %add3A_1051 = arith.constant 16 : i32
      %add3A_1052 = vector.broadcast %add3A_1051 : i32 to vector<16xi32>
      %add3A_1053 = arith.addi %iota3A, %add3A_1052 : vector<16xi32>
      %gather3A_1054 = tpu.vector_load_idx %arg21[%add3A_1053, %broadcast_in_dim3A_1048] : memref<32x24xf32, #tpu.memory_space<vmem>>[vector<16xi32>, vector<16xi32>], vector<16xf32>,
      %add3A_1055 = arith.addf %add3A_1046, %gather3A_1054 : vector<16xf32>
      %broadcast_in_dim3A_1056 = arith.constant 3 : i32
      %broadcast_in_dim3A_1057 = vector.broadcast %broadcast_in_dim3A_1056 : i32 to vector<16xi32>
      %gather3A_1058 = tpu.vector_load_idx %arg21[%iota3A, %broadcast_in_dim3A_1057] : memref<32x24xf32, #tpu.memory_space<vmem>>[vector<16xi32>, vector<16xi32>], vector<16xf32>,
      %add3A_1059 = arith.addf %add3A_1050, %gather3A_1058 : vector<16xf32>
      %add3A_1060 = arith.constant 16 : i32
      %add3A_1061 = vector.broadcast %add3A_1060 : i32 to vector<16xi32>
      %add3A_1062 = arith.addi %iota3A, %add3A_1061 : vector<16xi32>
      %gather3A_1063 = tpu.vector_load_idx %arg21[%add3A_1062, %broadcast_in_dim3A_1057] : memref<32x24xf32, #tpu.memory_space<vmem>>[vector<16xi32>, vector<16xi32>], vector<16xf32>,
      %add3A_1064 = arith.addf %add3A_1055, %gather3A_1063 : vector<16xf32>
      %broadcast_in_dim3A_1065 = arith.constant 4 : i32
      %broadcast_in_dim3A_1066 = vector.broadcast %broadcast_in_dim3A_1065 : i32 to vector<16xi32>
      %gather3A_1067 = tpu.vector_load_idx %arg21[%iota3A, %broadcast_in_dim3A_1066] : memref<32x24xf32, #tpu.memory_space<vmem>>[vector<16xi32>, vector<16xi32>], vector<16xf32>,
      %add3A_1068 = arith.addf %add3A_1059, %gather3A_1067 : vector<16xf32>
      %add3A_1069 = arith.constant 16 : i32
      %add3A_1070 = vector.broadcast %add3A_1069 : i32 to vector<16xi32>
      %add3A_1071 = arith.addi %iota3A, %add3A_1070 : vector<16xi32>
      %gather3A_1072 = tpu.vector_load_idx %arg21[%add3A_1071, %broadcast_in_dim3A_1066] : memref<32x24xf32, #tpu.memory_space<vmem>>[vector<16xi32>, vector<16xi32>], vector<16xf32>,
      %add3A_1073 = arith.addf %add3A_1064, %gather3A_1072 : vector<16xf32>
      %broadcast_in_dim3A_1074 = arith.constant 5 : i32
      %broadcast_in_dim3A_1075 = vector.broadcast %broadcast_in_dim3A_1074 : i32 to vector<16xi32>
      %gather3A_1076 = tpu.vector_load_idx %arg21[%iota3A, %broadcast_in_dim3A_1075] : memref<32x24xf32, #tpu.memory_space<vmem>>[vector<16xi32>, vector<16xi32>], vector<16xf32>,
      %add3A_1077 = arith.addf %add3A_1068, %gather3A_1076 : vector<16xf32>
      %add3A_1078 = arith.constant 16 : i32
      %add3A_1079 = vector.broadcast %add3A_1078 : i32 to vector<16xi32>
      %add3A_1080 = arith.addi %iota3A, %add3A_1079 : vector<16xi32>
      %gather3A_1081 = tpu.vector_load_idx %arg21[%add3A_1080, %broadcast_in_dim3A_1075] : memref<32x24xf32, #tpu.memory_space<vmem>>[vector<16xi32>, vector<16xi32>], vector<16xf32>,
      %add3A_1082 = arith.addf %add3A_1073, %gather3A_1081 : vector<16xf32>
      %broadcast_in_dim3A_1083 = arith.constant 6 : i32
      %broadcast_in_dim3A_1084 = vector.broadcast %broadcast_in_dim3A_1083 : i32 to vector<16xi32>
      %gather3A_1085 = tpu.vector_load_idx %arg21[%iota3A, %broadcast_in_dim3A_1084] : memref<32x24xf32, #tpu.memory_space<vmem>>[vector<16xi32>, vector<16xi32>], vector<16xf32>,
      %add3A_1086 = arith.addf %add3A_1077, %gather3A_1085 : vector<16xf32>
      %add3A_1087 = arith.constant 16 : i32
      %add3A_1088 = vector.broadcast %add3A_1087 : i32 to vector<16xi32>
      %add3A_1089 = arith.addi %iota3A, %add3A_1088 : vector<16xi32>
      %gather3A_1090 = tpu.vector_load_idx %arg21[%add3A_1089, %broadcast_in_dim3A_1084] : memref<32x24xf32, #tpu.memory_space<vmem>>[vector<16xi32>, vector<16xi32>], vector<16xf32>,
      %add3A_1091 = arith.addf %add3A_1082, %gather3A_1090 : vector<16xf32>
      %broadcast_in_dim3A_1092 = arith.constant 7 : i32
      %broadcast_in_dim3A_1093 = vector.broadcast %broadcast_in_dim3A_1092 : i32 to vector<16xi32>
      %gather3A_1094 = tpu.vector_load_idx %arg21[%iota3A, %broadcast_in_dim3A_1093] : memref<32x24xf32, #tpu.memory_space<vmem>>[vector<16xi32>, vector<16xi32>], vector<16xf32>,
      %add3A_1095 = arith.addf %add3A_1086, %gather3A_1094 : vector<16xf32>
      %add3A_1096 = arith.constant 16 : i32
      %add3A_1097 = vector.broadcast %add3A_1096 : i32 to vector<16xi32>
      %add3A_1098 = arith.addi %iota3A, %add3A_1097 : vector<16xi32>
      %gather3A_1099 = tpu.vector_load_idx %arg21[%add3A_1098, %broadcast_in_dim3A_1093] : memref<32x24xf32, #tpu.memory_space<vmem>>[vector<16xi32>, vector<16xi32>], vector<16xf32>,
      %add3A_1100 = arith.addf %add3A_1091, %gather3A_1099 : vector<16xf32>
      %broadcast_in_dim3A_1101 = arith.constant 8 : i32
      %broadcast_in_dim3A_1102 = vector.broadcast %broadcast_in_dim3A_1101 : i32 to vector<16xi32>
      %gather3A_1103 = tpu.vector_load_idx %arg21[%iota3A, %broadcast_in_dim3A_1102] : memref<32x24xf32, #tpu.memory_space<vmem>>[vector<16xi32>, vector<16xi32>], vector<16xf32>,
      %add3A_1104 = arith.addf %add3A_1095, %gather3A_1103 : vector<16xf32>
      %add3A_1105 = arith.constant 16 : i32
      %add3A_1106 = vector.broadcast %add3A_1105 : i32 to vector<16xi32>
      %add3A_1107 = arith.addi %iota3A, %add3A_1106 : vector<16xi32>
      %gather3A_1108 = tpu.vector_load_idx %arg21[%add3A_1107, %broadcast_in_dim3A_1102] : memref<32x24xf32, #tpu.memory_space<vmem>>[vector<16xi32>, vector<16xi32>], vector<16xf32>,
      %add3A_1109 = arith.addf %add3A_1100, %gather3A_1108 : vector<16xf32>
      %broadcast_in_dim3A_1110 = arith.constant 9 : i32
      %broadcast_in_dim3A_1111 = vector.broadcast %broadcast_in_dim3A_1110 : i32 to vector<16xi32>
      %gather3A_1112 = tpu.vector_load_idx %arg21[%iota3A, %broadcast_in_dim3A_1111] : memref<32x24xf32, #tpu.memory_space<vmem>>[vector<16xi32>, vector<16xi32>], vector<16xf32>,
      %add3A_1113 = arith.addf %add3A_1104, %gather3A_1112 : vector<16xf32>
      %add3A_1114 = arith.constant 16 : i32
      %add3A_1115 = vector.broadcast %add3A_1114 : i32 to vector<16xi32>
      %add3A_1116 = arith.addi %iota3A, %add3A_1115 : vector<16xi32>
      %gather3A_1117 = tpu.vector_load_idx %arg21[%add3A_1116, %broadcast_in_dim3A_1111] : memref<32x24xf32, #tpu.memory_space<vmem>>[vector<16xi32>, vector<16xi32>], vector<16xf32>,
      %add3A_1118 = arith.addf %add3A_1109, %gather3A_1117 : vector<16xf32>
      %broadcast_in_dim3A_1119 = arith.constant 10 : i32
      %broadcast_in_dim3A_1120 = vector.broadcast %broadcast_in_dim3A_1119 : i32 to vector<16xi32>
      %gather3A_1121 = tpu.vector_load_idx %arg21[%iota3A, %broadcast_in_dim3A_1120] : memref<32x24xf32, #tpu.memory_space<vmem>>[vector<16xi32>, vector<16xi32>], vector<16xf32>,
      %add3A_1122 = arith.addf %add3A_1113, %gather3A_1121 : vector<16xf32>
      %add3A_1123 = arith.constant 16 : i32
      %add3A_1124 = vector.broadcast %add3A_1123 : i32 to vector<16xi32>
      %add3A_1125 = arith.addi %iota3A, %add3A_1124 : vector<16xi32>
      %gather3A_1126 = tpu.vector_load_idx %arg21[%add3A_1125, %broadcast_in_dim3A_1120] : memref<32x24xf32, #tpu.memory_space<vmem>>[vector<16xi32>, vector<16xi32>], vector<16xf32>,
      %add3A_1127 = arith.addf %add3A_1118, %gather3A_1126 : vector<16xf32>
      %broadcast_in_dim3A_1128 = arith.constant 11 : i32
      %broadcast_in_dim3A_1129 = vector.broadcast %broadcast_in_dim3A_1128 : i32 to vector<16xi32>
      %gather3A_1130 = tpu.vector_load_idx %arg21[%iota3A, %broadcast_in_dim3A_1129] : memref<32x24xf32, #tpu.memory_space<vmem>>[vector<16xi32>, vector<16xi32>], vector<16xf32>,
      %add3A_1131 = arith.addf %add3A_1122, %gather3A_1130 : vector<16xf32>
      %add3A_1132 = arith.constant 16 : i32
      %add3A_1133 = vector.broadcast %add3A_1132 : i32 to vector<16xi32>
      %add3A_1134 = arith.addi %iota3A, %add3A_1133 : vector<16xi32>
      %gather3A_1135 = tpu.vector_load_idx %arg21[%add3A_1134, %broadcast_in_dim3A_1129] : memref<32x24xf32, #tpu.memory_space<vmem>>[vector<16xi32>, vector<16xi32>], vector<16xf32>,
      %add3A_1136 = arith.addf %add3A_1127, %gather3A_1135 : vector<16xf32>
      %broadcast_in_dim3A_1137 = arith.constant 12 : i32
      %broadcast_in_dim3A_1138 = vector.broadcast %broadcast_in_dim3A_1137 : i32 to vector<16xi32>
      %gather3A_1139 = tpu.vector_load_idx %arg21[%iota3A, %broadcast_in_dim3A_1138] : memref<32x24xf32, #tpu.memory_space<vmem>>[vector<16xi32>, vector<16xi32>], vector<16xf32>,
      %add3A_1140 = arith.addf %add3A_1131, %gather3A_1139 : vector<16xf32>
      %add3A_1141 = arith.constant 16 : i32
      %add3A_1142 = vector.broadcast %add3A_1141 : i32 to vector<16xi32>
      %add3A_1143 = arith.addi %iota3A, %add3A_1142 : vector<16xi32>
      %gather3A_1144 = tpu.vector_load_idx %arg21[%add3A_1143, %broadcast_in_dim3A_1138] : memref<32x24xf32, #tpu.memory_space<vmem>>[vector<16xi32>, vector<16xi32>], vector<16xf32>,
      %add3A_1145 = arith.addf %add3A_1136, %gather3A_1144 : vector<16xf32>
      %broadcast_in_dim3A_1146 = arith.constant 13 : i32
      %broadcast_in_dim3A_1147 = vector.broadcast %broadcast_in_dim3A_1146 : i32 to vector<16xi32>
      %gather3A_1148 = tpu.vector_load_idx %arg21[%iota3A, %broadcast_in_dim3A_1147] : memref<32x24xf32, #tpu.memory_space<vmem>>[vector<16xi32>, vector<16xi32>], vector<16xf32>,
      %add3A_1149 = arith.addf %add3A_1140, %gather3A_1148 : vector<16xf32>
      %add3A_1150 = arith.constant 16 : i32
      %add3A_1151 = vector.broadcast %add3A_1150 : i32 to vector<16xi32>
      %add3A_1152 = arith.addi %iota3A, %add3A_1151 : vector<16xi32>
      %gather3A_1153 = tpu.vector_load_idx %arg21[%add3A_1152, %broadcast_in_dim3A_1147] : memref<32x24xf32, #tpu.memory_space<vmem>>[vector<16xi32>, vector<16xi32>], vector<16xf32>,
      %add3A_1154 = arith.addf %add3A_1145, %gather3A_1153 : vector<16xf32>
      %broadcast_in_dim3A_1155 = arith.constant 14 : i32
      %broadcast_in_dim3A_1156 = vector.broadcast %broadcast_in_dim3A_1155 : i32 to vector<16xi32>
      %gather3A_1157 = tpu.vector_load_idx %arg21[%iota3A, %broadcast_in_dim3A_1156] : memref<32x24xf32, #tpu.memory_space<vmem>>[vector<16xi32>, vector<16xi32>], vector<16xf32>,
      %add3A_1158 = arith.addf %add3A_1149, %gather3A_1157 : vector<16xf32>
      %add3A_1159 = arith.constant 16 : i32
      %add3A_1160 = vector.broadcast %add3A_1159 : i32 to vector<16xi32>
      %add3A_1161 = arith.addi %iota3A, %add3A_1160 : vector<16xi32>
      %gather3A_1162 = tpu.vector_load_idx %arg21[%add3A_1161, %broadcast_in_dim3A_1156] : memref<32x24xf32, #tpu.memory_space<vmem>>[vector<16xi32>, vector<16xi32>], vector<16xf32>,
      %add3A_1163 = arith.addf %add3A_1154, %gather3A_1162 : vector<16xf32>
      %broadcast_in_dim3A_1164 = arith.constant 15 : i32
      %broadcast_in_dim3A_1165 = vector.broadcast %broadcast_in_dim3A_1164 : i32 to vector<16xi32>
      %gather3A_1166 = tpu.vector_load_idx %arg21[%iota3A, %broadcast_in_dim3A_1165] : memref<32x24xf32, #tpu.memory_space<vmem>>[vector<16xi32>, vector<16xi32>], vector<16xf32>,
      %add3A_1167 = arith.addf %add3A_1158, %gather3A_1166 : vector<16xf32>
      %add3A_1168 = arith.constant 16 : i32
      %add3A_1169 = vector.broadcast %add3A_1168 : i32 to vector<16xi32>
      %add3A_1170 = arith.addi %iota3A, %add3A_1169 : vector<16xi32>
      %gather3A_1171 = tpu.vector_load_idx %arg21[%add3A_1170, %broadcast_in_dim3A_1165] : memref<32x24xf32, #tpu.memory_space<vmem>>[vector<16xi32>, vector<16xi32>], vector<16xf32>,
      %add3A_1172 = arith.addf %add3A_1163, %gather3A_1171 : vector<16xf32>
      %mul3A_1173 = arith.constant 0.00130208337 : f32
      %mul3A_1174 = vector.broadcast %mul3A_1173 : f32 to vector<16xf32>
      %mul3A_1175 = arith.mulf %add3A_1167, %mul3A_1174 : vector<16xf32>
      %mul3A_1176 = arith.constant 0.00130208337 : f32
      %mul3A_1177 = vector.broadcast %mul3A_1176 : f32 to vector<16xf32>
      %mul3A_1178 = arith.mulf %add3A_1172, %mul3A_1177 : vector<16xf32>
      %mul3A_1179 = arith.mulf %mul3A_1175, %mul3A_1175 : vector<16xf32>
      %sub3A_1180 = arith.subf %mul3A_1178, %mul3A_1179 : vector<16xf32>
      %add3A_1181 = arith.constant 9.99999996E-13 : f32
      %add3A_1182 = vector.broadcast %add3A_1181 : f32 to vector<16xf32>
      %add3A_1183 = arith.addf %sub3A_1180, %add3A_1182 : vector<16xf32>
      %bitcast3A_1184 = vector.bitcast %add3A_1183 : vector<16xf32> to vector<16xi32>
      %shift_right_arithmetic3A_1185 = arith.constant 1 : i32
      %shift_right_arithmetic3A_1186 = vector.broadcast %shift_right_arithmetic3A_1185 : i32 to vector<16xi32>
      %shift_right_arithmetic3A_1187 = arith.shrsi %bitcast3A_1184, %shift_right_arithmetic3A_1186 : vector<16xi32>
      %sub3A_1188 = arith.constant 1597463007 : i32
      %sub3A_1189 = vector.broadcast %sub3A_1188 : i32 to vector<16xi32>
      %sub3A_1190 = arith.subi %sub3A_1189, %shift_right_arithmetic3A_1187 : vector<16xi32>
      %bitcast3A_1191 = vector.bitcast %sub3A_1190 : vector<16xi32> to vector<16xf32>
      %mul3A_1192 = arith.constant 5.000000e-01 : f32
      %mul3A_1193 = vector.broadcast %mul3A_1192 : f32 to vector<16xf32>
      %mul3A_1194 = arith.mulf %mul3A_1193, %add3A_1183 : vector<16xf32>
      %mul3A_1195 = arith.mulf %mul3A_1194, %bitcast3A_1191 : vector<16xf32>
      %mul3A_1196 = arith.mulf %mul3A_1195, %bitcast3A_1191 : vector<16xf32>
      %sub3A_1197 = arith.constant 1.500000e+00 : f32
      %sub3A_1198 = vector.broadcast %sub3A_1197 : f32 to vector<16xf32>
      %sub3A_1199 = arith.subf %sub3A_1198, %mul3A_1196 : vector<16xf32>
      %mul3A_1200 = arith.mulf %bitcast3A_1191, %sub3A_1199 : vector<16xf32>
      %mul3A_1201 = arith.constant 5.000000e-01 : f32
      %mul3A_1202 = vector.broadcast %mul3A_1201 : f32 to vector<16xf32>
      %mul3A_1203 = arith.mulf %mul3A_1202, %add3A_1183 : vector<16xf32>
      %mul3A_1204 = arith.mulf %mul3A_1203, %mul3A_1200 : vector<16xf32>
      %mul3A_1205 = arith.mulf %mul3A_1204, %mul3A_1200 : vector<16xf32>
      %sub3A_1206 = arith.constant 1.500000e+00 : f32
      %sub3A_1207 = vector.broadcast %sub3A_1206 : f32 to vector<16xf32>
      %sub3A_1208 = arith.subf %sub3A_1207, %mul3A_1205 : vector<16xf32>
      %mul3A_1209 = arith.mulf %mul3A_1200, %sub3A_1208 : vector<16xf32>
      %mul3A_1210 = arith.constant 5.000000e-01 : f32
      %mul3A_1211 = vector.broadcast %mul3A_1210 : f32 to vector<16xf32>
      %mul3A_1212 = arith.mulf %mul3A_1211, %add3A_1183 : vector<16xf32>
      %mul3A_1213 = arith.mulf %mul3A_1212, %mul3A_1209 : vector<16xf32>
      %mul3A_1214 = arith.mulf %mul3A_1213, %mul3A_1209 : vector<16xf32>
      %sub3A_1215 = arith.constant 1.500000e+00 : f32
      %sub3A_1216 = vector.broadcast %sub3A_1215 : f32 to vector<16xf32>
      %sub3A_1217 = arith.subf %sub3A_1216, %mul3A_1214 : vector<16xf32>
      %mul3A_1218 = arith.mulf %mul3A_1209, %sub3A_1217 : vector<16xf32>
      %mul3A_1219 = arith.mulf %mul3A_1175, %mul3A_1218 : vector<16xf32>
      %slice3A_1220 = vector.extract_strided_slice %mul3A_1218 {offsets = [0], sizes = [1], strides = [1]} : vector<16xf32> to vector<1xf32>
      %squeeze3A_1221 = vector.extract %slice3A_1220[0] : f32 from vector<1xf32>
      %broadcast_in_dim3A_1222 = vector.broadcast %squeeze3A_1221 : f32 to vector<16xf32>
      %slice3A_1223 = vector.extract_strided_slice %mul3A_1218 {offsets = [1], sizes = [1], strides = [1]} : vector<16xf32> to vector<1xf32>
      %squeeze3A_1224 = vector.extract %slice3A_1223[0] : f32 from vector<1xf32>
      %broadcast_in_dim3A_1225 = vector.broadcast %squeeze3A_1224 : f32 to vector<16xf32>
      %slice3A_1226 = vector.extract_strided_slice %mul3A_1218 {offsets = [2], sizes = [1], strides = [1]} : vector<16xf32> to vector<1xf32>
      %squeeze3A_1227 = vector.extract %slice3A_1226[0] : f32 from vector<1xf32>
      %broadcast_in_dim3A_1228 = vector.broadcast %squeeze3A_1227 : f32 to vector<16xf32>
      %slice3A_1229 = vector.extract_strided_slice %mul3A_1218 {offsets = [3], sizes = [1], strides = [1]} : vector<16xf32> to vector<1xf32>
      %squeeze3A_1230 = vector.extract %slice3A_1229[0] : f32 from vector<1xf32>
      %broadcast_in_dim3A_1231 = vector.broadcast %squeeze3A_1230 : f32 to vector<16xf32>
      %slice3A_1232 = vector.extract_strided_slice %mul3A_1218 {offsets = [4], sizes = [1], strides = [1]} : vector<16xf32> to vector<1xf32>
      %squeeze3A_1233 = vector.extract %slice3A_1232[0] : f32 from vector<1xf32>
      %broadcast_in_dim3A_1234 = vector.broadcast %squeeze3A_1233 : f32 to vector<16xf32>
      %slice3A_1235 = vector.extract_strided_slice %mul3A_1218 {offsets = [5], sizes = [1], strides = [1]} : vector<16xf32> to vector<1xf32>
      %squeeze3A_1236 = vector.extract %slice3A_1235[0] : f32 from vector<1xf32>
      %broadcast_in_dim3A_1237 = vector.broadcast %squeeze3A_1236 : f32 to vector<16xf32>
      %slice3A_1238 = vector.extract_strided_slice %mul3A_1218 {offsets = [6], sizes = [1], strides = [1]} : vector<16xf32> to vector<1xf32>
      %squeeze3A_1239 = vector.extract %slice3A_1238[0] : f32 from vector<1xf32>
      %broadcast_in_dim3A_1240 = vector.broadcast %squeeze3A_1239 : f32 to vector<16xf32>
      %slice3A_1241 = vector.extract_strided_slice %mul3A_1218 {offsets = [7], sizes = [1], strides = [1]} : vector<16xf32> to vector<1xf32>
      %squeeze3A_1242 = vector.extract %slice3A_1241[0] : f32 from vector<1xf32>
      %broadcast_in_dim3A_1243 = vector.broadcast %squeeze3A_1242 : f32 to vector<16xf32>
      %slice3A_1244 = vector.extract_strided_slice %mul3A_1218 {offsets = [8], sizes = [1], strides = [1]} : vector<16xf32> to vector<1xf32>
      %squeeze3A_1245 = vector.extract %slice3A_1244[0] : f32 from vector<1xf32>
      %broadcast_in_dim3A_1246 = vector.broadcast %squeeze3A_1245 : f32 to vector<16xf32>
      %slice3A_1247 = vector.extract_strided_slice %mul3A_1218 {offsets = [9], sizes = [1], strides = [1]} : vector<16xf32> to vector<1xf32>
      %squeeze3A_1248 = vector.extract %slice3A_1247[0] : f32 from vector<1xf32>
      %broadcast_in_dim3A_1249 = vector.broadcast %squeeze3A_1248 : f32 to vector<16xf32>
      %slice3A_1250 = vector.extract_strided_slice %mul3A_1218 {offsets = [10], sizes = [1], strides = [1]} : vector<16xf32> to vector<1xf32>
      %squeeze3A_1251 = vector.extract %slice3A_1250[0] : f32 from vector<1xf32>
      %broadcast_in_dim3A_1252 = vector.broadcast %squeeze3A_1251 : f32 to vector<16xf32>
      %slice3A_1253 = vector.extract_strided_slice %mul3A_1218 {offsets = [11], sizes = [1], strides = [1]} : vector<16xf32> to vector<1xf32>
      %squeeze3A_1254 = vector.extract %slice3A_1253[0] : f32 from vector<1xf32>
      %broadcast_in_dim3A_1255 = vector.broadcast %squeeze3A_1254 : f32 to vector<16xf32>
      %slice3A_1256 = vector.extract_strided_slice %mul3A_1218 {offsets = [12], sizes = [1], strides = [1]} : vector<16xf32> to vector<1xf32>
      %squeeze3A_1257 = vector.extract %slice3A_1256[0] : f32 from vector<1xf32>
      %broadcast_in_dim3A_1258 = vector.broadcast %squeeze3A_1257 : f32 to vector<16xf32>
      %slice3A_1259 = vector.extract_strided_slice %mul3A_1218 {offsets = [13], sizes = [1], strides = [1]} : vector<16xf32> to vector<1xf32>
      %squeeze3A_1260 = vector.extract %slice3A_1259[0] : f32 from vector<1xf32>
      %broadcast_in_dim3A_1261 = vector.broadcast %squeeze3A_1260 : f32 to vector<16xf32>
      %slice3A_1262 = vector.extract_strided_slice %mul3A_1218 {offsets = [14], sizes = [1], strides = [1]} : vector<16xf32> to vector<1xf32>
      %squeeze3A_1263 = vector.extract %slice3A_1262[0] : f32 from vector<1xf32>
      %broadcast_in_dim3A_1264 = vector.broadcast %squeeze3A_1263 : f32 to vector<16xf32>
      %slice3A_1265 = vector.extract_strided_slice %mul3A_1218 {offsets = [15], sizes = [1], strides = [1]} : vector<16xf32> to vector<1xf32>
      %squeeze3A_1266 = vector.extract %slice3A_1265[0] : f32 from vector<1xf32>
      %broadcast_in_dim3A_1267 = vector.broadcast %squeeze3A_1266 : f32 to vector<16xf32>
      %slice3A_1268 = vector.extract_strided_slice %mul3A_1219 {offsets = [0], sizes = [1], strides = [1]} : vector<16xf32> to vector<1xf32>
      %squeeze3A_1269 = vector.extract %slice3A_1268[0] : f32 from vector<1xf32>
      %broadcast_in_dim3A_1270 = vector.broadcast %squeeze3A_1269 : f32 to vector<16xf32>
      %slice3A_1271 = vector.extract_strided_slice %mul3A_1219 {offsets = [1], sizes = [1], strides = [1]} : vector<16xf32> to vector<1xf32>
      %squeeze3A_1272 = vector.extract %slice3A_1271[0] : f32 from vector<1xf32>
      %broadcast_in_dim3A_1273 = vector.broadcast %squeeze3A_1272 : f32 to vector<16xf32>
      %slice3A_1274 = vector.extract_strided_slice %mul3A_1219 {offsets = [2], sizes = [1], strides = [1]} : vector<16xf32> to vector<1xf32>
      %squeeze3A_1275 = vector.extract %slice3A_1274[0] : f32 from vector<1xf32>
      %broadcast_in_dim3A_1276 = vector.broadcast %squeeze3A_1275 : f32 to vector<16xf32>
      %slice3A_1277 = vector.extract_strided_slice %mul3A_1219 {offsets = [3], sizes = [1], strides = [1]} : vector<16xf32> to vector<1xf32>
      %squeeze3A_1278 = vector.extract %slice3A_1277[0] : f32 from vector<1xf32>
      %broadcast_in_dim3A_1279 = vector.broadcast %squeeze3A_1278 : f32 to vector<16xf32>
      %slice3A_1280 = vector.extract_strided_slice %mul3A_1219 {offsets = [4], sizes = [1], strides = [1]} : vector<16xf32> to vector<1xf32>
      %squeeze3A_1281 = vector.extract %slice3A_1280[0] : f32 from vector<1xf32>
      %broadcast_in_dim3A_1282 = vector.broadcast %squeeze3A_1281 : f32 to vector<16xf32>
      %slice3A_1283 = vector.extract_strided_slice %mul3A_1219 {offsets = [5], sizes = [1], strides = [1]} : vector<16xf32> to vector<1xf32>
      %squeeze3A_1284 = vector.extract %slice3A_1283[0] : f32 from vector<1xf32>
      %broadcast_in_dim3A_1285 = vector.broadcast %squeeze3A_1284 : f32 to vector<16xf32>
      %slice3A_1286 = vector.extract_strided_slice %mul3A_1219 {offsets = [6], sizes = [1], strides = [1]} : vector<16xf32> to vector<1xf32>
      %squeeze3A_1287 = vector.extract %slice3A_1286[0] : f32 from vector<1xf32>
      %broadcast_in_dim3A_1288 = vector.broadcast %squeeze3A_1287 : f32 to vector<16xf32>
      %slice3A_1289 = vector.extract_strided_slice %mul3A_1219 {offsets = [7], sizes = [1], strides = [1]} : vector<16xf32> to vector<1xf32>
      %squeeze3A_1290 = vector.extract %slice3A_1289[0] : f32 from vector<1xf32>
      %broadcast_in_dim3A_1291 = vector.broadcast %squeeze3A_1290 : f32 to vector<16xf32>
      %slice3A_1292 = vector.extract_strided_slice %mul3A_1219 {offsets = [8], sizes = [1], strides = [1]} : vector<16xf32> to vector<1xf32>
      %squeeze3A_1293 = vector.extract %slice3A_1292[0] : f32 from vector<1xf32>
      %broadcast_in_dim3A_1294 = vector.broadcast %squeeze3A_1293 : f32 to vector<16xf32>
      %slice3A_1295 = vector.extract_strided_slice %mul3A_1219 {offsets = [9], sizes = [1], strides = [1]} : vector<16xf32> to vector<1xf32>
      %squeeze3A_1296 = vector.extract %slice3A_1295[0] : f32 from vector<1xf32>
      %broadcast_in_dim3A_1297 = vector.broadcast %squeeze3A_1296 : f32 to vector<16xf32>
      %slice3A_1298 = vector.extract_strided_slice %mul3A_1219 {offsets = [10], sizes = [1], strides = [1]} : vector<16xf32> to vector<1xf32>
      %squeeze3A_1299 = vector.extract %slice3A_1298[0] : f32 from vector<1xf32>
      %broadcast_in_dim3A_1300 = vector.broadcast %squeeze3A_1299 : f32 to vector<16xf32>
      %slice3A_1301 = vector.extract_strided_slice %mul3A_1219 {offsets = [11], sizes = [1], strides = [1]} : vector<16xf32> to vector<1xf32>
      %squeeze3A_1302 = vector.extract %slice3A_1301[0] : f32 from vector<1xf32>
      %broadcast_in_dim3A_1303 = vector.broadcast %squeeze3A_1302 : f32 to vector<16xf32>
      %slice3A_1304 = vector.extract_strided_slice %mul3A_1219 {offsets = [12], sizes = [1], strides = [1]} : vector<16xf32> to vector<1xf32>
      %squeeze3A_1305 = vector.extract %slice3A_1304[0] : f32 from vector<1xf32>
      %broadcast_in_dim3A_1306 = vector.broadcast %squeeze3A_1305 : f32 to vector<16xf32>
      %slice3A_1307 = vector.extract_strided_slice %mul3A_1219 {offsets = [13], sizes = [1], strides = [1]} : vector<16xf32> to vector<1xf32>
      %squeeze3A_1308 = vector.extract %slice3A_1307[0] : f32 from vector<1xf32>
      %broadcast_in_dim3A_1309 = vector.broadcast %squeeze3A_1308 : f32 to vector<16xf32>
      %slice3A_1310 = vector.extract_strided_slice %mul3A_1219 {offsets = [14], sizes = [1], strides = [1]} : vector<16xf32> to vector<1xf32>
      %squeeze3A_1311 = vector.extract %slice3A_1310[0] : f32 from vector<1xf32>
      %broadcast_in_dim3A_1312 = vector.broadcast %squeeze3A_1311 : f32 to vector<16xf32>
      %slice3A_1313 = vector.extract_strided_slice %mul3A_1219 {offsets = [15], sizes = [1], strides = [1]} : vector<16xf32> to vector<1xf32>
      %squeeze3A_1314 = vector.extract %slice3A_1313[0] : f32 from vector<1xf32>
      %broadcast_in_dim3A_1315 = vector.broadcast %squeeze3A_1314 : f32 to vector<16xf32>
      %scan3A_1316 = arith.constant 0 : i32
      %scan3A_1317 = arith.constant 0 : i32
      %scan3A_1318 = arith.constant 48 : i32
      %scan3A_1319 = arith.addi %scan3A_1317, %scan3A_1318 : i32
      %scan3A_1320 = arith.constant 1 : i32
      %scan3A_1321 = scf.for %scan3A_1380 = %scan3A_1317 to %scan3A_1319 step %scan3A_1320 iter_args(%scan3A_1381 = %scan3A_1316) -> (i32)  : i32 {
        %mul3A_1382 = arith.constant 16 : i32
        %mul3A_1383 = arith.muli %scan3A_1380, %mul3A_1382 : i32
        %get3A_1384 = arith.index_cast %mul3A_1383 : i32 to index
        %get3A_1385 = tpu.vector_load %arg18[%get3A_1384] {strides = array<i32>} : memref<768xf32, #tpu.memory_space<vmem>>, vector<16xf32>,
        %get3A_1386 = arith.index_cast %mul3A_1383 : i32 to index
        %get3A_1387 = tpu.vector_load %arg19[%get3A_1386] {strides = array<i32>} : memref<768xf32, #tpu.memory_space<vmem>>, vector<16xf32>,
        %get3A_1388 = arith.constant 0 : i32
        %get3A_1389 = arith.index_cast %get3A_1388 : i32 to index
        %get3A_1390 = arith.index_cast %mul3A_1383 : i32 to index
        %get3A_1391 = tpu.vector_load %arg13[%get3A_1389, %get3A_1390] {strides = array<i32>} : memref<16x768xf32, #tpu.memory_space<vmem>>, vector<16xf32>,
        %mul3A_1392 = arith.mulf %get3A_1391, %broadcast_in_dim3A_1222 : vector<16xf32>
        %sub3A_1393 = arith.subf %mul3A_1392, %broadcast_in_dim3A_1270 : vector<16xf32>
        %mul3A_1394 = arith.mulf %sub3A_1393, %get3A_1385 : vector<16xf32>
        %add3A_1395 = arith.addf %mul3A_1394, %get3A_1387 : vector<16xf32>
        %swap3A_1396 = arith.constant 0 : i32
        %swap3A_1397 = arith.index_cast %swap3A_1396 : i32 to index
        %swap3A_1398 = arith.index_cast %mul3A_1383 : i32 to index
        %swap3A_1399 = tpu.vector_load %arg15[%swap3A_1397, %swap3A_1398] {strides = array<i32>} : memref<16x768xf32, #tpu.memory_space<vmem>>, vector<16xf32>,
        tpu.vector_store %arg15[%swap3A_1397, %swap3A_1398], %add3A_1395 {strides = array<i32>} : memref<16x768xf32, #tpu.memory_space<vmem>>, vector<16xf32>,
        %get3A_1400 = arith.constant 1 : i32
        %get3A_1401 = arith.index_cast %get3A_1400 : i32 to index
        %get3A_1402 = arith.index_cast %mul3A_1383 : i32 to index
        %get3A_1403 = tpu.vector_load %arg13[%get3A_1401, %get3A_1402] {strides = array<i32>} : memref<16x768xf32, #tpu.memory_space<vmem>>, vector<16xf32>,
        %mul3A_1404 = arith.mulf %get3A_1403, %broadcast_in_dim3A_1225 : vector<16xf32>
        %sub3A_1405 = arith.subf %mul3A_1404, %broadcast_in_dim3A_1273 : vector<16xf32>
        %mul3A_1406 = arith.mulf %sub3A_1405, %get3A_1385 : vector<16xf32>
        %add3A_1407 = arith.addf %mul3A_1406, %get3A_1387 : vector<16xf32>
        %swap3A_1408 = arith.constant 1 : i32
        %swap3A_1409 = arith.index_cast %swap3A_1408 : i32 to index
        %swap3A_1410 = arith.index_cast %mul3A_1383 : i32 to index
        %swap3A_1411 = tpu.vector_load %arg15[%swap3A_1409, %swap3A_1410] {strides = array<i32>} : memref<16x768xf32, #tpu.memory_space<vmem>>, vector<16xf32>,
        tpu.vector_store %arg15[%swap3A_1409, %swap3A_1410], %add3A_1407 {strides = array<i32>} : memref<16x768xf32, #tpu.memory_space<vmem>>, vector<16xf32>,
        %get3A_1412 = arith.constant 2 : i32
        %get3A_1413 = arith.index_cast %get3A_1412 : i32 to index
        %get3A_1414 = arith.index_cast %mul3A_1383 : i32 to index
        %get3A_1415 = tpu.vector_load %arg13[%get3A_1413, %get3A_1414] {strides = array<i32>} : memref<16x768xf32, #tpu.memory_space<vmem>>, vector<16xf32>,
        %mul3A_1416 = arith.mulf %get3A_1415, %broadcast_in_dim3A_1228 : vector<16xf32>
        %sub3A_1417 = arith.subf %mul3A_1416, %broadcast_in_dim3A_1276 : vector<16xf32>
        %mul3A_1418 = arith.mulf %sub3A_1417, %get3A_1385 : vector<16xf32>
        %add3A_1419 = arith.addf %mul3A_1418, %get3A_1387 : vector<16xf32>
        %swap3A_1420 = arith.constant 2 : i32
        %swap3A_1421 = arith.index_cast %swap3A_1420 : i32 to index
        %swap3A_1422 = arith.index_cast %mul3A_1383 : i32 to index
        %swap3A_1423 = tpu.vector_load %arg15[%swap3A_1421, %swap3A_1422] {strides = array<i32>} : memref<16x768xf32, #tpu.memory_space<vmem>>, vector<16xf32>,
        tpu.vector_store %arg15[%swap3A_1421, %swap3A_1422], %add3A_1419 {strides = array<i32>} : memref<16x768xf32, #tpu.memory_space<vmem>>, vector<16xf32>,
        %get3A_1424 = arith.constant 3 : i32
        %get3A_1425 = arith.index_cast %get3A_1424 : i32 to index
        %get3A_1426 = arith.index_cast %mul3A_1383 : i32 to index
        %get3A_1427 = tpu.vector_load %arg13[%get3A_1425, %get3A_1426] {strides = array<i32>} : memref<16x768xf32, #tpu.memory_space<vmem>>, vector<16xf32>,
        %mul3A_1428 = arith.mulf %get3A_1427, %broadcast_in_dim3A_1231 : vector<16xf32>
        %sub3A_1429 = arith.subf %mul3A_1428, %broadcast_in_dim3A_1279 : vector<16xf32>
        %mul3A_1430 = arith.mulf %sub3A_1429, %get3A_1385 : vector<16xf32>
        %add3A_1431 = arith.addf %mul3A_1430, %get3A_1387 : vector<16xf32>
        %swap3A_1432 = arith.constant 3 : i32
        %swap3A_1433 = arith.index_cast %swap3A_1432 : i32 to index
        %swap3A_1434 = arith.index_cast %mul3A_1383 : i32 to index
        %swap3A_1435 = tpu.vector_load %arg15[%swap3A_1433, %swap3A_1434] {strides = array<i32>} : memref<16x768xf32, #tpu.memory_space<vmem>>, vector<16xf32>,
        tpu.vector_store %arg15[%swap3A_1433, %swap3A_1434], %add3A_1431 {strides = array<i32>} : memref<16x768xf32, #tpu.memory_space<vmem>>, vector<16xf32>,
        %get3A_1436 = arith.constant 4 : i32
        %get3A_1437 = arith.index_cast %get3A_1436 : i32 to index
        %get3A_1438 = arith.index_cast %mul3A_1383 : i32 to index
        %get3A_1439 = tpu.vector_load %arg13[%get3A_1437, %get3A_1438] {strides = array<i32>} : memref<16x768xf32, #tpu.memory_space<vmem>>, vector<16xf32>,
        %mul3A_1440 = arith.mulf %get3A_1439, %broadcast_in_dim3A_1234 : vector<16xf32>
        %sub3A_1441 = arith.subf %mul3A_1440, %broadcast_in_dim3A_1282 : vector<16xf32>
        %mul3A_1442 = arith.mulf %sub3A_1441, %get3A_1385 : vector<16xf32>
        %add3A_1443 = arith.addf %mul3A_1442, %get3A_1387 : vector<16xf32>
        %swap3A_1444 = arith.constant 4 : i32
        %swap3A_1445 = arith.index_cast %swap3A_1444 : i32 to index
        %swap3A_1446 = arith.index_cast %mul3A_1383 : i32 to index
        %swap3A_1447 = tpu.vector_load %arg15[%swap3A_1445, %swap3A_1446] {strides = array<i32>} : memref<16x768xf32, #tpu.memory_space<vmem>>, vector<16xf32>,
        tpu.vector_store %arg15[%swap3A_1445, %swap3A_1446], %add3A_1443 {strides = array<i32>} : memref<16x768xf32, #tpu.memory_space<vmem>>, vector<16xf32>,
        %get3A_1448 = arith.constant 5 : i32
        %get3A_1449 = arith.index_cast %get3A_1448 : i32 to index
        %get3A_1450 = arith.index_cast %mul3A_1383 : i32 to index
        %get3A_1451 = tpu.vector_load %arg13[%get3A_1449, %get3A_1450] {strides = array<i32>} : memref<16x768xf32, #tpu.memory_space<vmem>>, vector<16xf32>,
        %mul3A_1452 = arith.mulf %get3A_1451, %broadcast_in_dim3A_1237 : vector<16xf32>
        %sub3A_1453 = arith.subf %mul3A_1452, %broadcast_in_dim3A_1285 : vector<16xf32>
        %mul3A_1454 = arith.mulf %sub3A_1453, %get3A_1385 : vector<16xf32>
        %add3A_1455 = arith.addf %mul3A_1454, %get3A_1387 : vector<16xf32>
        %swap3A_1456 = arith.constant 5 : i32
        %swap3A_1457 = arith.index_cast %swap3A_1456 : i32 to index
        %swap3A_1458 = arith.index_cast %mul3A_1383 : i32 to index
        %swap3A_1459 = tpu.vector_load %arg15[%swap3A_1457, %swap3A_1458] {strides = array<i32>} : memref<16x768xf32, #tpu.memory_space<vmem>>, vector<16xf32>,
        tpu.vector_store %arg15[%swap3A_1457, %swap3A_1458], %add3A_1455 {strides = array<i32>} : memref<16x768xf32, #tpu.memory_space<vmem>>, vector<16xf32>,
        %get3A_1460 = arith.constant 6 : i32
        %get3A_1461 = arith.index_cast %get3A_1460 : i32 to index
        %get3A_1462 = arith.index_cast %mul3A_1383 : i32 to index
        %get3A_1463 = tpu.vector_load %arg13[%get3A_1461, %get3A_1462] {strides = array<i32>} : memref<16x768xf32, #tpu.memory_space<vmem>>, vector<16xf32>,
        %mul3A_1464 = arith.mulf %get3A_1463, %broadcast_in_dim3A_1240 : vector<16xf32>
        %sub3A_1465 = arith.subf %mul3A_1464, %broadcast_in_dim3A_1288 : vector<16xf32>
        %mul3A_1466 = arith.mulf %sub3A_1465, %get3A_1385 : vector<16xf32>
        %add3A_1467 = arith.addf %mul3A_1466, %get3A_1387 : vector<16xf32>
        %swap3A_1468 = arith.constant 6 : i32
        %swap3A_1469 = arith.index_cast %swap3A_1468 : i32 to index
        %swap3A_1470 = arith.index_cast %mul3A_1383 : i32 to index
        %swap3A_1471 = tpu.vector_load %arg15[%swap3A_1469, %swap3A_1470] {strides = array<i32>} : memref<16x768xf32, #tpu.memory_space<vmem>>, vector<16xf32>,
        tpu.vector_store %arg15[%swap3A_1469, %swap3A_1470], %add3A_1467 {strides = array<i32>} : memref<16x768xf32, #tpu.memory_space<vmem>>, vector<16xf32>,
        %get3A_1472 = arith.constant 7 : i32
        %get3A_1473 = arith.index_cast %get3A_1472 : i32 to index
        %get3A_1474 = arith.index_cast %mul3A_1383 : i32 to index
        %get3A_1475 = tpu.vector_load %arg13[%get3A_1473, %get3A_1474] {strides = array<i32>} : memref<16x768xf32, #tpu.memory_space<vmem>>, vector<16xf32>,
        %mul3A_1476 = arith.mulf %get3A_1475, %broadcast_in_dim3A_1243 : vector<16xf32>
        %sub3A_1477 = arith.subf %mul3A_1476, %broadcast_in_dim3A_1291 : vector<16xf32>
        %mul3A_1478 = arith.mulf %sub3A_1477, %get3A_1385 : vector<16xf32>
        %add3A_1479 = arith.addf %mul3A_1478, %get3A_1387 : vector<16xf32>
        %swap3A_1480 = arith.constant 7 : i32
        %swap3A_1481 = arith.index_cast %swap3A_1480 : i32 to index
        %swap3A_1482 = arith.index_cast %mul3A_1383 : i32 to index
        %swap3A_1483 = tpu.vector_load %arg15[%swap3A_1481, %swap3A_1482] {strides = array<i32>} : memref<16x768xf32, #tpu.memory_space<vmem>>, vector<16xf32>,
        tpu.vector_store %arg15[%swap3A_1481, %swap3A_1482], %add3A_1479 {strides = array<i32>} : memref<16x768xf32, #tpu.memory_space<vmem>>, vector<16xf32>,
        %get3A_1484 = arith.constant 8 : i32
        %get3A_1485 = arith.index_cast %get3A_1484 : i32 to index
        %get3A_1486 = arith.index_cast %mul3A_1383 : i32 to index
        %get3A_1487 = tpu.vector_load %arg13[%get3A_1485, %get3A_1486] {strides = array<i32>} : memref<16x768xf32, #tpu.memory_space<vmem>>, vector<16xf32>,
        %mul3A_1488 = arith.mulf %get3A_1487, %broadcast_in_dim3A_1246 : vector<16xf32>
        %sub3A_1489 = arith.subf %mul3A_1488, %broadcast_in_dim3A_1294 : vector<16xf32>
        %mul3A_1490 = arith.mulf %sub3A_1489, %get3A_1385 : vector<16xf32>
        %add3A_1491 = arith.addf %mul3A_1490, %get3A_1387 : vector<16xf32>
        %swap3A_1492 = arith.constant 8 : i32
        %swap3A_1493 = arith.index_cast %swap3A_1492 : i32 to index
        %swap3A_1494 = arith.index_cast %mul3A_1383 : i32 to index
        %swap3A_1495 = tpu.vector_load %arg15[%swap3A_1493, %swap3A_1494] {strides = array<i32>} : memref<16x768xf32, #tpu.memory_space<vmem>>, vector<16xf32>,
        tpu.vector_store %arg15[%swap3A_1493, %swap3A_1494], %add3A_1491 {strides = array<i32>} : memref<16x768xf32, #tpu.memory_space<vmem>>, vector<16xf32>,
        %get3A_1496 = arith.constant 9 : i32
        %get3A_1497 = arith.index_cast %get3A_1496 : i32 to index
        %get3A_1498 = arith.index_cast %mul3A_1383 : i32 to index
        %get3A_1499 = tpu.vector_load %arg13[%get3A_1497, %get3A_1498] {strides = array<i32>} : memref<16x768xf32, #tpu.memory_space<vmem>>, vector<16xf32>,
        %mul3A_1500 = arith.mulf %get3A_1499, %broadcast_in_dim3A_1249 : vector<16xf32>
        %sub3A_1501 = arith.subf %mul3A_1500, %broadcast_in_dim3A_1297 : vector<16xf32>
        %mul3A_1502 = arith.mulf %sub3A_1501, %get3A_1385 : vector<16xf32>
        %add3A_1503 = arith.addf %mul3A_1502, %get3A_1387 : vector<16xf32>
        %swap3A_1504 = arith.constant 9 : i32
        %swap3A_1505 = arith.index_cast %swap3A_1504 : i32 to index
        %swap3A_1506 = arith.index_cast %mul3A_1383 : i32 to index
        %swap3A_1507 = tpu.vector_load %arg15[%swap3A_1505, %swap3A_1506] {strides = array<i32>} : memref<16x768xf32, #tpu.memory_space<vmem>>, vector<16xf32>,
        tpu.vector_store %arg15[%swap3A_1505, %swap3A_1506], %add3A_1503 {strides = array<i32>} : memref<16x768xf32, #tpu.memory_space<vmem>>, vector<16xf32>,
        %get3A_1508 = arith.constant 10 : i32
        %get3A_1509 = arith.index_cast %get3A_1508 : i32 to index
        %get3A_1510 = arith.index_cast %mul3A_1383 : i32 to index
        %get3A_1511 = tpu.vector_load %arg13[%get3A_1509, %get3A_1510] {strides = array<i32>} : memref<16x768xf32, #tpu.memory_space<vmem>>, vector<16xf32>,
        %mul3A_1512 = arith.mulf %get3A_1511, %broadcast_in_dim3A_1252 : vector<16xf32>
        %sub3A_1513 = arith.subf %mul3A_1512, %broadcast_in_dim3A_1300 : vector<16xf32>
        %mul3A_1514 = arith.mulf %sub3A_1513, %get3A_1385 : vector<16xf32>
        %add3A_1515 = arith.addf %mul3A_1514, %get3A_1387 : vector<16xf32>
        %swap3A_1516 = arith.constant 10 : i32
        %swap3A_1517 = arith.index_cast %swap3A_1516 : i32 to index
        %swap3A_1518 = arith.index_cast %mul3A_1383 : i32 to index
        %swap3A_1519 = tpu.vector_load %arg15[%swap3A_1517, %swap3A_1518] {strides = array<i32>} : memref<16x768xf32, #tpu.memory_space<vmem>>, vector<16xf32>,
        tpu.vector_store %arg15[%swap3A_1517, %swap3A_1518], %add3A_1515 {strides = array<i32>} : memref<16x768xf32, #tpu.memory_space<vmem>>, vector<16xf32>,
        %get3A_1520 = arith.constant 11 : i32
        %get3A_1521 = arith.index_cast %get3A_1520 : i32 to index
        %get3A_1522 = arith.index_cast %mul3A_1383 : i32 to index
        %get3A_1523 = tpu.vector_load %arg13[%get3A_1521, %get3A_1522] {strides = array<i32>} : memref<16x768xf32, #tpu.memory_space<vmem>>, vector<16xf32>,
        %mul3A_1524 = arith.mulf %get3A_1523, %broadcast_in_dim3A_1255 : vector<16xf32>
        %sub3A_1525 = arith.subf %mul3A_1524, %broadcast_in_dim3A_1303 : vector<16xf32>
        %mul3A_1526 = arith.mulf %sub3A_1525, %get3A_1385 : vector<16xf32>
        %add3A_1527 = arith.addf %mul3A_1526, %get3A_1387 : vector<16xf32>
        %swap3A_1528 = arith.constant 11 : i32
        %swap3A_1529 = arith.index_cast %swap3A_1528 : i32 to index
        %swap3A_1530 = arith.index_cast %mul3A_1383 : i32 to index
        %swap3A_1531 = tpu.vector_load %arg15[%swap3A_1529, %swap3A_1530] {strides = array<i32>} : memref<16x768xf32, #tpu.memory_space<vmem>>, vector<16xf32>,
        tpu.vector_store %arg15[%swap3A_1529, %swap3A_1530], %add3A_1527 {strides = array<i32>} : memref<16x768xf32, #tpu.memory_space<vmem>>, vector<16xf32>,
        %get3A_1532 = arith.constant 12 : i32
        %get3A_1533 = arith.index_cast %get3A_1532 : i32 to index
        %get3A_1534 = arith.index_cast %mul3A_1383 : i32 to index
        %get3A_1535 = tpu.vector_load %arg13[%get3A_1533, %get3A_1534] {strides = array<i32>} : memref<16x768xf32, #tpu.memory_space<vmem>>, vector<16xf32>,
        %mul3A_1536 = arith.mulf %get3A_1535, %broadcast_in_dim3A_1258 : vector<16xf32>
        %sub3A_1537 = arith.subf %mul3A_1536, %broadcast_in_dim3A_1306 : vector<16xf32>
        %mul3A_1538 = arith.mulf %sub3A_1537, %get3A_1385 : vector<16xf32>
        %add3A_1539 = arith.addf %mul3A_1538, %get3A_1387 : vector<16xf32>
        %swap3A_1540 = arith.constant 12 : i32
        %swap3A_1541 = arith.index_cast %swap3A_1540 : i32 to index
        %swap3A_1542 = arith.index_cast %mul3A_1383 : i32 to index
        %swap3A_1543 = tpu.vector_load %arg15[%swap3A_1541, %swap3A_1542] {strides = array<i32>} : memref<16x768xf32, #tpu.memory_space<vmem>>, vector<16xf32>,
        tpu.vector_store %arg15[%swap3A_1541, %swap3A_1542], %add3A_1539 {strides = array<i32>} : memref<16x768xf32, #tpu.memory_space<vmem>>, vector<16xf32>,
        %get3A_1544 = arith.constant 13 : i32
        %get3A_1545 = arith.index_cast %get3A_1544 : i32 to index
        %get3A_1546 = arith.index_cast %mul3A_1383 : i32 to index
        %get3A_1547 = tpu.vector_load %arg13[%get3A_1545, %get3A_1546] {strides = array<i32>} : memref<16x768xf32, #tpu.memory_space<vmem>>, vector<16xf32>,
        %mul3A_1548 = arith.mulf %get3A_1547, %broadcast_in_dim3A_1261 : vector<16xf32>
        %sub3A_1549 = arith.subf %mul3A_1548, %broadcast_in_dim3A_1309 : vector<16xf32>
        %mul3A_1550 = arith.mulf %sub3A_1549, %get3A_1385 : vector<16xf32>
        %add3A_1551 = arith.addf %mul3A_1550, %get3A_1387 : vector<16xf32>
        %swap3A_1552 = arith.constant 13 : i32
        %swap3A_1553 = arith.index_cast %swap3A_1552 : i32 to index
        %swap3A_1554 = arith.index_cast %mul3A_1383 : i32 to index
        %swap3A_1555 = tpu.vector_load %arg15[%swap3A_1553, %swap3A_1554] {strides = array<i32>} : memref<16x768xf32, #tpu.memory_space<vmem>>, vector<16xf32>,
        tpu.vector_store %arg15[%swap3A_1553, %swap3A_1554], %add3A_1551 {strides = array<i32>} : memref<16x768xf32, #tpu.memory_space<vmem>>, vector<16xf32>,
        %get3A_1556 = arith.constant 14 : i32
        %get3A_1557 = arith.index_cast %get3A_1556 : i32 to index
        %get3A_1558 = arith.index_cast %mul3A_1383 : i32 to index
        %get3A_1559 = tpu.vector_load %arg13[%get3A_1557, %get3A_1558] {strides = array<i32>} : memref<16x768xf32, #tpu.memory_space<vmem>>, vector<16xf32>,
        %mul3A_1560 = arith.mulf %get3A_1559, %broadcast_in_dim3A_1264 : vector<16xf32>
        %sub3A_1561 = arith.subf %mul3A_1560, %broadcast_in_dim3A_1312 : vector<16xf32>
        %mul3A_1562 = arith.mulf %sub3A_1561, %get3A_1385 : vector<16xf32>
        %add3A_1563 = arith.addf %mul3A_1562, %get3A_1387 : vector<16xf32>
        %swap3A_1564 = arith.constant 14 : i32
        %swap3A_1565 = arith.index_cast %swap3A_1564 : i32 to index
        %swap3A_1566 = arith.index_cast %mul3A_1383 : i32 to index
        %swap3A_1567 = tpu.vector_load %arg15[%swap3A_1565, %swap3A_1566] {strides = array<i32>} : memref<16x768xf32, #tpu.memory_space<vmem>>, vector<16xf32>,
        tpu.vector_store %arg15[%swap3A_1565, %swap3A_1566], %add3A_1563 {strides = array<i32>} : memref<16x768xf32, #tpu.memory_space<vmem>>, vector<16xf32>,
        %get3A_1568 = arith.constant 15 : i32
        %get3A_1569 = arith.index_cast %get3A_1568 : i32 to index
        %get3A_1570 = arith.index_cast %mul3A_1383 : i32 to index
        %get3A_1571 = tpu.vector_load %arg13[%get3A_1569, %get3A_1570] {strides = array<i32>} : memref<16x768xf32, #tpu.memory_space<vmem>>, vector<16xf32>,
        %mul3A_1572 = arith.mulf %get3A_1571, %broadcast_in_dim3A_1267 : vector<16xf32>
        %sub3A_1573 = arith.subf %mul3A_1572, %broadcast_in_dim3A_1315 : vector<16xf32>
        %mul3A_1574 = arith.mulf %sub3A_1573, %get3A_1385 : vector<16xf32>
        %add3A_1575 = arith.addf %mul3A_1574, %get3A_1387 : vector<16xf32>
        %swap3A_1576 = arith.constant 15 : i32
        %swap3A_1577 = arith.index_cast %swap3A_1576 : i32 to index
        %swap3A_1578 = arith.index_cast %mul3A_1383 : i32 to index
        %swap3A_1579 = tpu.vector_load %arg15[%swap3A_1577, %swap3A_1578] {strides = array<i32>} : memref<16x768xf32, #tpu.memory_space<vmem>>, vector<16xf32>,
        tpu.vector_store %arg15[%swap3A_1577, %swap3A_1578], %add3A_1575 {strides = array<i32>} : memref<16x768xf32, #tpu.memory_space<vmem>>, vector<16xf32>,
        %scan3A_1580 = arith.constant 0 : i32
        scf.yield %scan3A_1580 : i32
      }
      %scan3A_1322 = arith.constant 48 : i32
      %jit3A_1323 = arith.constant 4 : i32
      %div3A_1324 = arith.divsi %add3A_73, %jit3A_1323 : i32
      %sign3A_1325 = arith.constant 0 : i32
      %sign3A_1326 = arith.cmpi sgt, %add3A_73, %sign3A_1325 : i32
      %sign3A_1327 = arith.extui %sign3A_1326 : i1 to i32
      %sign3A_1328 = arith.constant 0 : i32
      %sign3A_1329 = arith.cmpi slt, %add3A_73, %sign3A_1328 : i32
      %sign3A_1330 = arith.extui %sign3A_1329 : i1 to i32
      %sign3A_1331 = arith.subi %sign3A_1327, %sign3A_1330 : i32
      %sign3A_1332 = arith.constant 0 : i32
      %sign3A_1333 = arith.cmpi sgt, %jit3A_1323, %sign3A_1332 : i32
      %sign3A_1334 = arith.extui %sign3A_1333 : i1 to i32
      %sign3A_1335 = arith.constant 0 : i32
      %sign3A_1336 = arith.cmpi slt, %jit3A_1323, %sign3A_1335 : i32
      %sign3A_1337 = arith.extui %sign3A_1336 : i1 to i32
      %sign3A_1338 = arith.subi %sign3A_1334, %sign3A_1337 : i32
      %ne3A_1339 = arith.cmpi ne, %sign3A_1331, %sign3A_1338 : i32
      %rem3A_1340 = arith.remsi %add3A_73, %jit3A_1323 : i32
      %ne3A_1341 = arith.constant 0 : i32
      %ne3A_1342 = arith.cmpi ne, %rem3A_1340, %ne3A_1341 : i32
      %and3A_1343 = arith.andi %ne3A_1339, %ne3A_1342 : i1
      %sub3A_1344 = arith.constant 1 : i32
      %sub3A_1345 = arith.subi %div3A_1324, %sub3A_1344 : i32
      %select_n3A_1346 = arith.select %and3A_1343, %sub3A_1345, %div3A_1324 : i32
      %jit3A_1347 = arith.constant 4 : i32
      %eq3A_1348 = arith.constant 0 : i32
      %eq3A_1349 = arith.cmpi eq, %jit3A_1347, %eq3A_1348 : i32
      %jit3A_1350 = arith.constant 1 : i32
      %select_n3A_1351 = arith.select %eq3A_1349, %jit3A_1350, %jit3A_1347 : i32
      %rem3A_1352 = arith.remsi %add3A_73, %select_n3A_1351 : i32
      %ne3A_1353 = arith.constant 0 : i32
      %ne3A_1354 = arith.cmpi ne, %rem3A_1352, %ne3A_1353 : i32
      %lt3A_1355 = arith.constant 0 : i32
      %lt3A_1356 = arith.cmpi slt, %rem3A_1352, %lt3A_1355 : i32
      %lt3A_1357 = arith.constant 0 : i32
      %lt3A_1358 = arith.cmpi slt, %select_n3A_1351, %lt3A_1357 : i32
      %ne3A_1359 = arith.xori %lt3A_1356, %lt3A_1358 : i1
      %and3A_1360 = arith.andi %ne3A_1359, %ne3A_1354 : i1
      %add3A_1361 = arith.addi %rem3A_1352, %select_n3A_1351 : i32
      %select_n3A_1362 = arith.select %and3A_1360, %add3A_1361, %rem3A_1352 : i32
      %mul3A_1363 = arith.constant 16 : i32
      %mul3A_1364 = arith.muli %select_n3A_1362, %mul3A_1363 : i32
      %add3A_1365 = arith.addi %mul3A_2, %mul3A_1364 : i32
      %dma_start3A_1366 = arith.constant 0 : i32
      %dma_start3A_1367 = tpu.memref_slice %arg9[%select_n3A_1346, %add3A_1365, %dma_start3A_1366] : memref<4x2048x768xf32, #tpu.memory_space<hbm>> -> memref<1x16x768xf32, #tpu.memory_space<hbm>>
      %dma_start3A_1368 = tpu.memref_squeeze %dma_start3A_1367 : memref<1x16x768xf32, #tpu.memory_space<hbm>> -> memref<16x768xf32, #tpu.memory_space<hbm>>
      %dma_start3A_1369 = arith.constant 0 : i32
      %dma_start3A_1370 = tpu.memref_slice %arg9[%select_n3A_1346, %add3A_1365, %dma_start3A_1369] : memref<4x2048x768xf32, #tpu.memory_space<hbm>> -> memref<1x16x768xf32, #tpu.memory_space<hbm>>
      %dma_start3A_1371 = tpu.memref_squeeze %dma_start3A_1370 : memref<1x16x768xf32, #tpu.memory_space<hbm>> -> memref<16x768xf32, #tpu.memory_space<hbm>>
      tpu.enqueue_dma source(%arg15 : memref<16x768xf32, #tpu.memory_space<vmem>>) target(%dma_start3A_1371 : memref<16x768xf32, #tpu.memory_space<hbm>>) target_semaphore(%arg27 : memref<!tpu.dma_semaphore, #tpu.memory_space<semaphore_mem>>)
      %add3A_1372 = arith.constant 1 : i32
      %add3A_1373 = arith.addi %scan3A_66, %add3A_1372 : i32
      %lt3A_1374 = arith.constant 8 : i32
      %lt3A_1375 = arith.cmpi slt, %add3A_1373, %lt3A_1374 : i32
      %convert_element_type3A_1376 = arith.extui %lt3A_1375 : i1 to i32
      %cond3A_1377 = arith.constant 0 : i32
      %cond3A_1378 = arith.cmpi ne, %convert_element_type3A_1376, %cond3A_1377 : i32
      scf.if %cond3A_1378 {
        %add3A_1380 = arith.constant 2 : i32
        %add3A_1381 = arith.addi %add3A_73, %add3A_1380 : i32
        %jit3A_1382 = arith.constant 4 : i32
        %eq3A_1383 = arith.constant 0 : i32
        %eq3A_1384 = arith.cmpi eq, %jit3A_1382, %eq3A_1383 : i32
        %jit3A_1385 = arith.constant 1 : i32
        %select_n3A_1386 = arith.select %eq3A_1384, %jit3A_1385, %jit3A_1382 : i32
        %rem3A_1387 = arith.remsi %add3A_1381, %select_n3A_1386 : i32
        %ne3A_1388 = arith.constant 0 : i32
        %ne3A_1389 = arith.cmpi ne, %rem3A_1387, %ne3A_1388 : i32
        %lt3A_1390 = arith.constant 0 : i32
        %lt3A_1391 = arith.cmpi slt, %rem3A_1387, %lt3A_1390 : i32
        %lt3A_1392 = arith.constant 0 : i32
        %lt3A_1393 = arith.cmpi slt, %select_n3A_1386, %lt3A_1392 : i32
        %ne3A_1394 = arith.xori %lt3A_1391, %lt3A_1393 : i1
        %and3A_1395 = arith.andi %ne3A_1394, %ne3A_1389 : i1
        %add3A_1396 = arith.addi %rem3A_1387, %select_n3A_1386 : i32
        %select_n3A_1397 = arith.select %and3A_1395, %add3A_1396, %rem3A_1387 : i32
        %mul3A_1398 = arith.constant 16 : i32
        %mul3A_1399 = arith.muli %select_n3A_1397, %mul3A_1398 : i32
        %add3A_1400 = arith.addi %mul3A_2, %mul3A_1399 : i32
        %dma_start3A_1401 = arith.constant 0 : i32
        %dma_start3A_1402 = tpu.memref_slice %arg5[%add3A_1400, %dma_start3A_1401] : memref<2048x768xf32, #tpu.memory_space<hbm>> -> memref<16x768xf32, #tpu.memory_space<hbm>>
        %dma_start3A_1403 = arith.constant 0 : i32
        %dma_start3A_1404 = tpu.memref_slice %arg5[%add3A_1400, %dma_start3A_1403] : memref<2048x768xf32, #tpu.memory_space<hbm>> -> memref<16x768xf32, #tpu.memory_space<hbm>>
        tpu.enqueue_dma source(%dma_start3A_1404 : memref<16x768xf32, #tpu.memory_space<hbm>>) target(%arg11 : memref<16x768xf32, #tpu.memory_space<vmem>>) target_semaphore(%arg23 : memref<!tpu.dma_semaphore, #tpu.memory_space<semaphore_mem>>)
        %add3A_1405 = arith.constant 2 : i32
        %add3A_1406 = arith.addi %add3A_73, %add3A_1405 : i32
        %jit3A_1407 = arith.constant 4 : i32
        %div3A_1408 = arith.divsi %add3A_1406, %jit3A_1407 : i32
        %sign3A_1409 = arith.constant 0 : i32
        %sign3A_1410 = arith.cmpi sgt, %add3A_1406, %sign3A_1409 : i32
        %sign3A_1411 = arith.extui %sign3A_1410 : i1 to i32
        %sign3A_1412 = arith.constant 0 : i32
        %sign3A_1413 = arith.cmpi slt, %add3A_1406, %sign3A_1412 : i32
        %sign3A_1414 = arith.extui %sign3A_1413 : i1 to i32
        %sign3A_1415 = arith.subi %sign3A_1411, %sign3A_1414 : i32
        %sign3A_1416 = arith.constant 0 : i32
        %sign3A_1417 = arith.cmpi sgt, %jit3A_1407, %sign3A_1416 : i32
        %sign3A_1418 = arith.extui %sign3A_1417 : i1 to i32
        %sign3A_1419 = arith.constant 0 : i32
        %sign3A_1420 = arith.cmpi slt, %jit3A_1407, %sign3A_1419 : i32
        %sign3A_1421 = arith.extui %sign3A_1420 : i1 to i32
        %sign3A_1422 = arith.subi %sign3A_1418, %sign3A_1421 : i32
        %ne3A_1423 = arith.cmpi ne, %sign3A_1415, %sign3A_1422 : i32
        %rem3A_1424 = arith.remsi %add3A_1406, %jit3A_1407 : i32
        %ne3A_1425 = arith.constant 0 : i32
        %ne3A_1426 = arith.cmpi ne, %rem3A_1424, %ne3A_1425 : i32
        %and3A_1427 = arith.andi %ne3A_1423, %ne3A_1426 : i1
        %sub3A_1428 = arith.constant 1 : i32
        %sub3A_1429 = arith.subi %div3A_1408, %sub3A_1428 : i32
        %select_n3A_1430 = arith.select %and3A_1427, %sub3A_1429, %div3A_1408 : i32
        %jit3A_1431 = arith.constant 4 : i32
        %eq3A_1432 = arith.constant 0 : i32
        %eq3A_1433 = arith.cmpi eq, %jit3A_1431, %eq3A_1432 : i32
        %jit3A_1434 = arith.constant 1 : i32
        %select_n3A_1435 = arith.select %eq3A_1433, %jit3A_1434, %jit3A_1431 : i32
        %rem3A_1436 = arith.remsi %add3A_1406, %select_n3A_1435 : i32
        %ne3A_1437 = arith.constant 0 : i32
        %ne3A_1438 = arith.cmpi ne, %rem3A_1436, %ne3A_1437 : i32
        %lt3A_1439 = arith.constant 0 : i32
        %lt3A_1440 = arith.cmpi slt, %rem3A_1436, %lt3A_1439 : i32
        %lt3A_1441 = arith.constant 0 : i32
        %lt3A_1442 = arith.cmpi slt, %select_n3A_1435, %lt3A_1441 : i32
        %ne3A_1443 = arith.xori %lt3A_1440, %lt3A_1442 : i1
        %and3A_1444 = arith.andi %ne3A_1443, %ne3A_1438 : i1
        %add3A_1445 = arith.addi %rem3A_1436, %select_n3A_1435 : i32
        %select_n3A_1446 = arith.select %and3A_1444, %add3A_1445, %rem3A_1436 : i32
        %mul3A_1447 = arith.constant 16 : i32
        %mul3A_1448 = arith.muli %select_n3A_1446, %mul3A_1447 : i32
        %dma_start3A_1449 = tpu.memref_slice %arg16[%select_n3A_1430, %mul3A_1448] : memref<4x64xi32, #tpu.memory_space<vmem>> -> memref<1x16xi32, #tpu.memory_space<vmem>>
        %dma_start3A_1450 = tpu.memref_squeeze %dma_start3A_1449 : memref<1x16xi32, #tpu.memory_space<vmem>> -> memref<16xi32, #tpu.memory_space<vmem>>
        %dma_start3A_1451 = arith.constant 0 : i32
        %dma_start3A_1452 = arith.constant 0 : i32
        %dma_start3A_1453 = tpu.memref_slice %arg4[%dma_start3A_1451, %dma_start3A_1452] : memref<30522x768xf32, #tpu.memory_space<hbm>> -> memref<30522x768xf32, #tpu.memory_space<hbm>>
        tpu.enqueue_indirect_dma source(%dma_start3A_1453 : memref<30522x768xf32, #tpu.memory_space<hbm>>) target(%arg13 : memref<16x768xf32, #tpu.memory_space<vmem>>) offsets(%dma_start3A_1450 : memref<16xi32, #tpu.memory_space<vmem>>) semaphore(%arg25 : memref<!tpu.dma_semaphore, #tpu.memory_space<semaphore_mem>>)
      } else {
      }
      %scan3A_1379 = arith.constant 0 : i32
      scf.yield %scan3A_1379 : i32
    }
    %scan3A_48 = arith.constant 8 : i32
    %add3A_49 = arith.constant 32 : i32
    %add3A_50 = arith.addi %mul3A_2, %add3A_49 : i32
    %dma_wait3A = arith.constant 3 : i32
    %dma_wait3A_51 = arith.constant 0 : i32
    %dma_wait3A_52 = tpu.memref_slice %arg9[%dma_wait3A, %add3A_50, %dma_wait3A_51] : memref<4x2048x768xf32, #tpu.memory_space<hbm>> -> memref<1x16x768xf32, #tpu.memory_space<hbm>>
    %dma_wait3A_53 = tpu.memref_squeeze %dma_wait3A_52 : memref<1x16x768xf32, #tpu.memory_space<hbm>> -> memref<16x768xf32, #tpu.memory_space<hbm>>
    %dma_wait3A_54 = arith.constant 0 : i32
    %dma_wait3A_55 = tpu.memref_slice %arg9[%dma_wait3A, %add3A_50, %dma_wait3A_54] : memref<4x2048x768xf32, #tpu.memory_space<hbm>> -> memref<1x16x768xf32, #tpu.memory_space<hbm>>
    %dma_wait3A_56 = tpu.memref_squeeze %dma_wait3A_55 : memref<1x16x768xf32, #tpu.memory_space<hbm>> -> memref<16x768xf32, #tpu.memory_space<hbm>>
    tpu.wait_dma2 semaphore(%arg26 : memref<!tpu.dma_semaphore, #tpu.memory_space<semaphore_mem>>) src(%arg14 : memref<16x768xf32, #tpu.memory_space<vmem>>) dst(%dma_wait3A_56 : memref<16x768xf32, #tpu.memory_space<hbm>>)
    %add3A_57 = arith.constant 48 : i32
    %add3A_58 = arith.addi %mul3A_2, %add3A_57 : i32
    %dma_wait3A_59 = arith.constant 3 : i32
    %dma_wait3A_60 = arith.constant 0 : i32
    %dma_wait3A_61 = tpu.memref_slice %arg9[%dma_wait3A_59, %add3A_58, %dma_wait3A_60] : memref<4x2048x768xf32, #tpu.memory_space<hbm>> -> memref<1x16x768xf32, #tpu.memory_space<hbm>>
    %dma_wait3A_62 = tpu.memref_squeeze %dma_wait3A_61 : memref<1x16x768xf32, #tpu.memory_space<hbm>> -> memref<16x768xf32, #tpu.memory_space<hbm>>
    %dma_wait3A_63 = arith.constant 0 : i32
    %dma_wait3A_64 = tpu.memref_slice %arg9[%dma_wait3A_59, %add3A_58, %dma_wait3A_63] : memref<4x2048x768xf32, #tpu.memory_space<hbm>> -> memref<1x16x768xf32, #tpu.memory_space<hbm>>
    %dma_wait3A_65 = tpu.memref_squeeze %dma_wait3A_64 : memref<1x16x768xf32, #tpu.memory_space<hbm>> -> memref<16x768xf32, #tpu.memory_space<hbm>>
    tpu.wait_dma2 semaphore(%arg27 : memref<!tpu.dma_semaphore, #tpu.memory_space<semaphore_mem>>) src(%arg15 : memref<16x768xf32, #tpu.memory_space<vmem>>) dst(%dma_wait3A_65 : memref<16x768xf32, #tpu.memory_space<hbm>>)
    return
  }
}

</mosaic_0001>

<sc_bundles>
// kernel: kernel.3.cloned.1.call-start
scs
__scs_entry_jumppad:
0x0: {  	(pc) =	sbr.rel $0x88, $3  }
0x1: {  	(tag) =	ssettag $0x0;
	lr =	simm.s32 $0x1  }
0x2: {  	[smem:$0x3F9A] =	sst lr;
	_ =	strace $0xD0000000  }
0x3: {  	_ = 	snop  }
0x4: {  	_ = 	snop  }
0x5: {  	_ = 	snop  }
0x6: {  	_ = 	snop  }
0x7: {  	_ = 	snop  }
__scs_overlays_trampoline_lowered:
0x8: {  	[smem:$0x3FA9] =	sst s0  }
0x9: {  	[smem:$0x3FAA] =	sst s1  }
0xa: {  	[smem:$0x3FAB] =	sst s2  }
0xb: {  	[smem:$0x3FAC] =	sst s3  }
0xc: {  	[smem:$0x3FAD] =	sst s4  }
0xd: {  	[smem:$0x3FAE] =	sst s5  }
0xe: {  	[smem:$0x3FAF] =	sst s6  }
0xf: {  	[smem:$0x3FB0] =	sst s7  }
0x10: {  	[smem:$0x3FB1] =	sst s8  }
0x11: {  	[smem:$0x3FB2] =	sst s9;
	s0 =	simm.s32 @!p0 $0x0  }
0x12: {  	s1 =	sld [smem:$0x3F98];
	s0 =	simm.s32 @p0 $0x1  }
0x13: {  	[smem:$0x3FB3] =	sst s0;
	s0 =	simm.s32 @!p1 $0x0  }
0x14: {  	s2 =	sld [smem:$0x3F97];
	s0 =	simm.s32 @p1 $0x1  }
0x15: {  	[smem:$0x3FB4] =	sst s0;
	s0 =	simm.s32 @!p2 $0x0  }
0x16: {  	s3 =	sld [smem:$0x3FDB];
	s0 =	simm.s32 @p2 $0x1  }
0x17: {  	s4 =	simm.s32 $0x1BF5;
	[smem:$0x3FB6] =	sst s0  }
0x18: {  	s0 =	sld [smem:$0x3F99];
	_ =	swait.ge [sflag:s4], $0x0  }
0x19: {  	s7 =	sld [smem:$0x3F9A]  }
0x1a: {  	s8 =	sadd.s32 $0xFFFFE003, lr  }
0x1b: {  	s9 =	sadd.s32 $0xFFFFFEF7, lr;
	s5 =	simm.s32 $0xFFFFFFFF;
	p2 =	slt.u32 s8, $0xFFFFF086  }
0x1c: {  	p1 =	slt.u32 s9, $0xF7A;
	s5 =	simm.s32 @!p2 $0x0  }
0x1d: {  	s5 =	simm.s32 @p1 $0x1;
	p0 =	seq.s32 s7, s2  }
0x1e: {  	s7 =	smul.u32 @!p0 $0xF7A, s2;
	p2 =	seq.s32 @!p0 s5, $0x0  }
0x1f: {  	s9 =	smul.u32 $0xF7A, s1;
	s8 =	simm.s32 @!p0 $0x1BF5;
	p2 =	por !p2, p0  }
0x20: {  	[sflag:s8] =	ssyncset.s32 @!p0 $0xFFFFF086;
	s6 =	sadd.s32 @!p0 s3, s7;
	s7 =	simm.s32 @!p0 $0x108  }
0x21: {  	s3 =	sadd.s32 s3, s9;
	s6 =	sadd.s32 @!p0 $0x88, s6;
	s7 =	simm.s32 @p2 $0x1082  }
0x22: {  	[simem:s7], [sflag:s8] =	dma.local @!p0 [hbm:s6], $0xF7A  }
0x23: {  	s9 =	sor.u32 $0xD0000000, s2;
	s6 =	simm.s32 $0x108;
	_ =	swait.ge @!p0 [sflag:s8], $0x0  }
0x24: {  	s3 =	sadd.s32 $0x88, s3;
	s6 =	simm.s32 @!p1 $0x1082;
	[sflag:s4] =	ssyncset.s32 $0xFFFFF086  }
0x25: {  	[simem:s6], [sflag:s4] =	dma.local [hbm:s3], $0xF7A  }
0x26: {  	[smem:$0x3F9A] =	sst s1;
	(tag) =	ssettag s2;
	_ =	strace s9  }
0x27: {  	s1 =	sld [smem:$0x3FAA]  }
0x28: {  	s2 =	sld [smem:$0x3FAB]  }
0x29: {  	s4 =	sld [smem:$0x3FAD]  }
0x2a: {  	p0 =	seq.s32 s5, $0x0;
	s5 =	sld [smem:$0x3FAE]  }
0x2b: {  	s6 =	sld [smem:$0x3FAF]  }
0x2c: {  	s7 =	sld [smem:$0x3FB0]  }
0x2d: {  	s3 =	simm.s32 $0x108;
	s8 =	sld [smem:$0x3FB1]  }
0x2e: {  	s3 =	simm.s32 @!p0 $0x1082;
	s9 =	sld [smem:$0x3FB2]  }
0x2f: {  	lr =	sadd.s32 s0, s3;
	s0 =	sld [smem:$0x3FA9]  }
0x30: {  	s3 =	sld [smem:$0x3FAC]  }
0x31: {  	[smem:$0x3FB5] =	sst s10  }
0x32: {  	s10 =	sld [smem:$0x3FB3];
	_ =	sdelay $0x3  }
0x33: {  	p0 =	seq.s32 s10, $0x1;
	s10 =	sld [smem:$0x3FB5];
	_ =	sdelay $0x3  }
0x34: {  	[smem:$0x3FB5] =	sst s10  }
0x35: {  	s10 =	sld [smem:$0x3FB4];
	_ =	sdelay $0x3  }
0x36: {  	p1 =	seq.s32 s10, $0x1;
	s10 =	sld [smem:$0x3FB5];
	_ =	sdelay $0x3  }
0x37: {  	[smem:$0x3FB5] =	sst s10  }
0x38: {  	s10 =	sld [smem:$0x3FB6]  }
0x39: {  	_ = 	snop;
	(pc) =	sbr.ind lr, $3  }
0x3a: {  	_ = 	snop  }
0x3b: {  	_ = 	snop  }
0x3c: {  	p2 =	seq.s32 s10, $0x1;
	s10 =	sld [smem:$0x3FB5]  }
0x3d: {  	_ =	shalt  }
0x3e: {  	_ =	shalt  }
0x3f: {  	_ =	shalt  }
0x40: {  	_ =	shalt  }
0x41: {  	_ =	shalt  }
0x42: {  	_ =	shalt  }
0x43: {  	_ =	shalt  }
0x44: {  	_ =	shalt  }
0x45: {  	_ =	shalt  }
0x46: {  	_ =	shalt  }
0x47: {  	_ =	shalt  }
0x48: {  	_ =	shalt  }
0x49: {  	_ =	shalt  }
0x4a: {  	_ =	shalt  }
0x4b: {  	_ =	shalt  }
0x4c: {  	_ =	shalt  }
0x4d: {  	_ =	shalt  }
0x4e: {  	_ =	shalt  }
0x4f: {  	_ =	shalt  }
0x50: {  	_ =	shalt  }
0x51: {  	_ =	shalt  }
0x52: {  	_ =	shalt  }
0x53: {  	_ =	shalt  }
0x54: {  	_ =	shalt  }
0x55: {  	_ =	shalt  }
0x56: {  	_ =	shalt  }
0x57: {  	_ =	shalt  }
0x58: {  	_ =	shalt  }
0x59: {  	_ =	shalt  }
0x5a: {  	_ =	shalt  }
0x5b: {  	_ =	shalt  }
0x5c: {  	_ =	shalt  }
0x5d: {  	_ =	shalt  }
0x5e: {  	_ =	shalt  }
0x5f: {  	_ =	shalt  }
0x60: {  	_ =	shalt  }
0x61: {  	_ =	shalt  }
0x62: {  	_ =	shalt  }
0x63: {  	_ =	shalt  }
0x64: {  	_ =	shalt  }
0x65: {  	_ =	shalt  }
0x66: {  	_ =	shalt  }
0x67: {  	_ =	shalt  }
0x68: {  	_ =	shalt  }
0x69: {  	_ =	shalt  }
0x6a: {  	_ =	shalt  }
0x6b: {  	_ =	shalt  }
0x6c: {  	_ =	shalt  }
0x6d: {  	_ =	shalt  }
0x6e: {  	_ =	shalt  }
0x6f: {  	_ =	shalt  }
0x70: {  	_ =	shalt  }
0x71: {  	_ =	shalt  }
0x72: {  	_ =	shalt  }
0x73: {  	_ =	shalt  }
0x74: {  	_ =	shalt  }
0x75: {  	_ =	shalt  }
0x76: {  	_ =	shalt  }
0x77: {  	_ =	shalt  }
0x78: {  	_ =	shalt  }
0x79: {  	_ =	shalt  }
0x7a: {  	_ =	shalt  }
0x7b: {  	_ =	shalt  }
0x7c: {  	_ =	shalt  }
0x7d: {  	_ =	shalt  }
0x7e: {  	_ =	shalt  }
0x7f: {  	_ =	shalt  }
0x80: {  	_ =	shalt  }
0x81: {  	_ =	shalt  }
0x82: {  	_ =	shalt  }
0x83: {  	_ =	shalt  }
0x84: {  	_ =	shalt  }
0x85: {  	_ =	shalt  }
0x86: {  	_ =	shalt  }
0x87: {  	_ =	shalt  }
.Lfunc_end0:
.L_simem_size_0:
called_computation_lowered:
.L_overlay_start_0:
0x88: {  	s2 =	sld [smem:$0x3FD9]  }
0x89: {  	s3 =	sld [smem:$0x3FFE];
	_ =	sdelay $0x1  }
0x8a: {  	s1 =	srdreg.scid  }
0x8b: {  	s0 =	sand.u32 $0x1, s1  }
0x8c: {  	s18 =	sshll.u32 s0, $0xA;
	s2 =	sadd.s32 s3, s2  }
0x8d: {  	s2 =	sadd.s32 s2, s18  }
0x8e: {  	[smem:$0x3FC1] =	sst s2  }
0x8f: {  	_ = 	snop  }
0x90: {  	s2 =	sld [smem:$0x3FC9]  }
0x91: {  	s19 =	sld [smem:$0x3FC8]  }
0x92: {  	s4 =	sld [smem:$0x3FC7]  }
0x93: {  	s5 =	sld [smem:$0x3FC6]  }
0x94: {  	s6 =	sld [smem:$0x3FC5]  }
0x95: {  	s7 =	sld [smem:$0x3FC4]  }
0x96: {  	s8 =	sld [smem:$0x3FC3]  }
0x97: {  	s9 =	sld [smem:$0x3FD0];
	(tm) =	ssettm $0x1  }
0x98: {  	s10 =	sld [smem:$0x3FFB];
	_ =	sdelay $0x3  }
0x99: {  	_ =	strace s10  }
0x9a: {  	s10 =	sld [smem:$0x3FFC];
	_ =	sdelay $0x3  }
0x9b: {  	_ =	strace s10  }
0x9c: {  	s10 =	sld [smem:$0x3FFD];
	_ =	sdelay $0x3  }
0x9d: {  	_ =	strace s10  }
0x9e: {  	_ =	strace $0x8FFFFFFF  }
0x9f: {  	s20 =	sld [smem:$0x3FDB];
	_ =	sdelay $0x1  }
0xa0: {  	s11 =	simm.s32 $_scs_section_size  }
0xa1: {  	s12 =	simm.s32 $_size__tile_overlayer_lowered;
	s13 =	simm.s32 $_tile_overlayer_lowered  }
0xa2: {  	s23 =	simm.s32 $0x1BFF;
	s22 =	sshll.u32 s13, $0x1;
	s10 =	sadd.s32 s11, s20  }
0xa3: {  	s14 =	simm.s32 $0x0;
	s21 =	sshll.u32 s12, $0x1;
	s12 =	sadd.s32 s22, s10  }
0xa4: {  	[timem:s14], [sflag:s23] =	dma.local [hbm:s12], s21  }
0xa5: {  	_ =	swait.ge [sflag:s23], s21  }
0xa6: {  	s11 =	ssub.s32 $0x0, s21;
	[sflag:s23] =	ssyncset.done $0x0  }
0xa7: {  	[sflag:s23] =	ssyncadd.s32 s11;
	_ =	sdelay $0x1  }
0xa8: {  	s24 =	simm.s32 $0x1B8B  }
0xa9: {  	_ =	swait.ge [sflag:s24], $0x1  }
0xaa: {  	[sflag:s24] =	ssyncset.done $0x0  }
0xab: {  	s25 =	simm.s32 $0x1B8E;
	[sflag:s24] =	ssyncadd.s32 $0xFFFFFFFF  }
0xac: {  	s26 =	simm.s32 $execute0_lowered;
	[smem:$0x3FD2] =	sst s25  }
0xad: {  	s11 =	sshll.u32 s26, $0x1;
	_ =	strace $0x80000046;
	[dreg:$0x1] =	wrdreg $0xFFFFFFFF  }
0xae: {  	s28 =	simm.s32 $_size_execute0_lowered;
	s10 =	sadd.s32 s10, s11;
	[dreg:$0x0] =	wrdreg $0x0  }
0xaf: {  	s11 =	sshll.u32 s28, $0x1;
	[dreg:$0x2] =	wrdreg s10  }
0xb0: {  	[dreg:$0x3] =	wrdreg s11  }
0xb1: {  	[dreg:$0x4] =	wrdreg $0xC0  }
0xb2: {  	_ =	task [dreg:s14], $0x5FFFF  }
0xb3: {  	[dreg:$0x1] =	wrdreg $0xFFFFFFFF  }
0xb4: {  	[dreg:$0x0] =	wrdreg $0x60  }
0xb5: {  	[dreg:$0x2] =	wrdreg s2  }
0xb6: {  	[dreg:$0x3] =	wrdreg s19  }
0xb7: {  	[dreg:$0x4] =	wrdreg s4  }
0xb8: {  	[dreg:$0x5] =	wrdreg s5  }
0xb9: {  	[dreg:$0x6] =	wrdreg s6  }
0xba: {  	[dreg:$0x7] =	wrdreg s7  }
0xbb: {  	[dreg:$0x8] =	wrdreg s8  }
0xbc: {  	[dreg:$0x9] =	wrdreg s9  }
0xbd: {  	[dreg:$0xa] =	wrdreg $0x9  }
0xbe: {  	_ =	task.clear_ibuf [dreg:s14], $0xBFFFF;
	_ =	strace $0x90000046  }
0xbf: {  	s29 =	simm.s32 $0x9;
	_ =	strace $0x80000048  }
0xc0: {  	_ =	swait.ge [sflag:s29], $0x1  }
0xc1: {  	[sflag:s29] =	ssyncadd.s32 $0xFFFFFFFF  }
0xc2: {  	_ =	strace $0x90000048  }
0xc3: {  	_ =	sfence  }
0xc4: {  	s30 =	sld [smem:$0x0];
	_ =	sdelay $0x2  }
0xc5: {  	s31 =	sshll.u32 s1, $0xD;
	s1 =	sshrl.u32 s1, $0x2  }
0xc6: {  	s3 =	sand.u32 $0x4000, s31;
	s1 =	sadd.s32 s1, s30  }
0xc7: {  	s0 =	sor.u32 s3, s0;
	s1 =	sshll.u32 s1, $0x11  }
0xc8: {  	s0 =	sor.u32 s1, s0  }
0xc9: {  	s0 =	sadd.s32 $0x8F2B, s0  }
0xca: {  	[sflag:s0] =	ssyncadd.remote.s32 $0x1  }
0xcb: {  	_ =	sfence.sel $0xFFFF  }
0xcc: {  	[dreg:$0x0] =	wrdreg $0xFFFFFFFF;
	(pc) =	sbr.abs _section_cstart, $3  }
0xcd: {  	[dreg:$0x1] =	wrdreg $0xFFFFFFFF  }
0xce: {  	_ =	task.clear_ibuf [dreg:s14], $0x2FFFF;
	_ =	strace $0x9FFFFFFF  }
0xcf: {  	(tm) =	ssettm $0x7FFFFFFF  }
tec
execute0_lowered:
.L_overlay_start_1:
0x0: {  	(tag) =	ssettag $0x1  }
0x1: {  	s0 =	rddreg [dreg:$0x0]  }
0x2: {  	s3 =	rddreg [dreg:$0x1]  }
0x3: {  	s1 =	rddreg [dreg:$0x2]  }
0x4: {  	s2 =	rddreg [dreg:$0x3];
	s4 =	srdreg.scid  }
0x5: {  	s5 =	stileid.u32;
	s8 =	rddreg [dreg:$0x7]  }
0x6: {  	s9 =	simm.s32 $0x0;
	s28 =	simm.s32 $0xC000;
	s4 =	sand.u32 $0x1, s4  }
0x7: {  	s29 =	simm.s32 $0x2;
	s5 =	sshll.u32 s5, $0x7;
	s6 =	sshll.u32 s4, $0x6  }
0x8: {  	s30 =	simm.s32 $0x4;
	s4 =	ssub.s32 $0x2, s4;
	s7 =	sor.u32 s6, s5  }
0x9: {  	[smem:$0x7FF] =	sst s9;
	s11 =	sshrl.u32 s4, $0x1;
	s5 =	sshll.u32 s7, $0x2  }
0xa: {  	_ =	strace $0x80000047;
	s4 =	ssub.s32 s4, s11;
	s10 =	sand.u32 $0x1E00, s5  }
0xb: {  	s21 =	sshrl.u32 s7, $0x3;
	s5 =	sor.u32 s6, s5;
	s10 =	sor.u32 s6, s10  }
0xc: {  	s26 =	smax.u32 s4, $0x1;
	s5 =	sshrl.u32 s5, $0x3;
	s10 =	sshrl.u32 s10, $0x3  }
0xd: {  	s6 =	smul.u32 $0x300, s21;
	[dreg:$0x13] =	wrdreg s26;
	s18 =	sadd.s32 s0, s10  }
0xe: {  	s22 =	sor.u32 $0x20, s5;
	s19 =	sadd.s32 s3, s10;
	[dreg:$0x9] =	wrdreg s18  }
0xf: {  	s5 =	sor.u32 $0x30, s5;
	s23 =	sadd.s32 s0, s22;
	[dreg:$0xa] =	wrdreg s19  }
0x10: {  	s31 =	simm.s32 $0xF000;
	s24 =	sadd.s32 s3, s5;
	[dreg:$0xd] =	wrdreg s23  }
0x11: {  	s10 =	sor.u32 $0x10, s10;
	s25 =	sadd.s32 s2, s6;
	[dreg:$0x10] =	wrdreg s24  }
0x12: {  	s4 =	simm.s32 $0x0;
	s20 =	sadd.s32 s0, s10;
	[dreg:$0x11] =	wrdreg s25  }
0x13: {  	v1 =	vlaneseq.u32;
	s26 =	simm.s32 $0x13000;
	s10 =	sadd.s32 s3, s10;
	[dreg:$0xb] =	wrdreg s20  }
0x14: {  	v0 =	vand.u32 $0x7, v1;
	v62 =	vshrl.u32 v1, $0x3;
	s0 =	sadd.s32 s0, s5;
	s19 =	sadd.s32 $0x100, s1;
	[dreg:$0xc] =	wrdreg s10  }
0x15: {  	v63 =	vor.u32 $0x8, v1;
	[tilespmem:$0x1FFD0] =	vst v0;
	v0 =	vmul.u32 $0x8, v62;
	s24 =	simm.s32 $0x7;
	s10 =	sadd.s32 s3, s22;
	[dreg:$0xf] =	wrdreg s0  }
0x16: {  	[tilespmem:$0x1FFF0] =	vst v63;
	s23 =	simm.s32 $0x1;
	s0 =	sadd.s32 $0x600, s25;
	[dreg:$0xe] =	wrdreg s10  }
0x17: {  	vm0 =	vmmov $0xffff;
	[tilespmem:$0x1FFE0] =	vst v0;
	s20 =	sadd.s32 $0x200, s1;
	s25 =	simm.s32 $0x3;
	[dreg:$0x12] =	wrdreg s0  }
.LBB2_1:
0x18: {  	[dreg:$0x14] =	wrdreg s4  }
0x19: {  	s0 =	rddreg [dreg:$0x5];
	s3 =	simm.s32 $0x12400  }
0x1a: {  	[tilespmem:s3], [sflag:$0x7] =	stream.linear.gather [hbm4b:s0+s9], $0x300, $0x38;
	[tilespmem:$0x14000] =	vst v63  }
0x1b: {  	_ =	swait.ge [sflag:s24], $0x300  }
0x1c: {  	[sflag:s24] =	ssyncset.done $0x0  }
0x1d: {  	[sflag:s24] =	ssyncadd.s32 $0xFFFFFD00  }
0x1e: {  	s16 =	simm.s32 $0x12700;
	s15 =	rddreg [dreg:$0x6]  }
0x1f: {  	[tilespmem:s16], [sflag:$0x7] =	stream.linear.gather [hbm4b:s15+s9], $0x300, $0x38;
	[tilespmem:$0x14000] =	vst v63  }
0x20: {  	_ =	swait.ge [sflag:s24], $0x300  }
0x21: {  	[sflag:s24] =	ssyncset.done $0x0  }
0x22: {  	[sflag:s24] =	ssyncadd.s32 $0xFFFFFD00  }
0x23: {  	s18 =	simm.s32 $0x12A00;
	s17 =	rddreg [dreg:$0x4]  }
0x24: {  	[tilespmem:s18], [sflag:$0x7] =	stream.linear.gather [hbm4b:s17+s9], $0x600, $0x38;
	[tilespmem:$0x14000] =	vst v63  }
0x25: {  	_ =	swait.ge [sflag:s24], $0x600  }
0x26: {  	[sflag:s24] =	ssyncset.done $0x0  }
0x27: {  	s22 =	simm.s32 $0x12000;
	s21 =	rddreg [dreg:$0x9];
	[sflag:s24] =	ssyncadd.s32 $0xFFFFFA00  }
0x28: {  	[tilespmem:s22], [sflag:$0x7] =	stream.linear.gather [hbm4b:s21+s9], $0x40, $0x38;
	[tilespmem:$0x14000] =	vst v63  }
0x29: {  	_ =	swait.ge [sflag:s24], $0x40  }
0x2a: {  	[sflag:s24] =	ssyncset.done $0x0  }
0x2b: {  	s5 =	simm.s32 $0x12200;
	s4 =	rddreg [dreg:$0xa];
	[sflag:s24] =	ssyncadd.s32 $0xFFFFFFC0  }
0x2c: {  	[tilespmem:s5], [sflag:$0x7] =	stream.linear.gather [hbm4b:s4+s9], $0x40, $0x38;
	[tilespmem:$0x14000] =	vst v63  }
0x2d: {  	_ =	swait.ge [sflag:s24], $0x40  }
0x2e: {  	[sflag:s24] =	ssyncset.done $0x0  }
0x2f: {  	s10 =	simm.s32 $0x12080;
	s6 =	rddreg [dreg:$0xb];
	[sflag:s24] =	ssyncadd.s32 $0xFFFFFFC0  }
0x30: {  	[tilespmem:s10], [sflag:$0x7] =	stream.linear.gather [hbm4b:s6+s9], $0x40, $0x38;
	[tilespmem:$0x14000] =	vst v63  }
0x31: {  	_ =	swait.ge [sflag:s24], $0x40  }
0x32: {  	[sflag:s24] =	ssyncset.done $0x0  }
0x33: {  	s12 =	simm.s32 $0x12280;
	s11 =	rddreg [dreg:$0xc];
	[sflag:s24] =	ssyncadd.s32 $0xFFFFFFC0  }
0x34: {  	[tilespmem:s12], [sflag:$0x7] =	stream.linear.gather [hbm4b:s11+s9], $0x40, $0x38;
	[tilespmem:$0x14000] =	vst v63  }
0x35: {  	_ =	swait.ge [sflag:s24], $0x40  }
0x36: {  	[sflag:s24] =	ssyncset.done $0x0  }
0x37: {  	s14 =	simm.s32 $0x12100;
	s13 =	rddreg [dreg:$0xd];
	[sflag:s24] =	ssyncadd.s32 $0xFFFFFFC0  }
0x38: {  	[tilespmem:s14], [sflag:$0x7] =	stream.linear.gather [hbm4b:s13+s9], $0x40, $0x38;
	[tilespmem:$0x14000] =	vst v63  }
0x39: {  	_ =	swait.ge [sflag:s24], $0x40  }
0x3a: {  	[sflag:s24] =	ssyncset.done $0x0  }
0x3b: {  	s16 =	simm.s32 $0x12300;
	s15 =	rddreg [dreg:$0xe];
	[sflag:s24] =	ssyncadd.s32 $0xFFFFFFC0  }
0x3c: {  	[tilespmem:s16], [sflag:$0x7] =	stream.linear.gather [hbm4b:s15+s9], $0x40, $0x38;
	[tilespmem:$0x14000] =	vst v63  }
0x3d: {  	_ =	swait.ge [sflag:s24], $0x40  }
0x3e: {  	[sflag:s24] =	ssyncset.done $0x0  }
0x3f: {  	s18 =	simm.s32 $0x12180;
	s17 =	rddreg [dreg:$0xf];
	[sflag:s24] =	ssyncadd.s32 $0xFFFFFFC0  }
0x40: {  	[tilespmem:s18], [sflag:$0x7] =	stream.linear.gather [hbm4b:s17+s9], $0x40, $0x38;
	[tilespmem:$0x14000] =	vst v63  }
0x41: {  	_ =	swait.ge [sflag:s24], $0x40  }
0x42: {  	[sflag:s24] =	ssyncset.done $0x0  }
0x43: {  	s22 =	simm.s32 $0x12380;
	s21 =	rddreg [dreg:$0x10];
	[sflag:s24] =	ssyncadd.s32 $0xFFFFFFC0  }
0x44: {  	[tilespmem:s22], [sflag:$0x7] =	stream.linear.gather [hbm4b:s21+s9], $0x40, $0x38;
	[tilespmem:$0x14000] =	vst v63  }
0x45: {  	_ =	swait.ge [sflag:s24], $0x40  }
0x46: {  	[sflag:s24] =	ssyncset.done $0x0  }
0x47: {  	s3 =	rddreg [dreg:$0x11];
	[sflag:s24] =	ssyncadd.s32 $0xFFFFFFC0  }
0x48: {  	[tilespmem:s9], [sflag:$0x1] =	stream.linear.gather [hbm4b:s3+s9], $0x3000, $0x38;
	[tilespmem:$0x14000] =	vst v63  }
0x49: {  	v0 =	vld [tilespmem:$0x12000];
	_ =	sdelay $0x3  }
0x4a: {  	v2 =	vld [tilespmem:$0x1FFD0]  }
0x4b: {  	v1 =	vshrl.u32 v0, $0x3  }
0x4c: {  	v3 =	vld [tilespmem:$0x1FFE0];
	v1 =	vmul.u32 $0x30, v1  }
0x4d: {  	v0 =	vand.u32 $0x7, v0  }
0x4e: {  	v0 =	vor.u32 v0, v1  }
0x4f: {  	v1 =	vperm.xlane v0, v2  }
0x50: {  	v4 =	vld [tilespmem:$0x1FFF0]  }
0x51: {  	v1 =	vadd.s32 v3, v1;
	_ =	sdelay $0x3  }
0x52: {  	s4 =	simm.s32 $0x6000;
	v0 =	vperm.xlane v0, v4  }
0x53: {  	[tilespmem:s4], [sflag:$0x3] =	stream.indirect_vreg.gather [hbm4b:s1+s9], $0x80, v1, vm0, $0xb8;
	[tilespmem:$0x14000] =	vst v63  }
0x54: {  	s5 =	simm.s32 $0x6800;
	v0 =	vadd.s32 v3, v0  }
0x55: {  	[tilespmem:s5], [sflag:$0x3] =	stream.indirect_vreg.gather [hbm4b:s19+s9], $0x80, v1, vm0, $0xb8;
	[tilespmem:$0x14000] =	vst v63  }
0x56: {  	s6 =	simm.s32 $0x7000  }
0x57: {  	[tilespmem:s6], [sflag:$0x3] =	stream.indirect_vreg.gather [hbm4b:s20+s9], $0x80, v1, vm0, $0xb8;
	[tilespmem:$0x14000] =	vst v63  }
0x58: {  	s10 =	simm.s32 $0x7800  }
0x59: {  	[tilespmem:s10], [sflag:$0x3] =	stream.indirect_vreg.gather [hbm4b:s1+s9], $0x80, v0, vm0, $0xb8;
	[tilespmem:$0x14000] =	vst v63  }
0x5a: {  	s11 =	simm.s32 $0x8000  }
0x5b: {  	[tilespmem:s11], [sflag:$0x3] =	stream.indirect_vreg.gather [hbm4b:s19+s9], $0x80, v0, vm0, $0xb8;
	[tilespmem:$0x14000] =	vst v63  }
0x5c: {  	s12 =	simm.s32 $0x8800  }
0x5d: {  	[tilespmem:s12], [sflag:$0x3] =	stream.indirect_vreg.gather [hbm4b:s20+s9], $0x80, v0, vm0, $0xb8;
	[tilespmem:$0x14000] =	vst v63  }
0x5e: {  	s14 =	simm.s32 $0x3000;
	s13 =	rddreg [dreg:$0x12]  }
0x5f: {  	[tilespmem:s14], [sflag:$0x2] =	stream.linear.gather [hbm4b:s13+s9], $0x3000, $0x38;
	[tilespmem:$0x14000] =	vst v63  }
0x60: {  	v0 =	vld [tilespmem:$0x12010];
	_ =	sdelay $0x4  }
0x61: {  	v63 =	vshrl.u32 v0, $0x3  }
0x62: {  	v1 =	vmul.u32 $0x30, v63  }
0x63: {  	v0 =	vand.u32 $0x7, v0  }
0x64: {  	v0 =	vor.u32 v0, v1  }
0x65: {  	v1 =	vperm.xlane v0, v2;
	_ =	sdelay $0x1  }
0x66: {  	v1 =	vadd.s32 v3, v1;
	_ =	sdelay $0x3  }
0x67: {  	s15 =	simm.s32 $0x9000;
	v0 =	vperm.xlane v0, v4  }
0x68: {  	[tilespmem:s15], [sflag:$0x4] =	stream.indirect_vreg.gather [hbm4b:s1+s9], $0x80, v1, vm0, $0xb8;
	[tilespmem:$0x14000] =	vst v63  }
0x69: {  	s16 =	simm.s32 $0x9800;
	v0 =	vadd.s32 v3, v0  }
0x6a: {  	[tilespmem:s16], [sflag:$0x4] =	stream.indirect_vreg.gather [hbm4b:s19+s9], $0x80, v1, vm0, $0xb8;
	[tilespmem:$0x14000] =	vst v63  }
0x6b: {  	s17 =	simm.s32 $0xA000  }
0x6c: {  	[tilespmem:s17], [sflag:$0x4] =	stream.indirect_vreg.gather [hbm4b:s20+s9], $0x80, v1, vm0, $0xb8;
	[tilespmem:$0x14000] =	vst v63  }
0x6d: {  	s18 =	simm.s32 $0xA800  }
0x6e: {  	[tilespmem:s18], [sflag:$0x4] =	stream.indirect_vreg.gather [hbm4b:s1+s9], $0x80, v0, vm0, $0xb8;
	[tilespmem:$0x14000] =	vst v63  }
0x6f: {  	s21 =	simm.s32 $0xB000  }
0x70: {  	[tilespmem:s21], [sflag:$0x4] =	stream.indirect_vreg.gather [hbm4b:s19+s9], $0x80, v0, vm0, $0xb8;
	[tilespmem:$0x14000] =	vst v63  }
0x71: {  	s22 =	simm.s32 $0xB800;
	s6 =	simm.s32 $0x0  }
0x72: {  	[tilespmem:s22], [sflag:$0x4] =	stream.indirect_vreg.gather [hbm4b:s20+s9], $0x80, v0, vm0, $0xb8;
	[tilespmem:$0x14000] =	vst v63  }
.LBB2_2:
0x73: {  	_ =	swait.ge [sflag:s23], $0x3000  }
0x74: {  	[sflag:s23] =	ssyncset.done $0x0  }
0x75: {  	[sflag:s23] =	ssyncadd.s32 $0xFFFFD000  }
0x76: {  	s0 =	sshll.u32 s6, $0x5;
	p1 =	seq.s32 s6, $0x0;
	_ =	swait.ge [sflag:s25], $0x3000  }
0x77: {  	s5 =	sshll.u32 s6, $0x6;
	s14 =	simm.s32 $0x0;
	[sflag:s25] =	ssyncset.done $0x0  }
0x78: {  	s4 =	simm.s32 @!p1 $0x5;
	s17 =	sand.u32 $0x3FFFFF80, s5;
	[sflag:s25] =	ssyncadd.s32 $0xFFFFD000  }
0x79: {  	s10 =	sand.u32 $0x20, s0;
	s18 =	sand.u32 $0x7FFFFC00, s14;
	_ =	swait.ge @!p1 [sflag:s4], $0x3000  }
0x7a: {  	s21 =	sand.u32 $0x70, s14;
	s11 =	sadd.s32 $0x12200, s17;
	[sflag:s4] =	ssyncset.done @!p1 $0x0  }
0x7b: {  	s22 =	sshrl.u32 s18, $0x2;
	s0 =	sor.u32 s10, s11;
	[sflag:s4] =	ssyncadd.s32 @!p1 $0xFFFFD000  }
0x7c: {  	s5 =	sor.u32 s21, s22;
	v0 =	vld [tilespmem:s0+$0x0]  }
0x7d: {  	s12 =	sadd.s32 $0x12A00, s5;
	v4 =	vld [tilespmem:s5+$0x12A00]  }
0x7e: {  	s15 =	sor.u32 s21, s18;
	v5 =	vld [tilespmem:s12+$0x80]  }
0x7f: {  	v6 =	vld [tilespmem:s15+$0x6180]  }
0x80: {  	v7 =	vld [tilespmem:s15+$0x300]  }
0x81: {  	v13 =	vld [tilespmem:s15+$0x6000]  }
0x82: {  	v11 =	vld [tilespmem:s15+$0x6300]  }
0x83: {  	v14 =	vld [tilespmem:s15+$0x100]  }
0x84: {  	v20 =	vld [tilespmem:s15+$0x180]  }
0x85: {  	v22 =	vld [tilespmem:s15+$0x6100];
	v16 =	vcvt.s32.f32 v0  }
0x86: {  	v15 =	vld [tilespmem:s15+$0x0]  }
0x87: {  	v5 =	vsub.f32 v5, v4;
	v0 =	vbroadcast v16, $0x0;
	v1 =	vbroadcast v16, $0x1  }
0x88: {  	v7 =	vadd.f32 v7, v11;
	v2 =	vbroadcast v16, $0x2;
	v3 =	vbroadcast v16, $0x3  }
0x89: {  	v6 =	vadd.f32 v20, v6;
	v8 =	vbroadcast v16, $0x5;
	v9 =	vbroadcast v16, $0x6  }
0x8a: {  	v14 =	vadd.f32 v14, v22;
	v10 =	vbroadcast v16, $0x7;
	v12 =	vmul.f32 v5, v2  }
0x8b: {  	v13 =	vadd.f32 v15, v13;
	v17 =	vmul.f32 v5, v8;
	v18 =	vmul.f32 v5, v1  }
0x8c: {  	v21 =	vmul.f32 v5, v3;
	v24 =	vmul.f32 v5, v9;
	v23 =	vadd.f32 v12, v4  }
0x8d: {  	v25 =	vld [tilespmem:s15+$0x6280];
	v28 =	vmul.f32 v5, v0;
	v17 =	vadd.f32 v17, v4;
	v19 =	vadd.f32 v18, v4  }
0x8e: {  	v26 =	vld [tilespmem:s15+$0x280];
	v18 =	vmul.f32 v5, v10;
	v12 =	vbroadcast v16, $0x4;
	v11 =	vadd.f32 v24, v4  }
0x8f: {  	v21 =	vadd.f32 v21, v4;
	v20 =	vadd.f32 v28, v4  }
0x90: {  	v22 =	vld [tilespmem:s15+$0x80];
	v18 =	vadd.f32 v18, v4;
	v27 =	vadd.f32 v7, v11;
	v5 =	vmul.f32 v5, v12  }
0x91: {  	v24 =	vld [tilespmem:s15+$0x6080];
	v11 =	vimm.f32 $0.0e+00;
	v15 =	vadd.f32 v6, v21;
	v30 =	vadd.f32 v20, v13  }
0x92: {  	v31 =	vld [tilespmem:s15+$0x6200];
	v20 =	vadd.f32 v14, v23;
	v14 =	vimm.f32 $0.0e+00;
	v23 =	vimm.f32 $0.0e+00  }
0x93: {  	v7 =	vld [tilespmem:s15+$0x200];
	v21 =	vmul.f32 v27, v27;
	v32 =	vadd.f32 v5, v4;
	v4 =	vadd.f32 v26, v25  }
0x94: {  	v6 =	vadd.f32 v15, v11;
	v29 =	vmul.f32 v15, v15;
	v33 =	vmul.f32 v20, v20  }
0x95: {  	[tilespmem:s15+$0x6180] =	vst v15;
	v15 =	vimm.f32 $0.0e+00;
	v26 =	vimm.f32 $0.0e+00;
	v25 =	vimm.f32 $0.0e+00  }
0x96: {  	v34 =	vadd.f32 v22, v24;
	v24 =	vimm.f32 $0.0e+00;
	v22 =	vimm.f32 $0.0e+00  }
0x97: {  	[tilespmem:s15+$0x6300] =	vst v27;
	v17 =	vadd.f32 v4, v17;
	v4 =	vadd.f32 v21, v11;
	v21 =	vimm.f32 $0.0e+00  }
0x98: {  	[tilespmem:s15+$0x6000] =	vst v30;
	v13 =	vadd.f32 v7, v31;
	v31 =	vmul.f32 v30, v30;
	v7 =	vadd.f32 v20, v11  }
0x99: {  	s16 =	sor.u32 s14, s14;
	s13 =	sor.u32 s7, s10;
	[tilespmem:s15+$0x6100] =	vst v20;
	v20 =	vimm.f32 $0.0e+00;
	v5 =	vadd.f32 v17, v11;
	v28 =	vmul.f32 v17, v17  }
0x9a: {  	s17 =	simm.s32 $0x80;
	s4 =	sshll.u32 s6, $0x1;
	s12 =	sshrl.u32 s6, $0x1;
	[tilespmem:s15+$0x6280] =	vst v17;
	v17 =	vimm.f32 $0.0e+00;
	v32 =	vadd.f32 v13, v32;
	v13 =	vimm.f32 $0.0e+00  }
.LBB2_3:
0x9b: {  	p0 =	sne.s32 s17, $0x1780  }
0x9c: {  	v11 =	vadd.f32 v30, v11;
	v15 =	vadd.f32 v31, v15;
	s14 =	sadd.s32 $0x10, s14;
	s0 =	smov.u32 s17;
	s17 =	sadd.s32 $0x80, s17  }
0x9d: {  	v19 =	vadd.f32 v34, v19;
	s5 =	sor.u32 s0, s14;
	v26 =	vadd.f32 v33, v26;
	[tilespmem:s15+$0x6200] =	vst v32;
	v30 =	vmul.f32 v32, v32  }
0x9e: {  	v14 =	vadd.f32 v29, v14;
	v21 =	vadd.f32 v32, v21  }
0x9f: {  	v13 =	vadd.f32 v19, v13;
	[tilespmem:s15+$0x6080] =	vst v19;
	v19 =	vmul.f32 v19, v19;
	v24 =	vadd.f32 v30, v24;
	s15 =	sor.u32 $0x380, s16;
	s16 =	smov.u32 s5  }
0xa0: {  	v22 =	vadd.f32 v27, v22;
	v27 =	vld [tilespmem:s15+$0x6000]  }
0xa1: {  	v23 =	vadd.f32 v19, v23;
	v19 =	vld [tilespmem:s15+$0x0];
	_ =	sdelay $0x3  }
0xa2: {  	s0 =	sand.u32 $0x7FFFFC00, s0  }
0xa3: {  	s18 =	sshrl.u32 s0, $0x2;
	s5 =	sand.u32 $0x70, s14;
	v19 =	vadd.f32 v19, v27  }
0xa4: {  	s18 =	sor.u32 s5, s18  }
0xa5: {  	s21 =	sadd.s32 $0x12A00, s18;
	v18 =	vadd.f32 v19, v18  }
0xa6: {  	v25 =	vadd.f32 v28, v25  }
0xa7: {  	[tilespmem:s15+$0x6000] =	vst v18;
	v20 =	vadd.f32 v18, v20;
	v18 =	vmul.f32 v18, v18  }
0xa8: {  	v28 =	vld [tilespmem:s18+$0x12A00]  }
0xa9: {  	s15 =	sor.u32 s5, s0;
	v19 =	vld [tilespmem:s21+$0x80];
	v17 =	vadd.f32 v18, v17  }
0xaa: {  	v27 =	vld [tilespmem:s15+$0x6180]  }
0xab: {  	v18 =	vld [tilespmem:s15+$0x300]  }
0xac: {  	v29 =	vld [tilespmem:s15+$0x6000]  }
0xad: {  	v30 =	vld [tilespmem:s15+$0x6300]  }
0xae: {  	v31 =	vsub.f32 v19, v28;
	v32 =	vld [tilespmem:s15+$0x100]  }
0xaf: {  	v33 =	vld [tilespmem:s15+$0x6080]  }
0xb0: {  	v34 =	vld [tilespmem:s15+$0x0];
	v19 =	vmul.f32 v31, v2;
	v35 =	vmul.f32 v31, v8  }
0xb1: {  	v36 =	vmul.f32 v31, v1;
	v38 =	vmul.f32 v31, v3;
	v37 =	vld [tilespmem:s15+$0x180]  }
0xb2: {  	v41 =	vmul.f32 v31, v9;
	v39 =	vld [tilespmem:s15+$0x6100];
	v40 =	vadd.f32 v19, v28;
	v35 =	vadd.f32 v35, v28  }
0xb3: {  	v42 =	vmul.f32 v31, v10;
	v19 =	vadd.f32 v36, v28;
	v36 =	vadd.f32 v38, v28;
	v38 =	vld [tilespmem:s15+$0x6280]  }
0xb4: {  	v30 =	vadd.f32 v18, v30;
	v41 =	vadd.f32 v41, v28;
	v43 =	vld [tilespmem:s15+$0x280]  }
0xb5: {  	v44 =	vmul.f32 v31, v0;
	v18 =	vadd.f32 v42, v28;
	v45 =	vld [tilespmem:s15+$0x6200]  }
0xb6: {  	v37 =	vadd.f32 v37, v27;
	v42 =	vld [tilespmem:s15+$0x200];
	v27 =	vadd.f32 v30, v41  }
0xb7: {  	v31 =	vmul.f32 v31, v12;
	v30 =	vadd.f32 v44, v28;
	v41 =	vld [tilespmem:s15+$0x80];
	v32 =	vadd.f32 v32, v39  }
0xb8: {  	v29 =	vadd.f32 v34, v29;
	v34 =	vadd.f32 v37, v36;
	[tilespmem:s15+$0x6300] =	vst v27;
	v36 =	vmul.f32 v27, v27  }
0xb9: {  	v37 =	vadd.f32 v31, v28;
	v28 =	vadd.f32 v43, v38  }
.Ltmp0:
0xba: {  	v30 =	vadd.f32 v30, v29;
	[tilespmem:s15+$0x6180] =	vst v34;
	v6 =	vadd.f32 v34, v6;
	v29 =	vmul.f32 v34, v34;
	(pc) =	sbr.rel @p0 .LBB2_3-.Ltmp0, $4  }
0xbb: {  	v4 =	vadd.f32 v36, v4;
	v28 =	vadd.f32 v28, v35  }
0xbc: {  	v32 =	vadd.f32 v32, v40;
	v31 =	vmul.f32 v30, v30;
	v35 =	vadd.f32 v42, v45;
	[tilespmem:s15+$0x6000] =	vst v30  }
0xbd: {  	v34 =	vadd.f32 v41, v33;
	[tilespmem:s15+$0x6280] =	vst v28;
	v5 =	vadd.f32 v28, v5;
	v28 =	vmul.f32 v28, v28  }
0xbe: {  	v7 =	vadd.f32 v32, v7;
	v33 =	vmul.f32 v32, v32;
	[tilespmem:s15+$0x6100] =	vst v32;
	v32 =	vadd.f32 v35, v37  }
0xbf: {  	v0 =	vadd.f32 v34, v19  }
0xc0: {  	[tilespmem:s15+$0x6200] =	vst v32  }
0xc1: {  	s0 =	sor.u32 $0x380, s16;
	[tilespmem:s15+$0x6080] =	vst v0  }
0xc2: {  	v1 =	vld [tilespmem:s0+$0x6000]  }
0xc3: {  	v2 =	vld [tilespmem:s0+$0x0];
	_ =	sdelay $0x4  }
0xc4: {  	v1 =	vadd.f32 v2, v1;
	_ =	sdelay $0x1  }
0xc5: {  	s5 =	simm.s32 $0x0;
	v1 =	vadd.f32 v1, v18  }
0xc6: {  	s3 =	sand.u32 $0x7FFFFC00, s5;
	s5 =	sand.u32 $0x70, s5  }
0xc7: {  	s14 =	sor.u32 s5, s3;
	[tilespmem:s0+$0x6000] =	vst v1  }
0xc8: {  	v2 =	vld [tilespmem:s14+$0x1B80]  }
0xc9: {  	v63 =	vld [tilespmem:s14+$0x1A80]  }
0xca: {  	v43 =	vld [tilespmem:s14+$0x1880]  }
0xcb: {  	v39 =	vld [tilespmem:s14+$0x1800]  }
0xcc: {  	v19 =	vadd.f32 v30, v11;
	v14 =	vadd.f32 v29, v14;
	v30 =	vld [tilespmem:s14+$0x7880]  }
0xcd: {  	v36 =	vbroadcast v16, $0x8;
	v18 =	vadd.f32 v31, v15;
	v15 =	vadd.f32 v33, v26;
	v26 =	vld [tilespmem:s14+$0x7B80]  }
0xce: {  	v10 =	vadd.f32 v27, v22;
	v37 =	vbroadcast v16, $0x9;
	v35 =	vbroadcast v16, $0xA;
	s16 =	sshrl.u32 s3, $0x2;
	v29 =	vld [tilespmem:s14+$0x7800]  }
0xcf: {  	v12 =	vadd.f32 v32, v21;
	v8 =	vmul.f32 v0, v0;
	v21 =	vadd.f32 v0, v13;
	s0 =	sor.u32 s5, s16;
	v0 =	vld [tilespmem:s14+$0x7A80]  }
0xd0: {  	v11 =	vadd.f32 v28, v25;
	v38 =	vbroadcast v16, $0xE;
	v3 =	vmul.f32 v32, v32;
	v40 =	vld [tilespmem:s0+$0x12A00]  }
0xd1: {  	v28 =	vimm.f32 $0.0e+00;
	v27 =	vimm.f32 $0.0e+00;
	v25 =	vimm.f32 $0.0e+00;
	v41 =	vld [tilespmem:s14+$0x1B00]  }
0xd2: {  	v13 =	vadd.f32 v3, v24;
	v3 =	vmul.f32 v1, v1;
	v1 =	vadd.f32 v1, v20;
	v42 =	vld [tilespmem:s14+$0x1900]  }
0xd3: {  	v34 =	vimm.f32 $0.0e+00;
	v32 =	vimm.f32 $0.0e+00;
	v24 =	vimm.f32 $0.0e+00;
	v44 =	vld [tilespmem:s14+$0x1A00]  }
0xd4: {  	v22 =	vadd.f32 v8, v23;
	v33 =	vbroadcast v16, $0xD;
	s5 =	sadd.s32 $0x12A00, s0;
	v50 =	vld [tilespmem:s14+$0x7A00];
	[tilespmem:$0x1FFB0] =	vst v1;
	v1 =	vadd.f32 v3, v17  }
0xd5: {  	v31 =	vimm.f32 $0.0e+00;
	v20 =	vimm.f32 $0.0e+00;
	v23 =	vld [tilespmem:s5+$0x80];
	v3 =	vbroadcast v16, $0xC  }
0xd6: {  	s17 =	simm.s32 $0x80;
	v51 =	vld [tilespmem:s14+$0x7980];
	v17 =	vimm.f32 $0.0e+00;
	[tilespmem:$0x1FFC0] =	vst v1;
	v1 =	vbroadcast v16, $0xB;
	v46 =	vadd.f32 v39, v29  }
0xd7: {  	s21 =	simm.s32 $0x10;
	s18 =	sand.u32 $0x7FFFFC00, s17;
	v39 =	vbroadcast v16, $0xF;
	v49 =	vadd.f32 v43, v30;
	v45 =	vadd.f32 v63, v0;
	v43 =	vld [tilespmem:s14+$0x1980]  }
0xd8: {  	s22 =	sand.u32 $0x70, s21;
	s0 =	sshrl.u32 s18, $0x2;
	v52 =	vld [tilespmem:s14+$0x7900];
	v30 =	vimm.f32 $0.0e+00;
	v47 =	vadd.f32 v2, v26;
	v16 =	vimm.f32 $0.0e+00  }
0xd9: {  	v53 =	vld [tilespmem:s14+$0x7B00];
	s16 =	sor.u32 s22, s0;
	v0 =	vimm.f32 $0.0e+00;
	v2 =	vimm.f32 $0.0e+00;
	v26 =	vimm.f32 $0.0e+00  }
0xda: {  	s15 =	sor.u32 s22, s18;
	s0 =	simm.s32 $0x100;
	s17 =	sadd.s32 $0x12A00, s16;
	v29 =	vimm.f32 $0.0e+00;
	v48 =	vsub.f32 v23, v40;
	v23 =	vimm.f32 $0.0e+00  }
.LBB2_5:
0xdb: {  	s5 =	sand.u32 $0x7FFFFC00, s0  }
0xdc: {  	s21 =	sadd.s32 $0x10, s21;
	v51 =	vadd.f32 v43, v51;
	v50 =	vadd.f32 v44, v50;
	s18 =	smov.u32 s0;
	s22 =	sadd.s32 $0x80, s0  }
0xdd: {  	p0 =	sne.s32 s0, $0x1780;
	s3 =	sand.u32 $0x70, s21;
	s18 =	sshrl.u32 s5, $0x2;
	v43 =	vmul.f32 v48, v36;
	v44 =	vmul.f32 v48, v37;
	v52 =	vadd.f32 v42, v52  }
0xde: {  	v54 =	vmul.f32 v48, v38;
	v55 =	vmul.f32 v48, v39;
	s18 =	sor.u32 s3, s18;
	s0 =	sor.u32 s3, s5;
	v53 =	vadd.f32 v41, v53;
	v41 =	vld [tilespmem:s15+$0x1B00]  }
0xdf: {  	v58 =	vmul.f32 v48, v35;
	s5 =	sadd.s32 $0x12A00, s18;
	v42 =	vld [tilespmem:s15+$0x1900];
	v56 =	vadd.f32 v43, v40;
	v57 =	vadd.f32 v44, v40  }
0xe0: {  	v59 =	vmul.f32 v48, v1;
	v54 =	vadd.f32 v54, v40;
	v55 =	vadd.f32 v55, v40;
	v44 =	vld [tilespmem:s15+$0x1A00]  }
0xe1: {  	v43 =	vld [tilespmem:s15+$0x1980];
	v46 =	vadd.f32 v56, v46;
	v49 =	vadd.f32 v49, v57;
	v56 =	vmul.f32 v48, v3  }
0xe2: {  	v59 =	vadd.f32 v59, v40;
	v48 =	vmul.f32 v48, v33;
	v53 =	vadd.f32 v53, v54;
	v57 =	vld [tilespmem:s15+$0x1B80]  }
0xe3: {  	v58 =	vadd.f32 v58, v40;
	v54 =	vld [tilespmem:s15+$0x1A80];
	[tilespmem:s14+$0x7800] =	vst v46;
	v60 =	vmul.f32 v46, v46;
	v56 =	vadd.f32 v56, v40  }
0xe4: {  	v47 =	vadd.f32 v47, v55;
	v30 =	vadd.f32 v46, v30;
	v46 =	vmul.f32 v53, v53;
	v61 =	vld [tilespmem:s15+$0x1880];
	[tilespmem:s14+$0x7880] =	vst v49  }
0xe5: {  	v52 =	vadd.f32 v52, v58;
	v62 =	vmul.f32 v49, v49;
	v40 =	vadd.f32 v48, v40;
	v55 =	vld [tilespmem:s15+$0x1800];
	[tilespmem:s14+$0x7B00] =	vst v53  }
0xe6: {  	v58 =	vmul.f32 v47, v47;
	v56 =	vadd.f32 v50, v56;
	v16 =	vadd.f32 v46, v16;
	v48 =	vld [tilespmem:s15+$0x7880];
	[tilespmem:s14+$0x7B80] =	vst v47  }
0xe7: {  	v8 =	vmul.f32 v52, v52;
	v17 =	vadd.f32 v53, v17;
	v40 =	vadd.f32 v45, v40;
	v63 =	vld [tilespmem:s15+$0x7B80];
	[tilespmem:s14+$0x7900] =	vst v52  }
0xe8: {  	v59 =	vadd.f32 v51, v59;
	v28 =	vadd.f32 v52, v28;
	v46 =	vmul.f32 v56, v56;
	v45 =	vld [tilespmem:s15+$0x7800];
	[tilespmem:s14+$0x7A00] =	vst v56  }
0xe9: {  	v0 =	vadd.f32 v60, v0;
	v24 =	vadd.f32 v40, v24;
	v51 =	vmul.f32 v40, v40;
	v50 =	vld [tilespmem:s15+$0x7A00];
	[tilespmem:s14+$0x7A80] =	vst v40  }
0xea: {  	v2 =	vadd.f32 v49, v2;
	v49 =	vmul.f32 v59, v59;
	v26 =	vadd.f32 v46, v26;
	v60 =	vld [tilespmem:s15+$0x7A80];
	[tilespmem:s14+$0x7980] =	vst v59;
	s14 =	smov.u32 s15;
	s15 =	smov.u32 s0  }
0xeb: {  	v27 =	vadd.f32 v56, v27;
	v25 =	vadd.f32 v51, v25;
	v40 =	vld [tilespmem:s16+$0x12A00];
	s16 =	smov.u32 s18  }
0xec: {  	v34 =	vadd.f32 v62, v34;
	v29 =	vadd.f32 v49, v29;
	v56 =	vld [tilespmem:s17+$0x80];
	s17 =	smov.u32 s5  }
.Ltmp1:
0xed: {  	v31 =	vadd.f32 v8, v31;
	v46 =	vadd.f32 v55, v45;
	v51 =	vld [tilespmem:s14+$0x7980];
	(pc) =	sbr.rel @p0 .LBB2_5-.Ltmp1, $4  }
0xee: {  	v20 =	vadd.f32 v58, v20;
	v49 =	vadd.f32 v61, v48;
	v52 =	vld [tilespmem:s14+$0x7900]  }
0xef: {  	v32 =	vadd.f32 v59, v32;
	v23 =	vadd.f32 v47, v23;
	v53 =	vld [tilespmem:s14+$0x7B00]  }
0xf0: {  	v45 =	vadd.f32 v54, v60  }
0xf1: {  	s0 =	smov.u32 s22;
	v47 =	vadd.f32 v57, v63;
	v48 =	vsub.f32 v56, v40  }
0xf2: {  	_ = 	snop  }
0xf3: {  	v8 =	vmul.f32 v48, v36  }
0xf4: {  	v56 =	vmul.f32 v48, v37  }
0xf5: {  	v54 =	vld [tilespmem:s15+$0x1B00];
	v44 =	vadd.f32 v44, v50;
	v59 =	vmul.f32 v48, v38;
	v8 =	vadd.f32 v8, v40  }
0xf6: {  	v55 =	vld [tilespmem:s15+$0x1900];
	v41 =	vadd.f32 v41, v53;
	v56 =	vadd.f32 v56, v40  }
0xf7: {  	v57 =	vld [tilespmem:s15+$0x1A00];
	v59 =	vadd.f32 v59, v40;
	v8 =	vadd.f32 v8, v46;
	v46 =	vmul.f32 v48, v39  }
0xf8: {  	v58 =	vld [tilespmem:s15+$0x1980];
	v43 =	vadd.f32 v43, v51;
	v61 =	vmul.f32 v48, v35;
	v49 =	vadd.f32 v49, v56  }
0xf9: {  	v60 =	vld [tilespmem:s15+$0x1B80];
	v62 =	vadd.f32 v46, v40;
	v46 =	vadd.f32 v41, v59;
	v59 =	vmul.f32 v48, v3  }
0xfa: {  	v42 =	vadd.f32 v42, v52;
	v50 =	vmul.f32 v48, v33;
	v53 =	vld [tilespmem:s15+$0x1A80];
	v61 =	vadd.f32 v61, v40;
	[tilespmem:s14+$0x7800] =	vst v8  }
0xfb: {  	v63 =	vmul.f32 v48, v1;
	v56 =	vld [tilespmem:s15+$0x1880];
	[tilespmem:s14+$0x7880] =	vst v49;
	v41 =	vadd.f32 v47, v62;
	v59 =	vadd.f32 v59, v40  }
0xfc: {  	v50 =	vadd.f32 v50, v40;
	v42 =	vadd.f32 v42, v61;
	v52 =	vld [tilespmem:s15+$0x1800];
	[tilespmem:s14+$0x7B00] =	vst v46  }
0xfd: {  	v47 =	vld [tilespmem:s15+$0x7880];
	[tilespmem:s14+$0x7B80] =	vst v41;
	v44 =	vadd.f32 v44, v59;
	v59 =	vadd.f32 v63, v40  }
0xfe: {  	v45 =	vadd.f32 v45, v50;
	v61 =	vld [tilespmem:s15+$0x7B80];
	[tilespmem:s14+$0x7900] =	vst v42  }
0xff: {  	v51 =	vld [tilespmem:s15+$0x7800];
	[tilespmem:s14+$0x7A00] =	vst v44;
	v40 =	vadd.f32 v43, v59  }
0x100: {  	v48 =	vld [tilespmem:s15+$0x7A00];
	[tilespmem:s14+$0x7A80] =	vst v45  }
0x101: {  	v43 =	vld [tilespmem:s15+$0x7A80];
	[tilespmem:s14+$0x7980] =	vst v40  }
0x102: {  	v50 =	vld [tilespmem:s16+$0x12A00]  }
0x103: {  	v59 =	vld [tilespmem:s17+$0x80];
	_ =	sdelay $0x2  }
0x104: {  	v62 =	vld [tilespmem:s15+$0x7980]  }
0x105: {  	v63 =	vld [tilespmem:s15+$0x7900]  }
0x106: {  	v9 =	vld [tilespmem:s15+$0x7B00];
	v59 =	vsub.f32 v59, v50  }
0x107: {  	v47 =	vadd.f32 v56, v47;
	v51 =	vadd.f32 v52, v51  }
0x108: {  	v52 =	vadd.f32 v60, v61;
	v48 =	vadd.f32 v57, v48;
	v36 =	vmul.f32 v59, v36  }
0x109: {  	v43 =	vadd.f32 v53, v43;
	v60 =	vadd.f32 v58, v62;
	v61 =	vmul.f32 v59, v37  }
0x10a: {  	v55 =	vadd.f32 v55, v63;
	v62 =	vmul.f32 v59, v38;
	v36 =	vadd.f32 v36, v50  }
0x10b: {  	v9 =	vadd.f32 v54, v9;
	v63 =	vmul.f32 v59, v39;
	v37 =	vadd.f32 v61, v50  }
0x10c: {  	v54 =	vmul.f32 v59, v35;
	v38 =	vadd.f32 v62, v50;
	v36 =	vadd.f32 v36, v51  }
0x10d: {  	v3 =	vmul.f32 v59, v3;
	v39 =	vadd.f32 v63, v50;
	v37 =	vadd.f32 v47, v37  }
0x10e: {  	v56 =	vmul.f32 v59, v33;
	v35 =	vadd.f32 v54, v50;
	v9 =	vadd.f32 v9, v38;
	[tilespmem:s15+$0x7800] =	vst v36  }
0x10f: {  	v1 =	vmul.f32 v59, v1;
	v3 =	vadd.f32 v3, v50;
	v57 =	vadd.f32 v52, v39;
	[tilespmem:s15+$0x7880] =	vst v37  }
0x110: {  	v33 =	vadd.f32 v56, v50;
	v35 =	vadd.f32 v55, v35;
	[tilespmem:s15+$0x7B00] =	vst v9  }
0x111: {  	v1 =	vadd.f32 v1, v50;
	v3 =	vadd.f32 v48, v3;
	[tilespmem:s15+$0x7B80] =	vst v57  }
0x112: {  	v33 =	vadd.f32 v43, v33;
	[tilespmem:s15+$0x7900] =	vst v35  }
0x113: {  	v58 =	vmul.f32 v8, v8;
	v1 =	vadd.f32 v60, v1;
	[tilespmem:s15+$0x7A00] =	vst v3  }
0x114: {  	v8 =	vadd.f32 v8, v30;
	[tilespmem:s15+$0x7A80] =	vst v33  }
0x115: {  	v0 =	vadd.f32 v58, v0;
	v59 =	vmul.f32 v36, v36;
	[tilespmem:s15+$0x7980] =	vst v1  }
0x116: {  	v8 =	vadd.f32 v36, v8;
	[tilespmem:$0x13000] =	vst v19  }
0x117: {  	v2 =	vadd.f32 v49, v2;
	v60 =	vmul.f32 v49, v49;
	[tilespmem:$0x13800] =	vst v18;
	v0 =	vadd.f32 v59, v0  }
0x118: {  	v61 =	vmul.f32 v37, v37;
	[tilespmem:$0x13400] =	vst v8  }
0x119: {  	v2 =	vadd.f32 v37, v2;
	v8 =	vadd.f32 v60, v34;
	[tilespmem:$0x13C00] =	vst v0;
	v0 =	vmul.f32 v42, v42  }
0x11a: {  	[tilespmem:$0x13080] =	vst v21  }
0x11b: {  	[tilespmem:$0x13480] =	vst v2;
	v2 =	vmul.f32 v35, v35;
	v8 =	vadd.f32 v61, v8;
	v0 =	vadd.f32 v0, v31  }
0x11c: {  	[tilespmem:$0x13100] =	vst v7;
	v7 =	vmul.f32 v40, v40  }
0x11d: {  	[tilespmem:$0x13C80] =	vst v8;
	v8 =	vadd.f32 v40, v32;
	v0 =	vadd.f32 v2, v0  }
0x11e: {  	[tilespmem:$0x13880] =	vst v22;
	v2 =	vadd.f32 v7, v29  }
0x11f: {  	v7 =	vmul.f32 v1, v1;
	v1 =	vadd.f32 v1, v8;
	[tilespmem:$0x13D00] =	vst v0;
	v0 =	vmul.f32 v44, v44  }
0x120: {  	[tilespmem:$0x13900] =	vst v15  }
0x121: {  	v2 =	vadd.f32 v7, v2;
	[tilespmem:$0x13580] =	vst v1;
	v1 =	vmul.f32 v3, v3;
	v0 =	vadd.f32 v0, v26  }
0x122: {  	[tilespmem:$0x13180] =	vst v6  }
0x123: {  	[tilespmem:$0x13D80] =	vst v2;
	v2 =	vadd.f32 v45, v24;
	v0 =	vadd.f32 v1, v0  }
0x124: {  	v6 =	vadd.f32 v44, v27;
	[tilespmem:$0x13980] =	vst v14  }
0x125: {  	v2 =	vadd.f32 v33, v2;
	[tilespmem:$0x13E00] =	vst v0;
	v0 =	vmul.f32 v46, v46  }
0x126: {  	[tilespmem:$0x13200] =	vst v12;
	v3 =	vadd.f32 v3, v6;
	v6 =	vmul.f32 v45, v45  }
0x127: {  	[tilespmem:$0x13680] =	vst v2;
	v2 =	vmul.f32 v9, v9;
	v0 =	vadd.f32 v0, v16  }
0x128: {  	[tilespmem:$0x13600] =	vst v3;
	v3 =	vmul.f32 v33, v33;
	v1 =	vadd.f32 v6, v25  }
0x129: {  	[tilespmem:$0x13A00] =	vst v13;
	v0 =	vadd.f32 v2, v0  }
0x12a: {  	[tilespmem:$0x13280] =	vst v5;
	v1 =	vadd.f32 v3, v1  }
0x12b: {  	[tilespmem:$0x13F00] =	vst v0;
	v0 =	vld [tilespmem:$0x1FFB0]  }
0x12c: {  	[tilespmem:$0x13E80] =	vst v1;
	v1 =	vmul.f32 v41, v41  }
0x12d: {  	v62 =	vadd.f32 v42, v28;
	v5 =	vadd.f32 v46, v17;
	[tilespmem:$0x13A80] =	vst v11;
	v2 =	vlaneseq.u32  }
0x12e: {  	[tilespmem:$0x13B00] =	vst v4;
	v1 =	vadd.f32 v1, v20;
	v4 =	vmul.u32 $0x80, v2;
	v2 =	vmul.f32 v57, v57  }
0x12f: {  	[tilespmem:$0x13300] =	vst v10;
	v3 =	vadd.f32 v9, v5;
	v5 =	vadd.f32 v41, v23  }
0x130: {  	v63 =	vadd.f32 v35, v62;
	[tilespmem:$0x13380] =	vst v0;
	v0 =	vadd.f32 v2, v1;
	v1 =	vld [tilespmem:$0x1FFC0]  }
0x131: {  	[tilespmem:$0x13700] =	vst v3;
	v3 =	vadd.f32 v57, v5  }
0x132: {  	[tilespmem:$0x13500] =	vst v63;
	v5 =	vor.u32 $0x800, v4  }
0x133: {  	[tilespmem:$0x13780] =	vst v3;
	v2 =	vor.u32 $0x1, v4  }
0x134: {  	v3 =	vor.u32 $0x801, v4;
	[tilespmem:$0x13F80] =	vst v0  }
0x135: {  	v6 =	vor.u32 $0x2, v4;
	[tilespmem:$0x13B80] =	vst v1  }
0x136: {  	v7 =	vor.u32 $0x802, v4;
	v0 =	vld.idx.msk [tilespmem:v4+s26+$0x0], $0xffff  }
0x137: {  	v8 =	vor.u32 $0x3, v4;
	v1 =	vld.idx.msk [tilespmem:v5+s26+$0x0], $0xffff  }
0x138: {  	v12 =	vor.u32 $0x4, v4;
	[tilespmem:$0x1FDD0] =	vst v2;
	v2 =	vld.idx.msk [tilespmem:v2+s26+$0x0], $0xffff  }
0x139: {  	v9 =	vor.u32 $0x803, v4;
	[tilespmem:$0x1FDE0] =	vst v3;
	v3 =	vld.idx.msk [tilespmem:v3+s26+$0x0], $0xffff  }
0x13a: {  	v10 =	vor.u32 $0x804, v4;
	[tilespmem:$0x1FDC0] =	vst v5;
	v5 =	vld.idx.msk [tilespmem:v6+s26+$0x0], $0xffff  }
0x13b: {  	v13 =	vor.u32 $0x5, v4;
	[tilespmem:$0x1FDF0] =	vst v6;
	v6 =	vld.idx.msk [tilespmem:v7+s26+$0x0], $0xffff  }
0x13c: {  	v11 =	vor.u32 $0x805, v4;
	[tilespmem:$0x1FE00] =	vst v7;
	v7 =	vld.idx.msk [tilespmem:v8+s26+$0x0], $0xffff  }
0x13d: {  	v14 =	vor.u32 $0x6, v4;
	[tilespmem:$0x1FE10] =	vst v8;
	v8 =	vld.idx.msk [tilespmem:v12+s26+$0x0], $0xffff;
	v0 =	vadd.f32 v2, v0  }
0x13e: {  	[tilespmem:$0x1FE20] =	vst v9;
	v2 =	vld.idx.msk [tilespmem:v9+s26+$0x0], $0xffff;
	v9 =	vor.u32 $0x806, v4  }
0x13f: {  	[tilespmem:$0x1FE30] =	vst v12;
	v12 =	vor.u32 $0x7, v4;
	v1 =	vadd.f32 v3, v1;
	v3 =	vld.idx.msk [tilespmem:v10+s26+$0x0], $0xffff;
	v0 =	vadd.f32 v5, v0  }
0x140: {  	[tilespmem:$0x1FE40] =	vst v10;
	v10 =	vor.u32 $0x807, v4;
	v5 =	vld.idx.msk [tilespmem:v13+s26+$0x0], $0xffff  }
0x141: {  	[tilespmem:$0x1FE50] =	vst v13;
	v1 =	vadd.f32 v6, v1;
	v6 =	vld.idx.msk [tilespmem:v11+s26+$0x0], $0xffff;
	v13 =	vor.u32 $0x8, v4;
	v0 =	vadd.f32 v7, v0  }
0x142: {  	[tilespmem:$0x1FE60] =	vst v11;
	v11 =	vor.u32 $0x808, v4;
	v7 =	vld.idx.msk [tilespmem:v14+s26+$0x0], $0xffff  }
0x143: {  	[tilespmem:$0x1FE70] =	vst v14;
	v14 =	vor.u32 $0x9, v4;
	v1 =	vadd.f32 v2, v1;
	v2 =	vld.idx.msk [tilespmem:v9+s26+$0x0], $0xffff;
	v0 =	vadd.f32 v8, v0  }
0x144: {  	[tilespmem:$0x1FE80] =	vst v9;
	v9 =	vor.u32 $0x809, v4;
	v8 =	vld.idx.msk [tilespmem:v12+s26+$0x0], $0xffff  }
0x145: {  	[tilespmem:$0x1FE90] =	vst v12;
	v12 =	vor.u32 $0xA, v4;
	v1 =	vadd.f32 v3, v1;
	v3 =	vld.idx.msk [tilespmem:v10+s26+$0x0], $0xffff;
	v0 =	vadd.f32 v5, v0  }
0x146: {  	[tilespmem:$0x1FEA0] =	vst v10;
	v10 =	vor.u32 $0x80A, v4;
	v5 =	vld.idx.msk [tilespmem:v13+s26+$0x0], $0xffff  }
0x147: {  	[tilespmem:$0x1FEB0] =	vst v13;
	v13 =	vor.u32 $0xB, v4;
	v1 =	vadd.f32 v6, v1;
	v6 =	vld.idx.msk [tilespmem:v11+s26+$0x0], $0xffff;
	v0 =	vadd.f32 v7, v0  }
0x148: {  	[tilespmem:$0x1FEC0] =	vst v11;
	v11 =	vor.u32 $0x80B, v4;
	v7 =	vld.idx.msk [tilespmem:v14+s26+$0x0], $0xffff  }
0x149: {  	[tilespmem:$0x1FED0] =	vst v14;
	v14 =	vor.u32 $0xC, v4;
	v1 =	vadd.f32 v2, v1;
	v2 =	vld.idx.msk [tilespmem:v9+s26+$0x0], $0xffff;
	v0 =	vadd.f32 v8, v0  }
0x14a: {  	[tilespmem:$0x1FEE0] =	vst v9;
	v9 =	vor.u32 $0x80C, v4;
	v8 =	vld.idx.msk [tilespmem:v12+s26+$0x0], $0xffff  }
0x14b: {  	[tilespmem:$0x1FEF0] =	vst v12;
	v12 =	vor.u32 $0xD, v4;
	v1 =	vadd.f32 v3, v1;
	v3 =	vld.idx.msk [tilespmem:v10+s26+$0x0], $0xffff;
	v0 =	vadd.f32 v5, v0  }
0x14c: {  	[tilespmem:$0x1FF00] =	vst v10;
	v10 =	vor.u32 $0x80D, v4;
	v5 =	vld.idx.msk [tilespmem:v13+s26+$0x0], $0xffff  }
0x14d: {  	[tilespmem:$0x1FF10] =	vst v13;
	v13 =	vor.u32 $0xE, v4;
	v1 =	vadd.f32 v6, v1;
	v6 =	vld.idx.msk [tilespmem:v11+s26+$0x0], $0xffff;
	v0 =	vadd.f32 v7, v0  }
0x14e: {  	[tilespmem:$0x1FF20] =	vst v11;
	v11 =	vor.u32 $0x80E, v4;
	v7 =	vld.idx.msk [tilespmem:v14+s26+$0x0], $0xffff  }
0x14f: {  	[tilespmem:$0x1FF40] =	vst v9;
	v1 =	vadd.f32 v2, v1;
	v2 =	vld.idx.msk [tilespmem:v9+s26+$0x0], $0xffff;
	v9 =	vor.u32 $0xF, v4;
	v0 =	vadd.f32 v8, v0  }
0x150: {  	v8 =	vld.idx.msk [tilespmem:v12+s26+$0x0], $0xffff  }
0x151: {  	[tilespmem:$0x1FF60] =	vst v10;
	v1 =	vadd.f32 v3, v1;
	v3 =	vld.idx.msk [tilespmem:v10+s26+$0x0], $0xffff;
	v10 =	vor.u32 $0x80F, v4;
	v0 =	vadd.f32 v5, v0  }
0x152: {  	v5 =	vld.idx.msk [tilespmem:v13+s26+$0x0], $0xffff  }
0x153: {  	v1 =	vadd.f32 v6, v1;
	v6 =	vld.idx.msk [tilespmem:v11+s26+$0x0], $0xffff;
	v0 =	vadd.f32 v7, v0  }
0x154: {  	v7 =	vld.idx.msk [tilespmem:v9+s26+$0x0], $0xffff  }
0x155: {  	v1 =	vadd.f32 v2, v1;
	v0 =	vadd.f32 v8, v0  }
0x156: {  	v2 =	vld.idx.msk [tilespmem:v10+s26+$0x0], $0xffff  }
0x157: {  	v1 =	vadd.f32 v3, v1;
	v0 =	vadd.f32 v5, v0;
	_ =	sdelay $0x1  }
0x158: {  	v1 =	vadd.f32 v6, v1;
	v0 =	vadd.f32 v7, v0;
	_ =	sdelay $0x1  }
0x159: {  	v1 =	vadd.f32 v2, v1;
	v0 =	vmul.f32 $1.302083370e-03, v0;
	_ =	sdelay $0x1  }
0x15a: {  	v1 =	vmul.f32 $1.302083370e-03, v1;
	v2 =	vmul.f32 v0, v0;
	_ =	sdelay $0x1  }
0x15b: {  	v1 =	vsub.f32 v1, v2;
	_ =	sdelay $0x1  }
0x15c: {  	v1 =	vadd.f32 $9.999999960e-13, v1;
	_ =	sdelay $0x1  }
0x15d: {  	v2 =	vshra.s32 v1, $0x1;
	v1 =	vmul.f32 $5.000000000e-01, v1  }
0x15e: {  	v2 =	vsub.s32 $0x5F3759DF, v2  }
0x15f: {  	v3 =	vmul.f32 v2, v1;
	_ =	sdelay $0x1  }
0x160: {  	v3 =	vmul.f32 v2, v3;
	_ =	sdelay $0x1  }
0x161: {  	v3 =	vsub.f32 $1.500000000e+00, v3;
	_ =	sdelay $0x1  }
0x162: {  	v2 =	vmul.f32 v2, v3;
	_ =	sdelay $0x1  }
0x163: {  	v3 =	vmul.f32 v2, v1;
	_ =	sdelay $0x1  }
0x164: {  	v3 =	vmul.f32 v3, v2;
	_ =	sdelay $0x1  }
0x165: {  	v3 =	vsub.f32 $1.500000000e+00, v3;
	_ =	sdelay $0x1  }
0x166: {  	v2 =	vmul.f32 v3, v2;
	_ =	sdelay $0x1  }
0x167: {  	v1 =	vmul.f32 v2, v1;
	_ =	sdelay $0x1  }
0x168: {  	v1 =	vmul.f32 v1, v2;
	_ =	sdelay $0x1  }
0x169: {  	v1 =	vsub.f32 $1.500000000e+00, v1  }
0x16a: {  	s15 =	simm.s32 $0x0  }
0x16b: {  	s16 =	simm.s32 $0x12400;
	s0 =	sand.u32 $0x70, s15;
	s3 =	sand.u32 $0x1C00, s15;
	[tilespmem:$0x1FF90] =	vst v9;
	v9 =	vmul.f32 v1, v2  }
0x16c: {  	s14 =	sor.u32 s0, s3;
	v37 =	vld [tilespmem:s16+$0x0];
	[tilespmem:$0x1FF50] =	vst v12  }
0x16d: {  	[tilespmem:$0x1FF80] =	vst v11;
	v12 =	vld [tilespmem:s14+$0x6280];
	v11 =	vmul.f32 v9, v0;
	v38 =	vbroadcast v9, $0x0  }
0x16e: {  	v7 =	vld [tilespmem:s14+$0x6180];
	v39 =	vbroadcast v9, $0x1;
	v40 =	vbroadcast v9, $0x2  }
0x16f: {  	v8 =	vld [tilespmem:s14+$0x6300];
	v41 =	vbroadcast v9, $0x3;
	v1 =	vbroadcast v9, $0x4  }
0x170: {  	[tilespmem:$0x1FF70] =	vst v13;
	v13 =	vld [tilespmem:s14+$0x6100];
	v2 =	vbroadcast v9, $0x5;
	v3 =	vbroadcast v9, $0x6  }
0x171: {  	[tilespmem:$0x1FFA0] =	vst v10;
	v10 =	vld [tilespmem:s14+$0x6080];
	v42 =	vbroadcast v11, $0x0;
	v43 =	vbroadcast v11, $0x1  }
0x172: {  	[tilespmem:$0x1FF30] =	vst v14;
	v14 =	vld [tilespmem:s14+$0x6200];
	v0 =	vbroadcast v11, $0x2;
	v5 =	vbroadcast v11, $0x3  }
0x173: {  	s17 =	simm.s32 $0x12700;
	v15 =	vld [tilespmem:s14+$0x6000];
	v6 =	vbroadcast v11, $0x4;
	v16 =	vmul.f32 v7, v41  }
0x174: {  	v36 =	vld [tilespmem:s17+$0x0];
	v7 =	vbroadcast v11, $0x6;
	v17 =	vmul.f32 v8, v3  }
0x175: {  	v8 =	vbroadcast v11, $0x5;
	v12 =	vmul.f32 v12, v2;
	v16 =	vsub.f32 v16, v5  }
0x176: {  	v10 =	vmul.f32 v10, v39;
	v13 =	vmul.f32 v13, v40;
	v17 =	vsub.f32 v17, v7  }
0x177: {  	v14 =	vmul.f32 v14, v1;
	v12 =	vsub.f32 v12, v8;
	v16 =	vmul.f32 v16, v37  }
0x178: {  	v15 =	vmul.f32 v15, v38;
	v10 =	vsub.f32 v10, v43;
	v17 =	vmul.f32 v17, v37  }
0x179: {  	v13 =	vsub.f32 v13, v0;
	v12 =	vmul.f32 v12, v37;
	v16 =	vadd.f32 v16, v36  }
0x17a: {  	v15 =	vsub.f32 v15, v42;
	v10 =	vmul.f32 v10, v37;
	v17 =	vadd.f32 v17, v36  }
0x17b: {  	v14 =	vsub.f32 v14, v6;
	v13 =	vmul.f32 v13, v37;
	v12 =	vadd.f32 v12, v36;
	[tilespmem:s14+$0xC180] =	vst v16  }
0x17c: {  	v15 =	vmul.f32 v15, v37;
	v10 =	vadd.f32 v10, v36;
	[tilespmem:s14+$0xC300] =	vst v17  }
0x17d: {  	v14 =	vmul.f32 v14, v37;
	v13 =	vadd.f32 v13, v36;
	[tilespmem:s14+$0xC280] =	vst v12  }
0x17e: {  	v12 =	vadd.f32 v15, v36;
	[tilespmem:s14+$0xC080] =	vst v10  }
0x17f: {  	v10 =	vadd.f32 v14, v36;
	[tilespmem:s14+$0xC100] =	vst v13  }
0x180: {  	s22 =	sor.u32 s15, s15;
	[tilespmem:s14+$0xC000] =	vst v12  }
0x181: {  	s0 =	sor.u32 $0x380, s22;
	[tilespmem:s14+$0xC200] =	vst v10  }
0x182: {  	v10 =	vld [tilespmem:s0+$0x6000];
	_ =	sdelay $0x2  }
0x183: {  	v51 =	vbroadcast v9, $0x7;
	_ =	sdelay $0x1  }
0x184: {  	v53 =	vbroadcast v11, $0x7;
	v10 =	vmul.f32 v10, v51;
	_ =	sdelay $0x1  }
0x185: {  	v10 =	vsub.f32 v10, v53  }
0x186: {  	v52 =	vbroadcast v9, $0x8  }
0x187: {  	v50 =	vbroadcast v9, $0x9;
	v10 =	vmul.f32 v10, v37  }
0x188: {  	v47 =	vbroadcast v9, $0xA;
	v46 =	vbroadcast v9, $0xB  }
0x189: {  	v45 =	vbroadcast v9, $0xC;
	v44 =	vbroadcast v9, $0xD;
	v10 =	vadd.f32 v10, v36  }
0x18a: {  	v57 =	vbroadcast v11, $0x8;
	v56 =	vbroadcast v11, $0x9  }
0x18b: {  	v55 =	vbroadcast v11, $0xB;
	v54 =	vbroadcast v11, $0xC;
	[tilespmem:s0+$0xC000] =	vst v10  }
0x18c: {  	v48 =	vbroadcast v11, $0xD;
	v49 =	vbroadcast v11, $0xE;
	v14 =	vld [tilespmem:s14+$0x7800]  }
0x18d: {  	v12 =	vbroadcast v9, $0xE;
	v9 =	vbroadcast v9, $0xF;
	v15 =	vld [tilespmem:s14+$0x7880]  }
0x18e: {  	s21 =	simm.s32 $0x10;
	v10 =	vbroadcast v11, $0xA;
	v11 =	vbroadcast v11, $0xF;
	v13 =	vld [tilespmem:s14+$0x7900]  }
.LBB2_7:
0x18f: {  	v16 =	vld [tilespmem:s14+$0x7980];
	s15 =	sadd.s32 $0x80, s15;
	s16 =	sadd.s32 $0x10, s16;
	s17 =	sadd.s32 $0x10, s17  }
0x190: {  	p0 =	sne.s32 s21, $0x2F0;
	s22 =	smov.u32 s21;
	s21 =	sadd.s32 $0x10, s21;
	v17 =	vld [tilespmem:s14+$0x7A00]  }
0x191: {  	v14 =	vmul.f32 v14, v52;
	v18 =	vld [tilespmem:s14+$0x7A80]  }
0x192: {  	v15 =	vmul.f32 v15, v50;
	v19 =	vld [tilespmem:s14+$0x7B00]  }
0x193: {  	v14 =	vsub.f32 v14, v57;
	v13 =	vmul.f32 v13, v47;
	v20 =	vld [tilespmem:s14+$0x7B80]  }
0x194: {  	v15 =	vsub.f32 v15, v56;
	v16 =	vmul.f32 v16, v46  }
0x195: {  	v14 =	vmul.f32 v14, v37;
	v13 =	vsub.f32 v13, v10;
	v17 =	vmul.f32 v17, v45  }
0x196: {  	v15 =	vmul.f32 v15, v37;
	v16 =	vsub.f32 v16, v55;
	v18 =	vmul.f32 v18, v44  }
0x197: {  	v14 =	vadd.f32 v14, v36;
	v17 =	vsub.f32 v17, v54;
	v19 =	vmul.f32 v19, v12  }
0x198: {  	s0 =	sand.u32 $0x70, s22;
	s3 =	sand.u32 $0x1C00, s15;
	v15 =	vadd.f32 v15, v36;
	v16 =	vmul.f32 v16, v37;
	v18 =	vsub.f32 v18, v48  }
0x199: {  	s0 =	sor.u32 s0, s3;
	[tilespmem:s14+$0xD800] =	vst v14;
	v14 =	vmul.f32 v17, v37;
	v17 =	vsub.f32 v19, v49;
	v19 =	vmul.f32 v20, v9  }
0x19a: {  	v13 =	vmul.f32 v13, v37;
	v20 =	vld [tilespmem:s0+$0x6080];
	[tilespmem:s14+$0xD880] =	vst v15;
	v15 =	vadd.f32 v16, v36;
	v16 =	vmul.f32 v18, v37  }
0x19b: {  	v18 =	vld [tilespmem:s0+$0x6280];
	v14 =	vadd.f32 v14, v36;
	v17 =	vmul.f32 v17, v37;
	v19 =	vsub.f32 v19, v11  }
0x19c: {  	v13 =	vadd.f32 v13, v36;
	v21 =	vld [tilespmem:s0+$0x6300];
	[tilespmem:s14+$0xD980] =	vst v15;
	v15 =	vadd.f32 v16, v36  }
0x19d: {  	v16 =	vld [tilespmem:s0+$0x6180];
	[tilespmem:s14+$0xDA00] =	vst v14;
	v14 =	vadd.f32 v17, v36;
	v17 =	vmul.f32 v19, v37  }
0x19e: {  	v19 =	vld [tilespmem:s0+$0x6100];
	[tilespmem:s14+$0xDA80] =	vst v15  }
0x19f: {  	v15 =	vld [tilespmem:s0+$0x6000];
	[tilespmem:s14+$0xDB00] =	vst v14;
	v14 =	vadd.f32 v17, v36  }
0x1a0: {  	v17 =	vld [tilespmem:s0+$0x6200];
	[tilespmem:s14+$0xD900] =	vst v13  }
0x1a1: {  	v13 =	vmul.f32 v21, v3;
	[tilespmem:s14+$0xDB80] =	vst v14;
	s14 =	smov.u32 s0  }
0x1a2: {  	v37 =	vld [tilespmem:s16+$0x0];
	v14 =	vmul.f32 v16, v41;
	v16 =	vmul.f32 v18, v2  }
0x1a3: {  	v18 =	vmul.f32 v20, v39;
	v36 =	vld [tilespmem:s17+$0x0];
	v19 =	vmul.f32 v19, v40  }
0x1a4: {  	v14 =	vsub.f32 v14, v5;
	v16 =	vsub.f32 v16, v8  }
0x1a5: {  	v18 =	vsub.f32 v18, v43;
	v17 =	vmul.f32 v17, v1  }
0x1a6: {  	v13 =	vsub.f32 v13, v7;
	v15 =	vmul.f32 v15, v38  }
0x1a7: {  	v18 =	vmul.f32 v18, v37;
	v14 =	vmul.f32 v14, v37;
	v17 =	vsub.f32 v17, v6  }
0x1a8: {  	v15 =	vsub.f32 v15, v42;
	v16 =	vmul.f32 v16, v37;
	v13 =	vmul.f32 v13, v37  }
0x1a9: {  	v19 =	vsub.f32 v19, v0;
	v14 =	vadd.f32 v14, v36;
	v17 =	vmul.f32 v17, v37  }
0x1aa: {  	v15 =	vmul.f32 v15, v37;
	v18 =	vadd.f32 v18, v36;
	v13 =	vadd.f32 v13, v36  }
0x1ab: {  	v19 =	vmul.f32 v19, v37;
	v16 =	vadd.f32 v16, v36;
	[tilespmem:s14+$0xC180] =	vst v14;
	v14 =	vadd.f32 v17, v36  }
0x1ac: {  	v15 =	vadd.f32 v15, v36;
	[tilespmem:s14+$0xC300] =	vst v13  }
0x1ad: {  	v13 =	vadd.f32 v19, v36;
	[tilespmem:s14+$0xC280] =	vst v16  }
0x1ae: {  	[tilespmem:s14+$0xC080] =	vst v18  }
0x1af: {  	[tilespmem:s14+$0xC100] =	vst v13  }
0x1b0: {  	s0 =	sor.u32 s15, s22;
	[tilespmem:s14+$0xC000] =	vst v15  }
0x1b1: {  	s0 =	sor.u32 $0x380, s0;
	[tilespmem:s14+$0xC200] =	vst v14  }
0x1b2: {  	v13 =	vld [tilespmem:s0+$0x6000];
	_ =	sdelay $0x4  }
0x1b3: {  	v13 =	vmul.f32 v13, v51;
	_ =	sdelay $0x1  }
0x1b4: {  	v13 =	vsub.f32 v13, v53;
	_ =	sdelay $0x1  }
0x1b5: {  	v13 =	vmul.f32 v13, v37;
	_ =	sdelay $0x1  }
0x1b6: {  	v13 =	vadd.f32 v13, v36  }
.Ltmp2:
0x1b7: {  	(pc) =	sbr.rel @p0 .LBB2_7-.Ltmp2, $4  }
0x1b8: {  	[tilespmem:s0+$0xC000] =	vst v13  }
0x1b9: {  	v14 =	vld [tilespmem:s14+$0x7800]  }
0x1ba: {  	v15 =	vld [tilespmem:s14+$0x7880]  }
0x1bb: {  	v13 =	vld [tilespmem:s14+$0x7900]  }
0x1bc: {  	v0 =	vld [tilespmem:s14+$0x7980]  }
0x1bd: {  	v1 =	vld [tilespmem:s14+$0x7A00]  }
0x1be: {  	v3 =	vld [tilespmem:s14+$0x7A80]  }
0x1bf: {  	v6 =	vld [tilespmem:s14+$0x7B00]  }
0x1c0: {  	v8 =	vld [tilespmem:s14+$0x7B80];
	v2 =	vmul.f32 v14, v52  }
0x1c1: {  	v5 =	vmul.f32 v15, v50  }
0x1c2: {  	v2 =	vsub.f32 v2, v57;
	v7 =	vmul.f32 v13, v47;
	v0 =	vmul.f32 v0, v46  }
0x1c3: {  	v5 =	vsub.f32 v5, v56;
	v1 =	vmul.f32 v1, v45;
	v3 =	vmul.f32 v3, v44  }
0x1c4: {  	v6 =	vmul.f32 v6, v12;
	v2 =	vmul.f32 v2, v37;
	v0 =	vsub.f32 v0, v55  }
0x1c5: {  	v8 =	vmul.f32 v8, v9;
	v5 =	vmul.f32 v5, v37;
	v1 =	vsub.f32 v1, v54  }
0x1c6: {  	v3 =	vsub.f32 v3, v48;
	v2 =	vadd.f32 v2, v36;
	v0 =	vmul.f32 v0, v37  }
0x1c7: {  	v6 =	vsub.f32 v6, v49;
	v5 =	vadd.f32 v5, v36;
	v1 =	vmul.f32 v1, v37  }
0x1c8: {  	v7 =	vsub.f32 v7, v10;
	[tilespmem:s14+$0xD800] =	vst v2;
	v2 =	vmul.f32 v3, v37;
	v0 =	vadd.f32 v0, v36  }
0x1c9: {  	p0 =	seq.s32 s6, $0x7;
	v3 =	vmul.f32 v6, v37;
	[tilespmem:s14+$0xD880] =	vst v5;
	v1 =	vadd.f32 v1, v36;
	v5 =	vsub.f32 v8, v11  }
0x1ca: {  	s12 =	smul.u32 $0x180000, s12;
	s0 =	sshrl.u32 s13, $0x3;
	s3 =	sadd.s32 @!p0 $0x2, s4;
	v6 =	vmul.f32 v7, v37;
	[tilespmem:s14+$0xD980] =	vst v0;
	v0 =	vadd.f32 v2, v36  }
0x1cb: {  	s0 =	smul.u32 $0x1800, s0;
	s5 =	sshll.u32 @!p0 s3, $0x4;
	[tilespmem:s14+$0xDA00] =	vst v1;
	v1 =	vadd.f32 v3, v36;
	v2 =	vmul.f32 v5, v37  }
0x1cc: {  	s5 =	sand.u32 @!p0 $0x20, s5;
	v3 =	vadd.f32 v6, v36;
	[tilespmem:s14+$0xDA80] =	vst v0  }
0x1cd: {  	s0 =	sadd.s32 s12, s0;
	s13 =	sor.u32 @!p0 s7, s5;
	[tilespmem:s14+$0xDB00] =	vst v1;
	v0 =	vadd.f32 v2, v36  }
0x1ce: {  	s0 =	sshrl.u32 s0, $0x3;
	s13 =	sshrl.u32 @!p0 s13, $0x3;
	[tilespmem:s14+$0xD900] =	vst v3  }
0x1cf: {  	s0 =	sadd.s32 s8, s0;
	s13 =	smul.u32 @!p0 $0x300, s13;
	[tilespmem:s14+$0xDB80] =	vst v0  }
0x1d0: {  	[hbm4b:s0+s9] =	stream.linear.scatter [tilespmem:s28], [sflag:$0x5], $0x3000, $0x38;
	[tilespmem:$0x14000] =	vst v63  }
0x1d1: {  	s0 =	sadd.s32 @!p0 s2, s13;
	s13 =	simm.s32 @!p0 $0x0  }
0x1d2: {  	[tilespmem:s13], [sflag:$0x1] =	stream.linear.gather @!p0 [hbm4b:s0+s13], $0x3000, $0x38;
	[tilespmem:$0x14000] =	vst v63  }
0x1d3: {  	s0 =	sshll.u32 @!p0 s3, $0x5  }
0x1d4: {  	s0 =	sand.u32 @!p0 $0x380, s0  }
0x1d5: {  	s0 =	sor.u32 @!p0 s5, s0  }
0x1d6: {  	v0 =	vld @!p0 [tilespmem:s0+$0x12000];
	_ =	sdelay $0x4  }
0x1d7: {  	v1 =	vshrl.u32 @!p0 v0, $0x3  }
0x1d8: {  	v1 =	vmul.u32 @!p0 $0x30, v1  }
0x1d9: {  	v2 =	vlaneseq.u32 @!p0;
	v0 =	vand.u32 @!p0 $0x7, v0  }
0x1da: {  	v3 =	vshrl.u32 @!p0 v2, $0x3;
	v0 =	vor.u32 @!p0 v0, v1;
	v1 =	vand.u32 @!p0 $0x7, v2  }
0x1db: {  	v3 =	vmul.u32 @!p0 $0x8, v3;
	v1 =	vperm.xlane @!p0 v0, v1;
	_ =	sdelay $0x1  }
0x1dc: {  	v1 =	vadd.s32 @!p0 v3, v1;
	_ =	sdelay $0x2  }
0x1dd: {  	v2 =	vor.u32 @!p0 $0x8, v2  }
0x1de: {  	vm1 =	vmmov @!p0 $0xffff;
	s0 =	simm.s32 @!p0 $0x6000;
	v0 =	vperm.xlane @!p0 v0, v2  }
0x1df: {  	[tilespmem:s0], [sflag:$0x3] =	stream.indirect_vreg.gather @!p0 [hbm4b:s1+s13], $0x80, v1, vm1, $0xb8;
	[tilespmem:$0x14000] =	vst v63  }
0x1e0: {  	v0 =	vadd.s32 @!p0 v3, v0;
	s0 =	simm.s32 @!p0 $0x6800  }
0x1e1: {  	[tilespmem:s0], [sflag:$0x3] =	stream.indirect_vreg.gather @!p0 [hbm4b:s19+s13], $0x80, v1, vm1, $0xb8;
	[tilespmem:$0x14000] =	vst v63  }
0x1e2: {  	s0 =	simm.s32 @!p0 $0x7000  }
0x1e3: {  	[tilespmem:s0], [sflag:$0x3] =	stream.indirect_vreg.gather @!p0 [hbm4b:s20+s13], $0x80, v1, vm1, $0xb8;
	[tilespmem:$0x14000] =	vst v63  }
0x1e4: {  	s0 =	simm.s32 @!p0 $0x7800  }
0x1e5: {  	[tilespmem:s0], [sflag:$0x3] =	stream.indirect_vreg.gather @!p0 [hbm4b:s1+s13], $0x80, v0, vm1, $0xb8;
	[tilespmem:$0x14000] =	vst v63  }
0x1e6: {  	s0 =	simm.s32 @!p0 $0x8000  }
0x1e7: {  	[tilespmem:s0], [sflag:$0x3] =	stream.indirect_vreg.gather @!p0 [hbm4b:s19+s13], $0x80, v0, vm1, $0xb8;
	[tilespmem:$0x14000] =	vst v63  }
0x1e8: {  	s0 =	simm.s32 @!p0 $0x8800  }
0x1e9: {  	[tilespmem:s0], [sflag:$0x3] =	stream.indirect_vreg.gather @!p0 [hbm4b:s20+s13], $0x80, v0, vm1, $0xb8;
	[tilespmem:$0x14000] =	vst v63  }
0x1ea: {  	_ =	swait.ge [sflag:s29], $0x3000  }
0x1eb: {  	[sflag:s29] =	ssyncset.done $0x0  }
0x1ec: {  	[sflag:s29] =	ssyncadd.s32 $0xFFFFD000  }
0x1ed: {  	_ =	swait.ge [sflag:s30], $0x3000  }
0x1ee: {  	[sflag:s30] =	ssyncset.done $0x0  }
0x1ef: {  	s0 =	simm.s32 @!p1 $0x6;
	[sflag:s30] =	ssyncadd.s32 $0xFFFFD000  }
0x1f0: {  	s10 =	sor.u32 $0x10, s10;
	s13 =	simm.s32 $0x0;
	_ =	swait.ge @!p1 [sflag:s0], $0x3000  }
0x1f1: {  	s16 =	sadd.s32 s10, s11;
	s17 =	sand.u32 $0x7FFFFC00, s13;
	[sflag:s0] =	ssyncset.done @!p1 $0x0  }
0x1f2: {  	s18 =	sand.u32 $0x70, s13;
	s21 =	sshrl.u32 s17, $0x2;
	[sflag:s0] =	ssyncadd.s32 @!p1 $0xFFFFD000  }
0x1f3: {  	s5 =	sor.u32 s18, s21;
	v0 =	vld [tilespmem:s16+$0x0]  }
0x1f4: {  	s22 =	sadd.s32 $0x12A00, s5;
	v10 =	vld [tilespmem:s5+$0x12A00]  }
0x1f5: {  	s11 =	sor.u32 s18, s17;
	v5 =	vld [tilespmem:s22+$0x80]  }
0x1f6: {  	v8 =	vld [tilespmem:s11+$0x9180]  }
0x1f7: {  	v11 =	vld [tilespmem:s11+$0x3300]  }
0x1f8: {  	v12 =	vld [tilespmem:s11+$0x9000]  }
0x1f9: {  	v13 =	vld [tilespmem:s11+$0x9300]  }
0x1fa: {  	v18 =	vld [tilespmem:s11+$0x3100];
	v48 =	vcvt.s32.f32 v0  }
0x1fb: {  	v42 =	vimm.f32 $0.0e+00;
	v41 =	vimm.f32 $0.0e+00;
	v20 =	vld [tilespmem:s11+$0x3180]  }
0x1fc: {  	v40 =	vimm.f32 $0.0e+00;
	v43 =	vimm.f32 $0.0e+00;
	v22 =	vld [tilespmem:s11+$0x9100];
	v0 =	vbroadcast v48, $0x0  }
0x1fd: {  	v45 =	vimm.f32 $0.0e+00;
	v19 =	vld [tilespmem:s11+$0x3000];
	v1 =	vbroadcast v48, $0x1;
	v2 =	vbroadcast v48, $0x2  }
0x1fe: {  	v17 =	vsub.f32 v5, v10;
	v3 =	vbroadcast v48, $0x3;
	v5 =	vbroadcast v48, $0x5  }
0x1ff: {  	v11 =	vadd.f32 v11, v13;
	v6 =	vbroadcast v48, $0x6;
	v7 =	vbroadcast v48, $0x7  }
0x200: {  	v20 =	vadd.f32 v20, v8;
	v9 =	vmul.f32 v17, v2;
	v14 =	vmul.f32 v17, v5  }
0x201: {  	v26 =	vld [tilespmem:s11+$0x9280];
	v22 =	vadd.f32 v18, v22;
	v15 =	vmul.f32 v17, v1;
	v21 =	vmul.f32 v17, v3  }
0x202: {  	v60 =	vld [tilespmem:s11+$0x9080];
	v12 =	vadd.f32 v19, v12;
	v24 =	vmul.f32 v17, v6;
	v61 =	vmul.f32 v17, v0  }
0x203: {  	v62 =	vld [tilespmem:s11+$0x3080];
	v23 =	vadd.f32 v9, v10;
	v25 =	vadd.f32 v14, v10;
	v14 =	vmul.f32 v17, v7  }
0x204: {  	v59 =	vld [tilespmem:s11+$0x3280];
	v16 =	vadd.f32 v15, v10;
	v9 =	vbroadcast v48, $0x4;
	v13 =	vadd.f32 v24, v10  }
0x205: {  	v46 =	vimm.f32 $0.0e+00;
	v21 =	vadd.f32 v21, v10;
	v15 =	vadd.f32 v14, v10  }
0x206: {  	v39 =	vld [tilespmem:s11+$0x9200];
	v14 =	vadd.f32 v11, v13;
	v13 =	vadd.f32 v61, v10;
	v17 =	vmul.f32 v17, v9  }
0x207: {  	v44 =	vimm.f32 $0.0e+00;
	v11 =	vld [tilespmem:s11+$0x3200];
	v21 =	vadd.f32 v20, v21;
	v63 =	vadd.f32 v22, v23  }
0x208: {  	v8 =	vimm.f32 $0.0e+00;
	v23 =	vadd.f32 v62, v60;
	v10 =	vadd.f32 v17, v10  }
0x209: {  	v18 =	vmul.f32 v14, v14;
	v17 =	vadd.f32 v59, v26;
	v19 =	vadd.f32 v13, v12  }
0x20a: {  	v38 =	vadd.f32 v21, v8;
	[tilespmem:s11+$0x9300] =	vst v14;
	v22 =	vmul.f32 v63, v63;
	v12 =	vimm.f32 $0.0e+00  }
0x20b: {  	[tilespmem:s11+$0x9180] =	vst v21;
	v13 =	vadd.f32 v17, v25;
	v36 =	vadd.f32 v18, v8;
	v18 =	vmul.f32 v21, v21  }
0x20c: {  	[tilespmem:s11+$0x9100] =	vst v63;
	v20 =	vmul.f32 v19, v19;
	v11 =	vadd.f32 v11, v39;
	v39 =	vadd.f32 v63, v8  }
0x20d: {  	s6 =	sadd.s32 $0x1, s6;
	v37 =	vadd.f32 v13, v8;
	v17 =	vmul.f32 v13, v13;
	[tilespmem:s11+$0x9280] =	vst v13;
	v13 =	vimm.f32 $0.0e+00  }
0x20e: {  	s15 =	simm.s32 $0x80;
	s10 =	sor.u32 s7, s10;
	s14 =	sor.u32 s13, s13;
	[tilespmem:s11+$0x9000] =	vst v19;
	v21 =	vadd.f32 v11, v10;
	v10 =	vimm.f32 $0.0e+00;
	v11 =	vimm.f32 $0.0e+00  }
.LBB2_9:
0x20f: {  	p1 =	sne.s32 s15, $0x1780  }
0x210: {  	v8 =	vadd.f32 v19, v8;
	v45 =	vadd.f32 v20, v45;
	s13 =	sadd.s32 $0x10, s13;
	s0 =	smov.u32 s15;
	s15 =	sadd.s32 $0x80, s15  }
0x211: {  	v16 =	vadd.f32 v23, v16;
	s3 =	sor.u32 s0, s13;
	v46 =	vadd.f32 v22, v46;
	[tilespmem:s11+$0x9200] =	vst v21;
	v19 =	vmul.f32 v21, v21  }
0x212: {  	v42 =	vadd.f32 v18, v42;
	v44 =	vadd.f32 v21, v44  }
0x213: {  	s5 =	sor.u32 $0x380, s14;
	v12 =	vadd.f32 v16, v12;
	s14 =	smov.u32 s3;
	[tilespmem:s11+$0x9080] =	vst v16;
	v16 =	vmul.f32 v16, v16;
	v41 =	vadd.f32 v19, v41  }
0x214: {  	v13 =	vadd.f32 v14, v13;
	v14 =	vld [tilespmem:s5+$0x9000]  }
0x215: {  	v40 =	vadd.f32 v16, v40;
	v16 =	vld [tilespmem:s5+$0x3000];
	_ =	sdelay $0x3  }
0x216: {  	s0 =	sand.u32 $0x7FFFFC00, s0  }
0x217: {  	s3 =	sand.u32 $0x70, s13;
	s11 =	sshrl.u32 s0, $0x2;
	v14 =	vadd.f32 v16, v14  }
0x218: {  	s11 =	sor.u32 s3, s11  }
0x219: {  	s16 =	sadd.s32 $0x12A00, s11;
	v14 =	vadd.f32 v14, v15  }
0x21a: {  	v43 =	vadd.f32 v17, v43  }
0x21b: {  	[tilespmem:s5+$0x9000] =	vst v14;
	v10 =	vadd.f32 v14, v10;
	v14 =	vmul.f32 v14, v14  }
0x21c: {  	v17 =	vld [tilespmem:s11+$0x12A00]  }
0x21d: {  	s11 =	sor.u32 s3, s0;
	v15 =	vld [tilespmem:s16+$0x80];
	v11 =	vadd.f32 v14, v11  }
0x21e: {  	v14 =	vld [tilespmem:s11+$0x9180]  }
0x21f: {  	v18 =	vld [tilespmem:s11+$0x3300]  }
0x220: {  	v19 =	vld [tilespmem:s11+$0x9000]  }
0x221: {  	v20 =	vld [tilespmem:s11+$0x9300]  }
0x222: {  	v21 =	vsub.f32 v15, v17;
	v22 =	vld [tilespmem:s11+$0x3100]  }
0x223: {  	v23 =	vld [tilespmem:s11+$0x9080]  }
0x224: {  	v24 =	vld [tilespmem:s11+$0x3000];
	v15 =	vmul.f32 v21, v2;
	v16 =	vmul.f32 v21, v5  }
0x225: {  	v25 =	vmul.f32 v21, v1;
	v47 =	vmul.f32 v21, v3;
	v26 =	vld [tilespmem:s11+$0x3180]  }
0x226: {  	v49 =	vld [tilespmem:s11+$0x9100];
	v50 =	vadd.f32 v15, v17;
	v51 =	vadd.f32 v16, v17;
	v15 =	vmul.f32 v21, v6  }
0x227: {  	v52 =	vmul.f32 v21, v7;
	v16 =	vadd.f32 v25, v17;
	v25 =	vadd.f32 v47, v17;
	v47 =	vld [tilespmem:s11+$0x9280]  }
0x228: {  	v18 =	vadd.f32 v18, v20;
	v53 =	vld [tilespmem:s11+$0x3280];
	v20 =	vadd.f32 v15, v17  }
0x229: {  	v54 =	vmul.f32 v21, v0;
	v15 =	vadd.f32 v52, v17;
	v55 =	vld [tilespmem:s11+$0x9200]  }
0x22a: {  	v26 =	vadd.f32 v26, v14;
	v52 =	vld [tilespmem:s11+$0x3200];
	v14 =	vadd.f32 v18, v20  }
0x22b: {  	v18 =	vadd.f32 v54, v17;
	v20 =	vmul.f32 v21, v9;
	v54 =	vld [tilespmem:s11+$0x3080];
	v22 =	vadd.f32 v22, v49  }
0x22c: {  	v19 =	vadd.f32 v24, v19;
	v21 =	vadd.f32 v26, v25;
	[tilespmem:s11+$0x9300] =	vst v14;
	v24 =	vmul.f32 v14, v14  }
0x22d: {  	v25 =	vadd.f32 v20, v17;
	v17 =	vadd.f32 v53, v47  }
.Ltmp3:
0x22e: {  	v19 =	vadd.f32 v18, v19;
	[tilespmem:s11+$0x9180] =	vst v21;
	v38 =	vadd.f32 v21, v38;
	v18 =	vmul.f32 v21, v21;
	(pc) =	sbr.rel @p1 .LBB2_9-.Ltmp3, $4  }
0x22f: {  	v36 =	vadd.f32 v24, v36;
	v17 =	vadd.f32 v17, v51  }
0x230: {  	v20 =	vmul.f32 v19, v19;
	v21 =	vadd.f32 v22, v50;
	v24 =	vadd.f32 v52, v55;
	[tilespmem:s11+$0x9000] =	vst v19  }
0x231: {  	v23 =	vadd.f32 v54, v23;
	[tilespmem:s11+$0x9280] =	vst v17;
	v37 =	vadd.f32 v17, v37;
	v17 =	vmul.f32 v17, v17  }
0x232: {  	v39 =	vadd.f32 v21, v39;
	v22 =	vmul.f32 v21, v21;
	[tilespmem:s11+$0x9100] =	vst v21;
	v21 =	vadd.f32 v24, v25  }
0x233: {  	v0 =	vadd.f32 v23, v16  }
0x234: {  	[tilespmem:s11+$0x9200] =	vst v21  }
0x235: {  	s0 =	sor.u32 $0x380, s14;
	[tilespmem:s11+$0x9080] =	vst v0  }
0x236: {  	v1 =	vld [tilespmem:s0+$0x9000]  }
0x237: {  	v2 =	vld [tilespmem:s0+$0x3000];
	_ =	sdelay $0x4  }
0x238: {  	v1 =	vadd.f32 v2, v1;
	_ =	sdelay $0x1  }
0x239: {  	s3 =	simm.s32 $0x0;
	v1 =	vadd.f32 v1, v15  }
0x23a: {  	s5 =	sand.u32 $0x7FFFFC00, s3;
	s3 =	sand.u32 $0x70, s3  }
0x23b: {  	s11 =	sor.u32 s3, s5;
	[tilespmem:s0+$0x9000] =	vst v1  }
0x23c: {  	v2 =	vld [tilespmem:s11+$0x4B80]  }
0x23d: {  	v5 =	vld [tilespmem:s11+$0x4A80]  }
0x23e: {  	v7 =	vld [tilespmem:s11+$0x4880]  }
0x23f: {  	v15 =	vld [tilespmem:s11+$0x4800]  }
0x240: {  	v51 =	vadd.f32 v19, v8;
	v50 =	vadd.f32 v20, v45;
	v16 =	vld [tilespmem:s11+$0xA880]  }
0x241: {  	v43 =	vadd.f32 v17, v43;
	v9 =	vbroadcast v48, $0x8;
	v8 =	vbroadcast v48, $0xA;
	v23 =	vld [tilespmem:s11+$0xAB80]  }
0x242: {  	v62 =	vimm.f32 $0.0e+00;
	v47 =	vadd.f32 v22, v46;
	v46 =	vadd.f32 v18, v42;
	s17 =	sshrl.u32 s5, $0x2;
	v18 =	vld [tilespmem:s11+$0xA800]  }
0x243: {  	v49 =	vimm.f32 $0.0e+00;
	v60 =	vimm.f32 $0.0e+00;
	v56 =	vimm.f32 $0.0e+00;
	s0 =	sor.u32 s3, s17;
	v20 =	vld [tilespmem:s11+$0xAA80]  }
0x244: {  	v6 =	vmul.f32 v0, v0;
	v52 =	vadd.f32 v0, v12;
	v0 =	vadd.f32 v14, v13;
	v13 =	vld [tilespmem:s0+$0x12A00]  }
0x245: {  	v58 =	vimm.f32 $0.0e+00;
	v59 =	vimm.f32 $0.0e+00;
	v3 =	vmul.f32 v21, v21;
	s3 =	sadd.s32 $0x12A00, s0;
	v14 =	vld [tilespmem:s11+$0x4B00]  }
0x246: {  	v57 =	vimm.f32 $0.0e+00;
	v61 =	vimm.f32 $0.0e+00;
	v44 =	vadd.f32 v21, v44;
	v21 =	vld [tilespmem:s3+$0x80]  }
0x247: {  	v54 =	vimm.f32 $0.0e+00;
	v45 =	vadd.f32 v3, v41;
	[tilespmem:$0x1FD90] =	vst v0;
	v0 =	vmul.f32 v1, v1;
	v17 =	vld [tilespmem:s11+$0x4A00]  }
0x248: {  	v63 =	vimm.f32 $0.0e+00;
	v53 =	vadd.f32 v6, v40;
	v1 =	vadd.f32 v1, v10;
	v24 =	vld [tilespmem:s11+$0xA980]  }
0x249: {  	v12 =	vbroadcast v48, $0xF;
	v25 =	vld [tilespmem:s11+$0xA900];
	v0 =	vadd.f32 v0, v11;
	v19 =	vadd.f32 v15, v18  }
0x24a: {  	s18 =	simm.s32 $0x80;
	v3 =	vbroadcast v48, $0xB;
	v22 =	vadd.f32 v7, v16;
	v18 =	vadd.f32 v5, v20;
	v16 =	vld [tilespmem:s11+$0x4980]  }
0x24b: {  	s16 =	simm.s32 $0x10;
	s21 =	sand.u32 $0x7FFFFC00, s18;
	v6 =	vbroadcast v48, $0xC;
	v20 =	vsub.f32 v21, v13;
	v21 =	vadd.f32 v2, v23;
	v23 =	vld [tilespmem:s11+$0xAA00]  }
0x24c: {  	v55 =	vimm.f32 $0.0e+00;
	s22 =	sand.u32 $0x70, s16;
	v10 =	vbroadcast v48, $0x9;
	s0 =	sshrl.u32 s21, $0x2;
	[tilespmem:$0x1FDA0] =	vst v1;
	v11 =	vbroadcast v48, $0xE;
	v15 =	vld [tilespmem:s11+$0x4900]  }
0x24d: {  	v26 =	vld [tilespmem:s11+$0xAB00];
	s14 =	sor.u32 s22, s0;
	v1 =	vimm.f32 $0.0e+00;
	[tilespmem:$0x1FDB0] =	vst v0;
	v0 =	vbroadcast v48, $0xD;
	v48 =	vimm.f32 $0.0e+00  }
0x24e: {  	s13 =	sor.u32 s22, s21;
	s0 =	simm.s32 $0x100;
	s15 =	sadd.s32 $0x12A00, s14;
	v5 =	vimm.f32 $0.0e+00;
	v7 =	vimm.f32 $0.0e+00;
	v2 =	vimm.f32 $0.0e+00  }
.LBB2_11:
0x24f: {  	s3 =	sand.u32 $0x7FFFFC00, s0  }
0x250: {  	s16 =	sadd.s32 $0x10, s16;
	v24 =	vadd.f32 v16, v24;
	v23 =	vadd.f32 v17, v23;
	s5 =	smov.u32 s0;
	s17 =	sadd.s32 $0x80, s0  }
0x251: {  	p1 =	sne.s32 s0, $0x1780;
	s5 =	sand.u32 $0x70, s16;
	s18 =	sshrl.u32 s3, $0x2;
	v16 =	vmul.f32 v20, v9;
	v17 =	vmul.f32 v20, v10;
	v25 =	vadd.f32 v15, v25  }
0x252: {  	v27 =	vmul.f32 v20, v11;
	v28 =	vmul.f32 v20, v12;
	s18 =	sor.u32 s5, s18;
	s0 =	sor.u32 s5, s3;
	v26 =	vadd.f32 v14, v26;
	v14 =	vld [tilespmem:s13+$0x4B00]  }
0x253: {  	v31 =	vmul.f32 v20, v8;
	s5 =	sadd.s32 $0x12A00, s18;
	v15 =	vld [tilespmem:s13+$0x4900];
	v29 =	vadd.f32 v16, v13;
	v30 =	vadd.f32 v17, v13  }
0x254: {  	v32 =	vmul.f32 v20, v3;
	v27 =	vadd.f32 v27, v13;
	v28 =	vadd.f32 v28, v13;
	v17 =	vld [tilespmem:s13+$0x4A00]  }
0x255: {  	v16 =	vld [tilespmem:s13+$0x4980];
	v19 =	vadd.f32 v29, v19;
	v22 =	vadd.f32 v22, v30;
	v29 =	vmul.f32 v20, v6  }
0x256: {  	v32 =	vadd.f32 v32, v13;
	v20 =	vmul.f32 v20, v0;
	v26 =	vadd.f32 v26, v27;
	v30 =	vld [tilespmem:s13+$0x4B80]  }
0x257: {  	v31 =	vadd.f32 v31, v13;
	v27 =	vld [tilespmem:s13+$0x4A80];
	[tilespmem:s11+$0xA800] =	vst v19;
	v33 =	vmul.f32 v19, v19;
	v29 =	vadd.f32 v29, v13  }
0x258: {  	v21 =	vadd.f32 v21, v28;
	v62 =	vadd.f32 v19, v62;
	v19 =	vmul.f32 v26, v26;
	v34 =	vld [tilespmem:s13+$0x4880];
	[tilespmem:s11+$0xA880] =	vst v22  }
0x259: {  	v25 =	vadd.f32 v25, v31;
	v35 =	vmul.f32 v22, v22;
	v13 =	vadd.f32 v20, v13;
	v28 =	vld [tilespmem:s13+$0x4800];
	[tilespmem:s11+$0xAB00] =	vst v26  }
0x25a: {  	v31 =	vmul.f32 v21, v21;
	v29 =	vadd.f32 v23, v29;
	v48 =	vadd.f32 v19, v48;
	v20 =	vld [tilespmem:s13+$0xA880];
	[tilespmem:s11+$0xAB80] =	vst v21  }
0x25b: {  	v41 =	vmul.f32 v25, v25;
	v49 =	vadd.f32 v26, v49;
	v13 =	vadd.f32 v18, v13;
	v40 =	vld [tilespmem:s13+$0xAB80];
	[tilespmem:s11+$0xA900] =	vst v25  }
0x25c: {  	v32 =	vadd.f32 v24, v32;
	v60 =	vadd.f32 v25, v60;
	v19 =	vmul.f32 v29, v29;
	v18 =	vld [tilespmem:s13+$0xA800];
	[tilespmem:s11+$0xAA00] =	vst v29  }
0x25d: {  	v5 =	vadd.f32 v33, v5;
	v56 =	vadd.f32 v13, v56;
	v24 =	vmul.f32 v13, v13;
	v23 =	vld [tilespmem:s13+$0xAA00];
	[tilespmem:s11+$0xAA80] =	vst v13  }
0x25e: {  	v2 =	vadd.f32 v22, v2;
	v22 =	vmul.f32 v32, v32;
	v58 =	vadd.f32 v19, v58;
	v33 =	vld [tilespmem:s13+$0xAA80];
	[tilespmem:s11+$0xA980] =	vst v32;
	s11 =	smov.u32 s13;
	s13 =	smov.u32 s0  }
0x25f: {  	v59 =	vadd.f32 v29, v59;
	v57 =	vadd.f32 v24, v57;
	v13 =	vld [tilespmem:s14+$0x12A00];
	s14 =	smov.u32 s18  }
0x260: {  	v7 =	vadd.f32 v35, v7;
	v61 =	vadd.f32 v22, v61;
	v29 =	vld [tilespmem:s15+$0x80];
	s15 =	smov.u32 s5  }
.Ltmp4:
0x261: {  	v1 =	vadd.f32 v41, v1;
	v19 =	vadd.f32 v28, v18;
	v24 =	vld [tilespmem:s11+$0xA980];
	(pc) =	sbr.rel @p1 .LBB2_11-.Ltmp4, $4  }
0x262: {  	v54 =	vadd.f32 v31, v54;
	v22 =	vadd.f32 v34, v20;
	v25 =	vld [tilespmem:s11+$0xA900]  }
0x263: {  	v63 =	vadd.f32 v32, v63;
	v55 =	vadd.f32 v21, v55;
	v26 =	vld [tilespmem:s11+$0xAB00]  }
0x264: {  	v18 =	vadd.f32 v27, v33  }
0x265: {  	s0 =	smov.u32 s17;
	v21 =	vadd.f32 v30, v40;
	v20 =	vsub.f32 v29, v13  }
0x266: {  	_ = 	snop  }
0x267: {  	v27 =	vmul.f32 v20, v9;
	_ =	sdelay $0x1  }
0x268: {  	v30 =	vmul.f32 v20, v10;
	v27 =	vadd.f32 v27, v13;
	_ =	sdelay $0x1  }
0x269: {  	v27 =	vadd.f32 v27, v19;
	v19 =	vadd.f32 v30, v13;
	v30 =	vmul.f32 v20, v11  }
0x26a: {  	v14 =	vadd.f32 v14, v26  }
0x26b: {  	v22 =	vadd.f32 v22, v19;
	v19 =	vadd.f32 v30, v13;
	v30 =	vmul.f32 v20, v12  }
0x26c: {  	v28 =	vld [tilespmem:s13+$0x4B00]  }
0x26d: {  	v29 =	vld [tilespmem:s13+$0x4900];
	v19 =	vadd.f32 v14, v19;
	v14 =	vadd.f32 v30, v13;
	v30 =	vmul.f32 v20, v8  }
0x26e: {  	v31 =	vld [tilespmem:s13+$0x4A00];
	v15 =	vadd.f32 v15, v25  }
0x26f: {  	v32 =	vld [tilespmem:s13+$0x4980];
	v14 =	vadd.f32 v21, v14;
	v21 =	vadd.f32 v30, v13;
	v30 =	vmul.f32 v20, v6  }
0x270: {  	v33 =	vld [tilespmem:s13+$0x4B80];
	v17 =	vadd.f32 v17, v23  }
0x271: {  	v26 =	vld [tilespmem:s13+$0x4A80];
	[tilespmem:s11+$0xA800] =	vst v27;
	v15 =	vadd.f32 v15, v21;
	v21 =	vadd.f32 v30, v13;
	v30 =	vmul.f32 v20, v0  }
0x272: {  	v34 =	vld [tilespmem:s13+$0x4880];
	[tilespmem:s11+$0xA880] =	vst v22;
	v20 =	vmul.f32 v20, v3  }
0x273: {  	v25 =	vld [tilespmem:s13+$0x4800];
	[tilespmem:s11+$0xAB00] =	vst v19;
	v17 =	vadd.f32 v17, v21;
	v21 =	vadd.f32 v30, v13  }
0x274: {  	v16 =	vadd.f32 v16, v24;
	v23 =	vld [tilespmem:s13+$0xA880];
	[tilespmem:s11+$0xAB80] =	vst v14;
	v13 =	vadd.f32 v20, v13  }
0x275: {  	v35 =	vld [tilespmem:s13+$0xAB80];
	[tilespmem:s11+$0xA900] =	vst v15;
	v18 =	vadd.f32 v18, v21  }
0x276: {  	v24 =	vld [tilespmem:s13+$0xA800];
	[tilespmem:s11+$0xAA00] =	vst v17;
	v13 =	vadd.f32 v16, v13  }
0x277: {  	v20 =	vld [tilespmem:s13+$0xAA00];
	[tilespmem:s11+$0xAA80] =	vst v18  }
0x278: {  	v16 =	vld [tilespmem:s13+$0xAA80];
	[tilespmem:s11+$0xA980] =	vst v13  }
0x279: {  	v21 =	vld [tilespmem:s14+$0x12A00]  }
0x27a: {  	v30 =	vld [tilespmem:s15+$0x80];
	_ =	sdelay $0x1  }
0x27b: {  	v41 =	vld [tilespmem:s13+$0xA900]  }
0x27c: {  	v42 =	vld [tilespmem:s13+$0xAB00]  }
0x27d: {  	v23 =	vadd.f32 v34, v23  }
0x27e: {  	v24 =	vadd.f32 v25, v24;
	v30 =	vsub.f32 v30, v21  }
0x27f: {  	v25 =	vadd.f32 v33, v35;
	v20 =	vadd.f32 v31, v20  }
0x280: {  	v16 =	vadd.f32 v26, v16;
	v29 =	vadd.f32 v29, v41;
	v9 =	vmul.f32 v30, v9  }
0x281: {  	v28 =	vadd.f32 v28, v42;
	v10 =	vmul.f32 v30, v10;
	v11 =	vmul.f32 v30, v11  }
0x282: {  	v12 =	vmul.f32 v30, v12;
	v8 =	vmul.f32 v30, v8;
	v9 =	vadd.f32 v9, v21  }
0x283: {  	v6 =	vmul.f32 v30, v6;
	v10 =	vadd.f32 v10, v21;
	v11 =	vadd.f32 v11, v21  }
0x284: {  	v0 =	vmul.f32 v30, v0;
	v12 =	vadd.f32 v12, v21;
	v8 =	vadd.f32 v8, v21  }
0x285: {  	v40 =	vld [tilespmem:s13+$0xA980];
	v6 =	vadd.f32 v6, v21;
	v9 =	vadd.f32 v9, v24  }
0x286: {  	v0 =	vadd.f32 v0, v21;
	v10 =	vadd.f32 v23, v10  }
0x287: {  	v11 =	vadd.f32 v28, v11;
	v12 =	vadd.f32 v25, v12;
	[tilespmem:s13+$0xA800] =	vst v9  }
0x288: {  	v3 =	vmul.f32 v30, v3;
	v8 =	vadd.f32 v29, v8;
	v6 =	vadd.f32 v20, v6;
	[tilespmem:s13+$0xA880] =	vst v10  }
0x289: {  	v0 =	vadd.f32 v16, v0;
	v16 =	vadd.f32 v27, v62;
	v20 =	vmul.f32 v27, v27;
	[tilespmem:s13+$0xAB00] =	vst v11  }
0x28a: {  	v26 =	vadd.f32 v32, v40;
	v3 =	vadd.f32 v3, v21;
	[tilespmem:s13+$0xAB80] =	vst v12  }
0x28b: {  	[tilespmem:s13+$0xA900] =	vst v8;
	v5 =	vadd.f32 v20, v5;
	v16 =	vadd.f32 v9, v16;
	v9 =	vmul.f32 v9, v9  }
0x28c: {  	v3 =	vadd.f32 v26, v3;
	[tilespmem:s13+$0xAA00] =	vst v6  }
0x28d: {  	v2 =	vadd.f32 v22, v2;
	[tilespmem:s13+$0xAA80] =	vst v0;
	v5 =	vadd.f32 v9, v5;
	v9 =	vmul.f32 v22, v22  }
0x28e: {  	[tilespmem:s13+$0xA980] =	vst v3  }
0x28f: {  	v2 =	vadd.f32 v10, v2;
	v7 =	vadd.f32 v9, v7;
	[tilespmem:$0x13C00] =	vst v5;
	v5 =	vmul.f32 v10, v10;
	_ =	sdelay $0x1  }
0x290: {  	[tilespmem:$0x13480] =	vst v2;
	v2 =	vadd.f32 v15, v60;
	v5 =	vadd.f32 v5, v7;
	v7 =	vmul.f32 v15, v15  }
0x291: {  	[tilespmem:$0x13000] =	vst v51  }
0x292: {  	v2 =	vadd.f32 v8, v2;
	v1 =	vadd.f32 v7, v1;
	[tilespmem:$0x13C80] =	vst v5;
	v5 =	vmul.f32 v8, v8  }
0x293: {  	[tilespmem:$0x13800] =	vst v50  }
0x294: {  	[tilespmem:$0x13500] =	vst v2;
	v2 =	vadd.f32 v13, v63;
	v1 =	vadd.f32 v5, v1;
	v5 =	vmul.f32 v13, v13  }
0x295: {  	[tilespmem:$0x13080] =	vst v52  }
0x296: {  	v5 =	vadd.f32 v5, v61;
	[tilespmem:$0x13D00] =	vst v1;
	v1 =	vadd.f32 v3, v2;
	v2 =	vmul.f32 v3, v3  }
0x297: {  	[tilespmem:$0x13880] =	vst v53  }
0x298: {  	v3 =	vmul.f32 v17, v17;
	v2 =	vadd.f32 v2, v5;
	[tilespmem:$0x13580] =	vst v1;
	v1 =	vadd.f32 v17, v59  }
0x299: {  	[tilespmem:$0x13100] =	vst v39  }
0x29a: {  	v3 =	vadd.f32 v3, v58;
	[tilespmem:$0x13D80] =	vst v2;
	v1 =	vadd.f32 v6, v1;
	v2 =	vmul.f32 v6, v6  }
0x29b: {  	[tilespmem:$0x13900] =	vst v47  }
0x29c: {  	v2 =	vadd.f32 v2, v3;
	[tilespmem:$0x13600] =	vst v1;
	v1 =	vadd.f32 v18, v56;
	v3 =	vmul.f32 v18, v18  }
0x29d: {  	[tilespmem:$0x13180] =	vst v38  }
0x29e: {  	[tilespmem:$0x13980] =	vst v46;
	v3 =	vadd.f32 v3, v57;
	v1 =	vadd.f32 v0, v1;
	v0 =	vmul.f32 v0, v0  }
0x29f: {  	[tilespmem:$0x13200] =	vst v44  }
0x2a0: {  	v0 =	vadd.f32 v0, v3;
	[tilespmem:$0x13680] =	vst v1;
	v1 =	vadd.f32 v19, v49  }
0x2a1: {  	[tilespmem:$0x13E00] =	vst v2;
	v2 =	vmul.f32 v19, v19;
	v3 =	vld [tilespmem:$0x1FD90]  }
0x2a2: {  	[tilespmem:$0x13E80] =	vst v0;
	v0 =	vadd.f32 v11, v1  }
0x2a3: {  	[tilespmem:$0x13A00] =	vst v45;
	v2 =	vadd.f32 v2, v48;
	v1 =	vmul.f32 v11, v11  }
0x2a4: {  	[tilespmem:$0x13700] =	vst v0;
	v0 =	vadd.f32 v14, v55  }
0x2a5: {  	[tilespmem:$0x13280] =	vst v37;
	v1 =	vadd.f32 v1, v2;
	v2 =	vmul.f32 v14, v14  }
0x2a6: {  	[tilespmem:$0x13300] =	vst v3;
	v0 =	vadd.f32 v12, v0  }
0x2a7: {  	v3 =	vld [tilespmem:$0x1FDA0];
	v2 =	vadd.f32 v2, v54;
	[tilespmem:$0x13F00] =	vst v1;
	v1 =	vmul.f32 v12, v12  }
0x2a8: {  	[tilespmem:$0x13780] =	vst v0;
	v0 =	vld [tilespmem:$0x1FDB0]  }
0x2a9: {  	[tilespmem:$0x13A80] =	vst v43;
	v1 =	vadd.f32 v1, v2;
	v2 =	vld [tilespmem:$0x1FDD0]  }
0x2aa: {  	[tilespmem:$0x13B00] =	vst v36  }
0x2ab: {  	[tilespmem:$0x13F80] =	vst v1;
	v1 =	vld [tilespmem:$0x1FDC0]  }
0x2ac: {  	[tilespmem:$0x13380] =	vst v3;
	v3 =	vld [tilespmem:$0x1FDE0]  }
0x2ad: {  	[tilespmem:$0x13400] =	vst v16;
	v7 =	vld [tilespmem:$0x1FE30]  }
0x2ae: {  	v5 =	vld [tilespmem:$0x1FE00];
	[tilespmem:$0x13B80] =	vst v0  }
0x2af: {  	v0 =	vld.idx.msk [tilespmem:v4+s26+$0x0], $0xffff  }
0x2b0: {  	v4 =	vld [tilespmem:$0x1FDF0]  }
0x2b1: {  	v2 =	vld.idx.msk [tilespmem:v2+s26+$0x0], $0xffff  }
0x2b2: {  	v6 =	vld [tilespmem:$0x1FE10]  }
0x2b3: {  	v1 =	vld.idx.msk [tilespmem:v1+s26+$0x0], $0xffff  }
0x2b4: {  	v3 =	vld.idx.msk [tilespmem:v3+s26+$0x0], $0xffff;
	_ =	sdelay $0x1  }
0x2b5: {  	v0 =	vadd.f32 v2, v0;
	v2 =	vld [tilespmem:$0x1FE20]  }
0x2b6: {  	v5 =	vld.idx.msk [tilespmem:v5+s26+$0x0], $0xffff  }
0x2b7: {  	v4 =	vld.idx.msk [tilespmem:v4+s26+$0x0], $0xffff  }
0x2b8: {  	v1 =	vadd.f32 v3, v1;
	v3 =	vld [tilespmem:$0x1FE40]  }
0x2b9: {  	v6 =	vld.idx.msk [tilespmem:v6+s26+$0x0], $0xffff  }
0x2ba: {  	v7 =	vld.idx.msk [tilespmem:v7+s26+$0x0], $0xffff  }
0x2bb: {  	v1 =	vadd.f32 v5, v1;
	v5 =	vld [tilespmem:$0x1FE60]  }
0x2bc: {  	v0 =	vadd.f32 v4, v0;
	v4 =	vld [tilespmem:$0x1FE50]  }
0x2bd: {  	v2 =	vld.idx.msk [tilespmem:v2+s26+$0x0], $0xffff;
	_ =	sdelay $0x1  }
0x2be: {  	v0 =	vadd.f32 v6, v0;
	v6 =	vld [tilespmem:$0x1FE70]  }
0x2bf: {  	v3 =	vld.idx.msk [tilespmem:v3+s26+$0x0], $0xffff  }
0x2c0: {  	v0 =	vadd.f32 v7, v0;
	v7 =	vld [tilespmem:$0x1FE90]  }
0x2c1: {  	v1 =	vadd.f32 v2, v1;
	v2 =	vld [tilespmem:$0x1FE80]  }
0x2c2: {  	v5 =	vld.idx.msk [tilespmem:v5+s26+$0x0], $0xffff;
	_ =	sdelay $0x1  }
0x2c3: {  	v4 =	vld.idx.msk [tilespmem:v4+s26+$0x0], $0xffff  }
0x2c4: {  	v1 =	vadd.f32 v3, v1;
	v3 =	vld [tilespmem:$0x1FEA0]  }
0x2c5: {  	v6 =	vld.idx.msk [tilespmem:v6+s26+$0x0], $0xffff  }
0x2c6: {  	v1 =	vadd.f32 v5, v1;
	v5 =	vld [tilespmem:$0x1FEC0]  }
0x2c7: {  	v7 =	vld.idx.msk [tilespmem:v7+s26+$0x0], $0xffff  }
0x2c8: {  	v2 =	vld.idx.msk [tilespmem:v2+s26+$0x0], $0xffff  }
0x2c9: {  	v0 =	vadd.f32 v4, v0;
	v4 =	vld [tilespmem:$0x1FEB0];
	_ =	sdelay $0x1  }
0x2ca: {  	v0 =	vadd.f32 v6, v0;
	v6 =	vld [tilespmem:$0x1FED0]  }
0x2cb: {  	v3 =	vld.idx.msk [tilespmem:v3+s26+$0x0], $0xffff  }
0x2cc: {  	v1 =	vadd.f32 v2, v1;
	v2 =	vld [tilespmem:$0x1FEE0]  }
0x2cd: {  	v0 =	vadd.f32 v7, v0;
	v7 =	vld [tilespmem:$0x1FEF0]  }
0x2ce: {  	v5 =	vld.idx.msk [tilespmem:v5+s26+$0x0], $0xffff;
	_ =	sdelay $0x1  }
0x2cf: {  	v4 =	vld.idx.msk [tilespmem:v4+s26+$0x0], $0xffff  }
0x2d0: {  	v1 =	vadd.f32 v3, v1;
	v3 =	vld [tilespmem:$0x1FF00]  }
0x2d1: {  	v6 =	vld.idx.msk [tilespmem:v6+s26+$0x0], $0xffff  }
0x2d2: {  	v1 =	vadd.f32 v5, v1;
	v5 =	vld [tilespmem:$0x1FF20]  }
0x2d3: {  	v2 =	vld.idx.msk [tilespmem:v2+s26+$0x0], $0xffff  }
0x2d4: {  	v0 =	vadd.f32 v4, v0;
	v4 =	vld [tilespmem:$0x1FF10]  }
0x2d5: {  	v7 =	vld.idx.msk [tilespmem:v7+s26+$0x0], $0xffff  }
0x2d6: {  	v0 =	vadd.f32 v6, v0;
	v6 =	vld [tilespmem:$0x1FF30];
	_ =	sdelay $0x1  }
0x2d7: {  	v1 =	vadd.f32 v2, v1;
	v2 =	vld [tilespmem:$0x1FF40];
	_ =	sdelay $0x1  }
0x2d8: {  	v3 =	vld.idx.msk [tilespmem:v3+s26+$0x0], $0xffff  }
0x2d9: {  	v0 =	vadd.f32 v7, v0;
	v7 =	vld [tilespmem:$0x1FF50]  }
0x2da: {  	v4 =	vld.idx.msk [tilespmem:v4+s26+$0x0], $0xffff  }
0x2db: {  	v5 =	vld.idx.msk [tilespmem:v5+s26+$0x0], $0xffff  }
0x2dc: {  	v6 =	vld.idx.msk [tilespmem:v6+s26+$0x0], $0xffff  }
0x2dd: {  	v1 =	vadd.f32 v3, v1;
	v3 =	vld [tilespmem:$0x1FF60]  }
0x2de: {  	v2 =	vld.idx.msk [tilespmem:v2+s26+$0x0], $0xffff  }
0x2df: {  	v0 =	vadd.f32 v4, v0;
	v4 =	vld [tilespmem:$0x1FF70]  }
0x2e0: {  	v1 =	vadd.f32 v5, v1;
	v5 =	vld [tilespmem:$0x1FF80]  }
0x2e1: {  	v0 =	vadd.f32 v6, v0;
	v6 =	vld [tilespmem:$0x1FF90];
	_ =	sdelay $0x1  }
0x2e2: {  	v1 =	vadd.f32 v2, v1;
	v2 =	vld [tilespmem:$0x1FFA0];
	_ =	sdelay $0x1  }
0x2e3: {  	v7 =	vld.idx.msk [tilespmem:v7+s26+$0x0], $0xffff  }
0x2e4: {  	v3 =	vld.idx.msk [tilespmem:v3+s26+$0x0], $0xffff  }
0x2e5: {  	v4 =	vld.idx.msk [tilespmem:v4+s26+$0x0], $0xffff  }
0x2e6: {  	v5 =	vld.idx.msk [tilespmem:v5+s26+$0x0], $0xffff  }
0x2e7: {  	v6 =	vld.idx.msk [tilespmem:v6+s26+$0x0], $0xffff  }
0x2e8: {  	v0 =	vadd.f32 v7, v0  }
0x2e9: {  	v2 =	vld.idx.msk [tilespmem:v2+s26+$0x0], $0xffff  }
0x2ea: {  	v1 =	vadd.f32 v3, v1;
	v0 =	vadd.f32 v4, v0;
	_ =	sdelay $0x1  }
0x2eb: {  	v1 =	vadd.f32 v5, v1;
	v0 =	vadd.f32 v6, v0;
	_ =	sdelay $0x1  }
0x2ec: {  	v0 =	vmul.f32 $1.302083370e-03, v0;
	v1 =	vadd.f32 v2, v1;
	_ =	sdelay $0x1  }
0x2ed: {  	v2 =	vmul.f32 v0, v0;
	v1 =	vmul.f32 $1.302083370e-03, v1;
	_ =	sdelay $0x1  }
0x2ee: {  	v1 =	vsub.f32 v1, v2;
	_ =	sdelay $0x1  }
0x2ef: {  	v1 =	vadd.f32 $9.999999960e-13, v1;
	_ =	sdelay $0x1  }
0x2f0: {  	v2 =	vshra.s32 v1, $0x1;
	v1 =	vmul.f32 $5.000000000e-01, v1  }
0x2f1: {  	v2 =	vsub.s32 $0x5F3759DF, v2  }
0x2f2: {  	v3 =	vmul.f32 v2, v1;
	_ =	sdelay $0x1  }
0x2f3: {  	v3 =	vmul.f32 v2, v3;
	_ =	sdelay $0x1  }
0x2f4: {  	v3 =	vsub.f32 $1.500000000e+00, v3;
	_ =	sdelay $0x1  }
0x2f5: {  	v2 =	vmul.f32 v2, v3;
	_ =	sdelay $0x1  }
0x2f6: {  	v3 =	vmul.f32 v2, v1;
	_ =	sdelay $0x1  }
0x2f7: {  	v3 =	vmul.f32 v3, v2;
	_ =	sdelay $0x1  }
0x2f8: {  	v3 =	vsub.f32 $1.500000000e+00, v3;
	_ =	sdelay $0x1  }
0x2f9: {  	v2 =	vmul.f32 v3, v2;
	_ =	sdelay $0x1  }
0x2fa: {  	v1 =	vmul.f32 v2, v1;
	_ =	sdelay $0x1  }
0x2fb: {  	v1 =	vmul.f32 v1, v2;
	_ =	sdelay $0x1  }
0x2fc: {  	s13 =	simm.s32 $0x0;
	v1 =	vsub.f32 $1.500000000e+00, v1  }
0x2fd: {  	s0 =	sand.u32 $0x70, s13;
	s3 =	sand.u32 $0x1C00, s13  }
0x2fe: {  	s11 =	sor.u32 s0, s3;
	v16 =	vmul.f32 v1, v2  }
0x2ff: {  	v17 =	vld [tilespmem:s11+$0x9080]  }
0x300: {  	v19 =	vld [tilespmem:s11+$0x9280];
	v18 =	vmul.f32 v16, v0;
	v6 =	vbroadcast v16, $0x0  }
0x301: {  	v4 =	vld [tilespmem:s11+$0x9180];
	v7 =	vbroadcast v16, $0x1;
	v8 =	vbroadcast v16, $0x2  }
0x302: {  	v15 =	vld [tilespmem:s11+$0x9300];
	v9 =	vbroadcast v16, $0x3;
	v1 =	vbroadcast v16, $0x4  }
0x303: {  	v20 =	vld [tilespmem:s11+$0x9100];
	v2 =	vbroadcast v16, $0x5;
	v3 =	vbroadcast v16, $0x6  }
0x304: {  	s14 =	simm.s32 $0x12400;
	v21 =	vld [tilespmem:s11+$0x9200];
	v10 =	vbroadcast v18, $0x0;
	v11 =	vbroadcast v18, $0x1  }
0x305: {  	v5 =	vld [tilespmem:s14+$0x0];
	v0 =	vbroadcast v18, $0x2;
	v12 =	vbroadcast v18, $0x3  }
0x306: {  	s15 =	simm.s32 $0x12700;
	v22 =	vld [tilespmem:s11+$0x9000];
	v13 =	vbroadcast v18, $0x4;
	v23 =	vmul.f32 v4, v9  }
0x307: {  	v14 =	vbroadcast v18, $0x6;
	v24 =	vmul.f32 v15, v3;
	v4 =	vld [tilespmem:s15+$0x0]  }
0x308: {  	v15 =	vbroadcast v18, $0x5;
	v19 =	vmul.f32 v19, v2;
	v23 =	vsub.f32 v23, v12  }
0x309: {  	v17 =	vmul.f32 v17, v7;
	v20 =	vmul.f32 v20, v8;
	v24 =	vsub.f32 v24, v14  }
0x30a: {  	v21 =	vmul.f32 v21, v1;
	v19 =	vsub.f32 v19, v15;
	v23 =	vmul.f32 v23, v5  }
0x30b: {  	v22 =	vmul.f32 v22, v6;
	v17 =	vsub.f32 v17, v11;
	v24 =	vmul.f32 v24, v5  }
0x30c: {  	v20 =	vsub.f32 v20, v0;
	v19 =	vmul.f32 v19, v5;
	v23 =	vadd.f32 v23, v4  }
0x30d: {  	v22 =	vsub.f32 v22, v10;
	v17 =	vmul.f32 v17, v5;
	v24 =	vadd.f32 v24, v4  }
0x30e: {  	v21 =	vsub.f32 v21, v13;
	v20 =	vmul.f32 v20, v5;
	v19 =	vadd.f32 v19, v4;
	[tilespmem:s11+$0xF180] =	vst v23  }
0x30f: {  	v22 =	vmul.f32 v22, v5;
	v17 =	vadd.f32 v17, v4;
	[tilespmem:s11+$0xF300] =	vst v24  }
0x310: {  	v21 =	vmul.f32 v21, v5;
	v20 =	vadd.f32 v20, v4;
	[tilespmem:s11+$0xF280] =	vst v19  }
0x311: {  	v19 =	vadd.f32 v22, v4;
	[tilespmem:s11+$0xF080] =	vst v17  }
0x312: {  	v17 =	vadd.f32 v21, v4;
	[tilespmem:s11+$0xF100] =	vst v20  }
0x313: {  	s22 =	sor.u32 s13, s13;
	[tilespmem:s11+$0xF000] =	vst v19  }
0x314: {  	s0 =	sor.u32 $0x380, s22;
	[tilespmem:s11+$0xF200] =	vst v17  }
0x315: {  	v17 =	vld [tilespmem:s0+$0x9000];
	_ =	sdelay $0x2  }
0x316: {  	v27 =	vbroadcast v16, $0x7;
	_ =	sdelay $0x1  }
0x317: {  	v29 =	vbroadcast v18, $0x7;
	v17 =	vmul.f32 v17, v27;
	_ =	sdelay $0x1  }
0x318: {  	v17 =	vsub.f32 v17, v29  }
0x319: {  	v28 =	vbroadcast v16, $0x8  }
0x31a: {  	v26 =	vbroadcast v16, $0x9;
	v17 =	vmul.f32 v17, v5  }
0x31b: {  	v33 =	vbroadcast v18, $0x8;
	v32 =	vbroadcast v18, $0x9  }
0x31c: {  	v31 =	vbroadcast v18, $0xB;
	v30 =	vbroadcast v18, $0xC;
	v17 =	vadd.f32 v17, v4  }
0x31d: {  	v25 =	vbroadcast v18, $0xE;
	v23 =	vbroadcast v16, $0xA  }
0x31e: {  	v22 =	vbroadcast v16, $0xB;
	v21 =	vbroadcast v16, $0xC;
	[tilespmem:s0+$0xF000] =	vst v17  }
0x31f: {  	v20 =	vbroadcast v16, $0xD;
	v24 =	vbroadcast v18, $0xD;
	v35 =	vld [tilespmem:s11+$0xA800]  }
0x320: {  	v19 =	vbroadcast v16, $0xE;
	v16 =	vbroadcast v16, $0xF;
	v36 =	vld [tilespmem:s11+$0xA880]  }
0x321: {  	s16 =	simm.s32 $0x10;
	v17 =	vbroadcast v18, $0xA;
	v18 =	vbroadcast v18, $0xF;
	v34 =	vld [tilespmem:s11+$0xA900]  }
.LBB2_13:
0x322: {  	v37 =	vld [tilespmem:s11+$0xA980];
	s13 =	sadd.s32 $0x80, s13;
	s14 =	sadd.s32 $0x10, s14;
	s15 =	sadd.s32 $0x10, s15  }
0x323: {  	p1 =	sne.s32 s16, $0x2F0;
	s17 =	smov.u32 s16;
	s16 =	sadd.s32 $0x10, s16;
	v38 =	vld [tilespmem:s11+$0xAA00]  }
0x324: {  	v35 =	vmul.f32 v35, v28;
	v39 =	vld [tilespmem:s11+$0xAA80]  }
0x325: {  	v36 =	vmul.f32 v36, v26;
	v40 =	vld [tilespmem:s11+$0xAB00]  }
0x326: {  	v35 =	vsub.f32 v35, v33;
	v34 =	vmul.f32 v34, v23;
	v41 =	vld [tilespmem:s11+$0xAB80]  }
0x327: {  	v36 =	vsub.f32 v36, v32;
	v37 =	vmul.f32 v37, v22  }
0x328: {  	v35 =	vmul.f32 v35, v5;
	v34 =	vsub.f32 v34, v17;
	v38 =	vmul.f32 v38, v21  }
0x329: {  	v36 =	vmul.f32 v36, v5;
	v37 =	vsub.f32 v37, v31;
	v39 =	vmul.f32 v39, v20  }
0x32a: {  	v35 =	vadd.f32 v35, v4;
	v38 =	vsub.f32 v38, v30;
	v40 =	vmul.f32 v40, v19  }
0x32b: {  	s0 =	sand.u32 $0x70, s17;
	s3 =	sand.u32 $0x1C00, s13;
	v36 =	vadd.f32 v36, v4;
	v37 =	vmul.f32 v37, v5;
	v39 =	vsub.f32 v39, v24  }
0x32c: {  	s0 =	sor.u32 s0, s3;
	[tilespmem:s11+$0x10800] =	vst v35;
	v35 =	vmul.f32 v38, v5;
	v38 =	vsub.f32 v40, v25;
	v40 =	vmul.f32 v41, v16  }
0x32d: {  	v34 =	vmul.f32 v34, v5;
	v41 =	vld [tilespmem:s0+$0x9080];
	[tilespmem:s11+$0x10880] =	vst v36;
	v36 =	vadd.f32 v37, v4;
	v37 =	vmul.f32 v39, v5  }
0x32e: {  	v39 =	vld [tilespmem:s0+$0x9280];
	v35 =	vadd.f32 v35, v4;
	v38 =	vmul.f32 v38, v5;
	v40 =	vsub.f32 v40, v18  }
0x32f: {  	v34 =	vadd.f32 v34, v4;
	v42 =	vld [tilespmem:s0+$0x9300];
	[tilespmem:s11+$0x10980] =	vst v36;
	v36 =	vadd.f32 v37, v4  }
0x330: {  	v37 =	vld [tilespmem:s0+$0x9180];
	[tilespmem:s11+$0x10A00] =	vst v35;
	v35 =	vadd.f32 v38, v4;
	v5 =	vmul.f32 v40, v5  }
0x331: {  	v38 =	vld [tilespmem:s0+$0x9100];
	[tilespmem:s11+$0x10A80] =	vst v36  }
0x332: {  	v36 =	vld [tilespmem:s0+$0x9000];
	[tilespmem:s11+$0x10B00] =	vst v35;
	v4 =	vadd.f32 v5, v4  }
0x333: {  	v35 =	vld [tilespmem:s0+$0x9200];
	[tilespmem:s11+$0x10900] =	vst v34  }
0x334: {  	v34 =	vmul.f32 v42, v3;
	[tilespmem:s11+$0x10B80] =	vst v4;
	s11 =	smov.u32 s0  }
0x335: {  	v39 =	vmul.f32 v39, v2;
	v5 =	vld [tilespmem:s14+$0x0];
	v37 =	vmul.f32 v37, v9  }
0x336: {  	v40 =	vmul.f32 v41, v7;
	v4 =	vld [tilespmem:s15+$0x0];
	v38 =	vmul.f32 v38, v8  }
0x337: {  	v39 =	vsub.f32 v39, v15;
	v37 =	vsub.f32 v37, v12  }
0x338: {  	v40 =	vsub.f32 v40, v11;
	v35 =	vmul.f32 v35, v1  }
0x339: {  	v34 =	vsub.f32 v34, v14;
	v36 =	vmul.f32 v36, v6  }
0x33a: {  	v40 =	vmul.f32 v40, v5;
	v37 =	vmul.f32 v37, v5;
	v35 =	vsub.f32 v35, v13  }
0x33b: {  	v36 =	vsub.f32 v36, v10;
	v39 =	vmul.f32 v39, v5;
	v34 =	vmul.f32 v34, v5  }
0x33c: {  	v38 =	vsub.f32 v38, v0;
	v37 =	vadd.f32 v37, v4;
	v35 =	vmul.f32 v35, v5  }
0x33d: {  	v36 =	vmul.f32 v36, v5;
	v40 =	vadd.f32 v40, v4;
	v34 =	vadd.f32 v34, v4  }
0x33e: {  	v38 =	vmul.f32 v38, v5;
	[tilespmem:s11+$0xF180] =	vst v37;
	v35 =	vadd.f32 v35, v4;
	v37 =	vadd.f32 v39, v4  }
0x33f: {  	v36 =	vadd.f32 v36, v4;
	[tilespmem:s11+$0xF300] =	vst v34  }
0x340: {  	v34 =	vadd.f32 v38, v4;
	[tilespmem:s11+$0xF280] =	vst v37  }
0x341: {  	[tilespmem:s11+$0xF080] =	vst v40  }
0x342: {  	[tilespmem:s11+$0xF100] =	vst v34  }
0x343: {  	s0 =	sor.u32 s13, s17;
	[tilespmem:s11+$0xF000] =	vst v36  }
0x344: {  	s0 =	sor.u32 $0x380, s0;
	[tilespmem:s11+$0xF200] =	vst v35  }
0x345: {  	v34 =	vld [tilespmem:s0+$0x9000];
	_ =	sdelay $0x4  }
0x346: {  	v34 =	vmul.f32 v34, v27;
	_ =	sdelay $0x1  }
0x347: {  	v34 =	vsub.f32 v34, v29;
	_ =	sdelay $0x1  }
0x348: {  	v34 =	vmul.f32 v34, v5;
	_ =	sdelay $0x1  }
0x349: {  	v34 =	vadd.f32 v34, v4  }
.Ltmp5:
0x34a: {  	(pc) =	sbr.rel @p1 .LBB2_13-.Ltmp5, $4  }
0x34b: {  	[tilespmem:s0+$0xF000] =	vst v34  }
0x34c: {  	v35 =	vld [tilespmem:s11+$0xA800]  }
0x34d: {  	v36 =	vld [tilespmem:s11+$0xA880]  }
0x34e: {  	v34 =	vld [tilespmem:s11+$0xA900]  }
0x34f: {  	v0 =	vld [tilespmem:s11+$0xA980]  }
0x350: {  	v1 =	vld [tilespmem:s11+$0xAA00]  }
0x351: {  	v3 =	vld [tilespmem:s11+$0xAA80]  }
0x352: {  	v7 =	vld [tilespmem:s11+$0xAB00]  }
0x353: {  	v9 =	vld [tilespmem:s11+$0xAB80];
	v2 =	vmul.f32 v35, v28  }
0x354: {  	v6 =	vmul.f32 v36, v26  }
0x355: {  	v2 =	vsub.f32 v2, v33;
	v8 =	vmul.f32 v34, v23;
	v0 =	vmul.f32 v0, v22  }
0x356: {  	v6 =	vsub.f32 v6, v32;
	v1 =	vmul.f32 v1, v21;
	v3 =	vmul.f32 v3, v20  }
0x357: {  	v7 =	vmul.f32 v7, v19;
	v2 =	vmul.f32 v2, v5;
	v8 =	vsub.f32 v8, v17  }
0x358: {  	v9 =	vmul.f32 v9, v16;
	v6 =	vmul.f32 v6, v5;
	v0 =	vsub.f32 v0, v31  }
0x359: {  	v1 =	vsub.f32 v1, v30;
	v2 =	vadd.f32 v2, v4;
	v58 =	vmul.f32 v8, v5  }
0x35a: {  	v3 =	vsub.f32 v3, v24;
	v6 =	vadd.f32 v6, v4;
	v0 =	vmul.f32 v0, v5  }
0x35b: {  	v7 =	vsub.f32 v7, v25;
	v1 =	vmul.f32 v1, v5;
	[tilespmem:s11+$0x10800] =	vst v2;
	v62 =	vadd.f32 v58, v4  }
0x35c: {  	v57 =	vsub.f32 v9, v18;
	v55 =	vmul.f32 v3, v5;
	v0 =	vadd.f32 v0, v4;
	[tilespmem:s11+$0x10880] =	vst v6  }
0x35d: {  	s0 =	sshrl.u32 s10, $0x3;
	s3 =	sadd.s32 @!p0 $0x3, s4;
	v56 =	vmul.f32 v7, v5;
	v1 =	vadd.f32 v1, v4;
	[tilespmem:s11+$0x10900] =	vst v62  }
0x35e: {  	s0 =	smul.u32 $0x1800, s0;
	s4 =	sshll.u32 @!p0 s3, $0x4;
	v61 =	vmul.f32 v57, v5;
	v59 =	vadd.f32 v55, v4;
	[tilespmem:s11+$0x10980] =	vst v0  }
0x35f: {  	s4 =	sand.u32 @!p0 $0x30, s4;
	v60 =	vadd.f32 v56, v4;
	[tilespmem:s11+$0x10A00] =	vst v1  }
0x360: {  	s0 =	sadd.s32 s12, s0;
	s5 =	sor.u32 @!p0 s7, s4;
	v63 =	vadd.f32 v61, v4;
	[tilespmem:s11+$0x10A80] =	vst v59  }
0x361: {  	s0 =	sshrl.u32 s0, $0x3;
	s5 =	sshrl.u32 @!p0 s5, $0x3;
	[tilespmem:s11+$0x10B00] =	vst v60  }
0x362: {  	s0 =	sadd.s32 s8, s0;
	s5 =	smul.u32 @!p0 $0x300, s5;
	[tilespmem:s11+$0x10B80] =	vst v63  }
0x363: {  	[hbm4b:s0+s9] =	stream.linear.scatter [tilespmem:s31], [sflag:$0x6], $0x3000, $0x38;
	[tilespmem:$0x14000] =	vst v63  }
0x364: {  	s10 =	simm.s32 @!p0 $0x3000;
	s0 =	sadd.s32 @!p0 s2, s5;
	s5 =	simm.s32 @!p0 $0x0  }
0x365: {  	[tilespmem:s10], [sflag:$0x2] =	stream.linear.gather @!p0 [hbm4b:s0+s5], $0x3000, $0x38;
	[tilespmem:$0x14000] =	vst v63  }
0x366: {  	s0 =	sshll.u32 @!p0 s3, $0x5  }
0x367: {  	s0 =	sand.u32 @!p0 $0x380, s0  }
0x368: {  	s0 =	sor.u32 @!p0 s4, s0  }
0x369: {  	v0 =	vld @!p0 [tilespmem:s0+$0x12000];
	_ =	sdelay $0x4  }
0x36a: {  	v1 =	vshrl.u32 @!p0 v0, $0x3  }
0x36b: {  	v1 =	vmul.u32 @!p0 $0x30, v1  }
0x36c: {  	v2 =	vlaneseq.u32 @!p0;
	v0 =	vand.u32 @!p0 $0x7, v0  }
0x36d: {  	v3 =	vshrl.u32 @!p0 v2, $0x3;
	v0 =	vor.u32 @!p0 v0, v1;
	v1 =	vand.u32 @!p0 $0x7, v2  }
0x36e: {  	v3 =	vmul.u32 @!p0 $0x8, v3;
	v1 =	vperm.xlane @!p0 v0, v1;
	_ =	sdelay $0x1  }
0x36f: {  	v1 =	vadd.s32 @!p0 v3, v1;
	_ =	sdelay $0x2  }
0x370: {  	v2 =	vor.u32 @!p0 $0x8, v2  }
0x371: {  	s0 =	simm.s32 @!p0 $0x9000;
	v0 =	vperm.xlane @!p0 v0, v2  }
0x372: {  	[tilespmem:s0], [sflag:$0x4] =	stream.indirect_vreg.gather @!p0 [hbm4b:s1+s5], $0x80, v1, vm1, $0xb8;
	[tilespmem:$0x14000] =	vst v63  }
0x373: {  	v0 =	vadd.s32 @!p0 v3, v0;
	s0 =	simm.s32 @!p0 $0x9800  }
0x374: {  	[tilespmem:s0], [sflag:$0x4] =	stream.indirect_vreg.gather @!p0 [hbm4b:s19+s5], $0x80, v1, vm1, $0xb8;
	[tilespmem:$0x14000] =	vst v63  }
0x375: {  	s0 =	simm.s32 @!p0 $0xA000  }
0x376: {  	[tilespmem:s0], [sflag:$0x4] =	stream.indirect_vreg.gather @!p0 [hbm4b:s20+s5], $0x80, v1, vm1, $0xb8;
	[tilespmem:$0x14000] =	vst v63  }
0x377: {  	s0 =	simm.s32 @!p0 $0xA800  }
0x378: {  	[tilespmem:s0], [sflag:$0x4] =	stream.indirect_vreg.gather @!p0 [hbm4b:s1+s5], $0x80, v0, vm1, $0xb8;
	[tilespmem:$0x14000] =	vst v63  }
0x379: {  	s0 =	simm.s32 @!p0 $0xB000  }
0x37a: {  	[tilespmem:s0], [sflag:$0x4] =	stream.indirect_vreg.gather @!p0 [hbm4b:s19+s5], $0x80, v0, vm1, $0xb8;
	[tilespmem:$0x14000] =	vst v63  }
0x37b: {  	p1 =	sne.s32 @!p0 s6, $0x8;
	s0 =	simm.s32 @!p0 $0xB800  }
0x37c: {  	[tilespmem:s0], [sflag:$0x4] =	stream.indirect_vreg.gather @!p0 [hbm4b:s20+s5], $0x80, v0, vm1, $0xb8;
	[tilespmem:$0x14000] =	vst v63  }
0x37d: {  	p0 =	por p0, !p1  }
.Ltmp6:
0x37e: {  	_ = 	snop;
	(pc) =	sbr.rel @!p0 .LBB2_2-.Ltmp6, $1  }
0x37f: {  	_ =	sdelay $0x3  }
0x380: {  	s0 =	simm.s32 $0x5  }
0x381: {  	_ =	swait.ge [sflag:s0], $0x3000  }
0x382: {  	[sflag:s0] =	ssyncset.done $0x0  }
0x383: {  	s3 =	simm.s32 $0x6;
	[sflag:s0] =	ssyncadd.s32 $0xFFFFD000  }
0x384: {  	_ =	swait.ge [sflag:s3], $0x3000  }
0x385: {  	s4 =	rddreg [dreg:$0x14]  }
0x386: {  	s22 =	rddreg [dreg:$0x13];
	s4 =	sadd.s32 $0x1, s4  }
0x387: {  	p0 =	sne.s32 s4, s22  }
.Ltmp7:
0x388: {  	_ = 	snop;
	(pc) =	sbr.rel @p0 .LBB2_1-.Ltmp7, $3  }
0x389: {  	_ =	sdelay $0x1  }
0x38a: {  	[sflag:s3] =	ssyncset.done $0x0  }
0x38b: {  	[sflag:s3] =	ssyncadd.s32 $0xFFFFD000  }
0x38c: {  	_ =	sfence.sel $0x180000  }
0x38d: {  	[bflag:$0x0] =	sbarrier.arrive $0xFFFF  }
0x38e: {  	_ =	strace $0x90000047  }
0x38f: {  	s0 =	stileid.u32;
	[bflag:$0x2] =	sbarrier.arrive $0xFFFF  }
0x390: {  	p0 =	sne.s32 s0, $0x0;
	s0 =	rddreg [dreg:$0x8]  }
0x391: {  	s0 =	sadd.s32 @!p0 $0x100000, s0  }
0x392: {  	[sflag:s0] =	ssyncadd.tile.s32 @!p0 $0x1;
	_ =	shalt  }
.Lfunc_end2:
_tile_overlayer_lowered:
.L_overlay_start_2:
0x393: {  	(tag) =	ssettag $0x2  }
0x394: {  	s0 =	rddreg [dreg:$0x0];
	s2 =	stileid.u32  }
0x395: {  	s1 =	rddreg [dreg:$0x1];
	p0 =	sne.s32 s2, $0x0  }
0x396: {  	s3 =	rddreg [dreg:$0x2];
	[bflag:$0x3] =	sbarrier.arrive $0xFFFF;
	s2 =	simm.s32 @!p0 $0x1C07  }
0x397: {  	[timem:s3], [sflag:s2] =	dma.local @!p0 [hbm:s0], s1  }
0x398: {  	s0 =	simm.s32 @!p0 $0x7  }
0x399: {  	_ =	swait.ge @!p0 [sflag:s0], s1  }
0x39a: {  	s1 =	ssub.s32 @!p0 $0x0, s1;
	[sflag:s0] =	ssyncset.done @!p0 $0x0  }
0x39b: {  	[sflag:s0] =	ssyncadd.s32 @!p0 s1  }
0x39c: {  	[bflag:$0x3] =	sbarrier.arrive $0xFFFF  }
0x39d: {  	_ =	shalt  }

</sc_bundles>
